<compile_context>
chip_gen: v7x
topology: tpu7x:2x2x1
jax: 0.10.2.dev20260603
libtpu: 0.0.44.dev20260713+nightly
codegen_flags: <defaults>
</compile_context>

<pallas_src>
import functools

import jax
import jax.numpy as jnp
from jax import lax
from jax.experimental import pallas as pl
from jax.experimental.pallas import tpu as pltpu
from jax.experimental.pallas import tpu_sc as plsc

NC = 2
NS = 16
N_PAD = 10240
CHUNK = 128
DH = 128
DEGW = 16
NUM_G = 64
BM = 1280
FRAC0 = 0.78


def _mesh():
    return plsc.VectorSubcoreMesh(core_axis_name="c", subcore_axis_name="s")



DEG_GRP = 8


def _deg_body(dst_hbm, out_hbm, dst_all, ones_v, acc, sem):
    c = lax.axis_index("c")
    s = lax.axis_index("s")
    wid = c * NS + s
    n_chunks = dst_hbm.shape[1]
    rows_per_tile = N_PAD // NS

    def fill(i, _):
        ones_v[i, :] = jnp.full((DEGW,), 1.0, jnp.float32)
        ones_v[CHUNK + i, :] = jnp.zeros((DEGW,), jnp.float32)
        return 0

    lax.fori_loop(0, CHUNK, fill, 0)

    pltpu.sync_copy(dst_hbm.at[wid], dst_all)

    def zero(j, _):
        pltpu.sync_copy(ones_v.at[pl.ds(CHUNK, CHUNK)],
                        acc.at[pl.ds(s * rows_per_tile + j * CHUNK, CHUNK)])
        return 0

    lax.fori_loop(0, rows_per_tile // CHUNK, zero, 0)
    plsc.subcore_barrier()

    ones = ones_v.at[pl.ds(0, CHUNK)]

    def group(g, _):
        for b in range(DEG_GRP):
            j = g * DEG_GRP + b
            pltpu.async_copy(ones, acc.at[dst_all.at[j]], sem, add=True)
        for b in range(DEG_GRP):
            pltpu.make_async_copy(ones, acc.at[dst_all.at[0]], sem).wait()
        return 0

    lax.fori_loop(0, n_chunks // DEG_GRP, group, 0)
    plsc.subcore_barrier()

    pltpu.sync_copy(acc.at[pl.ds(s * rows_per_tile, rows_per_tile)],
                    out_hbm.at[c, pl.ds(s * rows_per_tile, rows_per_tile)])


def _deg_call(dst3):
    n_chunks = dst3.shape[1]
    return pl.kernel(
        _deg_body,
        out_type=jax.ShapeDtypeStruct((NC, N_PAD, DEGW), jnp.float32),
        mesh=_mesh(),
        scratch_types=[
            pltpu.VMEM((n_chunks, CHUNK), jnp.int32),
            pltpu.VMEM((2 * CHUNK, DEGW), jnp.float32),
            pltpu.VMEM_SHARED((N_PAD, DEGW), jnp.float32),
            pltpu.SemaphoreType.DMA,
        ],
    )(dst3)



def _edge_body(src_hbm, dst_hbm, u_hbm, out_hbm, src_v, dst_v, rows,
               acc, isem, gsem, ssem, *, t0, t1):
    c = lax.axis_index("c")
    s = lax.axis_index("s")
    n_chunks = jnp.where(c == 0, t0, t1)
    tile_base = jnp.where(c == 0, s * t0, NS * t0 + s * t1) * CHUNK
    rows_per_tile = N_PAD // NS

    def fill(i, _):
        def fill_lane(k, _):
            rows[0, i, pl.ds(k * 16, 16)] = jnp.zeros((16,), jnp.float32)
            return 0
        lax.fori_loop(0, DH // 16, fill_lane, 0)
        return 0

    lax.fori_loop(0, CHUNK, fill, 0)

    def zero(j, _):
        pltpu.sync_copy(rows.at[0],
                        acc.at[pl.ds(s * rows_per_tile + j * CHUNK, CHUNK)])
        return 0

    lax.fori_loop(0, rows_per_tile // CHUNK, zero, 0)
    plsc.subcore_barrier()

    def idx_load(j, slot):
        base = pl.multiple_of(tile_base + j * CHUNK, CHUNK)
        pltpu.async_copy(src_hbm.at[pl.ds(base, CHUNK)], src_v.at[slot],
                         isem)
        pltpu.async_copy(dst_hbm.at[pl.ds(base, CHUNK)], dst_v.at[slot],
                         isem)

    def idx_wait():
        pltpu.make_async_copy(src_hbm.at[pl.ds(0, CHUNK)], src_v.at[0],
                              isem).wait()
        pltpu.make_async_copy(dst_hbm.at[pl.ds(0, CHUNK)], dst_v.at[0],
                              isem).wait()

    def gather(buf, slot):
        pltpu.async_copy(u_hbm.at[src_v.at[slot]], rows.at[buf], gsem)

    def gather_wait(buf):
        pltpu.make_async_copy(u_hbm.at[src_v.at[0]], rows.at[buf],
                              gsem).wait()

    def scatter(buf, slot):
        pltpu.async_copy(rows.at[buf], acc.at[dst_v.at[slot]], ssem,
                         add=True)

    def scatter_wait(buf):
        pltpu.make_async_copy(rows.at[buf], acc.at[dst_v.at[0]],
                              ssem).wait()

    idx_load(0, 0)
    idx_load(1, 1)
    idx_wait()
    gather(0, 0)

    def step(j, _):
        p = j % 2
        q = 1 - p
        gather_wait(p)
        scatter(p, j % 3)

        @pl.when(j + 1 < n_chunks)
        def _():
            @pl.when(j >= 1)
            def _():
                scatter_wait(q)

            @pl.when(j + 2 < n_chunks)
            def _():
                idx_load(j + 2, (j + 2) % 3)

            idx_wait()
            gather(q, (j + 1) % 3)
        return 0

    lax.fori_loop(0, n_chunks, step, 0)
    scatter_wait((n_chunks - 1) % 2)
    plsc.subcore_barrier()

    pltpu.sync_copy(acc.at[pl.ds(s * rows_per_tile, rows_per_tile)],
                    out_hbm.at[c, pl.ds(s * rows_per_tile, rows_per_tile)])


def _edge_call(src, dst, u, t0, t1):
    return pl.kernel(
        functools.partial(_edge_body, t0=t0, t1=t1),
        out_type=jax.ShapeDtypeStruct((NC, N_PAD, DH), jnp.float32),
        mesh=_mesh(),
        scratch_types=[
            pltpu.VMEM((3, CHUNK), jnp.int32),
            pltpu.VMEM((3, CHUNK), jnp.int32),
            pltpu.VMEM((2, CHUNK, DH), jnp.float32),
            pltpu.VMEM_SHARED((N_PAD, DH), jnp.float32),
            pltpu.SemaphoreType.DMA,
            pltpu.SemaphoreType.DMA,
            pltpu.SemaphoreType.DMA,
        ],
    )(src, dst, u)



def _dinv_block(deg_ref, i, n):
    deg = deg_ref[0, :, 0:1] + deg_ref[1, :, 0:1] + 1.0
    dinv = lax.rsqrt(deg)
    rows = i * BM + lax.broadcasted_iota(jnp.int32, (BM, 1), 0)
    return jnp.where(rows < n, dinv, 0.0)


def _enc_body(x_ref, We1_ref, be1_ref, We2_ref, be2_ref, h_ref):
    h = jnp.maximum(
        jnp.dot(x_ref[...], We1_ref[...], preferred_element_type=jnp.float32)
        + be1_ref[...], 0.0)
    h_ref[...] = (
        jnp.dot(h, We2_ref[...], preferred_element_type=jnp.float32)
        + be2_ref[...])


def _enc_call(x_p, We1, be1, We2, be2):
    grid = (N_PAD // BM,)
    return pl.pallas_call(
        _enc_body,
        grid=grid,
        in_specs=[
            pl.BlockSpec((BM, DH), lambda i: (i, 0)),
            pl.BlockSpec((DH, DH), lambda i: (0, 0)),
            pl.BlockSpec((1, DH), lambda i: (0, 0)),
            pl.BlockSpec((DH, DH), lambda i: (0, 0)),
            pl.BlockSpec((1, DH), lambda i: (0, 0)),
        ],
        out_specs=pl.BlockSpec((BM, DH), lambda i: (i, 0)),
        out_shape=jax.ShapeDtypeStruct((N_PAD, DH), jnp.float32),
    )(x_p, We1, be1, We2, be2)


def _u_body(h_ref, deg_ref, W_ref, u_ref, *, n):
    i = pl.program_id(0)
    dinv = _dinv_block(deg_ref, i, n)
    u_ref[...] = jnp.dot(h_ref[...], W_ref[...],
                         preferred_element_type=jnp.float32) * dinv


def _u_call(h, deg, W, n):
    grid = (N_PAD // BM,)
    return pl.pallas_call(
        functools.partial(_u_body, n=n),
        grid=grid,
        in_specs=[
            pl.BlockSpec((BM, DH), lambda i: (i, 0)),
            pl.BlockSpec((NC, BM, DEGW), lambda i: (0, i, 0)),
            pl.BlockSpec((DH, DH), lambda i: (0, 0)),
        ],
        out_specs=pl.BlockSpec((BM, DH), lambda i: (i, 0)),
        out_shape=jax.ShapeDtypeStruct((N_PAD, DH), jnp.float32),
    )(h, deg, W)


def _mid_body(s_ref, u_ref, deg_ref, b_ref, W_ref, out_ref, *, n):
    i = pl.program_id(0)
    dinv = _dinv_block(deg_ref, i, n)
    h = jnp.maximum(
        dinv * (s_ref[0] + s_ref[1] + u_ref[...]) + b_ref[...], 0.0)
    out_ref[...] = jnp.dot(h, W_ref[...],
                           preferred_element_type=jnp.float32) * dinv


def _mid_call(sacc, u, deg, b, W, n):
    grid = (N_PAD // BM,)
    return pl.pallas_call(
        functools.partial(_mid_body, n=n),
        grid=grid,
        in_specs=[
            pl.BlockSpec((NC, BM, DH), lambda i: (0, i, 0)),
            pl.BlockSpec((BM, DH), lambda i: (i, 0)),
            pl.BlockSpec((NC, BM, DEGW), lambda i: (0, i, 0)),
            pl.BlockSpec((1, DH), lambda i: (0, 0)),
            pl.BlockSpec((DH, DH), lambda i: (0, 0)),
        ],
        out_specs=pl.BlockSpec((BM, DH), lambda i: (i, 0)),
        out_shape=jax.ShapeDtypeStruct((N_PAD, DH), jnp.float32),
    )(sacc, u, deg, b, W)


def _fin_body(s_ref, u_ref, deg_ref, b_ref, batch_ref, Wd1_ref, bd1_ref,
              Wd2_ref, bd2_ref, out_ref, g_acc, *, n):
    i = pl.program_id(0)
    dinv = _dinv_block(deg_ref, i, n)
    h = jnp.maximum(
        dinv * (s_ref[0] + s_ref[1] + u_ref[...]) + b_ref[...], 0.0)
    onehot = (batch_ref[...] ==
              lax.broadcasted_iota(jnp.int32, (NUM_G, 1), 0)
              ).astype(jnp.float32)
    contrib = jnp.dot(onehot, h, preferred_element_type=jnp.float32)

    @pl.when(i == 0)
    def _():
        g_acc[...] = contrib

    @pl.when(i > 0)
    def _():
        g_acc[...] = g_acc[...] + contrib

    @pl.when(i == pl.num_programs(0) - 1)
    def _():
        g = jnp.maximum(
            jnp.dot(g_acc[...], Wd1_ref[...],
                    preferred_element_type=jnp.float32) + bd1_ref[...], 0.0)
        out_ref[...] = (
            jnp.dot(g, Wd2_ref[...], preferred_element_type=jnp.float32)
            + bd2_ref[...])


def _fin_call(sacc, u, deg, b, batch_p, Wd1, bd1, Wd2, bd2, n, d_out):
    grid = (N_PAD // BM,)
    return pl.pallas_call(
        functools.partial(_fin_body, n=n),
        grid=grid,
        in_specs=[
            pl.BlockSpec((NC, BM, DH), lambda i: (0, i, 0)),
            pl.BlockSpec((BM, DH), lambda i: (i, 0)),
            pl.BlockSpec((NC, BM, DEGW), lambda i: (0, i, 0)),
            pl.BlockSpec((1, DH), lambda i: (0, 0)),
            pl.BlockSpec((1, BM), lambda i: (0, i)),
            pl.BlockSpec((DH, DH), lambda i: (0, 0)),
            pl.BlockSpec((1, DH), lambda i: (0, 0)),
            pl.BlockSpec((DH, d_out), lambda i: (0, 0)),
            pl.BlockSpec((1, d_out), lambda i: (0, 0)),
        ],
        out_specs=pl.BlockSpec((NUM_G, d_out), lambda i: (0, 0)),
        out_shape=jax.ShapeDtypeStruct((NUM_G, d_out), jnp.float32),
        scratch_shapes=[pltpu.VMEM((NUM_G, DH), jnp.float32)],
    )(sacc, u, deg, b, batch_p, Wd1, bd1, Wd2, bd2)



def kernel(x, edge_index, batch, We1, be1, We2, be2, Wc1, bc1, Wc2, bc2,
           Wc3, bc3, Wd1, bd1, Wd2, bd2):
    n, _ = x.shape
    e = edge_index.shape[1]
    d_out = Wd2.shape[1]

    quantum = NS * CHUNK
    ep = ((e + quantum - 1) // quantum) * quantum
    t_total = ep // quantum
    t0 = max(2, min(t_total - 2, round(FRAC0 * t_total)))
    t1 = t_total - t0
    src = jnp.concatenate(
        [edge_index[0], jnp.full((ep - e,), n, jnp.int32)])
    dst = jnp.concatenate(
        [edge_index[1], jnp.full((ep - e,), n, jnp.int32)])
    quantum_d = NC * NS * CHUNK * DEG_GRP
    ep_d = ((e + quantum_d - 1) // quantum_d) * quantum_d
    dst3 = jnp.concatenate(
        [edge_index[1], jnp.full((ep_d - e,), n, jnp.int32)]
    ).reshape(NC * NS, ep_d // (NC * NS * CHUNK), CHUNK)

    x_p = jnp.pad(x, ((0, N_PAD - n), (0, 0)))
    batch_p = jnp.pad(batch, (0, N_PAD - n),
                      constant_values=NUM_G).reshape(1, N_PAD)

    be1_r, be2_r = be1.reshape(1, -1), be2.reshape(1, -1)
    bc1_r, bc2_r, bc3_r = (b.reshape(1, -1) for b in (bc1, bc2, bc3))
    bd1_r, bd2_r = bd1.reshape(1, -1), bd2.reshape(1, -1)

    deg = _deg_call(dst3)
    h = _enc_call(x_p, We1, be1_r, We2, be2_r)

    u = _u_call(h, deg, Wc1, n)
    s = _edge_call(src, dst, u, t0, t1)
    u = _mid_call(s, u, deg, bc1_r, Wc2, n)
    s = _edge_call(src, dst, u, t0, t1)
    u = _mid_call(s, u, deg, bc2_r, Wc3, n)
    s = _edge_call(src, dst, u, t0, t1)
    return _fin_call(s, u, deg, bc3_r, batch_p, Wd1, bd1_r, Wd2, bd2_r,
                     n, d_out)

# --- scband reference (transcript-rebuilt; emitter-appended) ---
"""Pipeline reference for scband-gcn-38955353375200 (READ-ONLY COPY).

The authoritative reference and input builder live on the scoring server;
editing this copy changes nothing except your own understanding.
"""

import jax, jax.numpy as jnp
import numpy as np

N = 10000
E = 320000
D_IN = 128
D_H = 128
D_OUT = 64
NUM_GRAPHS = 64

def _glorot(key, shape):
    lim = (6.0 / (shape[0] + shape[1])) ** 0.5
    return jax.random.uniform(key, shape, jnp.float32, -lim, lim)

def setup_inputs(seed: int = 0):
    key = jax.random.key(seed)
    ks = jax.random.split(key, 20)
    x = jax.random.normal(ks[0], (N, D_IN), dtype=jnp.float32)
    edge_index = jax.random.randint(ks[1], (2, E), 0, N, dtype=jnp.int32)
    batch = jnp.sort(jax.random.randint(ks[2], (N,), 0, NUM_GRAPHS, dtype=jnp.int32))
    return {
        "x": x, "edge_index": edge_index, "batch": batch,
        "We1": _glorot(ks[3], (D_IN, D_H)), "be1": jnp.zeros((D_H,), jnp.float32),
        "We2": _glorot(ks[4], (D_H, D_H)), "be2": jnp.zeros((D_H,), jnp.float32),
        "Wc1": _glorot(ks[5], (D_H, D_H)), "bc1": jnp.zeros((D_H,), jnp.float32),
        "Wc2": _glorot(ks[6], (D_H, D_H)), "bc2": jnp.zeros((D_H,), jnp.float32),
        "Wc3": _glorot(ks[7], (D_H, D_H)), "bc3": jnp.zeros((D_H,), jnp.float32),
        "Wd1": _glorot(ks[8], (D_H, D_H)), "bd1": jnp.zeros((D_H,), jnp.float32),
        "Wd2": _glorot(ks[9], (D_H, D_OUT)), "bd2": jnp.zeros((D_OUT,), jnp.float32),
    }

def _gcn_conv(h, src, dst, dinv, W, b):
    m = h @ W
    msg = m[src] * (dinv[src] * dinv[dst])[:, None]
    out = jnp.zeros_like(m).at[dst].add(msg)
    return out + b

def reference(x, edge_index, batch, We1, be1, We2, be2, Wc1, bc1, Wc2, bc2, Wc3, bc3, Wd1, bd1, Wd2, bd2):
    n = x.shape[0]
    loop = jnp.arange(n, dtype=edge_index.dtype)
    src = jnp.concatenate([edge_index[0], loop])
    dst = jnp.concatenate([edge_index[1], loop])
    deg = jnp.zeros((n,), jnp.float32).at[dst].add(1.0)
    dinv = jax.lax.rsqrt(jnp.maximum(deg, 1.0))
    # encoder MLP (dropout is identity at inference)
    h = jax.nn.relu(x @ We1 + be1)
    h = h @ We2 + be2
    # GCN block: Kipf-Welling symmetric-normalized conv + ReLU
    for W, b in ((Wc1, bc1), (Wc2, bc2), (Wc3, bc3)):
        h = jax.nn.relu(_gcn_conv(h, src, dst, dinv, W, b))
    # global add pool over graph ids
    g = jax.ops.segment_sum(h, batch, num_segments=NUM_GRAPHS)
    # decoder MLP
    g = jax.nn.relu(g @ Wd1 + bd1)
    return g @ Wd2 + bd2

if __name__ == "__main__":
    import jax
    _d = setup_inputs()
    print(jax.jit(kernel)(*tuple(_d.values())))

</pallas_src>

<mosaic_0001>
#map = affine_map<(d0, d1) -> (0, 0, 0)>
module attributes {stable_mosaic.version = 14 : i64} {
  func.func @_deg_body(%arg0: i32, %arg1: i32, %arg2: memref<32x80x128xi32, #tpu.memory_space<hbm>>, %arg3: memref<2x10240x16xf32, #tpu.memory_space<hbm>>, %arg4: memref<80x128xi32, #tpu.memory_space<vmem>>, %arg5: memref<256x16xf32, #tpu.memory_space<vmem>>, %arg6: memref<10240x16xf32, #tpu.memory_space<vmem_shared>>, %arg7: memref<!tpu.dma_semaphore, #tpu.memory_space<semaphore_mem>>) attributes {dimension_semantics = [#tpu.dimension_semantics<core_parallel>, #tpu.dimension_semantics<subcore_parallel>], iteration_bounds = array<i64: 2, 16>, scalar_prefetch = 0 : i64, scratch_operands = 4 : i64, tpu.core_type = #tpu.core_type<sc_vector_subcore>, window_params = [{transform_indices = #map}, {transform_indices = #map}]} {
    %mul3A = arith.constant 16 : i32
    %mul3A_0 = arith.muli %arg0, %mul3A : i32
    %add3A = arith.addi %mul3A_0, %arg1 : i32
    %scan3A = arith.constant 0 : i32
    %scan3A_1 = arith.constant 0 : i32
    %scan3A_2 = arith.constant 128 : i32
    %scan3A_3 = arith.addi %scan3A_1, %scan3A_2 : i32
    %scan3A_4 = arith.constant 1 : i32
    %scan3A_5 = scf.for %scan3A_26 = %scan3A_1 to %scan3A_3 step %scan3A_4 iter_args(%scan3A_27 = %scan3A) -> (i32)  : i32 {
      %broadcast_in_dim3A = arith.constant 1.000000e+00 : f32
      %broadcast_in_dim3A_28 = vector.broadcast %broadcast_in_dim3A : f32 to vector<16xf32>
      %swap3A = arith.index_cast %scan3A_26 : i32 to index
      %swap3A_29 = arith.constant 0 : index
      %swap3A_30 = tpu.vector_load %arg5[%swap3A, %swap3A_29] {strides = array<i32>} : memref<256x16xf32, #tpu.memory_space<vmem>>, vector<1x16xf32>,
      %swap3A_31 = vector.shape_cast %swap3A_30 : vector<1x16xf32> to vector<16xf32>
      %swap3A_32 = vector.shape_cast %broadcast_in_dim3A_28 : vector<16xf32> to vector<1x16xf32>
      tpu.vector_store %arg5[%swap3A, %swap3A_29], %swap3A_32 {strides = array<i32>} : memref<256x16xf32, #tpu.memory_space<vmem>>, vector<1x16xf32>,
      %broadcast_in_dim3A_33 = arith.constant 0.000000e+00 : f32
      %broadcast_in_dim3A_34 = vector.broadcast %broadcast_in_dim3A_33 : f32 to vector<16xf32>
      %add3A_35 = arith.constant 128 : i32
      %add3A_36 = arith.addi %add3A_35, %scan3A_26 : i32
      %swap3A_37 = arith.index_cast %add3A_36 : i32 to index
      %swap3A_38 = arith.constant 0 : index
      %swap3A_39 = tpu.vector_load %arg5[%swap3A_37, %swap3A_38] {strides = array<i32>} : memref<256x16xf32, #tpu.memory_space<vmem>>, vector<1x16xf32>,
      %swap3A_40 = vector.shape_cast %swap3A_39 : vector<1x16xf32> to vector<16xf32>
      %swap3A_41 = vector.shape_cast %broadcast_in_dim3A_34 : vector<16xf32> to vector<1x16xf32>
      tpu.vector_store %arg5[%swap3A_37, %swap3A_38], %swap3A_41 {strides = array<i32>} : memref<256x16xf32, #tpu.memory_space<vmem>>, vector<1x16xf32>,
      %scan3A_42 = arith.constant 0 : i32
      scf.yield %scan3A_42 : i32
    }
    %scan3A_6 = arith.constant 128 : i32
    "tpu.region"() ({
      %run_scoped3A = tpu.sem_alloc : memref<!tpu.dma_semaphore, #tpu.memory_space<semaphore_mem>>
      %dma_start3A = arith.constant 0 : i32
      %dma_start3A_26 = arith.constant 0 : i32
      %dma_start3A_27 = tpu.memref_slice %arg2[%add3A, %dma_start3A, %dma_start3A_26] : memref<32x80x128xi32, #tpu.memory_space<hbm>> -> memref<1x80x128xi32, #tpu.memory_space<hbm>>
      %dma_start3A_28 = tpu.memref_squeeze %dma_start3A_27 : memref<1x80x128xi32, #tpu.memory_space<hbm>> -> memref<80x128xi32, #tpu.memory_space<hbm>>
      %dma_start3A_29 = arith.constant 0 : i32
      %dma_start3A_30 = arith.constant 0 : i32
      %dma_start3A_31 = tpu.memref_slice %arg2[%add3A, %dma_start3A_29, %dma_start3A_30] : memref<32x80x128xi32, #tpu.memory_space<hbm>> -> memref<1x80x128xi32, #tpu.memory_space<hbm>>
      %dma_start3A_32 = tpu.memref_squeeze %dma_start3A_31 : memref<1x80x128xi32, #tpu.memory_space<hbm>> -> memref<80x128xi32, #tpu.memory_space<hbm>>
      tpu.enqueue_dma source(%dma_start3A_32 : memref<80x128xi32, #tpu.memory_space<hbm>>) target(%arg4 : memref<80x128xi32, #tpu.memory_space<vmem>>) target_semaphore(%run_scoped3A : memref<!tpu.dma_semaphore, #tpu.memory_space<semaphore_mem>>)
      %dma_wait3A = arith.constant 0 : i32
      %dma_wait3A_33 = arith.constant 0 : i32
      %dma_wait3A_34 = tpu.memref_slice %arg2[%add3A, %dma_wait3A, %dma_wait3A_33] : memref<32x80x128xi32, #tpu.memory_space<hbm>> -> memref<1x80x128xi32, #tpu.memory_space<hbm>>
      %dma_wait3A_35 = tpu.memref_squeeze %dma_wait3A_34 : memref<1x80x128xi32, #tpu.memory_space<hbm>> -> memref<80x128xi32, #tpu.memory_space<hbm>>
      %dma_wait3A_36 = arith.constant 0 : i32
      %dma_wait3A_37 = arith.constant 0 : i32
      %dma_wait3A_38 = tpu.memref_slice %arg2[%add3A, %dma_wait3A_36, %dma_wait3A_37] : memref<32x80x128xi32, #tpu.memory_space<hbm>> -> memref<1x80x128xi32, #tpu.memory_space<hbm>>
      %dma_wait3A_39 = tpu.memref_squeeze %dma_wait3A_38 : memref<1x80x128xi32, #tpu.memory_space<hbm>> -> memref<80x128xi32, #tpu.memory_space<hbm>>
      tpu.wait_dma2 semaphore(%run_scoped3A : memref<!tpu.dma_semaphore, #tpu.memory_space<semaphore_mem>>) src(%dma_wait3A_39 : memref<80x128xi32, #tpu.memory_space<hbm>>) dst(%arg4 : memref<80x128xi32, #tpu.memory_space<vmem>>)
      tpu.yield
    }) : () -> ()
    %scan3A_7 = arith.constant 0 : i32
    %scan3A_8 = arith.constant 0 : i32
    %scan3A_9 = arith.constant 5 : i32
    %scan3A_10 = arith.addi %scan3A_8, %scan3A_9 : i32
    %scan3A_11 = arith.constant 1 : i32
    %scan3A_12 = scf.for %scan3A_26 = %scan3A_8 to %scan3A_10 step %scan3A_11 iter_args(%scan3A_27 = %scan3A_7) -> (i32)  : i32 {
      %mul3A_28 = arith.constant 640 : i32
      %mul3A_29 = arith.muli %arg1, %mul3A_28 : i32
      %mul3A_30 = arith.constant 128 : i32
      %mul3A_31 = arith.muli %scan3A_26, %mul3A_30 : i32
      %add3A_32 = arith.addi %mul3A_29, %mul3A_31 : i32
      "tpu.region"() ({
        %run_scoped3A = tpu.sem_alloc : memref<!tpu.dma_semaphore, #tpu.memory_space<semaphore_mem>>
        %dma_start3A = arith.constant 128 : i32
        %dma_start3A_34 = arith.constant 0 : i32
        %dma_start3A_35 = tpu.memref_slice %arg5[%dma_start3A, %dma_start3A_34] : memref<256x16xf32, #tpu.memory_space<vmem>> -> memref<128x16xf32, #tpu.memory_space<vmem>>
        %dma_start3A_36 = arith.constant 0 : i32
        %dma_start3A_37 = tpu.memref_slice %arg6[%add3A_32, %dma_start3A_36] : memref<10240x16xf32, #tpu.memory_space<vmem_shared>> -> memref<128x16xf32, #tpu.memory_space<vmem_shared>>
        %dma_start3A_38 = arith.constant 0 : i32
        %dma_start3A_39 = tpu.memref_slice %arg6[%add3A_32, %dma_start3A_38] : memref<10240x16xf32, #tpu.memory_space<vmem_shared>> -> memref<128x16xf32, #tpu.memory_space<vmem_shared>>
        %dma_start3A_40 = arith.constant 128 : i32
        %dma_start3A_41 = arith.constant 0 : i32
        %dma_start3A_42 = tpu.memref_slice %arg5[%dma_start3A_40, %dma_start3A_41] : memref<256x16xf32, #tpu.memory_space<vmem>> -> memref<128x16xf32, #tpu.memory_space<vmem>>
        tpu.enqueue_dma source(%dma_start3A_42 : memref<128x16xf32, #tpu.memory_space<vmem>>) target(%dma_start3A_39 : memref<128x16xf32, #tpu.memory_space<vmem_shared>>) target_semaphore(%run_scoped3A : memref<!tpu.dma_semaphore, #tpu.memory_space<semaphore_mem>>)
        %dma_wait3A = arith.constant 128 : i32
        %dma_wait3A_43 = arith.constant 0 : i32
        %dma_wait3A_44 = tpu.memref_slice %arg5[%dma_wait3A, %dma_wait3A_43] : memref<256x16xf32, #tpu.memory_space<vmem>> -> memref<128x16xf32, #tpu.memory_space<vmem>>
        %dma_wait3A_45 = arith.constant 0 : i32
        %dma_wait3A_46 = tpu.memref_slice %arg6[%add3A_32, %dma_wait3A_45] : memref<10240x16xf32, #tpu.memory_space<vmem_shared>> -> memref<128x16xf32, #tpu.memory_space<vmem_shared>>
        %dma_wait3A_47 = arith.constant 0 : i32
        %dma_wait3A_48 = tpu.memref_slice %arg6[%add3A_32, %dma_wait3A_47] : memref<10240x16xf32, #tpu.memory_space<vmem_shared>> -> memref<128x16xf32, #tpu.memory_space<vmem_shared>>
        %dma_wait3A_49 = arith.constant 128 : i32
        %dma_wait3A_50 = arith.constant 0 : i32
        %dma_wait3A_51 = tpu.memref_slice %arg5[%dma_wait3A_49, %dma_wait3A_50] : memref<256x16xf32, #tpu.memory_space<vmem>> -> memref<128x16xf32, #tpu.memory_space<vmem>>
        tpu.wait_dma2 semaphore(%run_scoped3A : memref<!tpu.dma_semaphore, #tpu.memory_space<semaphore_mem>>) src(%dma_wait3A_51 : memref<128x16xf32, #tpu.memory_space<vmem>>) dst(%dma_wait3A_48 : memref<128x16xf32, #tpu.memory_space<vmem_shared>>)
        tpu.yield
      }) : () -> ()
      %scan3A_33 = arith.constant 0 : i32
      scf.yield %scan3A_33 : i32
    }
    %scan3A_13 = arith.constant 5 : i32
    %barrier3A = arith.constant 0 : index
    tpu.barrier barrier_id(%barrier3A)
    %scan3A_14 = arith.constant 0 : i32
    %scan3A_15 = arith.constant 0 : i32
    %scan3A_16 = arith.constant 10 : i32
    %scan3A_17 = arith.addi %scan3A_15, %scan3A_16 : i32
    %scan3A_18 = arith.constant 1 : i32
    %scan3A_19 = scf.for %scan3A_26 = %scan3A_15 to %scan3A_17 step %scan3A_18 iter_args(%scan3A_27 = %scan3A_14) -> (i32)  : i32 {
      %mul3A_28 = arith.constant 8 : i32
      %mul3A_29 = arith.muli %scan3A_26, %mul3A_28 : i32
      %add3A_30 = arith.constant 0 : i32
      %add3A_31 = arith.addi %mul3A_29, %add3A_30 : i32
      %dma_start3A = arith.constant 0 : i32
      %dma_start3A_32 = arith.constant 0 : i32
      %dma_start3A_33 = tpu.memref_slice %arg5[%dma_start3A, %dma_start3A_32] : memref<256x16xf32, #tpu.memory_space<vmem>> -> memref<128x16xf32, #tpu.memory_space<vmem>>
      %dma_start3A_34 = arith.constant 0 : i32
      %dma_start3A_35 = tpu.memref_slice %arg4[%add3A_31, %dma_start3A_34] : memref<80x128xi32, #tpu.memory_space<vmem>> -> memref<1x128xi32, #tpu.memory_space<vmem>>
      %dma_start3A_36 = tpu.memref_squeeze %dma_start3A_35 : memref<1x128xi32, #tpu.memory_space<vmem>> -> memref<128xi32, #tpu.memory_space<vmem>>
      %dma_start3A_37 = arith.constant 0 : i32
      %dma_start3A_38 = arith.constant 0 : i32
      %dma_start3A_39 = tpu.memref_slice %arg6[%dma_start3A_37, %dma_start3A_38] : memref<10240x16xf32, #tpu.memory_space<vmem_shared>> -> memref<10240x16xf32, #tpu.memory_space<vmem_shared>>
      tpu.enqueue_indirect_dma source(%dma_start3A_33 : memref<128x16xf32, #tpu.memory_space<vmem>>) target(%dma_start3A_39 : memref<10240x16xf32, #tpu.memory_space<vmem_shared>>) offsets(%dma_start3A_36 : memref<128xi32, #tpu.memory_space<vmem>>) semaphore(%arg7 : memref<!tpu.dma_semaphore, #tpu.memory_space<semaphore_mem>>) {add = true}
      %mul3A_40 = arith.constant 8 : i32
      %mul3A_41 = arith.muli %scan3A_26, %mul3A_40 : i32
      %add3A_42 = arith.constant 1 : i32
      %add3A_43 = arith.addi %mul3A_41, %add3A_42 : i32
      %dma_start3A_44 = arith.constant 0 : i32
      %dma_start3A_45 = arith.constant 0 : i32
      %dma_start3A_46 = tpu.memref_slice %arg5[%dma_start3A_44, %dma_start3A_45] : memref<256x16xf32, #tpu.memory_space<vmem>> -> memref<128x16xf32, #tpu.memory_space<vmem>>
      %dma_start3A_47 = arith.constant 0 : i32
      %dma_start3A_48 = tpu.memref_slice %arg4[%add3A_43, %dma_start3A_47] : memref<80x128xi32, #tpu.memory_space<vmem>> -> memref<1x128xi32, #tpu.memory_space<vmem>>
      %dma_start3A_49 = tpu.memref_squeeze %dma_start3A_48 : memref<1x128xi32, #tpu.memory_space<vmem>> -> memref<128xi32, #tpu.memory_space<vmem>>
      %dma_start3A_50 = arith.constant 0 : i32
      %dma_start3A_51 = arith.constant 0 : i32
      %dma_start3A_52 = tpu.memref_slice %arg6[%dma_start3A_50, %dma_start3A_51] : memref<10240x16xf32, #tpu.memory_space<vmem_shared>> -> memref<10240x16xf32, #tpu.memory_space<vmem_shared>>
      tpu.enqueue_indirect_dma source(%dma_start3A_46 : memref<128x16xf32, #tpu.memory_space<vmem>>) target(%dma_start3A_52 : memref<10240x16xf32, #tpu.memory_space<vmem_shared>>) offsets(%dma_start3A_49 : memref<128xi32, #tpu.memory_space<vmem>>) semaphore(%arg7 : memref<!tpu.dma_semaphore, #tpu.memory_space<semaphore_mem>>) {add = true}
      %mul3A_53 = arith.constant 8 : i32
      %mul3A_54 = arith.muli %scan3A_26, %mul3A_53 : i32
      %add3A_55 = arith.constant 2 : i32
      %add3A_56 = arith.addi %mul3A_54, %add3A_55 : i32
      %dma_start3A_57 = arith.constant 0 : i32
      %dma_start3A_58 = arith.constant 0 : i32
      %dma_start3A_59 = tpu.memref_slice %arg5[%dma_start3A_57, %dma_start3A_58] : memref<256x16xf32, #tpu.memory_space<vmem>> -> memref<128x16xf32, #tpu.memory_space<vmem>>
      %dma_start3A_60 = arith.constant 0 : i32
      %dma_start3A_61 = tpu.memref_slice %arg4[%add3A_56, %dma_start3A_60] : memref<80x128xi32, #tpu.memory_space<vmem>> -> memref<1x128xi32, #tpu.memory_space<vmem>>
      %dma_start3A_62 = tpu.memref_squeeze %dma_start3A_61 : memref<1x128xi32, #tpu.memory_space<vmem>> -> memref<128xi32, #tpu.memory_space<vmem>>
      %dma_start3A_63 = arith.constant 0 : i32
      %dma_start3A_64 = arith.constant 0 : i32
      %dma_start3A_65 = tpu.memref_slice %arg6[%dma_start3A_63, %dma_start3A_64] : memref<10240x16xf32, #tpu.memory_space<vmem_shared>> -> memref<10240x16xf32, #tpu.memory_space<vmem_shared>>
      tpu.enqueue_indirect_dma source(%dma_start3A_59 : memref<128x16xf32, #tpu.memory_space<vmem>>) target(%dma_start3A_65 : memref<10240x16xf32, #tpu.memory_space<vmem_shared>>) offsets(%dma_start3A_62 : memref<128xi32, #tpu.memory_space<vmem>>) semaphore(%arg7 : memref<!tpu.dma_semaphore, #tpu.memory_space<semaphore_mem>>) {add = true}
      %mul3A_66 = arith.constant 8 : i32
      %mul3A_67 = arith.muli %scan3A_26, %mul3A_66 : i32
      %add3A_68 = arith.constant 3 : i32
      %add3A_69 = arith.addi %mul3A_67, %add3A_68 : i32
      %dma_start3A_70 = arith.constant 0 : i32
      %dma_start3A_71 = arith.constant 0 : i32
      %dma_start3A_72 = tpu.memref_slice %arg5[%dma_start3A_70, %dma_start3A_71] : memref<256x16xf32, #tpu.memory_space<vmem>> -> memref<128x16xf32, #tpu.memory_space<vmem>>
      %dma_start3A_73 = arith.constant 0 : i32
      %dma_start3A_74 = tpu.memref_slice %arg4[%add3A_69, %dma_start3A_73] : memref<80x128xi32, #tpu.memory_space<vmem>> -> memref<1x128xi32, #tpu.memory_space<vmem>>
      %dma_start3A_75 = tpu.memref_squeeze %dma_start3A_74 : memref<1x128xi32, #tpu.memory_space<vmem>> -> memref<128xi32, #tpu.memory_space<vmem>>
      %dma_start3A_76 = arith.constant 0 : i32
      %dma_start3A_77 = arith.constant 0 : i32
      %dma_start3A_78 = tpu.memref_slice %arg6[%dma_start3A_76, %dma_start3A_77] : memref<10240x16xf32, #tpu.memory_space<vmem_shared>> -> memref<10240x16xf32, #tpu.memory_space<vmem_shared>>
      tpu.enqueue_indirect_dma source(%dma_start3A_72 : memref<128x16xf32, #tpu.memory_space<vmem>>) target(%dma_start3A_78 : memref<10240x16xf32, #tpu.memory_space<vmem_shared>>) offsets(%dma_start3A_75 : memref<128xi32, #tpu.memory_space<vmem>>) semaphore(%arg7 : memref<!tpu.dma_semaphore, #tpu.memory_space<semaphore_mem>>) {add = true}
      %mul3A_79 = arith.constant 8 : i32
      %mul3A_80 = arith.muli %scan3A_26, %mul3A_79 : i32
      %add3A_81 = arith.constant 4 : i32
      %add3A_82 = arith.addi %mul3A_80, %add3A_81 : i32
      %dma_start3A_83 = arith.constant 0 : i32
      %dma_start3A_84 = arith.constant 0 : i32
      %dma_start3A_85 = tpu.memref_slice %arg5[%dma_start3A_83, %dma_start3A_84] : memref<256x16xf32, #tpu.memory_space<vmem>> -> memref<128x16xf32, #tpu.memory_space<vmem>>
      %dma_start3A_86 = arith.constant 0 : i32
      %dma_start3A_87 = tpu.memref_slice %arg4[%add3A_82, %dma_start3A_86] : memref<80x128xi32, #tpu.memory_space<vmem>> -> memref<1x128xi32, #tpu.memory_space<vmem>>
      %dma_start3A_88 = tpu.memref_squeeze %dma_start3A_87 : memref<1x128xi32, #tpu.memory_space<vmem>> -> memref<128xi32, #tpu.memory_space<vmem>>
      %dma_start3A_89 = arith.constant 0 : i32
      %dma_start3A_90 = arith.constant 0 : i32
      %dma_start3A_91 = tpu.memref_slice %arg6[%dma_start3A_89, %dma_start3A_90] : memref<10240x16xf32, #tpu.memory_space<vmem_shared>> -> memref<10240x16xf32, #tpu.memory_space<vmem_shared>>
      tpu.enqueue_indirect_dma source(%dma_start3A_85 : memref<128x16xf32, #tpu.memory_space<vmem>>) target(%dma_start3A_91 : memref<10240x16xf32, #tpu.memory_space<vmem_shared>>) offsets(%dma_start3A_88 : memref<128xi32, #tpu.memory_space<vmem>>) semaphore(%arg7 : memref<!tpu.dma_semaphore, #tpu.memory_space<semaphore_mem>>) {add = true}
      %mul3A_92 = arith.constant 8 : i32
      %mul3A_93 = arith.muli %scan3A_26, %mul3A_92 : i32
      %add3A_94 = arith.constant 5 : i32
      %add3A_95 = arith.addi %mul3A_93, %add3A_94 : i32
      %dma_start3A_96 = arith.constant 0 : i32
      %dma_start3A_97 = arith.constant 0 : i32
      %dma_start3A_98 = tpu.memref_slice %arg5[%dma_start3A_96, %dma_start3A_97] : memref<256x16xf32, #tpu.memory_space<vmem>> -> memref<128x16xf32, #tpu.memory_space<vmem>>
      %dma_start3A_99 = arith.constant 0 : i32
      %dma_start3A_100 = tpu.memref_slice %arg4[%add3A_95, %dma_start3A_99] : memref<80x128xi32, #tpu.memory_space<vmem>> -> memref<1x128xi32, #tpu.memory_space<vmem>>
      %dma_start3A_101 = tpu.memref_squeeze %dma_start3A_100 : memref<1x128xi32, #tpu.memory_space<vmem>> -> memref<128xi32, #tpu.memory_space<vmem>>
      %dma_start3A_102 = arith.constant 0 : i32
      %dma_start3A_103 = arith.constant 0 : i32
      %dma_start3A_104 = tpu.memref_slice %arg6[%dma_start3A_102, %dma_start3A_103] : memref<10240x16xf32, #tpu.memory_space<vmem_shared>> -> memref<10240x16xf32, #tpu.memory_space<vmem_shared>>
      tpu.enqueue_indirect_dma source(%dma_start3A_98 : memref<128x16xf32, #tpu.memory_space<vmem>>) target(%dma_start3A_104 : memref<10240x16xf32, #tpu.memory_space<vmem_shared>>) offsets(%dma_start3A_101 : memref<128xi32, #tpu.memory_space<vmem>>) semaphore(%arg7 : memref<!tpu.dma_semaphore, #tpu.memory_space<semaphore_mem>>) {add = true}
      %mul3A_105 = arith.constant 8 : i32
      %mul3A_106 = arith.muli %scan3A_26, %mul3A_105 : i32
      %add3A_107 = arith.constant 6 : i32
      %add3A_108 = arith.addi %mul3A_106, %add3A_107 : i32
      %dma_start3A_109 = arith.constant 0 : i32
      %dma_start3A_110 = arith.constant 0 : i32
      %dma_start3A_111 = tpu.memref_slice %arg5[%dma_start3A_109, %dma_start3A_110] : memref<256x16xf32, #tpu.memory_space<vmem>> -> memref<128x16xf32, #tpu.memory_space<vmem>>
      %dma_start3A_112 = arith.constant 0 : i32
      %dma_start3A_113 = tpu.memref_slice %arg4[%add3A_108, %dma_start3A_112] : memref<80x128xi32, #tpu.memory_space<vmem>> -> memref<1x128xi32, #tpu.memory_space<vmem>>
      %dma_start3A_114 = tpu.memref_squeeze %dma_start3A_113 : memref<1x128xi32, #tpu.memory_space<vmem>> -> memref<128xi32, #tpu.memory_space<vmem>>
      %dma_start3A_115 = arith.constant 0 : i32
      %dma_start3A_116 = arith.constant 0 : i32
      %dma_start3A_117 = tpu.memref_slice %arg6[%dma_start3A_115, %dma_start3A_116] : memref<10240x16xf32, #tpu.memory_space<vmem_shared>> -> memref<10240x16xf32, #tpu.memory_space<vmem_shared>>
      tpu.enqueue_indirect_dma source(%dma_start3A_111 : memref<128x16xf32, #tpu.memory_space<vmem>>) target(%dma_start3A_117 : memref<10240x16xf32, #tpu.memory_space<vmem_shared>>) offsets(%dma_start3A_114 : memref<128xi32, #tpu.memory_space<vmem>>) semaphore(%arg7 : memref<!tpu.dma_semaphore, #tpu.memory_space<semaphore_mem>>) {add = true}
      %mul3A_118 = arith.constant 8 : i32
      %mul3A_119 = arith.muli %scan3A_26, %mul3A_118 : i32
      %add3A_120 = arith.constant 7 : i32
      %add3A_121 = arith.addi %mul3A_119, %add3A_120 : i32
      %dma_start3A_122 = arith.constant 0 : i32
      %dma_start3A_123 = arith.constant 0 : i32
      %dma_start3A_124 = tpu.memref_slice %arg5[%dma_start3A_122, %dma_start3A_123] : memref<256x16xf32, #tpu.memory_space<vmem>> -> memref<128x16xf32, #tpu.memory_space<vmem>>
      %dma_start3A_125 = arith.constant 0 : i32
      %dma_start3A_126 = tpu.memref_slice %arg4[%add3A_121, %dma_start3A_125] : memref<80x128xi32, #tpu.memory_space<vmem>> -> memref<1x128xi32, #tpu.memory_space<vmem>>
      %dma_start3A_127 = tpu.memref_squeeze %dma_start3A_126 : memref<1x128xi32, #tpu.memory_space<vmem>> -> memref<128xi32, #tpu.memory_space<vmem>>
      %dma_start3A_128 = arith.constant 0 : i32
      %dma_start3A_129 = arith.constant 0 : i32
      %dma_start3A_130 = tpu.memref_slice %arg6[%dma_start3A_128, %dma_start3A_129] : memref<10240x16xf32, #tpu.memory_space<vmem_shared>> -> memref<10240x16xf32, #tpu.memory_space<vmem_shared>>
      tpu.enqueue_indirect_dma source(%dma_start3A_124 : memref<128x16xf32, #tpu.memory_space<vmem>>) target(%dma_start3A_130 : memref<10240x16xf32, #tpu.memory_space<vmem_shared>>) offsets(%dma_start3A_127 : memref<128xi32, #tpu.memory_space<vmem>>) semaphore(%arg7 : memref<!tpu.dma_semaphore, #tpu.memory_space<semaphore_mem>>) {add = true}
      %dma_wait3A = arith.constant 0 : i32
      %dma_wait3A_131 = arith.constant 0 : i32
      %dma_wait3A_132 = arith.constant 0 : i32
      %dma_wait3A_133 = tpu.memref_slice %arg5[%dma_wait3A_131, %dma_wait3A_132] : memref<256x16xf32, #tpu.memory_space<vmem>> -> memref<128x16xf32, #tpu.memory_space<vmem>>
      %dma_wait3A_134 = arith.constant 0 : i32
      %dma_wait3A_135 = tpu.memref_slice %arg4[%dma_wait3A, %dma_wait3A_134] : memref<80x128xi32, #tpu.memory_space<vmem>> -> memref<1x128xi32, #tpu.memory_space<vmem>>
      %dma_wait3A_136 = tpu.memref_squeeze %dma_wait3A_135 : memref<1x128xi32, #tpu.memory_space<vmem>> -> memref<128xi32, #tpu.memory_space<vmem>>
      %dma_wait3A_137 = arith.constant 0 : i32
      %dma_wait3A_138 = arith.constant 0 : i32
      %dma_wait3A_139 = tpu.memref_slice %arg6[%dma_wait3A_137, %dma_wait3A_138] : memref<10240x16xf32, #tpu.memory_space<vmem_shared>> -> memref<10240x16xf32, #tpu.memory_space<vmem_shared>>
      tpu.wait_indirect_dma semaphore(%arg7 : memref<!tpu.dma_semaphore, #tpu.memory_space<semaphore_mem>>) src(%dma_wait3A_133 : memref<128x16xf32, #tpu.memory_space<vmem>>) dst(%dma_wait3A_139 : memref<10240x16xf32, #tpu.memory_space<vmem_shared>>)
      %dma_wait3A_140 = arith.constant 0 : i32
      %dma_wait3A_141 = arith.constant 0 : i32
      %dma_wait3A_142 = arith.constant 0 : i32
      %dma_wait3A_143 = tpu.memref_slice %arg5[%dma_wait3A_141, %dma_wait3A_142] : memref<256x16xf32, #tpu.memory_space<vmem>> -> memref<128x16xf32, #tpu.memory_space<vmem>>
      %dma_wait3A_144 = arith.constant 0 : i32
      %dma_wait3A_145 = tpu.memref_slice %arg4[%dma_wait3A_140, %dma_wait3A_144] : memref<80x128xi32, #tpu.memory_space<vmem>> -> memref<1x128xi32, #tpu.memory_space<vmem>>
      %dma_wait3A_146 = tpu.memref_squeeze %dma_wait3A_145 : memref<1x128xi32, #tpu.memory_space<vmem>> -> memref<128xi32, #tpu.memory_space<vmem>>
      %dma_wait3A_147 = arith.constant 0 : i32
      %dma_wait3A_148 = arith.constant 0 : i32
      %dma_wait3A_149 = tpu.memref_slice %arg6[%dma_wait3A_147, %dma_wait3A_148] : memref<10240x16xf32, #tpu.memory_space<vmem_shared>> -> memref<10240x16xf32, #tpu.memory_space<vmem_shared>>
      tpu.wait_indirect_dma semaphore(%arg7 : memref<!tpu.dma_semaphore, #tpu.memory_space<semaphore_mem>>) src(%dma_wait3A_143 : memref<128x16xf32, #tpu.memory_space<vmem>>) dst(%dma_wait3A_149 : memref<10240x16xf32, #tpu.memory_space<vmem_shared>>)
      %dma_wait3A_150 = arith.constant 0 : i32
      %dma_wait3A_151 = arith.constant 0 : i32
      %dma_wait3A_152 = arith.constant 0 : i32
      %dma_wait3A_153 = tpu.memref_slice %arg5[%dma_wait3A_151, %dma_wait3A_152] : memref<256x16xf32, #tpu.memory_space<vmem>> -> memref<128x16xf32, #tpu.memory_space<vmem>>
      %dma_wait3A_154 = arith.constant 0 : i32
      %dma_wait3A_155 = tpu.memref_slice %arg4[%dma_wait3A_150, %dma_wait3A_154] : memref<80x128xi32, #tpu.memory_space<vmem>> -> memref<1x128xi32, #tpu.memory_space<vmem>>
      %dma_wait3A_156 = tpu.memref_squeeze %dma_wait3A_155 : memref<1x128xi32, #tpu.memory_space<vmem>> -> memref<128xi32, #tpu.memory_space<vmem>>
      %dma_wait3A_157 = arith.constant 0 : i32
      %dma_wait3A_158 = arith.constant 0 : i32
      %dma_wait3A_159 = tpu.memref_slice %arg6[%dma_wait3A_157, %dma_wait3A_158] : memref<10240x16xf32, #tpu.memory_space<vmem_shared>> -> memref<10240x16xf32, #tpu.memory_space<vmem_shared>>
      tpu.wait_indirect_dma semaphore(%arg7 : memref<!tpu.dma_semaphore, #tpu.memory_space<semaphore_mem>>) src(%dma_wait3A_153 : memref<128x16xf32, #tpu.memory_space<vmem>>) dst(%dma_wait3A_159 : memref<10240x16xf32, #tpu.memory_space<vmem_shared>>)
      %dma_wait3A_160 = arith.constant 0 : i32
      %dma_wait3A_161 = arith.constant 0 : i32
      %dma_wait3A_162 = arith.constant 0 : i32
      %dma_wait3A_163 = tpu.memref_slice %arg5[%dma_wait3A_161, %dma_wait3A_162] : memref<256x16xf32, #tpu.memory_space<vmem>> -> memref<128x16xf32, #tpu.memory_space<vmem>>
      %dma_wait3A_164 = arith.constant 0 : i32
      %dma_wait3A_165 = tpu.memref_slice %arg4[%dma_wait3A_160, %dma_wait3A_164] : memref<80x128xi32, #tpu.memory_space<vmem>> -> memref<1x128xi32, #tpu.memory_space<vmem>>
      %dma_wait3A_166 = tpu.memref_squeeze %dma_wait3A_165 : memref<1x128xi32, #tpu.memory_space<vmem>> -> memref<128xi32, #tpu.memory_space<vmem>>
      %dma_wait3A_167 = arith.constant 0 : i32
      %dma_wait3A_168 = arith.constant 0 : i32
      %dma_wait3A_169 = tpu.memref_slice %arg6[%dma_wait3A_167, %dma_wait3A_168] : memref<10240x16xf32, #tpu.memory_space<vmem_shared>> -> memref<10240x16xf32, #tpu.memory_space<vmem_shared>>
      tpu.wait_indirect_dma semaphore(%arg7 : memref<!tpu.dma_semaphore, #tpu.memory_space<semaphore_mem>>) src(%dma_wait3A_163 : memref<128x16xf32, #tpu.memory_space<vmem>>) dst(%dma_wait3A_169 : memref<10240x16xf32, #tpu.memory_space<vmem_shared>>)
      %dma_wait3A_170 = arith.constant 0 : i32
      %dma_wait3A_171 = arith.constant 0 : i32
      %dma_wait3A_172 = arith.constant 0 : i32
      %dma_wait3A_173 = tpu.memref_slice %arg5[%dma_wait3A_171, %dma_wait3A_172] : memref<256x16xf32, #tpu.memory_space<vmem>> -> memref<128x16xf32, #tpu.memory_space<vmem>>
      %dma_wait3A_174 = arith.constant 0 : i32
      %dma_wait3A_175 = tpu.memref_slice %arg4[%dma_wait3A_170, %dma_wait3A_174] : memref<80x128xi32, #tpu.memory_space<vmem>> -> memref<1x128xi32, #tpu.memory_space<vmem>>
      %dma_wait3A_176 = tpu.memref_squeeze %dma_wait3A_175 : memref<1x128xi32, #tpu.memory_space<vmem>> -> memref<128xi32, #tpu.memory_space<vmem>>
      %dma_wait3A_177 = arith.constant 0 : i32
      %dma_wait3A_178 = arith.constant 0 : i32
      %dma_wait3A_179 = tpu.memref_slice %arg6[%dma_wait3A_177, %dma_wait3A_178] : memref<10240x16xf32, #tpu.memory_space<vmem_shared>> -> memref<10240x16xf32, #tpu.memory_space<vmem_shared>>
      tpu.wait_indirect_dma semaphore(%arg7 : memref<!tpu.dma_semaphore, #tpu.memory_space<semaphore_mem>>) src(%dma_wait3A_173 : memref<128x16xf32, #tpu.memory_space<vmem>>) dst(%dma_wait3A_179 : memref<10240x16xf32, #tpu.memory_space<vmem_shared>>)
      %dma_wait3A_180 = arith.constant 0 : i32
      %dma_wait3A_181 = arith.constant 0 : i32
      %dma_wait3A_182 = arith.constant 0 : i32
      %dma_wait3A_183 = tpu.memref_slice %arg5[%dma_wait3A_181, %dma_wait3A_182] : memref<256x16xf32, #tpu.memory_space<vmem>> -> memref<128x16xf32, #tpu.memory_space<vmem>>
      %dma_wait3A_184 = arith.constant 0 : i32
      %dma_wait3A_185 = tpu.memref_slice %arg4[%dma_wait3A_180, %dma_wait3A_184] : memref<80x128xi32, #tpu.memory_space<vmem>> -> memref<1x128xi32, #tpu.memory_space<vmem>>
      %dma_wait3A_186 = tpu.memref_squeeze %dma_wait3A_185 : memref<1x128xi32, #tpu.memory_space<vmem>> -> memref<128xi32, #tpu.memory_space<vmem>>
      %dma_wait3A_187 = arith.constant 0 : i32
      %dma_wait3A_188 = arith.constant 0 : i32
      %dma_wait3A_189 = tpu.memref_slice %arg6[%dma_wait3A_187, %dma_wait3A_188] : memref<10240x16xf32, #tpu.memory_space<vmem_shared>> -> memref<10240x16xf32, #tpu.memory_space<vmem_shared>>
      tpu.wait_indirect_dma semaphore(%arg7 : memref<!tpu.dma_semaphore, #tpu.memory_space<semaphore_mem>>) src(%dma_wait3A_183 : memref<128x16xf32, #tpu.memory_space<vmem>>) dst(%dma_wait3A_189 : memref<10240x16xf32, #tpu.memory_space<vmem_shared>>)
      %dma_wait3A_190 = arith.constant 0 : i32
      %dma_wait3A_191 = arith.constant 0 : i32
      %dma_wait3A_192 = arith.constant 0 : i32
      %dma_wait3A_193 = tpu.memref_slice %arg5[%dma_wait3A_191, %dma_wait3A_192] : memref<256x16xf32, #tpu.memory_space<vmem>> -> memref<128x16xf32, #tpu.memory_space<vmem>>
      %dma_wait3A_194 = arith.constant 0 : i32
      %dma_wait3A_195 = tpu.memref_slice %arg4[%dma_wait3A_190, %dma_wait3A_194] : memref<80x128xi32, #tpu.memory_space<vmem>> -> memref<1x128xi32, #tpu.memory_space<vmem>>
      %dma_wait3A_196 = tpu.memref_squeeze %dma_wait3A_195 : memref<1x128xi32, #tpu.memory_space<vmem>> -> memref<128xi32, #tpu.memory_space<vmem>>
      %dma_wait3A_197 = arith.constant 0 : i32
      %dma_wait3A_198 = arith.constant 0 : i32
      %dma_wait3A_199 = tpu.memref_slice %arg6[%dma_wait3A_197, %dma_wait3A_198] : memref<10240x16xf32, #tpu.memory_space<vmem_shared>> -> memref<10240x16xf32, #tpu.memory_space<vmem_shared>>
      tpu.wait_indirect_dma semaphore(%arg7 : memref<!tpu.dma_semaphore, #tpu.memory_space<semaphore_mem>>) src(%dma_wait3A_193 : memref<128x16xf32, #tpu.memory_space<vmem>>) dst(%dma_wait3A_199 : memref<10240x16xf32, #tpu.memory_space<vmem_shared>>)
      %dma_wait3A_200 = arith.constant 0 : i32
      %dma_wait3A_201 = arith.constant 0 : i32
      %dma_wait3A_202 = arith.constant 0 : i32
      %dma_wait3A_203 = tpu.memref_slice %arg5[%dma_wait3A_201, %dma_wait3A_202] : memref<256x16xf32, #tpu.memory_space<vmem>> -> memref<128x16xf32, #tpu.memory_space<vmem>>
      %dma_wait3A_204 = arith.constant 0 : i32
      %dma_wait3A_205 = tpu.memref_slice %arg4[%dma_wait3A_200, %dma_wait3A_204] : memref<80x128xi32, #tpu.memory_space<vmem>> -> memref<1x128xi32, #tpu.memory_space<vmem>>
      %dma_wait3A_206 = tpu.memref_squeeze %dma_wait3A_205 : memref<1x128xi32, #tpu.memory_space<vmem>> -> memref<128xi32, #tpu.memory_space<vmem>>
      %dma_wait3A_207 = arith.constant 0 : i32
      %dma_wait3A_208 = arith.constant 0 : i32
      %dma_wait3A_209 = tpu.memref_slice %arg6[%dma_wait3A_207, %dma_wait3A_208] : memref<10240x16xf32, #tpu.memory_space<vmem_shared>> -> memref<10240x16xf32, #tpu.memory_space<vmem_shared>>
      tpu.wait_indirect_dma semaphore(%arg7 : memref<!tpu.dma_semaphore, #tpu.memory_space<semaphore_mem>>) src(%dma_wait3A_203 : memref<128x16xf32, #tpu.memory_space<vmem>>) dst(%dma_wait3A_209 : memref<10240x16xf32, #tpu.memory_space<vmem_shared>>)
      %scan3A_210 = arith.constant 0 : i32
      scf.yield %scan3A_210 : i32
    }
    %scan3A_20 = arith.constant 10 : i32
    %barrier3A_21 = arith.constant 0 : index
    tpu.barrier barrier_id(%barrier3A_21)
    %mul3A_22 = arith.constant 640 : i32
    %mul3A_23 = arith.muli %arg1, %mul3A_22 : i32
    %mul3A_24 = arith.constant 640 : i32
    %mul3A_25 = arith.muli %arg1, %mul3A_24 : i32
    "tpu.region"() ({
      %run_scoped3A = tpu.sem_alloc : memref<!tpu.dma_semaphore, #tpu.memory_space<semaphore_mem>>
      %dma_start3A = arith.constant 0 : i32
      %dma_start3A_26 = tpu.memref_slice %arg3[%arg0, %mul3A_25, %dma_start3A] : memref<2x10240x16xf32, #tpu.memory_space<hbm>> -> memref<1x640x16xf32, #tpu.memory_space<hbm>>
      %dma_start3A_27 = tpu.memref_squeeze %dma_start3A_26 : memref<1x640x16xf32, #tpu.memory_space<hbm>> -> memref<640x16xf32, #tpu.memory_space<hbm>>
      %dma_start3A_28 = arith.constant 0 : i32
      %dma_start3A_29 = tpu.memref_slice %arg6[%mul3A_23, %dma_start3A_28] : memref<10240x16xf32, #tpu.memory_space<vmem_shared>> -> memref<640x16xf32, #tpu.memory_space<vmem_shared>>
      tpu.enqueue_dma source(%dma_start3A_29 : memref<640x16xf32, #tpu.memory_space<vmem_shared>>) target(%dma_start3A_27 : memref<640x16xf32, #tpu.memory_space<hbm>>) target_semaphore(%run_scoped3A : memref<!tpu.dma_semaphore, #tpu.memory_space<semaphore_mem>>)
      %dma_wait3A = arith.constant 0 : i32
      %dma_wait3A_30 = tpu.memref_slice %arg3[%arg0, %mul3A_25, %dma_wait3A] : memref<2x10240x16xf32, #tpu.memory_space<hbm>> -> memref<1x640x16xf32, #tpu.memory_space<hbm>>
      %dma_wait3A_31 = tpu.memref_squeeze %dma_wait3A_30 : memref<1x640x16xf32, #tpu.memory_space<hbm>> -> memref<640x16xf32, #tpu.memory_space<hbm>>
      %dma_wait3A_32 = arith.constant 0 : i32
      %dma_wait3A_33 = tpu.memref_slice %arg6[%mul3A_23, %dma_wait3A_32] : memref<10240x16xf32, #tpu.memory_space<vmem_shared>> -> memref<640x16xf32, #tpu.memory_space<vmem_shared>>
      tpu.wait_dma2 semaphore(%run_scoped3A : memref<!tpu.dma_semaphore, #tpu.memory_space<semaphore_mem>>) src(%dma_wait3A_33 : memref<640x16xf32, #tpu.memory_space<vmem_shared>>) dst(%dma_wait3A_31 : memref<640x16xf32, #tpu.memory_space<hbm>>)
      tpu.yield
    }) : () -> ()
    return
  }
}

#map = affine_map<(d0, d1) -> (0)>
#map1 = affine_map<(d0, d1) -> (0, 0)>
#map2 = affine_map<(d0, d1) -> (0, 0, 0)>
module attributes {stable_mosaic.version = 14 : i64} {
  func.func @_edge_body(%arg0: i32, %arg1: i32, %arg2: memref<321536xi32, #tpu.memory_space<hbm>>, %arg3: memref<321536xi32, #tpu.memory_space<hbm>>, %arg4: memref<10240x128xf32, #tpu.memory_space<hbm>>, %arg5: memref<2x10240x128xf32, #tpu.memory_space<hbm>>, %arg6: memref<3x128xi32, #tpu.memory_space<vmem>>, %arg7: memref<3x128xi32, #tpu.memory_space<vmem>>, %arg8: memref<2x128x128xf32, #tpu.memory_space<vmem>>, %arg9: memref<10240x128xf32, #tpu.memory_space<vmem_shared>>, %arg10: memref<!tpu.dma_semaphore, #tpu.memory_space<semaphore_mem>>, %arg11: memref<!tpu.dma_semaphore, #tpu.memory_space<semaphore_mem>>, %arg12: memref<!tpu.dma_semaphore, #tpu.memory_space<semaphore_mem>>) attributes {dimension_semantics = [#tpu.dimension_semantics<core_parallel>, #tpu.dimension_semantics<subcore_parallel>], iteration_bounds = array<i64: 2, 16>, scalar_prefetch = 0 : i64, scratch_operands = 7 : i64, tpu.core_type = #tpu.core_type<sc_vector_subcore>, window_params = [{transform_indices = #map}, {transform_indices = #map}, {transform_indices = #map1}, {transform_indices = #map2}]} {
    %eq3A = arith.constant 0 : i32
    %eq3A_0 = arith.cmpi eq, %arg0, %eq3A : i32
    %jit3A = arith.constant 122 : i32
    %jit3A_1 = arith.constant 35 : i32
    %select_n3A = arith.select %eq3A_0, %jit3A, %jit3A_1 : i32
    %eq3A_2 = arith.constant 0 : i32
    %eq3A_3 = arith.cmpi eq, %arg0, %eq3A_2 : i32
    %mul3A = arith.constant 122 : i32
    %mul3A_4 = arith.muli %arg1, %mul3A : i32
    %mul3A_5 = arith.constant 35 : i32
    %mul3A_6 = arith.muli %arg1, %mul3A_5 : i32
    %add3A = arith.constant 1952 : i32
    %add3A_7 = arith.addi %add3A, %mul3A_6 : i32
    %select_n3A_8 = arith.select %eq3A_3, %mul3A_4, %add3A_7 : i32
    %mul3A_9 = arith.constant 128 : i32
    %mul3A_10 = arith.muli %select_n3A_8, %mul3A_9 : i32
    %scan3A = arith.constant 0 : i32
    %scan3A_11 = arith.constant 0 : i32
    %scan3A_12 = arith.constant 128 : i32
    %scan3A_13 = arith.addi %scan3A_11, %scan3A_12 : i32
    %scan3A_14 = arith.constant 1 : i32
    %scan3A_15 = scf.for %scan3A_137 = %scan3A_11 to %scan3A_13 step %scan3A_14 iter_args(%scan3A_138 = %scan3A) -> (i32)  : i32 {
      %scan3A_139 = arith.constant 0 : i32
      %scan3A_140 = arith.constant 0 : i32
      %scan3A_141 = arith.constant 8 : i32
      %scan3A_142 = arith.addi %scan3A_140, %scan3A_141 : i32
      %scan3A_143 = arith.constant 1 : i32
      %scan3A_144 = scf.for %scan3A_147 = %scan3A_140 to %scan3A_142 step %scan3A_143 iter_args(%scan3A_148 = %scan3A_139) -> (i32)  : i32 {
        %broadcast_in_dim3A = arith.constant 0.000000e+00 : f32
        %broadcast_in_dim3A_149 = vector.broadcast %broadcast_in_dim3A : f32 to vector<16xf32>
        %mul3A_150 = arith.constant 16 : i32
        %mul3A_151 = arith.muli %scan3A_147, %mul3A_150 : i32
        %swap3A = arith.constant 0 : i32
        %swap3A_152 = arith.index_cast %swap3A : i32 to index
        %swap3A_153 = arith.index_cast %scan3A_137 : i32 to index
        %swap3A_154 = arith.index_cast %mul3A_151 : i32 to index
        %swap3A_155 = tpu.vector_load %arg8[%swap3A_152, %swap3A_153, %swap3A_154] {strides = array<i32>} : memref<2x128x128xf32, #tpu.memory_space<vmem>>, vector<1x1x16xf32>,
        %swap3A_156 = vector.shape_cast %swap3A_155 : vector<1x1x16xf32> to vector<16xf32>
        %swap3A_157 = vector.shape_cast %broadcast_in_dim3A_149 : vector<16xf32> to vector<1x1x16xf32>
        tpu.vector_store %arg8[%swap3A_152, %swap3A_153, %swap3A_154], %swap3A_157 {strides = array<i32>} : memref<2x128x128xf32, #tpu.memory_space<vmem>>, vector<1x1x16xf32>,
        %scan3A_158 = arith.constant 0 : i32
        scf.yield %scan3A_158 : i32
      }
      %scan3A_145 = arith.constant 8 : i32
      %scan3A_146 = arith.constant 0 : i32
      scf.yield %scan3A_146 : i32
    }
    %scan3A_16 = arith.constant 128 : i32
    %scan3A_17 = arith.constant 0 : i32
    %scan3A_18 = arith.constant 0 : i32
    %scan3A_19 = arith.constant 5 : i32
    %scan3A_20 = arith.addi %scan3A_18, %scan3A_19 : i32
    %scan3A_21 = arith.constant 1 : i32
    %scan3A_22 = scf.for %scan3A_137 = %scan3A_18 to %scan3A_20 step %scan3A_21 iter_args(%scan3A_138 = %scan3A_17) -> (i32)  : i32 {
      %mul3A_139 = arith.constant 640 : i32
      %mul3A_140 = arith.muli %arg1, %mul3A_139 : i32
      %mul3A_141 = arith.constant 128 : i32
      %mul3A_142 = arith.muli %scan3A_137, %mul3A_141 : i32
      %add3A_143 = arith.addi %mul3A_140, %mul3A_142 : i32
      %run_scoped3A = arith.constant 0 : i32
      "tpu.region"() ({
        %run_scoped3A_145 = tpu.sem_alloc : memref<!tpu.dma_semaphore, #tpu.memory_space<semaphore_mem>>
        %dma_start3A_146 = arith.constant 0 : i32
        %dma_start3A_147 = arith.constant 0 : i32
        %dma_start3A_148 = tpu.memref_slice %arg8[%run_scoped3A, %dma_start3A_146, %dma_start3A_147] : memref<2x128x128xf32, #tpu.memory_space<vmem>> -> memref<1x128x128xf32, #tpu.memory_space<vmem>>
        %dma_start3A_149 = tpu.memref_squeeze %dma_start3A_148 : memref<1x128x128xf32, #tpu.memory_space<vmem>> -> memref<128x128xf32, #tpu.memory_space<vmem>>
        %dma_start3A_150 = arith.constant 0 : i32
        %dma_start3A_151 = tpu.memref_slice %arg9[%add3A_143, %dma_start3A_150] : memref<10240x128xf32, #tpu.memory_space<vmem_shared>> -> memref<128x128xf32, #tpu.memory_space<vmem_shared>>
        %dma_start3A_152 = arith.constant 0 : i32
        %dma_start3A_153 = tpu.memref_slice %arg9[%add3A_143, %dma_start3A_152] : memref<10240x128xf32, #tpu.memory_space<vmem_shared>> -> memref<128x128xf32, #tpu.memory_space<vmem_shared>>
        %dma_start3A_154 = arith.constant 0 : i32
        %dma_start3A_155 = arith.constant 0 : i32
        %dma_start3A_156 = tpu.memref_slice %arg8[%run_scoped3A, %dma_start3A_154, %dma_start3A_155] : memref<2x128x128xf32, #tpu.memory_space<vmem>> -> memref<1x128x128xf32, #tpu.memory_space<vmem>>
        %dma_start3A_157 = tpu.memref_squeeze %dma_start3A_156 : memref<1x128x128xf32, #tpu.memory_space<vmem>> -> memref<128x128xf32, #tpu.memory_space<vmem>>
        tpu.enqueue_dma source(%dma_start3A_157 : memref<128x128xf32, #tpu.memory_space<vmem>>) target(%dma_start3A_153 : memref<128x128xf32, #tpu.memory_space<vmem_shared>>) target_semaphore(%run_scoped3A_145 : memref<!tpu.dma_semaphore, #tpu.memory_space<semaphore_mem>>)
        %dma_wait3A_158 = arith.constant 0 : i32
        %dma_wait3A_159 = arith.constant 0 : i32
        %dma_wait3A_160 = tpu.memref_slice %arg8[%run_scoped3A, %dma_wait3A_158, %dma_wait3A_159] : memref<2x128x128xf32, #tpu.memory_space<vmem>> -> memref<1x128x128xf32, #tpu.memory_space<vmem>>
        %dma_wait3A_161 = tpu.memref_squeeze %dma_wait3A_160 : memref<1x128x128xf32, #tpu.memory_space<vmem>> -> memref<128x128xf32, #tpu.memory_space<vmem>>
        %dma_wait3A_162 = arith.constant 0 : i32
        %dma_wait3A_163 = tpu.memref_slice %arg9[%add3A_143, %dma_wait3A_162] : memref<10240x128xf32, #tpu.memory_space<vmem_shared>> -> memref<128x128xf32, #tpu.memory_space<vmem_shared>>
        %dma_wait3A_164 = arith.constant 0 : i32
        %dma_wait3A_165 = tpu.memref_slice %arg9[%add3A_143, %dma_wait3A_164] : memref<10240x128xf32, #tpu.memory_space<vmem_shared>> -> memref<128x128xf32, #tpu.memory_space<vmem_shared>>
        %dma_wait3A_166 = arith.constant 0 : i32
        %dma_wait3A_167 = arith.constant 0 : i32
        %dma_wait3A_168 = tpu.memref_slice %arg8[%run_scoped3A, %dma_wait3A_166, %dma_wait3A_167] : memref<2x128x128xf32, #tpu.memory_space<vmem>> -> memref<1x128x128xf32, #tpu.memory_space<vmem>>
        %dma_wait3A_169 = tpu.memref_squeeze %dma_wait3A_168 : memref<1x128x128xf32, #tpu.memory_space<vmem>> -> memref<128x128xf32, #tpu.memory_space<vmem>>
        tpu.wait_dma2 semaphore(%run_scoped3A_145 : memref<!tpu.dma_semaphore, #tpu.memory_space<semaphore_mem>>) src(%dma_wait3A_169 : memref<128x128xf32, #tpu.memory_space<vmem>>) dst(%dma_wait3A_165 : memref<128x128xf32, #tpu.memory_space<vmem_shared>>)
        tpu.yield
      }) : () -> ()
      %scan3A_144 = arith.constant 0 : i32
      scf.yield %scan3A_144 : i32
    }
    %scan3A_23 = arith.constant 5 : i32
    %barrier3A = arith.constant 0 : index
    tpu.barrier barrier_id(%barrier3A)
    %add3A_24 = arith.constant 0 : i32
    %add3A_25 = arith.addi %mul3A_10, %add3A_24 : i32
    %multiple_of3A = tpu.assume_multiple %add3A_25, 128 : i32
    %dma_start3A = arith.constant 0 : i32
    %dma_start3A_26 = arith.constant 0 : i32
    %dma_start3A_27 = tpu.memref_slice %arg6[%dma_start3A, %dma_start3A_26] : memref<3x128xi32, #tpu.memory_space<vmem>> -> memref<1x128xi32, #tpu.memory_space<vmem>>
    %dma_start3A_28 = tpu.memref_squeeze %dma_start3A_27 : memref<1x128xi32, #tpu.memory_space<vmem>> -> memref<128xi32, #tpu.memory_space<vmem>>
    %dma_start3A_29 = tpu.memref_slice %arg2[%multiple_of3A] : memref<321536xi32, #tpu.memory_space<hbm>> -> memref<128xi32, #tpu.memory_space<hbm>>
    %dma_start3A_30 = arith.constant 0 : i32
    %dma_start3A_31 = tpu.memref_slice %arg6[%dma_start3A, %dma_start3A_30] : memref<3x128xi32, #tpu.memory_space<vmem>> -> memref<1x128xi32, #tpu.memory_space<vmem>>
    %dma_start3A_32 = tpu.memref_squeeze %dma_start3A_31 : memref<1x128xi32, #tpu.memory_space<vmem>> -> memref<128xi32, #tpu.memory_space<vmem>>
    %dma_start3A_33 = tpu.memref_slice %arg2[%multiple_of3A] : memref<321536xi32, #tpu.memory_space<hbm>> -> memref<128xi32, #tpu.memory_space<hbm>>
    tpu.enqueue_dma source(%dma_start3A_33 : memref<128xi32, #tpu.memory_space<hbm>>) target(%dma_start3A_32 : memref<128xi32, #tpu.memory_space<vmem>>) target_semaphore(%arg10 : memref<!tpu.dma_semaphore, #tpu.memory_space<semaphore_mem>>)
    %dma_start3A_34 = arith.constant 0 : i32
    %dma_start3A_35 = arith.constant 0 : i32
    %dma_start3A_36 = tpu.memref_slice %arg7[%dma_start3A_34, %dma_start3A_35] : memref<3x128xi32, #tpu.memory_space<vmem>> -> memref<1x128xi32, #tpu.memory_space<vmem>>
    %dma_start3A_37 = tpu.memref_squeeze %dma_start3A_36 : memref<1x128xi32, #tpu.memory_space<vmem>> -> memref<128xi32, #tpu.memory_space<vmem>>
    %dma_start3A_38 = tpu.memref_slice %arg3[%multiple_of3A] : memref<321536xi32, #tpu.memory_space<hbm>> -> memref<128xi32, #tpu.memory_space<hbm>>
    %dma_start3A_39 = arith.constant 0 : i32
    %dma_start3A_40 = tpu.memref_slice %arg7[%dma_start3A_34, %dma_start3A_39] : memref<3x128xi32, #tpu.memory_space<vmem>> -> memref<1x128xi32, #tpu.memory_space<vmem>>
    %dma_start3A_41 = tpu.memref_squeeze %dma_start3A_40 : memref<1x128xi32, #tpu.memory_space<vmem>> -> memref<128xi32, #tpu.memory_space<vmem>>
    %dma_start3A_42 = tpu.memref_slice %arg3[%multiple_of3A] : memref<321536xi32, #tpu.memory_space<hbm>> -> memref<128xi32, #tpu.memory_space<hbm>>
    tpu.enqueue_dma source(%dma_start3A_42 : memref<128xi32, #tpu.memory_space<hbm>>) target(%dma_start3A_41 : memref<128xi32, #tpu.memory_space<vmem>>) target_semaphore(%arg10 : memref<!tpu.dma_semaphore, #tpu.memory_space<semaphore_mem>>)
    %add3A_43 = arith.constant 128 : i32
    %add3A_44 = arith.addi %mul3A_10, %add3A_43 : i32
    %multiple_of3A_45 = tpu.assume_multiple %add3A_44, 128 : i32
    %dma_start3A_46 = arith.constant 1 : i32
    %dma_start3A_47 = arith.constant 0 : i32
    %dma_start3A_48 = tpu.memref_slice %arg6[%dma_start3A_46, %dma_start3A_47] : memref<3x128xi32, #tpu.memory_space<vmem>> -> memref<1x128xi32, #tpu.memory_space<vmem>>
    %dma_start3A_49 = tpu.memref_squeeze %dma_start3A_48 : memref<1x128xi32, #tpu.memory_space<vmem>> -> memref<128xi32, #tpu.memory_space<vmem>>
    %dma_start3A_50 = tpu.memref_slice %arg2[%multiple_of3A_45] : memref<321536xi32, #tpu.memory_space<hbm>> -> memref<128xi32, #tpu.memory_space<hbm>>
    %dma_start3A_51 = arith.constant 0 : i32
    %dma_start3A_52 = tpu.memref_slice %arg6[%dma_start3A_46, %dma_start3A_51] : memref<3x128xi32, #tpu.memory_space<vmem>> -> memref<1x128xi32, #tpu.memory_space<vmem>>
    %dma_start3A_53 = tpu.memref_squeeze %dma_start3A_52 : memref<1x128xi32, #tpu.memory_space<vmem>> -> memref<128xi32, #tpu.memory_space<vmem>>
    %dma_start3A_54 = tpu.memref_slice %arg2[%multiple_of3A_45] : memref<321536xi32, #tpu.memory_space<hbm>> -> memref<128xi32, #tpu.memory_space<hbm>>
    tpu.enqueue_dma source(%dma_start3A_54 : memref<128xi32, #tpu.memory_space<hbm>>) target(%dma_start3A_53 : memref<128xi32, #tpu.memory_space<vmem>>) target_semaphore(%arg10 : memref<!tpu.dma_semaphore, #tpu.memory_space<semaphore_mem>>)
    %dma_start3A_55 = arith.constant 1 : i32
    %dma_start3A_56 = arith.constant 0 : i32
    %dma_start3A_57 = tpu.memref_slice %arg7[%dma_start3A_55, %dma_start3A_56] : memref<3x128xi32, #tpu.memory_space<vmem>> -> memref<1x128xi32, #tpu.memory_space<vmem>>
    %dma_start3A_58 = tpu.memref_squeeze %dma_start3A_57 : memref<1x128xi32, #tpu.memory_space<vmem>> -> memref<128xi32, #tpu.memory_space<vmem>>
    %dma_start3A_59 = tpu.memref_slice %arg3[%multiple_of3A_45] : memref<321536xi32, #tpu.memory_space<hbm>> -> memref<128xi32, #tpu.memory_space<hbm>>
    %dma_start3A_60 = arith.constant 0 : i32
    %dma_start3A_61 = tpu.memref_slice %arg7[%dma_start3A_55, %dma_start3A_60] : memref<3x128xi32, #tpu.memory_space<vmem>> -> memref<1x128xi32, #tpu.memory_space<vmem>>
    %dma_start3A_62 = tpu.memref_squeeze %dma_start3A_61 : memref<1x128xi32, #tpu.memory_space<vmem>> -> memref<128xi32, #tpu.memory_space<vmem>>
    %dma_start3A_63 = tpu.memref_slice %arg3[%multiple_of3A_45] : memref<321536xi32, #tpu.memory_space<hbm>> -> memref<128xi32, #tpu.memory_space<hbm>>
    tpu.enqueue_dma source(%dma_start3A_63 : memref<128xi32, #tpu.memory_space<hbm>>) target(%dma_start3A_62 : memref<128xi32, #tpu.memory_space<vmem>>) target_semaphore(%arg10 : memref<!tpu.dma_semaphore, #tpu.memory_space<semaphore_mem>>)
    %dma_wait3A = arith.constant 0 : i32
    %dma_wait3A_64 = arith.constant 0 : i32
    %dma_wait3A_65 = tpu.memref_slice %arg6[%dma_wait3A, %dma_wait3A_64] : memref<3x128xi32, #tpu.memory_space<vmem>> -> memref<1x128xi32, #tpu.memory_space<vmem>>
    %dma_wait3A_66 = tpu.memref_squeeze %dma_wait3A_65 : memref<1x128xi32, #tpu.memory_space<vmem>> -> memref<128xi32, #tpu.memory_space<vmem>>
    %dma_wait3A_67 = arith.constant 0 : i32
    %dma_wait3A_68 = tpu.memref_slice %arg2[%dma_wait3A_67] : memref<321536xi32, #tpu.memory_space<hbm>> -> memref<128xi32, #tpu.memory_space<hbm>>
    %dma_wait3A_69 = arith.constant 0 : i32
    %dma_wait3A_70 = tpu.memref_slice %arg6[%dma_wait3A, %dma_wait3A_69] : memref<3x128xi32, #tpu.memory_space<vmem>> -> memref<1x128xi32, #tpu.memory_space<vmem>>
    %dma_wait3A_71 = tpu.memref_squeeze %dma_wait3A_70 : memref<1x128xi32, #tpu.memory_space<vmem>> -> memref<128xi32, #tpu.memory_space<vmem>>
    %dma_wait3A_72 = arith.constant 0 : i32
    %dma_wait3A_73 = tpu.memref_slice %arg2[%dma_wait3A_72] : memref<321536xi32, #tpu.memory_space<hbm>> -> memref<128xi32, #tpu.memory_space<hbm>>
    tpu.wait_dma2 semaphore(%arg10 : memref<!tpu.dma_semaphore, #tpu.memory_space<semaphore_mem>>) src(%dma_wait3A_73 : memref<128xi32, #tpu.memory_space<hbm>>) dst(%dma_wait3A_71 : memref<128xi32, #tpu.memory_space<vmem>>)
    %dma_wait3A_74 = arith.constant 0 : i32
    %dma_wait3A_75 = arith.constant 0 : i32
    %dma_wait3A_76 = tpu.memref_slice %arg7[%dma_wait3A_74, %dma_wait3A_75] : memref<3x128xi32, #tpu.memory_space<vmem>> -> memref<1x128xi32, #tpu.memory_space<vmem>>
    %dma_wait3A_77 = tpu.memref_squeeze %dma_wait3A_76 : memref<1x128xi32, #tpu.memory_space<vmem>> -> memref<128xi32, #tpu.memory_space<vmem>>
    %dma_wait3A_78 = arith.constant 0 : i32
    %dma_wait3A_79 = tpu.memref_slice %arg3[%dma_wait3A_78] : memref<321536xi32, #tpu.memory_space<hbm>> -> memref<128xi32, #tpu.memory_space<hbm>>
    %dma_wait3A_80 = arith.constant 0 : i32
    %dma_wait3A_81 = tpu.memref_slice %arg7[%dma_wait3A_74, %dma_wait3A_80] : memref<3x128xi32, #tpu.memory_space<vmem>> -> memref<1x128xi32, #tpu.memory_space<vmem>>
    %dma_wait3A_82 = tpu.memref_squeeze %dma_wait3A_81 : memref<1x128xi32, #tpu.memory_space<vmem>> -> memref<128xi32, #tpu.memory_space<vmem>>
    %dma_wait3A_83 = arith.constant 0 : i32
    %dma_wait3A_84 = tpu.memref_slice %arg3[%dma_wait3A_83] : memref<321536xi32, #tpu.memory_space<hbm>> -> memref<128xi32, #tpu.memory_space<hbm>>
    tpu.wait_dma2 semaphore(%arg10 : memref<!tpu.dma_semaphore, #tpu.memory_space<semaphore_mem>>) src(%dma_wait3A_84 : memref<128xi32, #tpu.memory_space<hbm>>) dst(%dma_wait3A_82 : memref<128xi32, #tpu.memory_space<vmem>>)
    %dma_start3A_85 = arith.constant 0 : i32
    %dma_start3A_86 = arith.constant 0 : i32
    %dma_start3A_87 = arith.constant 0 : i32
    %dma_start3A_88 = arith.constant 0 : i32
    %dma_start3A_89 = tpu.memref_slice %arg8[%dma_start3A_86, %dma_start3A_87, %dma_start3A_88] : memref<2x128x128xf32, #tpu.memory_space<vmem>> -> memref<1x128x128xf32, #tpu.memory_space<vmem>>
    %dma_start3A_90 = tpu.memref_squeeze %dma_start3A_89 : memref<1x128x128xf32, #tpu.memory_space<vmem>> -> memref<128x128xf32, #tpu.memory_space<vmem>>
    %dma_start3A_91 = arith.constant 0 : i32
    %dma_start3A_92 = tpu.memref_slice %arg6[%dma_start3A_85, %dma_start3A_91] : memref<3x128xi32, #tpu.memory_space<vmem>> -> memref<1x128xi32, #tpu.memory_space<vmem>>
    %dma_start3A_93 = tpu.memref_squeeze %dma_start3A_92 : memref<1x128xi32, #tpu.memory_space<vmem>> -> memref<128xi32, #tpu.memory_space<vmem>>
    %dma_start3A_94 = arith.constant 0 : i32
    %dma_start3A_95 = arith.constant 0 : i32
    %dma_start3A_96 = tpu.memref_slice %arg4[%dma_start3A_94, %dma_start3A_95] : memref<10240x128xf32, #tpu.memory_space<hbm>> -> memref<10240x128xf32, #tpu.memory_space<hbm>>
    tpu.enqueue_indirect_dma source(%dma_start3A_96 : memref<10240x128xf32, #tpu.memory_space<hbm>>) target(%dma_start3A_90 : memref<128x128xf32, #tpu.memory_space<vmem>>) offsets(%dma_start3A_93 : memref<128xi32, #tpu.memory_space<vmem>>) semaphore(%arg11 : memref<!tpu.dma_semaphore, #tpu.memory_space<semaphore_mem>>)
    %while3A = arith.constant 0 : i32
    %while3A_97 = arith.constant 0 : i32
    %while3A_98 = arith.subi %select_n3A, %while3A : i32
    %while3A_99 = arith.addi %while3A, %while3A_98 : i32
    %while3A_100 = arith.constant 1 : i32
    %while3A_101 = arith.divsi %while3A_98, %while3A_100 : i32
    %while3A_102 = arith.muli %while3A_101, %while3A_100 : i32
    %while3A_103 = arith.addi %while3A, %while3A_102 : i32
    %while3A_104 = arith.constant 1 : i32
    %while3A_105 = scf.for %while3A_137 = %while3A to %while3A_103 step %while3A_104 iter_args(%while3A_138 = %while3A_97) -> (i32)  : i32 {
      %jit3A_139 = arith.constant 2 : i32
      %eq3A_140 = arith.constant 0 : i32
      %eq3A_141 = arith.cmpi eq, %jit3A_139, %eq3A_140 : i32
      %jit3A_142 = arith.constant 1 : i32
      %select_n3A_143 = arith.select %eq3A_141, %jit3A_142, %jit3A_139 : i32
      %rem3A_144 = arith.remsi %while3A_137, %select_n3A_143 : i32
      %ne3A_145 = arith.constant 0 : i32
      %ne3A_146 = arith.cmpi ne, %rem3A_144, %ne3A_145 : i32
      %lt3A_147 = arith.constant 0 : i32
      %lt3A_148 = arith.cmpi slt, %rem3A_144, %lt3A_147 : i32
      %lt3A_149 = arith.constant 0 : i32
      %lt3A_150 = arith.cmpi slt, %select_n3A_143, %lt3A_149 : i32
      %ne3A_151 = arith.xori %lt3A_148, %lt3A_150 : i1
      %and3A_152 = arith.andi %ne3A_151, %ne3A_146 : i1
      %add3A_153 = arith.addi %rem3A_144, %select_n3A_143 : i32
      %select_n3A_154 = arith.select %and3A_152, %add3A_153, %rem3A_144 : i32
      %sub3A_155 = arith.constant 1 : i32
      %sub3A_156 = arith.subi %sub3A_155, %select_n3A_154 : i32
      %dma_wait3A_157 = arith.constant 0 : i32
      %dma_wait3A_158 = arith.constant 0 : i32
      %dma_wait3A_159 = arith.constant 0 : i32
      %dma_wait3A_160 = tpu.memref_slice %arg8[%select_n3A_154, %dma_wait3A_158, %dma_wait3A_159] : memref<2x128x128xf32, #tpu.memory_space<vmem>> -> memref<1x128x128xf32, #tpu.memory_space<vmem>>
      %dma_wait3A_161 = tpu.memref_squeeze %dma_wait3A_160 : memref<1x128x128xf32, #tpu.memory_space<vmem>> -> memref<128x128xf32, #tpu.memory_space<vmem>>
      %dma_wait3A_162 = arith.constant 0 : i32
      %dma_wait3A_163 = tpu.memref_slice %arg6[%dma_wait3A_157, %dma_wait3A_162] : memref<3x128xi32, #tpu.memory_space<vmem>> -> memref<1x128xi32, #tpu.memory_space<vmem>>
      %dma_wait3A_164 = tpu.memref_squeeze %dma_wait3A_163 : memref<1x128xi32, #tpu.memory_space<vmem>> -> memref<128xi32, #tpu.memory_space<vmem>>
      %dma_wait3A_165 = arith.constant 0 : i32
      %dma_wait3A_166 = arith.constant 0 : i32
      %dma_wait3A_167 = tpu.memref_slice %arg4[%dma_wait3A_165, %dma_wait3A_166] : memref<10240x128xf32, #tpu.memory_space<hbm>> -> memref<10240x128xf32, #tpu.memory_space<hbm>>
      tpu.wait_indirect_dma semaphore(%arg11 : memref<!tpu.dma_semaphore, #tpu.memory_space<semaphore_mem>>) src(%dma_wait3A_167 : memref<10240x128xf32, #tpu.memory_space<hbm>>) dst(%dma_wait3A_161 : memref<128x128xf32, #tpu.memory_space<vmem>>)
      %jit3A_168 = arith.constant 3 : i32
      %eq3A_169 = arith.constant 0 : i32
      %eq3A_170 = arith.cmpi eq, %jit3A_168, %eq3A_169 : i32
      %jit3A_171 = arith.constant 1 : i32
      %select_n3A_172 = arith.select %eq3A_170, %jit3A_171, %jit3A_168 : i32
      %rem3A_173 = arith.remsi %while3A_137, %select_n3A_172 : i32
      %ne3A_174 = arith.constant 0 : i32
      %ne3A_175 = arith.cmpi ne, %rem3A_173, %ne3A_174 : i32
      %lt3A_176 = arith.constant 0 : i32
      %lt3A_177 = arith.cmpi slt, %rem3A_173, %lt3A_176 : i32
      %lt3A_178 = arith.constant 0 : i32
      %lt3A_179 = arith.cmpi slt, %select_n3A_172, %lt3A_178 : i32
      %ne3A_180 = arith.xori %lt3A_177, %lt3A_179 : i1
      %and3A_181 = arith.andi %ne3A_180, %ne3A_175 : i1
      %add3A_182 = arith.addi %rem3A_173, %select_n3A_172 : i32
      %select_n3A_183 = arith.select %and3A_181, %add3A_182, %rem3A_173 : i32
      %dma_start3A_184 = arith.constant 0 : i32
      %dma_start3A_185 = arith.constant 0 : i32
      %dma_start3A_186 = tpu.memref_slice %arg8[%select_n3A_154, %dma_start3A_184, %dma_start3A_185] : memref<2x128x128xf32, #tpu.memory_space<vmem>> -> memref<1x128x128xf32, #tpu.memory_space<vmem>>
      %dma_start3A_187 = tpu.memref_squeeze %dma_start3A_186 : memref<1x128x128xf32, #tpu.memory_space<vmem>> -> memref<128x128xf32, #tpu.memory_space<vmem>>
      %dma_start3A_188 = arith.constant 0 : i32
      %dma_start3A_189 = tpu.memref_slice %arg7[%select_n3A_183, %dma_start3A_188] : memref<3x128xi32, #tpu.memory_space<vmem>> -> memref<1x128xi32, #tpu.memory_space<vmem>>
      %dma_start3A_190 = tpu.memref_squeeze %dma_start3A_189 : memref<1x128xi32, #tpu.memory_space<vmem>> -> memref<128xi32, #tpu.memory_space<vmem>>
      %dma_start3A_191 = arith.constant 0 : i32
      %dma_start3A_192 = arith.constant 0 : i32
      %dma_start3A_193 = tpu.memref_slice %arg9[%dma_start3A_191, %dma_start3A_192] : memref<10240x128xf32, #tpu.memory_space<vmem_shared>> -> memref<10240x128xf32, #tpu.memory_space<vmem_shared>>
      tpu.enqueue_indirect_dma source(%dma_start3A_187 : memref<128x128xf32, #tpu.memory_space<vmem>>) target(%dma_start3A_193 : memref<10240x128xf32, #tpu.memory_space<vmem_shared>>) offsets(%dma_start3A_190 : memref<128xi32, #tpu.memory_space<vmem>>) semaphore(%arg12 : memref<!tpu.dma_semaphore, #tpu.memory_space<semaphore_mem>>) {add = true}
      %add3A_194 = arith.constant 1 : i32
      %add3A_195 = arith.addi %while3A_137, %add3A_194 : i32
      %lt3A_196 = arith.cmpi slt, %add3A_195, %select_n3A : i32
      %convert_element_type3A = arith.extui %lt3A_196 : i1 to i32
      %cond3A = arith.constant 0 : i32
      %cond3A_197 = arith.cmpi ne, %convert_element_type3A, %cond3A : i32
      scf.if %cond3A_197 {
        %ge3A = arith.constant 1 : i32
        %ge3A_199 = arith.cmpi sge, %while3A_137, %ge3A : i32
        %convert_element_type3A_200 = arith.extui %ge3A_199 : i1 to i32
        %cond3A_201 = arith.constant 0 : i32
        %cond3A_202 = arith.cmpi ne, %convert_element_type3A_200, %cond3A_201 : i32
        scf.if %cond3A_202 {
          %dma_wait3A_259 = arith.constant 0 : i32
          %dma_wait3A_260 = arith.constant 0 : i32
          %dma_wait3A_261 = arith.constant 0 : i32
          %dma_wait3A_262 = tpu.memref_slice %arg8[%sub3A_156, %dma_wait3A_260, %dma_wait3A_261] : memref<2x128x128xf32, #tpu.memory_space<vmem>> -> memref<1x128x128xf32, #tpu.memory_space<vmem>>
          %dma_wait3A_263 = tpu.memref_squeeze %dma_wait3A_262 : memref<1x128x128xf32, #tpu.memory_space<vmem>> -> memref<128x128xf32, #tpu.memory_space<vmem>>
          %dma_wait3A_264 = arith.constant 0 : i32
          %dma_wait3A_265 = tpu.memref_slice %arg7[%dma_wait3A_259, %dma_wait3A_264] : memref<3x128xi32, #tpu.memory_space<vmem>> -> memref<1x128xi32, #tpu.memory_space<vmem>>
          %dma_wait3A_266 = tpu.memref_squeeze %dma_wait3A_265 : memref<1x128xi32, #tpu.memory_space<vmem>> -> memref<128xi32, #tpu.memory_space<vmem>>
          %dma_wait3A_267 = arith.constant 0 : i32
          %dma_wait3A_268 = arith.constant 0 : i32
          %dma_wait3A_269 = tpu.memref_slice %arg9[%dma_wait3A_267, %dma_wait3A_268] : memref<10240x128xf32, #tpu.memory_space<vmem_shared>> -> memref<10240x128xf32, #tpu.memory_space<vmem_shared>>
          tpu.wait_indirect_dma semaphore(%arg12 : memref<!tpu.dma_semaphore, #tpu.memory_space<semaphore_mem>>) src(%dma_wait3A_263 : memref<128x128xf32, #tpu.memory_space<vmem>>) dst(%dma_wait3A_269 : memref<10240x128xf32, #tpu.memory_space<vmem_shared>>)
        } else {
        }
        %add3A_203 = arith.constant 2 : i32
        %add3A_204 = arith.addi %while3A_137, %add3A_203 : i32
        %lt3A_205 = arith.cmpi slt, %add3A_204, %select_n3A : i32
        %convert_element_type3A_206 = arith.extui %lt3A_205 : i1 to i32
        %cond3A_207 = arith.constant 0 : i32
        %cond3A_208 = arith.cmpi ne, %convert_element_type3A_206, %cond3A_207 : i32
        scf.if %cond3A_208 {
          %add3A_259 = arith.constant 2 : i32
          %add3A_260 = arith.addi %while3A_137, %add3A_259 : i32
          %add3A_261 = arith.constant 2 : i32
          %add3A_262 = arith.addi %while3A_137, %add3A_261 : i32
          %jit3A_263 = arith.constant 3 : i32
          %eq3A_264 = arith.constant 0 : i32
          %eq3A_265 = arith.cmpi eq, %jit3A_263, %eq3A_264 : i32
          %jit3A_266 = arith.constant 1 : i32
          %select_n3A_267 = arith.select %eq3A_265, %jit3A_266, %jit3A_263 : i32
          %rem3A_268 = arith.remsi %add3A_262, %select_n3A_267 : i32
          %ne3A_269 = arith.constant 0 : i32
          %ne3A_270 = arith.cmpi ne, %rem3A_268, %ne3A_269 : i32
          %lt3A_271 = arith.constant 0 : i32
          %lt3A_272 = arith.cmpi slt, %rem3A_268, %lt3A_271 : i32
          %lt3A_273 = arith.constant 0 : i32
          %lt3A_274 = arith.cmpi slt, %select_n3A_267, %lt3A_273 : i32
          %ne3A_275 = arith.xori %lt3A_272, %lt3A_274 : i1
          %and3A_276 = arith.andi %ne3A_275, %ne3A_270 : i1
          %add3A_277 = arith.addi %rem3A_268, %select_n3A_267 : i32
          %select_n3A_278 = arith.select %and3A_276, %add3A_277, %rem3A_268 : i32
          %mul3A_279 = arith.constant 128 : i32
          %mul3A_280 = arith.muli %add3A_260, %mul3A_279 : i32
          %add3A_281 = arith.addi %mul3A_10, %mul3A_280 : i32
          %multiple_of3A_282 = tpu.assume_multiple %add3A_281, 128 : i32
          %dma_start3A_283 = arith.constant 0 : i32
          %dma_start3A_284 = tpu.memref_slice %arg6[%select_n3A_278, %dma_start3A_283] : memref<3x128xi32, #tpu.memory_space<vmem>> -> memref<1x128xi32, #tpu.memory_space<vmem>>
          %dma_start3A_285 = tpu.memref_squeeze %dma_start3A_284 : memref<1x128xi32, #tpu.memory_space<vmem>> -> memref<128xi32, #tpu.memory_space<vmem>>
          %dma_start3A_286 = tpu.memref_slice %arg2[%multiple_of3A_282] : memref<321536xi32, #tpu.memory_space<hbm>> -> memref<128xi32, #tpu.memory_space<hbm>>
          %dma_start3A_287 = arith.constant 0 : i32
          %dma_start3A_288 = tpu.memref_slice %arg6[%select_n3A_278, %dma_start3A_287] : memref<3x128xi32, #tpu.memory_space<vmem>> -> memref<1x128xi32, #tpu.memory_space<vmem>>
          %dma_start3A_289 = tpu.memref_squeeze %dma_start3A_288 : memref<1x128xi32, #tpu.memory_space<vmem>> -> memref<128xi32, #tpu.memory_space<vmem>>
          %dma_start3A_290 = tpu.memref_slice %arg2[%multiple_of3A_282] : memref<321536xi32, #tpu.memory_space<hbm>> -> memref<128xi32, #tpu.memory_space<hbm>>
          tpu.enqueue_dma source(%dma_start3A_290 : memref<128xi32, #tpu.memory_space<hbm>>) target(%dma_start3A_289 : memref<128xi32, #tpu.memory_space<vmem>>) target_semaphore(%arg10 : memref<!tpu.dma_semaphore, #tpu.memory_space<semaphore_mem>>)
          %dma_start3A_291 = arith.constant 0 : i32
          %dma_start3A_292 = tpu.memref_slice %arg7[%select_n3A_278, %dma_start3A_291] : memref<3x128xi32, #tpu.memory_space<vmem>> -> memref<1x128xi32, #tpu.memory_space<vmem>>
          %dma_start3A_293 = tpu.memref_squeeze %dma_start3A_292 : memref<1x128xi32, #tpu.memory_space<vmem>> -> memref<128xi32, #tpu.memory_space<vmem>>
          %dma_start3A_294 = tpu.memref_slice %arg3[%multiple_of3A_282] : memref<321536xi32, #tpu.memory_space<hbm>> -> memref<128xi32, #tpu.memory_space<hbm>>
          %dma_start3A_295 = arith.constant 0 : i32
          %dma_start3A_296 = tpu.memref_slice %arg7[%select_n3A_278, %dma_start3A_295] : memref<3x128xi32, #tpu.memory_space<vmem>> -> memref<1x128xi32, #tpu.memory_space<vmem>>
          %dma_start3A_297 = tpu.memref_squeeze %dma_start3A_296 : memref<1x128xi32, #tpu.memory_space<vmem>> -> memref<128xi32, #tpu.memory_space<vmem>>
          %dma_start3A_298 = tpu.memref_slice %arg3[%multiple_of3A_282] : memref<321536xi32, #tpu.memory_space<hbm>> -> memref<128xi32, #tpu.memory_space<hbm>>
          tpu.enqueue_dma source(%dma_start3A_298 : memref<128xi32, #tpu.memory_space<hbm>>) target(%dma_start3A_297 : memref<128xi32, #tpu.memory_space<vmem>>) target_semaphore(%arg10 : memref<!tpu.dma_semaphore, #tpu.memory_space<semaphore_mem>>)
        } else {
        }
        %dma_wait3A_209 = arith.constant 0 : i32
        %dma_wait3A_210 = arith.constant 0 : i32
        %dma_wait3A_211 = tpu.memref_slice %arg6[%dma_wait3A_209, %dma_wait3A_210] : memref<3x128xi32, #tpu.memory_space<vmem>> -> memref<1x128xi32, #tpu.memory_space<vmem>>
        %dma_wait3A_212 = tpu.memref_squeeze %dma_wait3A_211 : memref<1x128xi32, #tpu.memory_space<vmem>> -> memref<128xi32, #tpu.memory_space<vmem>>
        %dma_wait3A_213 = arith.constant 0 : i32
        %dma_wait3A_214 = tpu.memref_slice %arg2[%dma_wait3A_213] : memref<321536xi32, #tpu.memory_space<hbm>> -> memref<128xi32, #tpu.memory_space<hbm>>
        %dma_wait3A_215 = arith.constant 0 : i32
        %dma_wait3A_216 = tpu.memref_slice %arg6[%dma_wait3A_209, %dma_wait3A_215] : memref<3x128xi32, #tpu.memory_space<vmem>> -> memref<1x128xi32, #tpu.memory_space<vmem>>
        %dma_wait3A_217 = tpu.memref_squeeze %dma_wait3A_216 : memref<1x128xi32, #tpu.memory_space<vmem>> -> memref<128xi32, #tpu.memory_space<vmem>>
        %dma_wait3A_218 = arith.constant 0 : i32
        %dma_wait3A_219 = tpu.memref_slice %arg2[%dma_wait3A_218] : memref<321536xi32, #tpu.memory_space<hbm>> -> memref<128xi32, #tpu.memory_space<hbm>>
        tpu.wait_dma2 semaphore(%arg10 : memref<!tpu.dma_semaphore, #tpu.memory_space<semaphore_mem>>) src(%dma_wait3A_219 : memref<128xi32, #tpu.memory_space<hbm>>) dst(%dma_wait3A_217 : memref<128xi32, #tpu.memory_space<vmem>>)
        %dma_wait3A_220 = arith.constant 0 : i32
        %dma_wait3A_221 = arith.constant 0 : i32
        %dma_wait3A_222 = tpu.memref_slice %arg7[%dma_wait3A_220, %dma_wait3A_221] : memref<3x128xi32, #tpu.memory_space<vmem>> -> memref<1x128xi32, #tpu.memory_space<vmem>>
        %dma_wait3A_223 = tpu.memref_squeeze %dma_wait3A_222 : memref<1x128xi32, #tpu.memory_space<vmem>> -> memref<128xi32, #tpu.memory_space<vmem>>
        %dma_wait3A_224 = arith.constant 0 : i32
        %dma_wait3A_225 = tpu.memref_slice %arg3[%dma_wait3A_224] : memref<321536xi32, #tpu.memory_space<hbm>> -> memref<128xi32, #tpu.memory_space<hbm>>
        %dma_wait3A_226 = arith.constant 0 : i32
        %dma_wait3A_227 = tpu.memref_slice %arg7[%dma_wait3A_220, %dma_wait3A_226] : memref<3x128xi32, #tpu.memory_space<vmem>> -> memref<1x128xi32, #tpu.memory_space<vmem>>
        %dma_wait3A_228 = tpu.memref_squeeze %dma_wait3A_227 : memref<1x128xi32, #tpu.memory_space<vmem>> -> memref<128xi32, #tpu.memory_space<vmem>>
        %dma_wait3A_229 = arith.constant 0 : i32
        %dma_wait3A_230 = tpu.memref_slice %arg3[%dma_wait3A_229] : memref<321536xi32, #tpu.memory_space<hbm>> -> memref<128xi32, #tpu.memory_space<hbm>>
        tpu.wait_dma2 semaphore(%arg10 : memref<!tpu.dma_semaphore, #tpu.memory_space<semaphore_mem>>) src(%dma_wait3A_230 : memref<128xi32, #tpu.memory_space<hbm>>) dst(%dma_wait3A_228 : memref<128xi32, #tpu.memory_space<vmem>>)
        %add3A_231 = arith.constant 1 : i32
        %add3A_232 = arith.addi %while3A_137, %add3A_231 : i32
        %jit3A_233 = arith.constant 3 : i32
        %eq3A_234 = arith.constant 0 : i32
        %eq3A_235 = arith.cmpi eq, %jit3A_233, %eq3A_234 : i32
        %jit3A_236 = arith.constant 1 : i32
        %select_n3A_237 = arith.select %eq3A_235, %jit3A_236, %jit3A_233 : i32
        %rem3A_238 = arith.remsi %add3A_232, %select_n3A_237 : i32
        %ne3A_239 = arith.constant 0 : i32
        %ne3A_240 = arith.cmpi ne, %rem3A_238, %ne3A_239 : i32
        %lt3A_241 = arith.constant 0 : i32
        %lt3A_242 = arith.cmpi slt, %rem3A_238, %lt3A_241 : i32
        %lt3A_243 = arith.constant 0 : i32
        %lt3A_244 = arith.cmpi slt, %select_n3A_237, %lt3A_243 : i32
        %ne3A_245 = arith.xori %lt3A_242, %lt3A_244 : i1
        %and3A_246 = arith.andi %ne3A_245, %ne3A_240 : i1
        %add3A_247 = arith.addi %rem3A_238, %select_n3A_237 : i32
        %select_n3A_248 = arith.select %and3A_246, %add3A_247, %rem3A_238 : i32
        %dma_start3A_249 = arith.constant 0 : i32
        %dma_start3A_250 = arith.constant 0 : i32
        %dma_start3A_251 = tpu.memref_slice %arg8[%sub3A_156, %dma_start3A_249, %dma_start3A_250] : memref<2x128x128xf32, #tpu.memory_space<vmem>> -> memref<1x128x128xf32, #tpu.memory_space<vmem>>
        %dma_start3A_252 = tpu.memref_squeeze %dma_start3A_251 : memref<1x128x128xf32, #tpu.memory_space<vmem>> -> memref<128x128xf32, #tpu.memory_space<vmem>>
        %dma_start3A_253 = arith.constant 0 : i32
        %dma_start3A_254 = tpu.memref_slice %arg6[%select_n3A_248, %dma_start3A_253] : memref<3x128xi32, #tpu.memory_space<vmem>> -> memref<1x128xi32, #tpu.memory_space<vmem>>
        %dma_start3A_255 = tpu.memref_squeeze %dma_start3A_254 : memref<1x128xi32, #tpu.memory_space<vmem>> -> memref<128xi32, #tpu.memory_space<vmem>>
        %dma_start3A_256 = arith.constant 0 : i32
        %dma_start3A_257 = arith.constant 0 : i32
        %dma_start3A_258 = tpu.memref_slice %arg4[%dma_start3A_256, %dma_start3A_257] : memref<10240x128xf32, #tpu.memory_space<hbm>> -> memref<10240x128xf32, #tpu.memory_space<hbm>>
        tpu.enqueue_indirect_dma source(%dma_start3A_258 : memref<10240x128xf32, #tpu.memory_space<hbm>>) target(%dma_start3A_252 : memref<128x128xf32, #tpu.memory_space<vmem>>) offsets(%dma_start3A_255 : memref<128xi32, #tpu.memory_space<vmem>>) semaphore(%arg11 : memref<!tpu.dma_semaphore, #tpu.memory_space<semaphore_mem>>)
      } else {
      }
      %while3A_198 = arith.constant 0 : i32
      scf.yield %while3A_198 : i32
    }
    %while3A_106 = arith.constant 1 : i32
    %while3A_107 = scf.for %while3A_137 = %while3A_103 to %while3A_99 step %while3A_106 iter_args(%while3A_138 = %while3A_105) -> (i32)  : i32 {
      %jit3A_139 = arith.constant 2 : i32
      %eq3A_140 = arith.constant 0 : i32
      %eq3A_141 = arith.cmpi eq, %jit3A_139, %eq3A_140 : i32
      %jit3A_142 = arith.constant 1 : i32
      %select_n3A_143 = arith.select %eq3A_141, %jit3A_142, %jit3A_139 : i32
      %rem3A_144 = arith.remsi %while3A_137, %select_n3A_143 : i32
      %ne3A_145 = arith.constant 0 : i32
      %ne3A_146 = arith.cmpi ne, %rem3A_144, %ne3A_145 : i32
      %lt3A_147 = arith.constant 0 : i32
      %lt3A_148 = arith.cmpi slt, %rem3A_144, %lt3A_147 : i32
      %lt3A_149 = arith.constant 0 : i32
      %lt3A_150 = arith.cmpi slt, %select_n3A_143, %lt3A_149 : i32
      %ne3A_151 = arith.xori %lt3A_148, %lt3A_150 : i1
      %and3A_152 = arith.andi %ne3A_151, %ne3A_146 : i1
      %add3A_153 = arith.addi %rem3A_144, %select_n3A_143 : i32
      %select_n3A_154 = arith.select %and3A_152, %add3A_153, %rem3A_144 : i32
      %sub3A_155 = arith.constant 1 : i32
      %sub3A_156 = arith.subi %sub3A_155, %select_n3A_154 : i32
      %dma_wait3A_157 = arith.constant 0 : i32
      %dma_wait3A_158 = arith.constant 0 : i32
      %dma_wait3A_159 = arith.constant 0 : i32
      %dma_wait3A_160 = tpu.memref_slice %arg8[%select_n3A_154, %dma_wait3A_158, %dma_wait3A_159] : memref<2x128x128xf32, #tpu.memory_space<vmem>> -> memref<1x128x128xf32, #tpu.memory_space<vmem>>
      %dma_wait3A_161 = tpu.memref_squeeze %dma_wait3A_160 : memref<1x128x128xf32, #tpu.memory_space<vmem>> -> memref<128x128xf32, #tpu.memory_space<vmem>>
      %dma_wait3A_162 = arith.constant 0 : i32
      %dma_wait3A_163 = tpu.memref_slice %arg6[%dma_wait3A_157, %dma_wait3A_162] : memref<3x128xi32, #tpu.memory_space<vmem>> -> memref<1x128xi32, #tpu.memory_space<vmem>>
      %dma_wait3A_164 = tpu.memref_squeeze %dma_wait3A_163 : memref<1x128xi32, #tpu.memory_space<vmem>> -> memref<128xi32, #tpu.memory_space<vmem>>
      %dma_wait3A_165 = arith.constant 0 : i32
      %dma_wait3A_166 = arith.constant 0 : i32
      %dma_wait3A_167 = tpu.memref_slice %arg4[%dma_wait3A_165, %dma_wait3A_166] : memref<10240x128xf32, #tpu.memory_space<hbm>> -> memref<10240x128xf32, #tpu.memory_space<hbm>>
      tpu.wait_indirect_dma semaphore(%arg11 : memref<!tpu.dma_semaphore, #tpu.memory_space<semaphore_mem>>) src(%dma_wait3A_167 : memref<10240x128xf32, #tpu.memory_space<hbm>>) dst(%dma_wait3A_161 : memref<128x128xf32, #tpu.memory_space<vmem>>)
      %jit3A_168 = arith.constant 3 : i32
      %eq3A_169 = arith.constant 0 : i32
      %eq3A_170 = arith.cmpi eq, %jit3A_168, %eq3A_169 : i32
      %jit3A_171 = arith.constant 1 : i32
      %select_n3A_172 = arith.select %eq3A_170, %jit3A_171, %jit3A_168 : i32
      %rem3A_173 = arith.remsi %while3A_137, %select_n3A_172 : i32
      %ne3A_174 = arith.constant 0 : i32
      %ne3A_175 = arith.cmpi ne, %rem3A_173, %ne3A_174 : i32
      %lt3A_176 = arith.constant 0 : i32
      %lt3A_177 = arith.cmpi slt, %rem3A_173, %lt3A_176 : i32
      %lt3A_178 = arith.constant 0 : i32
      %lt3A_179 = arith.cmpi slt, %select_n3A_172, %lt3A_178 : i32
      %ne3A_180 = arith.xori %lt3A_177, %lt3A_179 : i1
      %and3A_181 = arith.andi %ne3A_180, %ne3A_175 : i1
      %add3A_182 = arith.addi %rem3A_173, %select_n3A_172 : i32
      %select_n3A_183 = arith.select %and3A_181, %add3A_182, %rem3A_173 : i32
      %dma_start3A_184 = arith.constant 0 : i32
      %dma_start3A_185 = arith.constant 0 : i32
      %dma_start3A_186 = tpu.memref_slice %arg8[%select_n3A_154, %dma_start3A_184, %dma_start3A_185] : memref<2x128x128xf32, #tpu.memory_space<vmem>> -> memref<1x128x128xf32, #tpu.memory_space<vmem>>
      %dma_start3A_187 = tpu.memref_squeeze %dma_start3A_186 : memref<1x128x128xf32, #tpu.memory_space<vmem>> -> memref<128x128xf32, #tpu.memory_space<vmem>>
      %dma_start3A_188 = arith.constant 0 : i32
      %dma_start3A_189 = tpu.memref_slice %arg7[%select_n3A_183, %dma_start3A_188] : memref<3x128xi32, #tpu.memory_space<vmem>> -> memref<1x128xi32, #tpu.memory_space<vmem>>
      %dma_start3A_190 = tpu.memref_squeeze %dma_start3A_189 : memref<1x128xi32, #tpu.memory_space<vmem>> -> memref<128xi32, #tpu.memory_space<vmem>>
      %dma_start3A_191 = arith.constant 0 : i32
      %dma_start3A_192 = arith.constant 0 : i32
      %dma_start3A_193 = tpu.memref_slice %arg9[%dma_start3A_191, %dma_start3A_192] : memref<10240x128xf32, #tpu.memory_space<vmem_shared>> -> memref<10240x128xf32, #tpu.memory_space<vmem_shared>>
      tpu.enqueue_indirect_dma source(%dma_start3A_187 : memref<128x128xf32, #tpu.memory_space<vmem>>) target(%dma_start3A_193 : memref<10240x128xf32, #tpu.memory_space<vmem_shared>>) offsets(%dma_start3A_190 : memref<128xi32, #tpu.memory_space<vmem>>) semaphore(%arg12 : memref<!tpu.dma_semaphore, #tpu.memory_space<semaphore_mem>>) {add = true}
      %add3A_194 = arith.constant 1 : i32
      %add3A_195 = arith.addi %while3A_137, %add3A_194 : i32
      %lt3A_196 = arith.cmpi slt, %add3A_195, %select_n3A : i32
      %convert_element_type3A = arith.extui %lt3A_196 : i1 to i32
      %cond3A = arith.constant 0 : i32
      %cond3A_197 = arith.cmpi ne, %convert_element_type3A, %cond3A : i32
      scf.if %cond3A_197 {
        %ge3A = arith.constant 1 : i32
        %ge3A_199 = arith.cmpi sge, %while3A_137, %ge3A : i32
        %convert_element_type3A_200 = arith.extui %ge3A_199 : i1 to i32
        %cond3A_201 = arith.constant 0 : i32
        %cond3A_202 = arith.cmpi ne, %convert_element_type3A_200, %cond3A_201 : i32
        scf.if %cond3A_202 {
          %dma_wait3A_259 = arith.constant 0 : i32
          %dma_wait3A_260 = arith.constant 0 : i32
          %dma_wait3A_261 = arith.constant 0 : i32
          %dma_wait3A_262 = tpu.memref_slice %arg8[%sub3A_156, %dma_wait3A_260, %dma_wait3A_261] : memref<2x128x128xf32, #tpu.memory_space<vmem>> -> memref<1x128x128xf32, #tpu.memory_space<vmem>>
          %dma_wait3A_263 = tpu.memref_squeeze %dma_wait3A_262 : memref<1x128x128xf32, #tpu.memory_space<vmem>> -> memref<128x128xf32, #tpu.memory_space<vmem>>
          %dma_wait3A_264 = arith.constant 0 : i32
          %dma_wait3A_265 = tpu.memref_slice %arg7[%dma_wait3A_259, %dma_wait3A_264] : memref<3x128xi32, #tpu.memory_space<vmem>> -> memref<1x128xi32, #tpu.memory_space<vmem>>
          %dma_wait3A_266 = tpu.memref_squeeze %dma_wait3A_265 : memref<1x128xi32, #tpu.memory_space<vmem>> -> memref<128xi32, #tpu.memory_space<vmem>>
          %dma_wait3A_267 = arith.constant 0 : i32
          %dma_wait3A_268 = arith.constant 0 : i32
          %dma_wait3A_269 = tpu.memref_slice %arg9[%dma_wait3A_267, %dma_wait3A_268] : memref<10240x128xf32, #tpu.memory_space<vmem_shared>> -> memref<10240x128xf32, #tpu.memory_space<vmem_shared>>
          tpu.wait_indirect_dma semaphore(%arg12 : memref<!tpu.dma_semaphore, #tpu.memory_space<semaphore_mem>>) src(%dma_wait3A_263 : memref<128x128xf32, #tpu.memory_space<vmem>>) dst(%dma_wait3A_269 : memref<10240x128xf32, #tpu.memory_space<vmem_shared>>)
        } else {
        }
        %add3A_203 = arith.constant 2 : i32
        %add3A_204 = arith.addi %while3A_137, %add3A_203 : i32
        %lt3A_205 = arith.cmpi slt, %add3A_204, %select_n3A : i32
        %convert_element_type3A_206 = arith.extui %lt3A_205 : i1 to i32
        %cond3A_207 = arith.constant 0 : i32
        %cond3A_208 = arith.cmpi ne, %convert_element_type3A_206, %cond3A_207 : i32
        scf.if %cond3A_208 {
          %add3A_259 = arith.constant 2 : i32
          %add3A_260 = arith.addi %while3A_137, %add3A_259 : i32
          %add3A_261 = arith.constant 2 : i32
          %add3A_262 = arith.addi %while3A_137, %add3A_261 : i32
          %jit3A_263 = arith.constant 3 : i32
          %eq3A_264 = arith.constant 0 : i32
          %eq3A_265 = arith.cmpi eq, %jit3A_263, %eq3A_264 : i32
          %jit3A_266 = arith.constant 1 : i32
          %select_n3A_267 = arith.select %eq3A_265, %jit3A_266, %jit3A_263 : i32
          %rem3A_268 = arith.remsi %add3A_262, %select_n3A_267 : i32
          %ne3A_269 = arith.constant 0 : i32
          %ne3A_270 = arith.cmpi ne, %rem3A_268, %ne3A_269 : i32
          %lt3A_271 = arith.constant 0 : i32
          %lt3A_272 = arith.cmpi slt, %rem3A_268, %lt3A_271 : i32
          %lt3A_273 = arith.constant 0 : i32
          %lt3A_274 = arith.cmpi slt, %select_n3A_267, %lt3A_273 : i32
          %ne3A_275 = arith.xori %lt3A_272, %lt3A_274 : i1
          %and3A_276 = arith.andi %ne3A_275, %ne3A_270 : i1
          %add3A_277 = arith.addi %rem3A_268, %select_n3A_267 : i32
          %select_n3A_278 = arith.select %and3A_276, %add3A_277, %rem3A_268 : i32
          %mul3A_279 = arith.constant 128 : i32
          %mul3A_280 = arith.muli %add3A_260, %mul3A_279 : i32
          %add3A_281 = arith.addi %mul3A_10, %mul3A_280 : i32
          %multiple_of3A_282 = tpu.assume_multiple %add3A_281, 128 : i32
          %dma_start3A_283 = arith.constant 0 : i32
          %dma_start3A_284 = tpu.memref_slice %arg6[%select_n3A_278, %dma_start3A_283] : memref<3x128xi32, #tpu.memory_space<vmem>> -> memref<1x128xi32, #tpu.memory_space<vmem>>
          %dma_start3A_285 = tpu.memref_squeeze %dma_start3A_284 : memref<1x128xi32, #tpu.memory_space<vmem>> -> memref<128xi32, #tpu.memory_space<vmem>>
          %dma_start3A_286 = tpu.memref_slice %arg2[%multiple_of3A_282] : memref<321536xi32, #tpu.memory_space<hbm>> -> memref<128xi32, #tpu.memory_space<hbm>>
          %dma_start3A_287 = arith.constant 0 : i32
          %dma_start3A_288 = tpu.memref_slice %arg6[%select_n3A_278, %dma_start3A_287] : memref<3x128xi32, #tpu.memory_space<vmem>> -> memref<1x128xi32, #tpu.memory_space<vmem>>
          %dma_start3A_289 = tpu.memref_squeeze %dma_start3A_288 : memref<1x128xi32, #tpu.memory_space<vmem>> -> memref<128xi32, #tpu.memory_space<vmem>>
          %dma_start3A_290 = tpu.memref_slice %arg2[%multiple_of3A_282] : memref<321536xi32, #tpu.memory_space<hbm>> -> memref<128xi32, #tpu.memory_space<hbm>>
          tpu.enqueue_dma source(%dma_start3A_290 : memref<128xi32, #tpu.memory_space<hbm>>) target(%dma_start3A_289 : memref<128xi32, #tpu.memory_space<vmem>>) target_semaphore(%arg10 : memref<!tpu.dma_semaphore, #tpu.memory_space<semaphore_mem>>)
          %dma_start3A_291 = arith.constant 0 : i32
          %dma_start3A_292 = tpu.memref_slice %arg7[%select_n3A_278, %dma_start3A_291] : memref<3x128xi32, #tpu.memory_space<vmem>> -> memref<1x128xi32, #tpu.memory_space<vmem>>
          %dma_start3A_293 = tpu.memref_squeeze %dma_start3A_292 : memref<1x128xi32, #tpu.memory_space<vmem>> -> memref<128xi32, #tpu.memory_space<vmem>>
          %dma_start3A_294 = tpu.memref_slice %arg3[%multiple_of3A_282] : memref<321536xi32, #tpu.memory_space<hbm>> -> memref<128xi32, #tpu.memory_space<hbm>>
          %dma_start3A_295 = arith.constant 0 : i32
          %dma_start3A_296 = tpu.memref_slice %arg7[%select_n3A_278, %dma_start3A_295] : memref<3x128xi32, #tpu.memory_space<vmem>> -> memref<1x128xi32, #tpu.memory_space<vmem>>
          %dma_start3A_297 = tpu.memref_squeeze %dma_start3A_296 : memref<1x128xi32, #tpu.memory_space<vmem>> -> memref<128xi32, #tpu.memory_space<vmem>>
          %dma_start3A_298 = tpu.memref_slice %arg3[%multiple_of3A_282] : memref<321536xi32, #tpu.memory_space<hbm>> -> memref<128xi32, #tpu.memory_space<hbm>>
          tpu.enqueue_dma source(%dma_start3A_298 : memref<128xi32, #tpu.memory_space<hbm>>) target(%dma_start3A_297 : memref<128xi32, #tpu.memory_space<vmem>>) target_semaphore(%arg10 : memref<!tpu.dma_semaphore, #tpu.memory_space<semaphore_mem>>)
        } else {
        }
        %dma_wait3A_209 = arith.constant 0 : i32
        %dma_wait3A_210 = arith.constant 0 : i32
        %dma_wait3A_211 = tpu.memref_slice %arg6[%dma_wait3A_209, %dma_wait3A_210] : memref<3x128xi32, #tpu.memory_space<vmem>> -> memref<1x128xi32, #tpu.memory_space<vmem>>
        %dma_wait3A_212 = tpu.memref_squeeze %dma_wait3A_211 : memref<1x128xi32, #tpu.memory_space<vmem>> -> memref<128xi32, #tpu.memory_space<vmem>>
        %dma_wait3A_213 = arith.constant 0 : i32
        %dma_wait3A_214 = tpu.memref_slice %arg2[%dma_wait3A_213] : memref<321536xi32, #tpu.memory_space<hbm>> -> memref<128xi32, #tpu.memory_space<hbm>>
        %dma_wait3A_215 = arith.constant 0 : i32
        %dma_wait3A_216 = tpu.memref_slice %arg6[%dma_wait3A_209, %dma_wait3A_215] : memref<3x128xi32, #tpu.memory_space<vmem>> -> memref<1x128xi32, #tpu.memory_space<vmem>>
        %dma_wait3A_217 = tpu.memref_squeeze %dma_wait3A_216 : memref<1x128xi32, #tpu.memory_space<vmem>> -> memref<128xi32, #tpu.memory_space<vmem>>
        %dma_wait3A_218 = arith.constant 0 : i32
        %dma_wait3A_219 = tpu.memref_slice %arg2[%dma_wait3A_218] : memref<321536xi32, #tpu.memory_space<hbm>> -> memref<128xi32, #tpu.memory_space<hbm>>
        tpu.wait_dma2 semaphore(%arg10 : memref<!tpu.dma_semaphore, #tpu.memory_space<semaphore_mem>>) src(%dma_wait3A_219 : memref<128xi32, #tpu.memory_space<hbm>>) dst(%dma_wait3A_217 : memref<128xi32, #tpu.memory_space<vmem>>)
        %dma_wait3A_220 = arith.constant 0 : i32
        %dma_wait3A_221 = arith.constant 0 : i32
        %dma_wait3A_222 = tpu.memref_slice %arg7[%dma_wait3A_220, %dma_wait3A_221] : memref<3x128xi32, #tpu.memory_space<vmem>> -> memref<1x128xi32, #tpu.memory_space<vmem>>
        %dma_wait3A_223 = tpu.memref_squeeze %dma_wait3A_222 : memref<1x128xi32, #tpu.memory_space<vmem>> -> memref<128xi32, #tpu.memory_space<vmem>>
        %dma_wait3A_224 = arith.constant 0 : i32
        %dma_wait3A_225 = tpu.memref_slice %arg3[%dma_wait3A_224] : memref<321536xi32, #tpu.memory_space<hbm>> -> memref<128xi32, #tpu.memory_space<hbm>>
        %dma_wait3A_226 = arith.constant 0 : i32
        %dma_wait3A_227 = tpu.memref_slice %arg7[%dma_wait3A_220, %dma_wait3A_226] : memref<3x128xi32, #tpu.memory_space<vmem>> -> memref<1x128xi32, #tpu.memory_space<vmem>>
        %dma_wait3A_228 = tpu.memref_squeeze %dma_wait3A_227 : memref<1x128xi32, #tpu.memory_space<vmem>> -> memref<128xi32, #tpu.memory_space<vmem>>
        %dma_wait3A_229 = arith.constant 0 : i32
        %dma_wait3A_230 = tpu.memref_slice %arg3[%dma_wait3A_229] : memref<321536xi32, #tpu.memory_space<hbm>> -> memref<128xi32, #tpu.memory_space<hbm>>
        tpu.wait_dma2 semaphore(%arg10 : memref<!tpu.dma_semaphore, #tpu.memory_space<semaphore_mem>>) src(%dma_wait3A_230 : memref<128xi32, #tpu.memory_space<hbm>>) dst(%dma_wait3A_228 : memref<128xi32, #tpu.memory_space<vmem>>)
        %add3A_231 = arith.constant 1 : i32
        %add3A_232 = arith.addi %while3A_137, %add3A_231 : i32
        %jit3A_233 = arith.constant 3 : i32
        %eq3A_234 = arith.constant 0 : i32
        %eq3A_235 = arith.cmpi eq, %jit3A_233, %eq3A_234 : i32
        %jit3A_236 = arith.constant 1 : i32
        %select_n3A_237 = arith.select %eq3A_235, %jit3A_236, %jit3A_233 : i32
        %rem3A_238 = arith.remsi %add3A_232, %select_n3A_237 : i32
        %ne3A_239 = arith.constant 0 : i32
        %ne3A_240 = arith.cmpi ne, %rem3A_238, %ne3A_239 : i32
        %lt3A_241 = arith.constant 0 : i32
        %lt3A_242 = arith.cmpi slt, %rem3A_238, %lt3A_241 : i32
        %lt3A_243 = arith.constant 0 : i32
        %lt3A_244 = arith.cmpi slt, %select_n3A_237, %lt3A_243 : i32
        %ne3A_245 = arith.xori %lt3A_242, %lt3A_244 : i1
        %and3A_246 = arith.andi %ne3A_245, %ne3A_240 : i1
        %add3A_247 = arith.addi %rem3A_238, %select_n3A_237 : i32
        %select_n3A_248 = arith.select %and3A_246, %add3A_247, %rem3A_238 : i32
        %dma_start3A_249 = arith.constant 0 : i32
        %dma_start3A_250 = arith.constant 0 : i32
        %dma_start3A_251 = tpu.memref_slice %arg8[%sub3A_156, %dma_start3A_249, %dma_start3A_250] : memref<2x128x128xf32, #tpu.memory_space<vmem>> -> memref<1x128x128xf32, #tpu.memory_space<vmem>>
        %dma_start3A_252 = tpu.memref_squeeze %dma_start3A_251 : memref<1x128x128xf32, #tpu.memory_space<vmem>> -> memref<128x128xf32, #tpu.memory_space<vmem>>
        %dma_start3A_253 = arith.constant 0 : i32
        %dma_start3A_254 = tpu.memref_slice %arg6[%select_n3A_248, %dma_start3A_253] : memref<3x128xi32, #tpu.memory_space<vmem>> -> memref<1x128xi32, #tpu.memory_space<vmem>>
        %dma_start3A_255 = tpu.memref_squeeze %dma_start3A_254 : memref<1x128xi32, #tpu.memory_space<vmem>> -> memref<128xi32, #tpu.memory_space<vmem>>
        %dma_start3A_256 = arith.constant 0 : i32
        %dma_start3A_257 = arith.constant 0 : i32
        %dma_start3A_258 = tpu.memref_slice %arg4[%dma_start3A_256, %dma_start3A_257] : memref<10240x128xf32, #tpu.memory_space<hbm>> -> memref<10240x128xf32, #tpu.memory_space<hbm>>
        tpu.enqueue_indirect_dma source(%dma_start3A_258 : memref<10240x128xf32, #tpu.memory_space<hbm>>) target(%dma_start3A_252 : memref<128x128xf32, #tpu.memory_space<vmem>>) offsets(%dma_start3A_255 : memref<128xi32, #tpu.memory_space<vmem>>) semaphore(%arg11 : memref<!tpu.dma_semaphore, #tpu.memory_space<semaphore_mem>>)
      } else {
      }
      %while3A_198 = arith.constant 0 : i32
      scf.yield %while3A_198 : i32
    }
    %sub3A = arith.constant 1 : i32
    %sub3A_108 = arith.subi %select_n3A, %sub3A : i32
    %jit3A_109 = arith.constant 2 : i32
    %eq3A_110 = arith.constant 0 : i32
    %eq3A_111 = arith.cmpi eq, %jit3A_109, %eq3A_110 : i32
    %jit3A_112 = arith.constant 1 : i32
    %select_n3A_113 = arith.select %eq3A_111, %jit3A_112, %jit3A_109 : i32
    %rem3A = arith.remsi %sub3A_108, %select_n3A_113 : i32
    %ne3A = arith.constant 0 : i32
    %ne3A_114 = arith.cmpi ne, %rem3A, %ne3A : i32
    %lt3A = arith.constant 0 : i32
    %lt3A_115 = arith.cmpi slt, %rem3A, %lt3A : i32
    %lt3A_116 = arith.constant 0 : i32
    %lt3A_117 = arith.cmpi slt, %select_n3A_113, %lt3A_116 : i32
    %ne3A_118 = arith.xori %lt3A_115, %lt3A_117 : i1
    %and3A = arith.andi %ne3A_118, %ne3A_114 : i1
    %add3A_119 = arith.addi %rem3A, %select_n3A_113 : i32
    %select_n3A_120 = arith.select %and3A, %add3A_119, %rem3A : i32
    %dma_wait3A_121 = arith.constant 0 : i32
    %dma_wait3A_122 = arith.constant 0 : i32
    %dma_wait3A_123 = arith.constant 0 : i32
    %dma_wait3A_124 = tpu.memref_slice %arg8[%select_n3A_120, %dma_wait3A_122, %dma_wait3A_123] : memref<2x128x128xf32, #tpu.memory_space<vmem>> -> memref<1x128x128xf32, #tpu.memory_space<vmem>>
    %dma_wait3A_125 = tpu.memref_squeeze %dma_wait3A_124 : memref<1x128x128xf32, #tpu.memory_space<vmem>> -> memref<128x128xf32, #tpu.memory_space<vmem>>
    %dma_wait3A_126 = arith.constant 0 : i32
    %dma_wait3A_127 = tpu.memref_slice %arg7[%dma_wait3A_121, %dma_wait3A_126] : memref<3x128xi32, #tpu.memory_space<vmem>> -> memref<1x128xi32, #tpu.memory_space<vmem>>
    %dma_wait3A_128 = tpu.memref_squeeze %dma_wait3A_127 : memref<1x128xi32, #tpu.memory_space<vmem>> -> memref<128xi32, #tpu.memory_space<vmem>>
    %dma_wait3A_129 = arith.constant 0 : i32
    %dma_wait3A_130 = arith.constant 0 : i32
    %dma_wait3A_131 = tpu.memref_slice %arg9[%dma_wait3A_129, %dma_wait3A_130] : memref<10240x128xf32, #tpu.memory_space<vmem_shared>> -> memref<10240x128xf32, #tpu.memory_space<vmem_shared>>
    tpu.wait_indirect_dma semaphore(%arg12 : memref<!tpu.dma_semaphore, #tpu.memory_space<semaphore_mem>>) src(%dma_wait3A_125 : memref<128x128xf32, #tpu.memory_space<vmem>>) dst(%dma_wait3A_131 : memref<10240x128xf32, #tpu.memory_space<vmem_shared>>)
    %barrier3A_132 = arith.constant 0 : index
    tpu.barrier barrier_id(%barrier3A_132)
    %mul3A_133 = arith.constant 640 : i32
    %mul3A_134 = arith.muli %arg1, %mul3A_133 : i32
    %mul3A_135 = arith.constant 640 : i32
    %mul3A_136 = arith.muli %arg1, %mul3A_135 : i32
    "tpu.region"() ({
      %run_scoped3A = tpu.sem_alloc : memref<!tpu.dma_semaphore, #tpu.memory_space<semaphore_mem>>
      %dma_start3A_137 = arith.constant 0 : i32
      %dma_start3A_138 = tpu.memref_slice %arg5[%arg0, %mul3A_136, %dma_start3A_137] : memref<2x10240x128xf32, #tpu.memory_space<hbm>> -> memref<1x640x128xf32, #tpu.memory_space<hbm>>
      %dma_start3A_139 = tpu.memref_squeeze %dma_start3A_138 : memref<1x640x128xf32, #tpu.memory_space<hbm>> -> memref<640x128xf32, #tpu.memory_space<hbm>>
      %dma_start3A_140 = arith.constant 0 : i32
      %dma_start3A_141 = tpu.memref_slice %arg9[%mul3A_134, %dma_start3A_140] : memref<10240x128xf32, #tpu.memory_space<vmem_shared>> -> memref<640x128xf32, #tpu.memory_space<vmem_shared>>
      tpu.enqueue_dma source(%dma_start3A_141 : memref<640x128xf32, #tpu.memory_space<vmem_shared>>) target(%dma_start3A_139 : memref<640x128xf32, #tpu.memory_space<hbm>>) target_semaphore(%run_scoped3A : memref<!tpu.dma_semaphore, #tpu.memory_space<semaphore_mem>>)
      %dma_wait3A_142 = arith.constant 0 : i32
      %dma_wait3A_143 = tpu.memref_slice %arg5[%arg0, %mul3A_136, %dma_wait3A_142] : memref<2x10240x128xf32, #tpu.memory_space<hbm>> -> memref<1x640x128xf32, #tpu.memory_space<hbm>>
      %dma_wait3A_144 = tpu.memref_squeeze %dma_wait3A_143 : memref<1x640x128xf32, #tpu.memory_space<hbm>> -> memref<640x128xf32, #tpu.memory_space<hbm>>
      %dma_wait3A_145 = arith.constant 0 : i32
      %dma_wait3A_146 = tpu.memref_slice %arg9[%mul3A_134, %dma_wait3A_145] : memref<10240x128xf32, #tpu.memory_space<vmem_shared>> -> memref<640x128xf32, #tpu.memory_space<vmem_shared>>
      tpu.wait_dma2 semaphore(%run_scoped3A : memref<!tpu.dma_semaphore, #tpu.memory_space<semaphore_mem>>) src(%dma_wait3A_146 : memref<640x128xf32, #tpu.memory_space<vmem_shared>>) dst(%dma_wait3A_144 : memref<640x128xf32, #tpu.memory_space<hbm>>)
      tpu.yield
    }) : () -> ()
    return
  }
}

#map = affine_map<(d0, d1) -> (0)>
#map1 = affine_map<(d0, d1) -> (0, 0)>
#map2 = affine_map<(d0, d1) -> (0, 0, 0)>
module attributes {stable_mosaic.version = 14 : i64} {
  func.func @_edge_body(%arg0: i32, %arg1: i32, %arg2: memref<321536xi32, #tpu.memory_space<hbm>>, %arg3: memref<321536xi32, #tpu.memory_space<hbm>>, %arg4: memref<10240x128xf32, #tpu.memory_space<hbm>>, %arg5: memref<2x10240x128xf32, #tpu.memory_space<hbm>>, %arg6: memref<3x128xi32, #tpu.memory_space<vmem>>, %arg7: memref<3x128xi32, #tpu.memory_space<vmem>>, %arg8: memref<2x128x128xf32, #tpu.memory_space<vmem>>, %arg9: memref<10240x128xf32, #tpu.memory_space<vmem_shared>>, %arg10: memref<!tpu.dma_semaphore, #tpu.memory_space<semaphore_mem>>, %arg11: memref<!tpu.dma_semaphore, #tpu.memory_space<semaphore_mem>>, %arg12: memref<!tpu.dma_semaphore, #tpu.memory_space<semaphore_mem>>) attributes {dimension_semantics = [#tpu.dimension_semantics<core_parallel>, #tpu.dimension_semantics<subcore_parallel>], iteration_bounds = array<i64: 2, 16>, scalar_prefetch = 0 : i64, scratch_operands = 7 : i64, tpu.core_type = #tpu.core_type<sc_vector_subcore>, window_params = [{transform_indices = #map}, {transform_indices = #map}, {transform_indices = #map1}, {transform_indices = #map2}]} {
    %eq3A = arith.constant 0 : i32
    %eq3A_0 = arith.cmpi eq, %arg0, %eq3A : i32
    %jit3A = arith.constant 122 : i32
    %jit3A_1 = arith.constant 35 : i32
    %select_n3A = arith.select %eq3A_0, %jit3A, %jit3A_1 : i32
    %eq3A_2 = arith.constant 0 : i32
    %eq3A_3 = arith.cmpi eq, %arg0, %eq3A_2 : i32
    %mul3A = arith.constant 122 : i32
    %mul3A_4 = arith.muli %arg1, %mul3A : i32
    %mul3A_5 = arith.constant 35 : i32
    %mul3A_6 = arith.muli %arg1, %mul3A_5 : i32
    %add3A = arith.constant 1952 : i32
    %add3A_7 = arith.addi %add3A, %mul3A_6 : i32
    %select_n3A_8 = arith.select %eq3A_3, %mul3A_4, %add3A_7 : i32
    %mul3A_9 = arith.constant 128 : i32
    %mul3A_10 = arith.muli %select_n3A_8, %mul3A_9 : i32
    %scan3A = arith.constant 0 : i32
    %scan3A_11 = arith.constant 0 : i32
    %scan3A_12 = arith.constant 128 : i32
    %scan3A_13 = arith.addi %scan3A_11, %scan3A_12 : i32
    %scan3A_14 = arith.constant 1 : i32
    %scan3A_15 = scf.for %scan3A_137 = %scan3A_11 to %scan3A_13 step %scan3A_14 iter_args(%scan3A_138 = %scan3A) -> (i32)  : i32 {
      %scan3A_139 = arith.constant 0 : i32
      %scan3A_140 = arith.constant 0 : i32
      %scan3A_141 = arith.constant 8 : i32
      %scan3A_142 = arith.addi %scan3A_140, %scan3A_141 : i32
      %scan3A_143 = arith.constant 1 : i32
      %scan3A_144 = scf.for %scan3A_147 = %scan3A_140 to %scan3A_142 step %scan3A_143 iter_args(%scan3A_148 = %scan3A_139) -> (i32)  : i32 {
        %broadcast_in_dim3A = arith.constant 0.000000e+00 : f32
        %broadcast_in_dim3A_149 = vector.broadcast %broadcast_in_dim3A : f32 to vector<16xf32>
        %mul3A_150 = arith.constant 16 : i32
        %mul3A_151 = arith.muli %scan3A_147, %mul3A_150 : i32
        %swap3A = arith.constant 0 : i32
        %swap3A_152 = arith.index_cast %swap3A : i32 to index
        %swap3A_153 = arith.index_cast %scan3A_137 : i32 to index
        %swap3A_154 = arith.index_cast %mul3A_151 : i32 to index
        %swap3A_155 = tpu.vector_load %arg8[%swap3A_152, %swap3A_153, %swap3A_154] {strides = array<i32>} : memref<2x128x128xf32, #tpu.memory_space<vmem>>, vector<1x1x16xf32>,
        %swap3A_156 = vector.shape_cast %swap3A_155 : vector<1x1x16xf32> to vector<16xf32>
        %swap3A_157 = vector.shape_cast %broadcast_in_dim3A_149 : vector<16xf32> to vector<1x1x16xf32>
        tpu.vector_store %arg8[%swap3A_152, %swap3A_153, %swap3A_154], %swap3A_157 {strides = array<i32>} : memref<2x128x128xf32, #tpu.memory_space<vmem>>, vector<1x1x16xf32>,
        %scan3A_158 = arith.constant 0 : i32
        scf.yield %scan3A_158 : i32
      }
      %scan3A_145 = arith.constant 8 : i32
      %scan3A_146 = arith.constant 0 : i32
      scf.yield %scan3A_146 : i32
    }
    %scan3A_16 = arith.constant 128 : i32
    %scan3A_17 = arith.constant 0 : i32
    %scan3A_18 = arith.constant 0 : i32
    %scan3A_19 = arith.constant 5 : i32
    %scan3A_20 = arith.addi %scan3A_18, %scan3A_19 : i32
    %scan3A_21 = arith.constant 1 : i32
    %scan3A_22 = scf.for %scan3A_137 = %scan3A_18 to %scan3A_20 step %scan3A_21 iter_args(%scan3A_138 = %scan3A_17) -> (i32)  : i32 {
      %mul3A_139 = arith.constant 640 : i32
      %mul3A_140 = arith.muli %arg1, %mul3A_139 : i32
      %mul3A_141 = arith.constant 128 : i32
      %mul3A_142 = arith.muli %scan3A_137, %mul3A_141 : i32
      %add3A_143 = arith.addi %mul3A_140, %mul3A_142 : i32
      %run_scoped3A = arith.constant 0 : i32
      "tpu.region"() ({
        %run_scoped3A_145 = tpu.sem_alloc : memref<!tpu.dma_semaphore, #tpu.memory_space<semaphore_mem>>
        %dma_start3A_146 = arith.constant 0 : i32
        %dma_start3A_147 = arith.constant 0 : i32
        %dma_start3A_148 = tpu.memref_slice %arg8[%run_scoped3A, %dma_start3A_146, %dma_start3A_147] : memref<2x128x128xf32, #tpu.memory_space<vmem>> -> memref<1x128x128xf32, #tpu.memory_space<vmem>>
        %dma_start3A_149 = tpu.memref_squeeze %dma_start3A_148 : memref<1x128x128xf32, #tpu.memory_space<vmem>> -> memref<128x128xf32, #tpu.memory_space<vmem>>
        %dma_start3A_150 = arith.constant 0 : i32
        %dma_start3A_151 = tpu.memref_slice %arg9[%add3A_143, %dma_start3A_150] : memref<10240x128xf32, #tpu.memory_space<vmem_shared>> -> memref<128x128xf32, #tpu.memory_space<vmem_shared>>
        %dma_start3A_152 = arith.constant 0 : i32
        %dma_start3A_153 = tpu.memref_slice %arg9[%add3A_143, %dma_start3A_152] : memref<10240x128xf32, #tpu.memory_space<vmem_shared>> -> memref<128x128xf32, #tpu.memory_space<vmem_shared>>
        %dma_start3A_154 = arith.constant 0 : i32
        %dma_start3A_155 = arith.constant 0 : i32
        %dma_start3A_156 = tpu.memref_slice %arg8[%run_scoped3A, %dma_start3A_154, %dma_start3A_155] : memref<2x128x128xf32, #tpu.memory_space<vmem>> -> memref<1x128x128xf32, #tpu.memory_space<vmem>>
        %dma_start3A_157 = tpu.memref_squeeze %dma_start3A_156 : memref<1x128x128xf32, #tpu.memory_space<vmem>> -> memref<128x128xf32, #tpu.memory_space<vmem>>
        tpu.enqueue_dma source(%dma_start3A_157 : memref<128x128xf32, #tpu.memory_space<vmem>>) target(%dma_start3A_153 : memref<128x128xf32, #tpu.memory_space<vmem_shared>>) target_semaphore(%run_scoped3A_145 : memref<!tpu.dma_semaphore, #tpu.memory_space<semaphore_mem>>)
        %dma_wait3A_158 = arith.constant 0 : i32
        %dma_wait3A_159 = arith.constant 0 : i32
        %dma_wait3A_160 = tpu.memref_slice %arg8[%run_scoped3A, %dma_wait3A_158, %dma_wait3A_159] : memref<2x128x128xf32, #tpu.memory_space<vmem>> -> memref<1x128x128xf32, #tpu.memory_space<vmem>>
        %dma_wait3A_161 = tpu.memref_squeeze %dma_wait3A_160 : memref<1x128x128xf32, #tpu.memory_space<vmem>> -> memref<128x128xf32, #tpu.memory_space<vmem>>
        %dma_wait3A_162 = arith.constant 0 : i32
        %dma_wait3A_163 = tpu.memref_slice %arg9[%add3A_143, %dma_wait3A_162] : memref<10240x128xf32, #tpu.memory_space<vmem_shared>> -> memref<128x128xf32, #tpu.memory_space<vmem_shared>>
        %dma_wait3A_164 = arith.constant 0 : i32
        %dma_wait3A_165 = tpu.memref_slice %arg9[%add3A_143, %dma_wait3A_164] : memref<10240x128xf32, #tpu.memory_space<vmem_shared>> -> memref<128x128xf32, #tpu.memory_space<vmem_shared>>
        %dma_wait3A_166 = arith.constant 0 : i32
        %dma_wait3A_167 = arith.constant 0 : i32
        %dma_wait3A_168 = tpu.memref_slice %arg8[%run_scoped3A, %dma_wait3A_166, %dma_wait3A_167] : memref<2x128x128xf32, #tpu.memory_space<vmem>> -> memref<1x128x128xf32, #tpu.memory_space<vmem>>
        %dma_wait3A_169 = tpu.memref_squeeze %dma_wait3A_168 : memref<1x128x128xf32, #tpu.memory_space<vmem>> -> memref<128x128xf32, #tpu.memory_space<vmem>>
        tpu.wait_dma2 semaphore(%run_scoped3A_145 : memref<!tpu.dma_semaphore, #tpu.memory_space<semaphore_mem>>) src(%dma_wait3A_169 : memref<128x128xf32, #tpu.memory_space<vmem>>) dst(%dma_wait3A_165 : memref<128x128xf32, #tpu.memory_space<vmem_shared>>)
        tpu.yield
      }) : () -> ()
      %scan3A_144 = arith.constant 0 : i32
      scf.yield %scan3A_144 : i32
    }
    %scan3A_23 = arith.constant 5 : i32
    %barrier3A = arith.constant 0 : index
    tpu.barrier barrier_id(%barrier3A)
    %add3A_24 = arith.constant 0 : i32
    %add3A_25 = arith.addi %mul3A_10, %add3A_24 : i32
    %multiple_of3A = tpu.assume_multiple %add3A_25, 128 : i32
    %dma_start3A = arith.constant 0 : i32
    %dma_start3A_26 = arith.constant 0 : i32
    %dma_start3A_27 = tpu.memref_slice %arg6[%dma_start3A, %dma_start3A_26] : memref<3x128xi32, #tpu.memory_space<vmem>> -> memref<1x128xi32, #tpu.memory_space<vmem>>
    %dma_start3A_28 = tpu.memref_squeeze %dma_start3A_27 : memref<1x128xi32, #tpu.memory_space<vmem>> -> memref<128xi32, #tpu.memory_space<vmem>>
    %dma_start3A_29 = tpu.memref_slice %arg2[%multiple_of3A] : memref<321536xi32, #tpu.memory_space<hbm>> -> memref<128xi32, #tpu.memory_space<hbm>>
    %dma_start3A_30 = arith.constant 0 : i32
    %dma_start3A_31 = tpu.memref_slice %arg6[%dma_start3A, %dma_start3A_30] : memref<3x128xi32, #tpu.memory_space<vmem>> -> memref<1x128xi32, #tpu.memory_space<vmem>>
    %dma_start3A_32 = tpu.memref_squeeze %dma_start3A_31 : memref<1x128xi32, #tpu.memory_space<vmem>> -> memref<128xi32, #tpu.memory_space<vmem>>
    %dma_start3A_33 = tpu.memref_slice %arg2[%multiple_of3A] : memref<321536xi32, #tpu.memory_space<hbm>> -> memref<128xi32, #tpu.memory_space<hbm>>
    tpu.enqueue_dma source(%dma_start3A_33 : memref<128xi32, #tpu.memory_space<hbm>>) target(%dma_start3A_32 : memref<128xi32, #tpu.memory_space<vmem>>) target_semaphore(%arg10 : memref<!tpu.dma_semaphore, #tpu.memory_space<semaphore_mem>>)
    %dma_start3A_34 = arith.constant 0 : i32
    %dma_start3A_35 = arith.constant 0 : i32
    %dma_start3A_36 = tpu.memref_slice %arg7[%dma_start3A_34, %dma_start3A_35] : memref<3x128xi32, #tpu.memory_space<vmem>> -> memref<1x128xi32, #tpu.memory_space<vmem>>
    %dma_start3A_37 = tpu.memref_squeeze %dma_start3A_36 : memref<1x128xi32, #tpu.memory_space<vmem>> -> memref<128xi32, #tpu.memory_space<vmem>>
    %dma_start3A_38 = tpu.memref_slice %arg3[%multiple_of3A] : memref<321536xi32, #tpu.memory_space<hbm>> -> memref<128xi32, #tpu.memory_space<hbm>>
    %dma_start3A_39 = arith.constant 0 : i32
    %dma_start3A_40 = tpu.memref_slice %arg7[%dma_start3A_34, %dma_start3A_39] : memref<3x128xi32, #tpu.memory_space<vmem>> -> memref<1x128xi32, #tpu.memory_space<vmem>>
    %dma_start3A_41 = tpu.memref_squeeze %dma_start3A_40 : memref<1x128xi32, #tpu.memory_space<vmem>> -> memref<128xi32, #tpu.memory_space<vmem>>
    %dma_start3A_42 = tpu.memref_slice %arg3[%multiple_of3A] : memref<321536xi32, #tpu.memory_space<hbm>> -> memref<128xi32, #tpu.memory_space<hbm>>
    tpu.enqueue_dma source(%dma_start3A_42 : memref<128xi32, #tpu.memory_space<hbm>>) target(%dma_start3A_41 : memref<128xi32, #tpu.memory_space<vmem>>) target_semaphore(%arg10 : memref<!tpu.dma_semaphore, #tpu.memory_space<semaphore_mem>>)
    %add3A_43 = arith.constant 128 : i32
    %add3A_44 = arith.addi %mul3A_10, %add3A_43 : i32
    %multiple_of3A_45 = tpu.assume_multiple %add3A_44, 128 : i32
    %dma_start3A_46 = arith.constant 1 : i32
    %dma_start3A_47 = arith.constant 0 : i32
    %dma_start3A_48 = tpu.memref_slice %arg6[%dma_start3A_46, %dma_start3A_47] : memref<3x128xi32, #tpu.memory_space<vmem>> -> memref<1x128xi32, #tpu.memory_space<vmem>>
    %dma_start3A_49 = tpu.memref_squeeze %dma_start3A_48 : memref<1x128xi32, #tpu.memory_space<vmem>> -> memref<128xi32, #tpu.memory_space<vmem>>
    %dma_start3A_50 = tpu.memref_slice %arg2[%multiple_of3A_45] : memref<321536xi32, #tpu.memory_space<hbm>> -> memref<128xi32, #tpu.memory_space<hbm>>
    %dma_start3A_51 = arith.constant 0 : i32
    %dma_start3A_52 = tpu.memref_slice %arg6[%dma_start3A_46, %dma_start3A_51] : memref<3x128xi32, #tpu.memory_space<vmem>> -> memref<1x128xi32, #tpu.memory_space<vmem>>
    %dma_start3A_53 = tpu.memref_squeeze %dma_start3A_52 : memref<1x128xi32, #tpu.memory_space<vmem>> -> memref<128xi32, #tpu.memory_space<vmem>>
    %dma_start3A_54 = tpu.memref_slice %arg2[%multiple_of3A_45] : memref<321536xi32, #tpu.memory_space<hbm>> -> memref<128xi32, #tpu.memory_space<hbm>>
    tpu.enqueue_dma source(%dma_start3A_54 : memref<128xi32, #tpu.memory_space<hbm>>) target(%dma_start3A_53 : memref<128xi32, #tpu.memory_space<vmem>>) target_semaphore(%arg10 : memref<!tpu.dma_semaphore, #tpu.memory_space<semaphore_mem>>)
    %dma_start3A_55 = arith.constant 1 : i32
    %dma_start3A_56 = arith.constant 0 : i32
    %dma_start3A_57 = tpu.memref_slice %arg7[%dma_start3A_55, %dma_start3A_56] : memref<3x128xi32, #tpu.memory_space<vmem>> -> memref<1x128xi32, #tpu.memory_space<vmem>>
    %dma_start3A_58 = tpu.memref_squeeze %dma_start3A_57 : memref<1x128xi32, #tpu.memory_space<vmem>> -> memref<128xi32, #tpu.memory_space<vmem>>
    %dma_start3A_59 = tpu.memref_slice %arg3[%multiple_of3A_45] : memref<321536xi32, #tpu.memory_space<hbm>> -> memref<128xi32, #tpu.memory_space<hbm>>
    %dma_start3A_60 = arith.constant 0 : i32
    %dma_start3A_61 = tpu.memref_slice %arg7[%dma_start3A_55, %dma_start3A_60] : memref<3x128xi32, #tpu.memory_space<vmem>> -> memref<1x128xi32, #tpu.memory_space<vmem>>
    %dma_start3A_62 = tpu.memref_squeeze %dma_start3A_61 : memref<1x128xi32, #tpu.memory_space<vmem>> -> memref<128xi32, #tpu.memory_space<vmem>>
    %dma_start3A_63 = tpu.memref_slice %arg3[%multiple_of3A_45] : memref<321536xi32, #tpu.memory_space<hbm>> -> memref<128xi32, #tpu.memory_space<hbm>>
    tpu.enqueue_dma source(%dma_start3A_63 : memref<128xi32, #tpu.memory_space<hbm>>) target(%dma_start3A_62 : memref<128xi32, #tpu.memory_space<vmem>>) target_semaphore(%arg10 : memref<!tpu.dma_semaphore, #tpu.memory_space<semaphore_mem>>)
    %dma_wait3A = arith.constant 0 : i32
    %dma_wait3A_64 = arith.constant 0 : i32
    %dma_wait3A_65 = tpu.memref_slice %arg6[%dma_wait3A, %dma_wait3A_64] : memref<3x128xi32, #tpu.memory_space<vmem>> -> memref<1x128xi32, #tpu.memory_space<vmem>>
    %dma_wait3A_66 = tpu.memref_squeeze %dma_wait3A_65 : memref<1x128xi32, #tpu.memory_space<vmem>> -> memref<128xi32, #tpu.memory_space<vmem>>
    %dma_wait3A_67 = arith.constant 0 : i32
    %dma_wait3A_68 = tpu.memref_slice %arg2[%dma_wait3A_67] : memref<321536xi32, #tpu.memory_space<hbm>> -> memref<128xi32, #tpu.memory_space<hbm>>
    %dma_wait3A_69 = arith.constant 0 : i32
    %dma_wait3A_70 = tpu.memref_slice %arg6[%dma_wait3A, %dma_wait3A_69] : memref<3x128xi32, #tpu.memory_space<vmem>> -> memref<1x128xi32, #tpu.memory_space<vmem>>
    %dma_wait3A_71 = tpu.memref_squeeze %dma_wait3A_70 : memref<1x128xi32, #tpu.memory_space<vmem>> -> memref<128xi32, #tpu.memory_space<vmem>>
    %dma_wait3A_72 = arith.constant 0 : i32
    %dma_wait3A_73 = tpu.memref_slice %arg2[%dma_wait3A_72] : memref<321536xi32, #tpu.memory_space<hbm>> -> memref<128xi32, #tpu.memory_space<hbm>>
    tpu.wait_dma2 semaphore(%arg10 : memref<!tpu.dma_semaphore, #tpu.memory_space<semaphore_mem>>) src(%dma_wait3A_73 : memref<128xi32, #tpu.memory_space<hbm>>) dst(%dma_wait3A_71 : memref<128xi32, #tpu.memory_space<vmem>>)
    %dma_wait3A_74 = arith.constant 0 : i32
    %dma_wait3A_75 = arith.constant 0 : i32
    %dma_wait3A_76 = tpu.memref_slice %arg7[%dma_wait3A_74, %dma_wait3A_75] : memref<3x128xi32, #tpu.memory_space<vmem>> -> memref<1x128xi32, #tpu.memory_space<vmem>>
    %dma_wait3A_77 = tpu.memref_squeeze %dma_wait3A_76 : memref<1x128xi32, #tpu.memory_space<vmem>> -> memref<128xi32, #tpu.memory_space<vmem>>
    %dma_wait3A_78 = arith.constant 0 : i32
    %dma_wait3A_79 = tpu.memref_slice %arg3[%dma_wait3A_78] : memref<321536xi32, #tpu.memory_space<hbm>> -> memref<128xi32, #tpu.memory_space<hbm>>
    %dma_wait3A_80 = arith.constant 0 : i32
    %dma_wait3A_81 = tpu.memref_slice %arg7[%dma_wait3A_74, %dma_wait3A_80] : memref<3x128xi32, #tpu.memory_space<vmem>> -> memref<1x128xi32, #tpu.memory_space<vmem>>
    %dma_wait3A_82 = tpu.memref_squeeze %dma_wait3A_81 : memref<1x128xi32, #tpu.memory_space<vmem>> -> memref<128xi32, #tpu.memory_space<vmem>>
    %dma_wait3A_83 = arith.constant 0 : i32
    %dma_wait3A_84 = tpu.memref_slice %arg3[%dma_wait3A_83] : memref<321536xi32, #tpu.memory_space<hbm>> -> memref<128xi32, #tpu.memory_space<hbm>>
    tpu.wait_dma2 semaphore(%arg10 : memref<!tpu.dma_semaphore, #tpu.memory_space<semaphore_mem>>) src(%dma_wait3A_84 : memref<128xi32, #tpu.memory_space<hbm>>) dst(%dma_wait3A_82 : memref<128xi32, #tpu.memory_space<vmem>>)
    %dma_start3A_85 = arith.constant 0 : i32
    %dma_start3A_86 = arith.constant 0 : i32
    %dma_start3A_87 = arith.constant 0 : i32
    %dma_start3A_88 = arith.constant 0 : i32
    %dma_start3A_89 = tpu.memref_slice %arg8[%dma_start3A_86, %dma_start3A_87, %dma_start3A_88] : memref<2x128x128xf32, #tpu.memory_space<vmem>> -> memref<1x128x128xf32, #tpu.memory_space<vmem>>
    %dma_start3A_90 = tpu.memref_squeeze %dma_start3A_89 : memref<1x128x128xf32, #tpu.memory_space<vmem>> -> memref<128x128xf32, #tpu.memory_space<vmem>>
    %dma_start3A_91 = arith.constant 0 : i32
    %dma_start3A_92 = tpu.memref_slice %arg6[%dma_start3A_85, %dma_start3A_91] : memref<3x128xi32, #tpu.memory_space<vmem>> -> memref<1x128xi32, #tpu.memory_space<vmem>>
    %dma_start3A_93 = tpu.memref_squeeze %dma_start3A_92 : memref<1x128xi32, #tpu.memory_space<vmem>> -> memref<128xi32, #tpu.memory_space<vmem>>
    %dma_start3A_94 = arith.constant 0 : i32
    %dma_start3A_95 = arith.constant 0 : i32
    %dma_start3A_96 = tpu.memref_slice %arg4[%dma_start3A_94, %dma_start3A_95] : memref<10240x128xf32, #tpu.memory_space<hbm>> -> memref<10240x128xf32, #tpu.memory_space<hbm>>
    tpu.enqueue_indirect_dma source(%dma_start3A_96 : memref<10240x128xf32, #tpu.memory_space<hbm>>) target(%dma_start3A_90 : memref<128x128xf32, #tpu.memory_space<vmem>>) offsets(%dma_start3A_93 : memref<128xi32, #tpu.memory_space<vmem>>) semaphore(%arg11 : memref<!tpu.dma_semaphore, #tpu.memory_space<semaphore_mem>>)
    %while3A = arith.constant 0 : i32
    %while3A_97 = arith.constant 0 : i32
    %while3A_98 = arith.subi %select_n3A, %while3A : i32
    %while3A_99 = arith.addi %while3A, %while3A_98 : i32
    %while3A_100 = arith.constant 1 : i32
    %while3A_101 = arith.divsi %while3A_98, %while3A_100 : i32
    %while3A_102 = arith.muli %while3A_101, %while3A_100 : i32
    %while3A_103 = arith.addi %while3A, %while3A_102 : i32
    %while3A_104 = arith.constant 1 : i32
    %while3A_105 = scf.for %while3A_137 = %while3A to %while3A_103 step %while3A_104 iter_args(%while3A_138 = %while3A_97) -> (i32)  : i32 {
      %jit3A_139 = arith.constant 2 : i32
      %eq3A_140 = arith.constant 0 : i32
      %eq3A_141 = arith.cmpi eq, %jit3A_139, %eq3A_140 : i32
      %jit3A_142 = arith.constant 1 : i32
      %select_n3A_143 = arith.select %eq3A_141, %jit3A_142, %jit3A_139 : i32
      %rem3A_144 = arith.remsi %while3A_137, %select_n3A_143 : i32
      %ne3A_145 = arith.constant 0 : i32
      %ne3A_146 = arith.cmpi ne, %rem3A_144, %ne3A_145 : i32
      %lt3A_147 = arith.constant 0 : i32
      %lt3A_148 = arith.cmpi slt, %rem3A_144, %lt3A_147 : i32
      %lt3A_149 = arith.constant 0 : i32
      %lt3A_150 = arith.cmpi slt, %select_n3A_143, %lt3A_149 : i32
      %ne3A_151 = arith.xori %lt3A_148, %lt3A_150 : i1
      %and3A_152 = arith.andi %ne3A_151, %ne3A_146 : i1
      %add3A_153 = arith.addi %rem3A_144, %select_n3A_143 : i32
      %select_n3A_154 = arith.select %and3A_152, %add3A_153, %rem3A_144 : i32
      %sub3A_155 = arith.constant 1 : i32
      %sub3A_156 = arith.subi %sub3A_155, %select_n3A_154 : i32
      %dma_wait3A_157 = arith.constant 0 : i32
      %dma_wait3A_158 = arith.constant 0 : i32
      %dma_wait3A_159 = arith.constant 0 : i32
      %dma_wait3A_160 = tpu.memref_slice %arg8[%select_n3A_154, %dma_wait3A_158, %dma_wait3A_159] : memref<2x128x128xf32, #tpu.memory_space<vmem>> -> memref<1x128x128xf32, #tpu.memory_space<vmem>>
      %dma_wait3A_161 = tpu.memref_squeeze %dma_wait3A_160 : memref<1x128x128xf32, #tpu.memory_space<vmem>> -> memref<128x128xf32, #tpu.memory_space<vmem>>
      %dma_wait3A_162 = arith.constant 0 : i32
      %dma_wait3A_163 = tpu.memref_slice %arg6[%dma_wait3A_157, %dma_wait3A_162] : memref<3x128xi32, #tpu.memory_space<vmem>> -> memref<1x128xi32, #tpu.memory_space<vmem>>
      %dma_wait3A_164 = tpu.memref_squeeze %dma_wait3A_163 : memref<1x128xi32, #tpu.memory_space<vmem>> -> memref<128xi32, #tpu.memory_space<vmem>>
      %dma_wait3A_165 = arith.constant 0 : i32
      %dma_wait3A_166 = arith.constant 0 : i32
      %dma_wait3A_167 = tpu.memref_slice %arg4[%dma_wait3A_165, %dma_wait3A_166] : memref<10240x128xf32, #tpu.memory_space<hbm>> -> memref<10240x128xf32, #tpu.memory_space<hbm>>
      tpu.wait_indirect_dma semaphore(%arg11 : memref<!tpu.dma_semaphore, #tpu.memory_space<semaphore_mem>>) src(%dma_wait3A_167 : memref<10240x128xf32, #tpu.memory_space<hbm>>) dst(%dma_wait3A_161 : memref<128x128xf32, #tpu.memory_space<vmem>>)
      %jit3A_168 = arith.constant 3 : i32
      %eq3A_169 = arith.constant 0 : i32
      %eq3A_170 = arith.cmpi eq, %jit3A_168, %eq3A_169 : i32
      %jit3A_171 = arith.constant 1 : i32
      %select_n3A_172 = arith.select %eq3A_170, %jit3A_171, %jit3A_168 : i32
      %rem3A_173 = arith.remsi %while3A_137, %select_n3A_172 : i32
      %ne3A_174 = arith.constant 0 : i32
      %ne3A_175 = arith.cmpi ne, %rem3A_173, %ne3A_174 : i32
      %lt3A_176 = arith.constant 0 : i32
      %lt3A_177 = arith.cmpi slt, %rem3A_173, %lt3A_176 : i32
      %lt3A_178 = arith.constant 0 : i32
      %lt3A_179 = arith.cmpi slt, %select_n3A_172, %lt3A_178 : i32
      %ne3A_180 = arith.xori %lt3A_177, %lt3A_179 : i1
      %and3A_181 = arith.andi %ne3A_180, %ne3A_175 : i1
      %add3A_182 = arith.addi %rem3A_173, %select_n3A_172 : i32
      %select_n3A_183 = arith.select %and3A_181, %add3A_182, %rem3A_173 : i32
      %dma_start3A_184 = arith.constant 0 : i32
      %dma_start3A_185 = arith.constant 0 : i32
      %dma_start3A_186 = tpu.memref_slice %arg8[%select_n3A_154, %dma_start3A_184, %dma_start3A_185] : memref<2x128x128xf32, #tpu.memory_space<vmem>> -> memref<1x128x128xf32, #tpu.memory_space<vmem>>
      %dma_start3A_187 = tpu.memref_squeeze %dma_start3A_186 : memref<1x128x128xf32, #tpu.memory_space<vmem>> -> memref<128x128xf32, #tpu.memory_space<vmem>>
      %dma_start3A_188 = arith.constant 0 : i32
      %dma_start3A_189 = tpu.memref_slice %arg7[%select_n3A_183, %dma_start3A_188] : memref<3x128xi32, #tpu.memory_space<vmem>> -> memref<1x128xi32, #tpu.memory_space<vmem>>
      %dma_start3A_190 = tpu.memref_squeeze %dma_start3A_189 : memref<1x128xi32, #tpu.memory_space<vmem>> -> memref<128xi32, #tpu.memory_space<vmem>>
      %dma_start3A_191 = arith.constant 0 : i32
      %dma_start3A_192 = arith.constant 0 : i32
      %dma_start3A_193 = tpu.memref_slice %arg9[%dma_start3A_191, %dma_start3A_192] : memref<10240x128xf32, #tpu.memory_space<vmem_shared>> -> memref<10240x128xf32, #tpu.memory_space<vmem_shared>>
      tpu.enqueue_indirect_dma source(%dma_start3A_187 : memref<128x128xf32, #tpu.memory_space<vmem>>) target(%dma_start3A_193 : memref<10240x128xf32, #tpu.memory_space<vmem_shared>>) offsets(%dma_start3A_190 : memref<128xi32, #tpu.memory_space<vmem>>) semaphore(%arg12 : memref<!tpu.dma_semaphore, #tpu.memory_space<semaphore_mem>>) {add = true}
      %add3A_194 = arith.constant 1 : i32
      %add3A_195 = arith.addi %while3A_137, %add3A_194 : i32
      %lt3A_196 = arith.cmpi slt, %add3A_195, %select_n3A : i32
      %convert_element_type3A = arith.extui %lt3A_196 : i1 to i32
      %cond3A = arith.constant 0 : i32
      %cond3A_197 = arith.cmpi ne, %convert_element_type3A, %cond3A : i32
      scf.if %cond3A_197 {
        %ge3A = arith.constant 1 : i32
        %ge3A_199 = arith.cmpi sge, %while3A_137, %ge3A : i32
        %convert_element_type3A_200 = arith.extui %ge3A_199 : i1 to i32
        %cond3A_201 = arith.constant 0 : i32
        %cond3A_202 = arith.cmpi ne, %convert_element_type3A_200, %cond3A_201 : i32
        scf.if %cond3A_202 {
          %dma_wait3A_259 = arith.constant 0 : i32
          %dma_wait3A_260 = arith.constant 0 : i32
          %dma_wait3A_261 = arith.constant 0 : i32
          %dma_wait3A_262 = tpu.memref_slice %arg8[%sub3A_156, %dma_wait3A_260, %dma_wait3A_261] : memref<2x128x128xf32, #tpu.memory_space<vmem>> -> memref<1x128x128xf32, #tpu.memory_space<vmem>>
          %dma_wait3A_263 = tpu.memref_squeeze %dma_wait3A_262 : memref<1x128x128xf32, #tpu.memory_space<vmem>> -> memref<128x128xf32, #tpu.memory_space<vmem>>
          %dma_wait3A_264 = arith.constant 0 : i32
          %dma_wait3A_265 = tpu.memref_slice %arg7[%dma_wait3A_259, %dma_wait3A_264] : memref<3x128xi32, #tpu.memory_space<vmem>> -> memref<1x128xi32, #tpu.memory_space<vmem>>
          %dma_wait3A_266 = tpu.memref_squeeze %dma_wait3A_265 : memref<1x128xi32, #tpu.memory_space<vmem>> -> memref<128xi32, #tpu.memory_space<vmem>>
          %dma_wait3A_267 = arith.constant 0 : i32
          %dma_wait3A_268 = arith.constant 0 : i32
          %dma_wait3A_269 = tpu.memref_slice %arg9[%dma_wait3A_267, %dma_wait3A_268] : memref<10240x128xf32, #tpu.memory_space<vmem_shared>> -> memref<10240x128xf32, #tpu.memory_space<vmem_shared>>
          tpu.wait_indirect_dma semaphore(%arg12 : memref<!tpu.dma_semaphore, #tpu.memory_space<semaphore_mem>>) src(%dma_wait3A_263 : memref<128x128xf32, #tpu.memory_space<vmem>>) dst(%dma_wait3A_269 : memref<10240x128xf32, #tpu.memory_space<vmem_shared>>)
        } else {
        }
        %add3A_203 = arith.constant 2 : i32
        %add3A_204 = arith.addi %while3A_137, %add3A_203 : i32
        %lt3A_205 = arith.cmpi slt, %add3A_204, %select_n3A : i32
        %convert_element_type3A_206 = arith.extui %lt3A_205 : i1 to i32
        %cond3A_207 = arith.constant 0 : i32
        %cond3A_208 = arith.cmpi ne, %convert_element_type3A_206, %cond3A_207 : i32
        scf.if %cond3A_208 {
          %add3A_259 = arith.constant 2 : i32
          %add3A_260 = arith.addi %while3A_137, %add3A_259 : i32
          %add3A_261 = arith.constant 2 : i32
          %add3A_262 = arith.addi %while3A_137, %add3A_261 : i32
          %jit3A_263 = arith.constant 3 : i32
          %eq3A_264 = arith.constant 0 : i32
          %eq3A_265 = arith.cmpi eq, %jit3A_263, %eq3A_264 : i32
          %jit3A_266 = arith.constant 1 : i32
          %select_n3A_267 = arith.select %eq3A_265, %jit3A_266, %jit3A_263 : i32
          %rem3A_268 = arith.remsi %add3A_262, %select_n3A_267 : i32
          %ne3A_269 = arith.constant 0 : i32
          %ne3A_270 = arith.cmpi ne, %rem3A_268, %ne3A_269 : i32
          %lt3A_271 = arith.constant 0 : i32
          %lt3A_272 = arith.cmpi slt, %rem3A_268, %lt3A_271 : i32
          %lt3A_273 = arith.constant 0 : i32
          %lt3A_274 = arith.cmpi slt, %select_n3A_267, %lt3A_273 : i32
          %ne3A_275 = arith.xori %lt3A_272, %lt3A_274 : i1
          %and3A_276 = arith.andi %ne3A_275, %ne3A_270 : i1
          %add3A_277 = arith.addi %rem3A_268, %select_n3A_267 : i32
          %select_n3A_278 = arith.select %and3A_276, %add3A_277, %rem3A_268 : i32
          %mul3A_279 = arith.constant 128 : i32
          %mul3A_280 = arith.muli %add3A_260, %mul3A_279 : i32
          %add3A_281 = arith.addi %mul3A_10, %mul3A_280 : i32
          %multiple_of3A_282 = tpu.assume_multiple %add3A_281, 128 : i32
          %dma_start3A_283 = arith.constant 0 : i32
          %dma_start3A_284 = tpu.memref_slice %arg6[%select_n3A_278, %dma_start3A_283] : memref<3x128xi32, #tpu.memory_space<vmem>> -> memref<1x128xi32, #tpu.memory_space<vmem>>
          %dma_start3A_285 = tpu.memref_squeeze %dma_start3A_284 : memref<1x128xi32, #tpu.memory_space<vmem>> -> memref<128xi32, #tpu.memory_space<vmem>>
          %dma_start3A_286 = tpu.memref_slice %arg2[%multiple_of3A_282] : memref<321536xi32, #tpu.memory_space<hbm>> -> memref<128xi32, #tpu.memory_space<hbm>>
          %dma_start3A_287 = arith.constant 0 : i32
          %dma_start3A_288 = tpu.memref_slice %arg6[%select_n3A_278, %dma_start3A_287] : memref<3x128xi32, #tpu.memory_space<vmem>> -> memref<1x128xi32, #tpu.memory_space<vmem>>
          %dma_start3A_289 = tpu.memref_squeeze %dma_start3A_288 : memref<1x128xi32, #tpu.memory_space<vmem>> -> memref<128xi32, #tpu.memory_space<vmem>>
          %dma_start3A_290 = tpu.memref_slice %arg2[%multiple_of3A_282] : memref<321536xi32, #tpu.memory_space<hbm>> -> memref<128xi32, #tpu.memory_space<hbm>>
          tpu.enqueue_dma source(%dma_start3A_290 : memref<128xi32, #tpu.memory_space<hbm>>) target(%dma_start3A_289 : memref<128xi32, #tpu.memory_space<vmem>>) target_semaphore(%arg10 : memref<!tpu.dma_semaphore, #tpu.memory_space<semaphore_mem>>)
          %dma_start3A_291 = arith.constant 0 : i32
          %dma_start3A_292 = tpu.memref_slice %arg7[%select_n3A_278, %dma_start3A_291] : memref<3x128xi32, #tpu.memory_space<vmem>> -> memref<1x128xi32, #tpu.memory_space<vmem>>
          %dma_start3A_293 = tpu.memref_squeeze %dma_start3A_292 : memref<1x128xi32, #tpu.memory_space<vmem>> -> memref<128xi32, #tpu.memory_space<vmem>>
          %dma_start3A_294 = tpu.memref_slice %arg3[%multiple_of3A_282] : memref<321536xi32, #tpu.memory_space<hbm>> -> memref<128xi32, #tpu.memory_space<hbm>>
          %dma_start3A_295 = arith.constant 0 : i32
          %dma_start3A_296 = tpu.memref_slice %arg7[%select_n3A_278, %dma_start3A_295] : memref<3x128xi32, #tpu.memory_space<vmem>> -> memref<1x128xi32, #tpu.memory_space<vmem>>
          %dma_start3A_297 = tpu.memref_squeeze %dma_start3A_296 : memref<1x128xi32, #tpu.memory_space<vmem>> -> memref<128xi32, #tpu.memory_space<vmem>>
          %dma_start3A_298 = tpu.memref_slice %arg3[%multiple_of3A_282] : memref<321536xi32, #tpu.memory_space<hbm>> -> memref<128xi32, #tpu.memory_space<hbm>>
          tpu.enqueue_dma source(%dma_start3A_298 : memref<128xi32, #tpu.memory_space<hbm>>) target(%dma_start3A_297 : memref<128xi32, #tpu.memory_space<vmem>>) target_semaphore(%arg10 : memref<!tpu.dma_semaphore, #tpu.memory_space<semaphore_mem>>)
        } else {
        }
        %dma_wait3A_209 = arith.constant 0 : i32
        %dma_wait3A_210 = arith.constant 0 : i32
        %dma_wait3A_211 = tpu.memref_slice %arg6[%dma_wait3A_209, %dma_wait3A_210] : memref<3x128xi32, #tpu.memory_space<vmem>> -> memref<1x128xi32, #tpu.memory_space<vmem>>
        %dma_wait3A_212 = tpu.memref_squeeze %dma_wait3A_211 : memref<1x128xi32, #tpu.memory_space<vmem>> -> memref<128xi32, #tpu.memory_space<vmem>>
        %dma_wait3A_213 = arith.constant 0 : i32
        %dma_wait3A_214 = tpu.memref_slice %arg2[%dma_wait3A_213] : memref<321536xi32, #tpu.memory_space<hbm>> -> memref<128xi32, #tpu.memory_space<hbm>>
        %dma_wait3A_215 = arith.constant 0 : i32
        %dma_wait3A_216 = tpu.memref_slice %arg6[%dma_wait3A_209, %dma_wait3A_215] : memref<3x128xi32, #tpu.memory_space<vmem>> -> memref<1x128xi32, #tpu.memory_space<vmem>>
        %dma_wait3A_217 = tpu.memref_squeeze %dma_wait3A_216 : memref<1x128xi32, #tpu.memory_space<vmem>> -> memref<128xi32, #tpu.memory_space<vmem>>
        %dma_wait3A_218 = arith.constant 0 : i32
        %dma_wait3A_219 = tpu.memref_slice %arg2[%dma_wait3A_218] : memref<321536xi32, #tpu.memory_space<hbm>> -> memref<128xi32, #tpu.memory_space<hbm>>
        tpu.wait_dma2 semaphore(%arg10 : memref<!tpu.dma_semaphore, #tpu.memory_space<semaphore_mem>>) src(%dma_wait3A_219 : memref<128xi32, #tpu.memory_space<hbm>>) dst(%dma_wait3A_217 : memref<128xi32, #tpu.memory_space<vmem>>)
        %dma_wait3A_220 = arith.constant 0 : i32
        %dma_wait3A_221 = arith.constant 0 : i32
        %dma_wait3A_222 = tpu.memref_slice %arg7[%dma_wait3A_220, %dma_wait3A_221] : memref<3x128xi32, #tpu.memory_space<vmem>> -> memref<1x128xi32, #tpu.memory_space<vmem>>
        %dma_wait3A_223 = tpu.memref_squeeze %dma_wait3A_222 : memref<1x128xi32, #tpu.memory_space<vmem>> -> memref<128xi32, #tpu.memory_space<vmem>>
        %dma_wait3A_224 = arith.constant 0 : i32
        %dma_wait3A_225 = tpu.memref_slice %arg3[%dma_wait3A_224] : memref<321536xi32, #tpu.memory_space<hbm>> -> memref<128xi32, #tpu.memory_space<hbm>>
        %dma_wait3A_226 = arith.constant 0 : i32
        %dma_wait3A_227 = tpu.memref_slice %arg7[%dma_wait3A_220, %dma_wait3A_226] : memref<3x128xi32, #tpu.memory_space<vmem>> -> memref<1x128xi32, #tpu.memory_space<vmem>>
        %dma_wait3A_228 = tpu.memref_squeeze %dma_wait3A_227 : memref<1x128xi32, #tpu.memory_space<vmem>> -> memref<128xi32, #tpu.memory_space<vmem>>
        %dma_wait3A_229 = arith.constant 0 : i32
        %dma_wait3A_230 = tpu.memref_slice %arg3[%dma_wait3A_229] : memref<321536xi32, #tpu.memory_space<hbm>> -> memref<128xi32, #tpu.memory_space<hbm>>
        tpu.wait_dma2 semaphore(%arg10 : memref<!tpu.dma_semaphore, #tpu.memory_space<semaphore_mem>>) src(%dma_wait3A_230 : memref<128xi32, #tpu.memory_space<hbm>>) dst(%dma_wait3A_228 : memref<128xi32, #tpu.memory_space<vmem>>)
        %add3A_231 = arith.constant 1 : i32
        %add3A_232 = arith.addi %while3A_137, %add3A_231 : i32
        %jit3A_233 = arith.constant 3 : i32
        %eq3A_234 = arith.constant 0 : i32
        %eq3A_235 = arith.cmpi eq, %jit3A_233, %eq3A_234 : i32
        %jit3A_236 = arith.constant 1 : i32
        %select_n3A_237 = arith.select %eq3A_235, %jit3A_236, %jit3A_233 : i32
        %rem3A_238 = arith.remsi %add3A_232, %select_n3A_237 : i32
        %ne3A_239 = arith.constant 0 : i32
        %ne3A_240 = arith.cmpi ne, %rem3A_238, %ne3A_239 : i32
        %lt3A_241 = arith.constant 0 : i32
        %lt3A_242 = arith.cmpi slt, %rem3A_238, %lt3A_241 : i32
        %lt3A_243 = arith.constant 0 : i32
        %lt3A_244 = arith.cmpi slt, %select_n3A_237, %lt3A_243 : i32
        %ne3A_245 = arith.xori %lt3A_242, %lt3A_244 : i1
        %and3A_246 = arith.andi %ne3A_245, %ne3A_240 : i1
        %add3A_247 = arith.addi %rem3A_238, %select_n3A_237 : i32
        %select_n3A_248 = arith.select %and3A_246, %add3A_247, %rem3A_238 : i32
        %dma_start3A_249 = arith.constant 0 : i32
        %dma_start3A_250 = arith.constant 0 : i32
        %dma_start3A_251 = tpu.memref_slice %arg8[%sub3A_156, %dma_start3A_249, %dma_start3A_250] : memref<2x128x128xf32, #tpu.memory_space<vmem>> -> memref<1x128x128xf32, #tpu.memory_space<vmem>>
        %dma_start3A_252 = tpu.memref_squeeze %dma_start3A_251 : memref<1x128x128xf32, #tpu.memory_space<vmem>> -> memref<128x128xf32, #tpu.memory_space<vmem>>
        %dma_start3A_253 = arith.constant 0 : i32
        %dma_start3A_254 = tpu.memref_slice %arg6[%select_n3A_248, %dma_start3A_253] : memref<3x128xi32, #tpu.memory_space<vmem>> -> memref<1x128xi32, #tpu.memory_space<vmem>>
        %dma_start3A_255 = tpu.memref_squeeze %dma_start3A_254 : memref<1x128xi32, #tpu.memory_space<vmem>> -> memref<128xi32, #tpu.memory_space<vmem>>
        %dma_start3A_256 = arith.constant 0 : i32
        %dma_start3A_257 = arith.constant 0 : i32
        %dma_start3A_258 = tpu.memref_slice %arg4[%dma_start3A_256, %dma_start3A_257] : memref<10240x128xf32, #tpu.memory_space<hbm>> -> memref<10240x128xf32, #tpu.memory_space<hbm>>
        tpu.enqueue_indirect_dma source(%dma_start3A_258 : memref<10240x128xf32, #tpu.memory_space<hbm>>) target(%dma_start3A_252 : memref<128x128xf32, #tpu.memory_space<vmem>>) offsets(%dma_start3A_255 : memref<128xi32, #tpu.memory_space<vmem>>) semaphore(%arg11 : memref<!tpu.dma_semaphore, #tpu.memory_space<semaphore_mem>>)
      } else {
      }
      %while3A_198 = arith.constant 0 : i32
      scf.yield %while3A_198 : i32
    }
    %while3A_106 = arith.constant 1 : i32
    %while3A_107 = scf.for %while3A_137 = %while3A_103 to %while3A_99 step %while3A_106 iter_args(%while3A_138 = %while3A_105) -> (i32)  : i32 {
      %jit3A_139 = arith.constant 2 : i32
      %eq3A_140 = arith.constant 0 : i32
      %eq3A_141 = arith.cmpi eq, %jit3A_139, %eq3A_140 : i32
      %jit3A_142 = arith.constant 1 : i32
      %select_n3A_143 = arith.select %eq3A_141, %jit3A_142, %jit3A_139 : i32
      %rem3A_144 = arith.remsi %while3A_137, %select_n3A_143 : i32
      %ne3A_145 = arith.constant 0 : i32
      %ne3A_146 = arith.cmpi ne, %rem3A_144, %ne3A_145 : i32
      %lt3A_147 = arith.constant 0 : i32
      %lt3A_148 = arith.cmpi slt, %rem3A_144, %lt3A_147 : i32
      %lt3A_149 = arith.constant 0 : i32
      %lt3A_150 = arith.cmpi slt, %select_n3A_143, %lt3A_149 : i32
      %ne3A_151 = arith.xori %lt3A_148, %lt3A_150 : i1
      %and3A_152 = arith.andi %ne3A_151, %ne3A_146 : i1
      %add3A_153 = arith.addi %rem3A_144, %select_n3A_143 : i32
      %select_n3A_154 = arith.select %and3A_152, %add3A_153, %rem3A_144 : i32
      %sub3A_155 = arith.constant 1 : i32
      %sub3A_156 = arith.subi %sub3A_155, %select_n3A_154 : i32
      %dma_wait3A_157 = arith.constant 0 : i32
      %dma_wait3A_158 = arith.constant 0 : i32
      %dma_wait3A_159 = arith.constant 0 : i32
      %dma_wait3A_160 = tpu.memref_slice %arg8[%select_n3A_154, %dma_wait3A_158, %dma_wait3A_159] : memref<2x128x128xf32, #tpu.memory_space<vmem>> -> memref<1x128x128xf32, #tpu.memory_space<vmem>>
      %dma_wait3A_161 = tpu.memref_squeeze %dma_wait3A_160 : memref<1x128x128xf32, #tpu.memory_space<vmem>> -> memref<128x128xf32, #tpu.memory_space<vmem>>
      %dma_wait3A_162 = arith.constant 0 : i32
      %dma_wait3A_163 = tpu.memref_slice %arg6[%dma_wait3A_157, %dma_wait3A_162] : memref<3x128xi32, #tpu.memory_space<vmem>> -> memref<1x128xi32, #tpu.memory_space<vmem>>
      %dma_wait3A_164 = tpu.memref_squeeze %dma_wait3A_163 : memref<1x128xi32, #tpu.memory_space<vmem>> -> memref<128xi32, #tpu.memory_space<vmem>>
      %dma_wait3A_165 = arith.constant 0 : i32
      %dma_wait3A_166 = arith.constant 0 : i32
      %dma_wait3A_167 = tpu.memref_slice %arg4[%dma_wait3A_165, %dma_wait3A_166] : memref<10240x128xf32, #tpu.memory_space<hbm>> -> memref<10240x128xf32, #tpu.memory_space<hbm>>
      tpu.wait_indirect_dma semaphore(%arg11 : memref<!tpu.dma_semaphore, #tpu.memory_space<semaphore_mem>>) src(%dma_wait3A_167 : memref<10240x128xf32, #tpu.memory_space<hbm>>) dst(%dma_wait3A_161 : memref<128x128xf32, #tpu.memory_space<vmem>>)
      %jit3A_168 = arith.constant 3 : i32
      %eq3A_169 = arith.constant 0 : i32
      %eq3A_170 = arith.cmpi eq, %jit3A_168, %eq3A_169 : i32
      %jit3A_171 = arith.constant 1 : i32
      %select_n3A_172 = arith.select %eq3A_170, %jit3A_171, %jit3A_168 : i32
      %rem3A_173 = arith.remsi %while3A_137, %select_n3A_172 : i32
      %ne3A_174 = arith.constant 0 : i32
      %ne3A_175 = arith.cmpi ne, %rem3A_173, %ne3A_174 : i32
      %lt3A_176 = arith.constant 0 : i32
      %lt3A_177 = arith.cmpi slt, %rem3A_173, %lt3A_176 : i32
      %lt3A_178 = arith.constant 0 : i32
      %lt3A_179 = arith.cmpi slt, %select_n3A_172, %lt3A_178 : i32
      %ne3A_180 = arith.xori %lt3A_177, %lt3A_179 : i1
      %and3A_181 = arith.andi %ne3A_180, %ne3A_175 : i1
      %add3A_182 = arith.addi %rem3A_173, %select_n3A_172 : i32
      %select_n3A_183 = arith.select %and3A_181, %add3A_182, %rem3A_173 : i32
      %dma_start3A_184 = arith.constant 0 : i32
      %dma_start3A_185 = arith.constant 0 : i32
      %dma_start3A_186 = tpu.memref_slice %arg8[%select_n3A_154, %dma_start3A_184, %dma_start3A_185] : memref<2x128x128xf32, #tpu.memory_space<vmem>> -> memref<1x128x128xf32, #tpu.memory_space<vmem>>
      %dma_start3A_187 = tpu.memref_squeeze %dma_start3A_186 : memref<1x128x128xf32, #tpu.memory_space<vmem>> -> memref<128x128xf32, #tpu.memory_space<vmem>>
      %dma_start3A_188 = arith.constant 0 : i32
      %dma_start3A_189 = tpu.memref_slice %arg7[%select_n3A_183, %dma_start3A_188] : memref<3x128xi32, #tpu.memory_space<vmem>> -> memref<1x128xi32, #tpu.memory_space<vmem>>
      %dma_start3A_190 = tpu.memref_squeeze %dma_start3A_189 : memref<1x128xi32, #tpu.memory_space<vmem>> -> memref<128xi32, #tpu.memory_space<vmem>>
      %dma_start3A_191 = arith.constant 0 : i32
      %dma_start3A_192 = arith.constant 0 : i32
      %dma_start3A_193 = tpu.memref_slice %arg9[%dma_start3A_191, %dma_start3A_192] : memref<10240x128xf32, #tpu.memory_space<vmem_shared>> -> memref<10240x128xf32, #tpu.memory_space<vmem_shared>>
      tpu.enqueue_indirect_dma source(%dma_start3A_187 : memref<128x128xf32, #tpu.memory_space<vmem>>) target(%dma_start3A_193 : memref<10240x128xf32, #tpu.memory_space<vmem_shared>>) offsets(%dma_start3A_190 : memref<128xi32, #tpu.memory_space<vmem>>) semaphore(%arg12 : memref<!tpu.dma_semaphore, #tpu.memory_space<semaphore_mem>>) {add = true}
      %add3A_194 = arith.constant 1 : i32
      %add3A_195 = arith.addi %while3A_137, %add3A_194 : i32
      %lt3A_196 = arith.cmpi slt, %add3A_195, %select_n3A : i32
      %convert_element_type3A = arith.extui %lt3A_196 : i1 to i32
      %cond3A = arith.constant 0 : i32
      %cond3A_197 = arith.cmpi ne, %convert_element_type3A, %cond3A : i32
      scf.if %cond3A_197 {
        %ge3A = arith.constant 1 : i32
        %ge3A_199 = arith.cmpi sge, %while3A_137, %ge3A : i32
        %convert_element_type3A_200 = arith.extui %ge3A_199 : i1 to i32
        %cond3A_201 = arith.constant 0 : i32
        %cond3A_202 = arith.cmpi ne, %convert_element_type3A_200, %cond3A_201 : i32
        scf.if %cond3A_202 {
          %dma_wait3A_259 = arith.constant 0 : i32
          %dma_wait3A_260 = arith.constant 0 : i32
          %dma_wait3A_261 = arith.constant 0 : i32
          %dma_wait3A_262 = tpu.memref_slice %arg8[%sub3A_156, %dma_wait3A_260, %dma_wait3A_261] : memref<2x128x128xf32, #tpu.memory_space<vmem>> -> memref<1x128x128xf32, #tpu.memory_space<vmem>>
          %dma_wait3A_263 = tpu.memref_squeeze %dma_wait3A_262 : memref<1x128x128xf32, #tpu.memory_space<vmem>> -> memref<128x128xf32, #tpu.memory_space<vmem>>
          %dma_wait3A_264 = arith.constant 0 : i32
          %dma_wait3A_265 = tpu.memref_slice %arg7[%dma_wait3A_259, %dma_wait3A_264] : memref<3x128xi32, #tpu.memory_space<vmem>> -> memref<1x128xi32, #tpu.memory_space<vmem>>
          %dma_wait3A_266 = tpu.memref_squeeze %dma_wait3A_265 : memref<1x128xi32, #tpu.memory_space<vmem>> -> memref<128xi32, #tpu.memory_space<vmem>>
          %dma_wait3A_267 = arith.constant 0 : i32
          %dma_wait3A_268 = arith.constant 0 : i32
          %dma_wait3A_269 = tpu.memref_slice %arg9[%dma_wait3A_267, %dma_wait3A_268] : memref<10240x128xf32, #tpu.memory_space<vmem_shared>> -> memref<10240x128xf32, #tpu.memory_space<vmem_shared>>
          tpu.wait_indirect_dma semaphore(%arg12 : memref<!tpu.dma_semaphore, #tpu.memory_space<semaphore_mem>>) src(%dma_wait3A_263 : memref<128x128xf32, #tpu.memory_space<vmem>>) dst(%dma_wait3A_269 : memref<10240x128xf32, #tpu.memory_space<vmem_shared>>)
        } else {
        }
        %add3A_203 = arith.constant 2 : i32
        %add3A_204 = arith.addi %while3A_137, %add3A_203 : i32
        %lt3A_205 = arith.cmpi slt, %add3A_204, %select_n3A : i32
        %convert_element_type3A_206 = arith.extui %lt3A_205 : i1 to i32
        %cond3A_207 = arith.constant 0 : i32
        %cond3A_208 = arith.cmpi ne, %convert_element_type3A_206, %cond3A_207 : i32
        scf.if %cond3A_208 {
          %add3A_259 = arith.constant 2 : i32
          %add3A_260 = arith.addi %while3A_137, %add3A_259 : i32
          %add3A_261 = arith.constant 2 : i32
          %add3A_262 = arith.addi %while3A_137, %add3A_261 : i32
          %jit3A_263 = arith.constant 3 : i32
          %eq3A_264 = arith.constant 0 : i32
          %eq3A_265 = arith.cmpi eq, %jit3A_263, %eq3A_264 : i32
          %jit3A_266 = arith.constant 1 : i32
          %select_n3A_267 = arith.select %eq3A_265, %jit3A_266, %jit3A_263 : i32
          %rem3A_268 = arith.remsi %add3A_262, %select_n3A_267 : i32
          %ne3A_269 = arith.constant 0 : i32
          %ne3A_270 = arith.cmpi ne, %rem3A_268, %ne3A_269 : i32
          %lt3A_271 = arith.constant 0 : i32
          %lt3A_272 = arith.cmpi slt, %rem3A_268, %lt3A_271 : i32
          %lt3A_273 = arith.constant 0 : i32
          %lt3A_274 = arith.cmpi slt, %select_n3A_267, %lt3A_273 : i32
          %ne3A_275 = arith.xori %lt3A_272, %lt3A_274 : i1
          %and3A_276 = arith.andi %ne3A_275, %ne3A_270 : i1
          %add3A_277 = arith.addi %rem3A_268, %select_n3A_267 : i32
          %select_n3A_278 = arith.select %and3A_276, %add3A_277, %rem3A_268 : i32
          %mul3A_279 = arith.constant 128 : i32
          %mul3A_280 = arith.muli %add3A_260, %mul3A_279 : i32
          %add3A_281 = arith.addi %mul3A_10, %mul3A_280 : i32
          %multiple_of3A_282 = tpu.assume_multiple %add3A_281, 128 : i32
          %dma_start3A_283 = arith.constant 0 : i32
          %dma_start3A_284 = tpu.memref_slice %arg6[%select_n3A_278, %dma_start3A_283] : memref<3x128xi32, #tpu.memory_space<vmem>> -> memref<1x128xi32, #tpu.memory_space<vmem>>
          %dma_start3A_285 = tpu.memref_squeeze %dma_start3A_284 : memref<1x128xi32, #tpu.memory_space<vmem>> -> memref<128xi32, #tpu.memory_space<vmem>>
          %dma_start3A_286 = tpu.memref_slice %arg2[%multiple_of3A_282] : memref<321536xi32, #tpu.memory_space<hbm>> -> memref<128xi32, #tpu.memory_space<hbm>>
          %dma_start3A_287 = arith.constant 0 : i32
          %dma_start3A_288 = tpu.memref_slice %arg6[%select_n3A_278, %dma_start3A_287] : memref<3x128xi32, #tpu.memory_space<vmem>> -> memref<1x128xi32, #tpu.memory_space<vmem>>
          %dma_start3A_289 = tpu.memref_squeeze %dma_start3A_288 : memref<1x128xi32, #tpu.memory_space<vmem>> -> memref<128xi32, #tpu.memory_space<vmem>>
          %dma_start3A_290 = tpu.memref_slice %arg2[%multiple_of3A_282] : memref<321536xi32, #tpu.memory_space<hbm>> -> memref<128xi32, #tpu.memory_space<hbm>>
          tpu.enqueue_dma source(%dma_start3A_290 : memref<128xi32, #tpu.memory_space<hbm>>) target(%dma_start3A_289 : memref<128xi32, #tpu.memory_space<vmem>>) target_semaphore(%arg10 : memref<!tpu.dma_semaphore, #tpu.memory_space<semaphore_mem>>)
          %dma_start3A_291 = arith.constant 0 : i32
          %dma_start3A_292 = tpu.memref_slice %arg7[%select_n3A_278, %dma_start3A_291] : memref<3x128xi32, #tpu.memory_space<vmem>> -> memref<1x128xi32, #tpu.memory_space<vmem>>
          %dma_start3A_293 = tpu.memref_squeeze %dma_start3A_292 : memref<1x128xi32, #tpu.memory_space<vmem>> -> memref<128xi32, #tpu.memory_space<vmem>>
          %dma_start3A_294 = tpu.memref_slice %arg3[%multiple_of3A_282] : memref<321536xi32, #tpu.memory_space<hbm>> -> memref<128xi32, #tpu.memory_space<hbm>>
          %dma_start3A_295 = arith.constant 0 : i32
          %dma_start3A_296 = tpu.memref_slice %arg7[%select_n3A_278, %dma_start3A_295] : memref<3x128xi32, #tpu.memory_space<vmem>> -> memref<1x128xi32, #tpu.memory_space<vmem>>
          %dma_start3A_297 = tpu.memref_squeeze %dma_start3A_296 : memref<1x128xi32, #tpu.memory_space<vmem>> -> memref<128xi32, #tpu.memory_space<vmem>>
          %dma_start3A_298 = tpu.memref_slice %arg3[%multiple_of3A_282] : memref<321536xi32, #tpu.memory_space<hbm>> -> memref<128xi32, #tpu.memory_space<hbm>>
          tpu.enqueue_dma source(%dma_start3A_298 : memref<128xi32, #tpu.memory_space<hbm>>) target(%dma_start3A_297 : memref<128xi32, #tpu.memory_space<vmem>>) target_semaphore(%arg10 : memref<!tpu.dma_semaphore, #tpu.memory_space<semaphore_mem>>)
        } else {
        }
        %dma_wait3A_209 = arith.constant 0 : i32
        %dma_wait3A_210 = arith.constant 0 : i32
        %dma_wait3A_211 = tpu.memref_slice %arg6[%dma_wait3A_209, %dma_wait3A_210] : memref<3x128xi32, #tpu.memory_space<vmem>> -> memref<1x128xi32, #tpu.memory_space<vmem>>
        %dma_wait3A_212 = tpu.memref_squeeze %dma_wait3A_211 : memref<1x128xi32, #tpu.memory_space<vmem>> -> memref<128xi32, #tpu.memory_space<vmem>>
        %dma_wait3A_213 = arith.constant 0 : i32
        %dma_wait3A_214 = tpu.memref_slice %arg2[%dma_wait3A_213] : memref<321536xi32, #tpu.memory_space<hbm>> -> memref<128xi32, #tpu.memory_space<hbm>>
        %dma_wait3A_215 = arith.constant 0 : i32
        %dma_wait3A_216 = tpu.memref_slice %arg6[%dma_wait3A_209, %dma_wait3A_215] : memref<3x128xi32, #tpu.memory_space<vmem>> -> memref<1x128xi32, #tpu.memory_space<vmem>>
        %dma_wait3A_217 = tpu.memref_squeeze %dma_wait3A_216 : memref<1x128xi32, #tpu.memory_space<vmem>> -> memref<128xi32, #tpu.memory_space<vmem>>
        %dma_wait3A_218 = arith.constant 0 : i32
        %dma_wait3A_219 = tpu.memref_slice %arg2[%dma_wait3A_218] : memref<321536xi32, #tpu.memory_space<hbm>> -> memref<128xi32, #tpu.memory_space<hbm>>
        tpu.wait_dma2 semaphore(%arg10 : memref<!tpu.dma_semaphore, #tpu.memory_space<semaphore_mem>>) src(%dma_wait3A_219 : memref<128xi32, #tpu.memory_space<hbm>>) dst(%dma_wait3A_217 : memref<128xi32, #tpu.memory_space<vmem>>)
        %dma_wait3A_220 = arith.constant 0 : i32
        %dma_wait3A_221 = arith.constant 0 : i32
        %dma_wait3A_222 = tpu.memref_slice %arg7[%dma_wait3A_220, %dma_wait3A_221] : memref<3x128xi32, #tpu.memory_space<vmem>> -> memref<1x128xi32, #tpu.memory_space<vmem>>
        %dma_wait3A_223 = tpu.memref_squeeze %dma_wait3A_222 : memref<1x128xi32, #tpu.memory_space<vmem>> -> memref<128xi32, #tpu.memory_space<vmem>>
        %dma_wait3A_224 = arith.constant 0 : i32
        %dma_wait3A_225 = tpu.memref_slice %arg3[%dma_wait3A_224] : memref<321536xi32, #tpu.memory_space<hbm>> -> memref<128xi32, #tpu.memory_space<hbm>>
        %dma_wait3A_226 = arith.constant 0 : i32
        %dma_wait3A_227 = tpu.memref_slice %arg7[%dma_wait3A_220, %dma_wait3A_226] : memref<3x128xi32, #tpu.memory_space<vmem>> -> memref<1x128xi32, #tpu.memory_space<vmem>>
        %dma_wait3A_228 = tpu.memref_squeeze %dma_wait3A_227 : memref<1x128xi32, #tpu.memory_space<vmem>> -> memref<128xi32, #tpu.memory_space<vmem>>
        %dma_wait3A_229 = arith.constant 0 : i32
        %dma_wait3A_230 = tpu.memref_slice %arg3[%dma_wait3A_229] : memref<321536xi32, #tpu.memory_space<hbm>> -> memref<128xi32, #tpu.memory_space<hbm>>
        tpu.wait_dma2 semaphore(%arg10 : memref<!tpu.dma_semaphore, #tpu.memory_space<semaphore_mem>>) src(%dma_wait3A_230 : memref<128xi32, #tpu.memory_space<hbm>>) dst(%dma_wait3A_228 : memref<128xi32, #tpu.memory_space<vmem>>)
        %add3A_231 = arith.constant 1 : i32
        %add3A_232 = arith.addi %while3A_137, %add3A_231 : i32
        %jit3A_233 = arith.constant 3 : i32
        %eq3A_234 = arith.constant 0 : i32
        %eq3A_235 = arith.cmpi eq, %jit3A_233, %eq3A_234 : i32
        %jit3A_236 = arith.constant 1 : i32
        %select_n3A_237 = arith.select %eq3A_235, %jit3A_236, %jit3A_233 : i32
        %rem3A_238 = arith.remsi %add3A_232, %select_n3A_237 : i32
        %ne3A_239 = arith.constant 0 : i32
        %ne3A_240 = arith.cmpi ne, %rem3A_238, %ne3A_239 : i32
        %lt3A_241 = arith.constant 0 : i32
        %lt3A_242 = arith.cmpi slt, %rem3A_238, %lt3A_241 : i32
        %lt3A_243 = arith.constant 0 : i32
        %lt3A_244 = arith.cmpi slt, %select_n3A_237, %lt3A_243 : i32
        %ne3A_245 = arith.xori %lt3A_242, %lt3A_244 : i1
        %and3A_246 = arith.andi %ne3A_245, %ne3A_240 : i1
        %add3A_247 = arith.addi %rem3A_238, %select_n3A_237 : i32
        %select_n3A_248 = arith.select %and3A_246, %add3A_247, %rem3A_238 : i32
        %dma_start3A_249 = arith.constant 0 : i32
        %dma_start3A_250 = arith.constant 0 : i32
        %dma_start3A_251 = tpu.memref_slice %arg8[%sub3A_156, %dma_start3A_249, %dma_start3A_250] : memref<2x128x128xf32, #tpu.memory_space<vmem>> -> memref<1x128x128xf32, #tpu.memory_space<vmem>>
        %dma_start3A_252 = tpu.memref_squeeze %dma_start3A_251 : memref<1x128x128xf32, #tpu.memory_space<vmem>> -> memref<128x128xf32, #tpu.memory_space<vmem>>
        %dma_start3A_253 = arith.constant 0 : i32
        %dma_start3A_254 = tpu.memref_slice %arg6[%select_n3A_248, %dma_start3A_253] : memref<3x128xi32, #tpu.memory_space<vmem>> -> memref<1x128xi32, #tpu.memory_space<vmem>>
        %dma_start3A_255 = tpu.memref_squeeze %dma_start3A_254 : memref<1x128xi32, #tpu.memory_space<vmem>> -> memref<128xi32, #tpu.memory_space<vmem>>
        %dma_start3A_256 = arith.constant 0 : i32
        %dma_start3A_257 = arith.constant 0 : i32
        %dma_start3A_258 = tpu.memref_slice %arg4[%dma_start3A_256, %dma_start3A_257] : memref<10240x128xf32, #tpu.memory_space<hbm>> -> memref<10240x128xf32, #tpu.memory_space<hbm>>
        tpu.enqueue_indirect_dma source(%dma_start3A_258 : memref<10240x128xf32, #tpu.memory_space<hbm>>) target(%dma_start3A_252 : memref<128x128xf32, #tpu.memory_space<vmem>>) offsets(%dma_start3A_255 : memref<128xi32, #tpu.memory_space<vmem>>) semaphore(%arg11 : memref<!tpu.dma_semaphore, #tpu.memory_space<semaphore_mem>>)
      } else {
      }
      %while3A_198 = arith.constant 0 : i32
      scf.yield %while3A_198 : i32
    }
    %sub3A = arith.constant 1 : i32
    %sub3A_108 = arith.subi %select_n3A, %sub3A : i32
    %jit3A_109 = arith.constant 2 : i32
    %eq3A_110 = arith.constant 0 : i32
    %eq3A_111 = arith.cmpi eq, %jit3A_109, %eq3A_110 : i32
    %jit3A_112 = arith.constant 1 : i32
    %select_n3A_113 = arith.select %eq3A_111, %jit3A_112, %jit3A_109 : i32
    %rem3A = arith.remsi %sub3A_108, %select_n3A_113 : i32
    %ne3A = arith.constant 0 : i32
    %ne3A_114 = arith.cmpi ne, %rem3A, %ne3A : i32
    %lt3A = arith.constant 0 : i32
    %lt3A_115 = arith.cmpi slt, %rem3A, %lt3A : i32
    %lt3A_116 = arith.constant 0 : i32
    %lt3A_117 = arith.cmpi slt, %select_n3A_113, %lt3A_116 : i32
    %ne3A_118 = arith.xori %lt3A_115, %lt3A_117 : i1
    %and3A = arith.andi %ne3A_118, %ne3A_114 : i1
    %add3A_119 = arith.addi %rem3A, %select_n3A_113 : i32
    %select_n3A_120 = arith.select %and3A, %add3A_119, %rem3A : i32
    %dma_wait3A_121 = arith.constant 0 : i32
    %dma_wait3A_122 = arith.constant 0 : i32
    %dma_wait3A_123 = arith.constant 0 : i32
    %dma_wait3A_124 = tpu.memref_slice %arg8[%select_n3A_120, %dma_wait3A_122, %dma_wait3A_123] : memref<2x128x128xf32, #tpu.memory_space<vmem>> -> memref<1x128x128xf32, #tpu.memory_space<vmem>>
    %dma_wait3A_125 = tpu.memref_squeeze %dma_wait3A_124 : memref<1x128x128xf32, #tpu.memory_space<vmem>> -> memref<128x128xf32, #tpu.memory_space<vmem>>
    %dma_wait3A_126 = arith.constant 0 : i32
    %dma_wait3A_127 = tpu.memref_slice %arg7[%dma_wait3A_121, %dma_wait3A_126] : memref<3x128xi32, #tpu.memory_space<vmem>> -> memref<1x128xi32, #tpu.memory_space<vmem>>
    %dma_wait3A_128 = tpu.memref_squeeze %dma_wait3A_127 : memref<1x128xi32, #tpu.memory_space<vmem>> -> memref<128xi32, #tpu.memory_space<vmem>>
    %dma_wait3A_129 = arith.constant 0 : i32
    %dma_wait3A_130 = arith.constant 0 : i32
    %dma_wait3A_131 = tpu.memref_slice %arg9[%dma_wait3A_129, %dma_wait3A_130] : memref<10240x128xf32, #tpu.memory_space<vmem_shared>> -> memref<10240x128xf32, #tpu.memory_space<vmem_shared>>
    tpu.wait_indirect_dma semaphore(%arg12 : memref<!tpu.dma_semaphore, #tpu.memory_space<semaphore_mem>>) src(%dma_wait3A_125 : memref<128x128xf32, #tpu.memory_space<vmem>>) dst(%dma_wait3A_131 : memref<10240x128xf32, #tpu.memory_space<vmem_shared>>)
    %barrier3A_132 = arith.constant 0 : index
    tpu.barrier barrier_id(%barrier3A_132)
    %mul3A_133 = arith.constant 640 : i32
    %mul3A_134 = arith.muli %arg1, %mul3A_133 : i32
    %mul3A_135 = arith.constant 640 : i32
    %mul3A_136 = arith.muli %arg1, %mul3A_135 : i32
    "tpu.region"() ({
      %run_scoped3A = tpu.sem_alloc : memref<!tpu.dma_semaphore, #tpu.memory_space<semaphore_mem>>
      %dma_start3A_137 = arith.constant 0 : i32
      %dma_start3A_138 = tpu.memref_slice %arg5[%arg0, %mul3A_136, %dma_start3A_137] : memref<2x10240x128xf32, #tpu.memory_space<hbm>> -> memref<1x640x128xf32, #tpu.memory_space<hbm>>
      %dma_start3A_139 = tpu.memref_squeeze %dma_start3A_138 : memref<1x640x128xf32, #tpu.memory_space<hbm>> -> memref<640x128xf32, #tpu.memory_space<hbm>>
      %dma_start3A_140 = arith.constant 0 : i32
      %dma_start3A_141 = tpu.memref_slice %arg9[%mul3A_134, %dma_start3A_140] : memref<10240x128xf32, #tpu.memory_space<vmem_shared>> -> memref<640x128xf32, #tpu.memory_space<vmem_shared>>
      tpu.enqueue_dma source(%dma_start3A_141 : memref<640x128xf32, #tpu.memory_space<vmem_shared>>) target(%dma_start3A_139 : memref<640x128xf32, #tpu.memory_space<hbm>>) target_semaphore(%run_scoped3A : memref<!tpu.dma_semaphore, #tpu.memory_space<semaphore_mem>>)
      %dma_wait3A_142 = arith.constant 0 : i32
      %dma_wait3A_143 = tpu.memref_slice %arg5[%arg0, %mul3A_136, %dma_wait3A_142] : memref<2x10240x128xf32, #tpu.memory_space<hbm>> -> memref<1x640x128xf32, #tpu.memory_space<hbm>>
      %dma_wait3A_144 = tpu.memref_squeeze %dma_wait3A_143 : memref<1x640x128xf32, #tpu.memory_space<hbm>> -> memref<640x128xf32, #tpu.memory_space<hbm>>
      %dma_wait3A_145 = arith.constant 0 : i32
      %dma_wait3A_146 = tpu.memref_slice %arg9[%mul3A_134, %dma_wait3A_145] : memref<10240x128xf32, #tpu.memory_space<vmem_shared>> -> memref<640x128xf32, #tpu.memory_space<vmem_shared>>
      tpu.wait_dma2 semaphore(%run_scoped3A : memref<!tpu.dma_semaphore, #tpu.memory_space<semaphore_mem>>) src(%dma_wait3A_146 : memref<640x128xf32, #tpu.memory_space<vmem_shared>>) dst(%dma_wait3A_144 : memref<640x128xf32, #tpu.memory_space<hbm>>)
      tpu.yield
    }) : () -> ()
    return
  }
}

#map = affine_map<(d0, d1) -> (0)>
#map1 = affine_map<(d0, d1) -> (0, 0)>
#map2 = affine_map<(d0, d1) -> (0, 0, 0)>
module attributes {stable_mosaic.version = 14 : i64} {
  func.func @_edge_body(%arg0: i32, %arg1: i32, %arg2: memref<321536xi32, #tpu.memory_space<hbm>>, %arg3: memref<321536xi32, #tpu.memory_space<hbm>>, %arg4: memref<10240x128xf32, #tpu.memory_space<hbm>>, %arg5: memref<2x10240x128xf32, #tpu.memory_space<hbm>>, %arg6: memref<3x128xi32, #tpu.memory_space<vmem>>, %arg7: memref<3x128xi32, #tpu.memory_space<vmem>>, %arg8: memref<2x128x128xf32, #tpu.memory_space<vmem>>, %arg9: memref<10240x128xf32, #tpu.memory_space<vmem_shared>>, %arg10: memref<!tpu.dma_semaphore, #tpu.memory_space<semaphore_mem>>, %arg11: memref<!tpu.dma_semaphore, #tpu.memory_space<semaphore_mem>>, %arg12: memref<!tpu.dma_semaphore, #tpu.memory_space<semaphore_mem>>) attributes {dimension_semantics = [#tpu.dimension_semantics<core_parallel>, #tpu.dimension_semantics<subcore_parallel>], iteration_bounds = array<i64: 2, 16>, scalar_prefetch = 0 : i64, scratch_operands = 7 : i64, tpu.core_type = #tpu.core_type<sc_vector_subcore>, window_params = [{transform_indices = #map}, {transform_indices = #map}, {transform_indices = #map1}, {transform_indices = #map2}]} {
    %eq3A = arith.constant 0 : i32
    %eq3A_0 = arith.cmpi eq, %arg0, %eq3A : i32
    %jit3A = arith.constant 122 : i32
    %jit3A_1 = arith.constant 35 : i32
    %select_n3A = arith.select %eq3A_0, %jit3A, %jit3A_1 : i32
    %eq3A_2 = arith.constant 0 : i32
    %eq3A_3 = arith.cmpi eq, %arg0, %eq3A_2 : i32
    %mul3A = arith.constant 122 : i32
    %mul3A_4 = arith.muli %arg1, %mul3A : i32
    %mul3A_5 = arith.constant 35 : i32
    %mul3A_6 = arith.muli %arg1, %mul3A_5 : i32
    %add3A = arith.constant 1952 : i32
    %add3A_7 = arith.addi %add3A, %mul3A_6 : i32
    %select_n3A_8 = arith.select %eq3A_3, %mul3A_4, %add3A_7 : i32
    %mul3A_9 = arith.constant 128 : i32
    %mul3A_10 = arith.muli %select_n3A_8, %mul3A_9 : i32
    %scan3A = arith.constant 0 : i32
    %scan3A_11 = arith.constant 0 : i32
    %scan3A_12 = arith.constant 128 : i32
    %scan3A_13 = arith.addi %scan3A_11, %scan3A_12 : i32
    %scan3A_14 = arith.constant 1 : i32
    %scan3A_15 = scf.for %scan3A_137 = %scan3A_11 to %scan3A_13 step %scan3A_14 iter_args(%scan3A_138 = %scan3A) -> (i32)  : i32 {
      %scan3A_139 = arith.constant 0 : i32
      %scan3A_140 = arith.constant 0 : i32
      %scan3A_141 = arith.constant 8 : i32
      %scan3A_142 = arith.addi %scan3A_140, %scan3A_141 : i32
      %scan3A_143 = arith.constant 1 : i32
      %scan3A_144 = scf.for %scan3A_147 = %scan3A_140 to %scan3A_142 step %scan3A_143 iter_args(%scan3A_148 = %scan3A_139) -> (i32)  : i32 {
        %broadcast_in_dim3A = arith.constant 0.000000e+00 : f32
        %broadcast_in_dim3A_149 = vector.broadcast %broadcast_in_dim3A : f32 to vector<16xf32>
        %mul3A_150 = arith.constant 16 : i32
        %mul3A_151 = arith.muli %scan3A_147, %mul3A_150 : i32
        %swap3A = arith.constant 0 : i32
        %swap3A_152 = arith.index_cast %swap3A : i32 to index
        %swap3A_153 = arith.index_cast %scan3A_137 : i32 to index
        %swap3A_154 = arith.index_cast %mul3A_151 : i32 to index
        %swap3A_155 = tpu.vector_load %arg8[%swap3A_152, %swap3A_153, %swap3A_154] {strides = array<i32>} : memref<2x128x128xf32, #tpu.memory_space<vmem>>, vector<1x1x16xf32>,
        %swap3A_156 = vector.shape_cast %swap3A_155 : vector<1x1x16xf32> to vector<16xf32>
        %swap3A_157 = vector.shape_cast %broadcast_in_dim3A_149 : vector<16xf32> to vector<1x1x16xf32>
        tpu.vector_store %arg8[%swap3A_152, %swap3A_153, %swap3A_154], %swap3A_157 {strides = array<i32>} : memref<2x128x128xf32, #tpu.memory_space<vmem>>, vector<1x1x16xf32>,
        %scan3A_158 = arith.constant 0 : i32
        scf.yield %scan3A_158 : i32
      }
      %scan3A_145 = arith.constant 8 : i32
      %scan3A_146 = arith.constant 0 : i32
      scf.yield %scan3A_146 : i32
    }
    %scan3A_16 = arith.constant 128 : i32
    %scan3A_17 = arith.constant 0 : i32
    %scan3A_18 = arith.constant 0 : i32
    %scan3A_19 = arith.constant 5 : i32
    %scan3A_20 = arith.addi %scan3A_18, %scan3A_19 : i32
    %scan3A_21 = arith.constant 1 : i32
    %scan3A_22 = scf.for %scan3A_137 = %scan3A_18 to %scan3A_20 step %scan3A_21 iter_args(%scan3A_138 = %scan3A_17) -> (i32)  : i32 {
      %mul3A_139 = arith.constant 640 : i32
      %mul3A_140 = arith.muli %arg1, %mul3A_139 : i32
      %mul3A_141 = arith.constant 128 : i32
      %mul3A_142 = arith.muli %scan3A_137, %mul3A_141 : i32
      %add3A_143 = arith.addi %mul3A_140, %mul3A_142 : i32
      %run_scoped3A = arith.constant 0 : i32
      "tpu.region"() ({
        %run_scoped3A_145 = tpu.sem_alloc : memref<!tpu.dma_semaphore, #tpu.memory_space<semaphore_mem>>
        %dma_start3A_146 = arith.constant 0 : i32
        %dma_start3A_147 = arith.constant 0 : i32
        %dma_start3A_148 = tpu.memref_slice %arg8[%run_scoped3A, %dma_start3A_146, %dma_start3A_147] : memref<2x128x128xf32, #tpu.memory_space<vmem>> -> memref<1x128x128xf32, #tpu.memory_space<vmem>>
        %dma_start3A_149 = tpu.memref_squeeze %dma_start3A_148 : memref<1x128x128xf32, #tpu.memory_space<vmem>> -> memref<128x128xf32, #tpu.memory_space<vmem>>
        %dma_start3A_150 = arith.constant 0 : i32
        %dma_start3A_151 = tpu.memref_slice %arg9[%add3A_143, %dma_start3A_150] : memref<10240x128xf32, #tpu.memory_space<vmem_shared>> -> memref<128x128xf32, #tpu.memory_space<vmem_shared>>
        %dma_start3A_152 = arith.constant 0 : i32
        %dma_start3A_153 = tpu.memref_slice %arg9[%add3A_143, %dma_start3A_152] : memref<10240x128xf32, #tpu.memory_space<vmem_shared>> -> memref<128x128xf32, #tpu.memory_space<vmem_shared>>
        %dma_start3A_154 = arith.constant 0 : i32
        %dma_start3A_155 = arith.constant 0 : i32
        %dma_start3A_156 = tpu.memref_slice %arg8[%run_scoped3A, %dma_start3A_154, %dma_start3A_155] : memref<2x128x128xf32, #tpu.memory_space<vmem>> -> memref<1x128x128xf32, #tpu.memory_space<vmem>>
        %dma_start3A_157 = tpu.memref_squeeze %dma_start3A_156 : memref<1x128x128xf32, #tpu.memory_space<vmem>> -> memref<128x128xf32, #tpu.memory_space<vmem>>
        tpu.enqueue_dma source(%dma_start3A_157 : memref<128x128xf32, #tpu.memory_space<vmem>>) target(%dma_start3A_153 : memref<128x128xf32, #tpu.memory_space<vmem_shared>>) target_semaphore(%run_scoped3A_145 : memref<!tpu.dma_semaphore, #tpu.memory_space<semaphore_mem>>)
        %dma_wait3A_158 = arith.constant 0 : i32
        %dma_wait3A_159 = arith.constant 0 : i32
        %dma_wait3A_160 = tpu.memref_slice %arg8[%run_scoped3A, %dma_wait3A_158, %dma_wait3A_159] : memref<2x128x128xf32, #tpu.memory_space<vmem>> -> memref<1x128x128xf32, #tpu.memory_space<vmem>>
        %dma_wait3A_161 = tpu.memref_squeeze %dma_wait3A_160 : memref<1x128x128xf32, #tpu.memory_space<vmem>> -> memref<128x128xf32, #tpu.memory_space<vmem>>
        %dma_wait3A_162 = arith.constant 0 : i32
        %dma_wait3A_163 = tpu.memref_slice %arg9[%add3A_143, %dma_wait3A_162] : memref<10240x128xf32, #tpu.memory_space<vmem_shared>> -> memref<128x128xf32, #tpu.memory_space<vmem_shared>>
        %dma_wait3A_164 = arith.constant 0 : i32
        %dma_wait3A_165 = tpu.memref_slice %arg9[%add3A_143, %dma_wait3A_164] : memref<10240x128xf32, #tpu.memory_space<vmem_shared>> -> memref<128x128xf32, #tpu.memory_space<vmem_shared>>
        %dma_wait3A_166 = arith.constant 0 : i32
        %dma_wait3A_167 = arith.constant 0 : i32
        %dma_wait3A_168 = tpu.memref_slice %arg8[%run_scoped3A, %dma_wait3A_166, %dma_wait3A_167] : memref<2x128x128xf32, #tpu.memory_space<vmem>> -> memref<1x128x128xf32, #tpu.memory_space<vmem>>
        %dma_wait3A_169 = tpu.memref_squeeze %dma_wait3A_168 : memref<1x128x128xf32, #tpu.memory_space<vmem>> -> memref<128x128xf32, #tpu.memory_space<vmem>>
        tpu.wait_dma2 semaphore(%run_scoped3A_145 : memref<!tpu.dma_semaphore, #tpu.memory_space<semaphore_mem>>) src(%dma_wait3A_169 : memref<128x128xf32, #tpu.memory_space<vmem>>) dst(%dma_wait3A_165 : memref<128x128xf32, #tpu.memory_space<vmem_shared>>)
        tpu.yield
      }) : () -> ()
      %scan3A_144 = arith.constant 0 : i32
      scf.yield %scan3A_144 : i32
    }
    %scan3A_23 = arith.constant 5 : i32
    %barrier3A = arith.constant 0 : index
    tpu.barrier barrier_id(%barrier3A)
    %add3A_24 = arith.constant 0 : i32
    %add3A_25 = arith.addi %mul3A_10, %add3A_24 : i32
    %multiple_of3A = tpu.assume_multiple %add3A_25, 128 : i32
    %dma_start3A = arith.constant 0 : i32
    %dma_start3A_26 = arith.constant 0 : i32
    %dma_start3A_27 = tpu.memref_slice %arg6[%dma_start3A, %dma_start3A_26] : memref<3x128xi32, #tpu.memory_space<vmem>> -> memref<1x128xi32, #tpu.memory_space<vmem>>
    %dma_start3A_28 = tpu.memref_squeeze %dma_start3A_27 : memref<1x128xi32, #tpu.memory_space<vmem>> -> memref<128xi32, #tpu.memory_space<vmem>>
    %dma_start3A_29 = tpu.memref_slice %arg2[%multiple_of3A] : memref<321536xi32, #tpu.memory_space<hbm>> -> memref<128xi32, #tpu.memory_space<hbm>>
    %dma_start3A_30 = arith.constant 0 : i32
    %dma_start3A_31 = tpu.memref_slice %arg6[%dma_start3A, %dma_start3A_30] : memref<3x128xi32, #tpu.memory_space<vmem>> -> memref<1x128xi32, #tpu.memory_space<vmem>>
    %dma_start3A_32 = tpu.memref_squeeze %dma_start3A_31 : memref<1x128xi32, #tpu.memory_space<vmem>> -> memref<128xi32, #tpu.memory_space<vmem>>
    %dma_start3A_33 = tpu.memref_slice %arg2[%multiple_of3A] : memref<321536xi32, #tpu.memory_space<hbm>> -> memref<128xi32, #tpu.memory_space<hbm>>
    tpu.enqueue_dma source(%dma_start3A_33 : memref<128xi32, #tpu.memory_space<hbm>>) target(%dma_start3A_32 : memref<128xi32, #tpu.memory_space<vmem>>) target_semaphore(%arg10 : memref<!tpu.dma_semaphore, #tpu.memory_space<semaphore_mem>>)
    %dma_start3A_34 = arith.constant 0 : i32
    %dma_start3A_35 = arith.constant 0 : i32
    %dma_start3A_36 = tpu.memref_slice %arg7[%dma_start3A_34, %dma_start3A_35] : memref<3x128xi32, #tpu.memory_space<vmem>> -> memref<1x128xi32, #tpu.memory_space<vmem>>
    %dma_start3A_37 = tpu.memref_squeeze %dma_start3A_36 : memref<1x128xi32, #tpu.memory_space<vmem>> -> memref<128xi32, #tpu.memory_space<vmem>>
    %dma_start3A_38 = tpu.memref_slice %arg3[%multiple_of3A] : memref<321536xi32, #tpu.memory_space<hbm>> -> memref<128xi32, #tpu.memory_space<hbm>>
    %dma_start3A_39 = arith.constant 0 : i32
    %dma_start3A_40 = tpu.memref_slice %arg7[%dma_start3A_34, %dma_start3A_39] : memref<3x128xi32, #tpu.memory_space<vmem>> -> memref<1x128xi32, #tpu.memory_space<vmem>>
    %dma_start3A_41 = tpu.memref_squeeze %dma_start3A_40 : memref<1x128xi32, #tpu.memory_space<vmem>> -> memref<128xi32, #tpu.memory_space<vmem>>
    %dma_start3A_42 = tpu.memref_slice %arg3[%multiple_of3A] : memref<321536xi32, #tpu.memory_space<hbm>> -> memref<128xi32, #tpu.memory_space<hbm>>
    tpu.enqueue_dma source(%dma_start3A_42 : memref<128xi32, #tpu.memory_space<hbm>>) target(%dma_start3A_41 : memref<128xi32, #tpu.memory_space<vmem>>) target_semaphore(%arg10 : memref<!tpu.dma_semaphore, #tpu.memory_space<semaphore_mem>>)
    %add3A_43 = arith.constant 128 : i32
    %add3A_44 = arith.addi %mul3A_10, %add3A_43 : i32
    %multiple_of3A_45 = tpu.assume_multiple %add3A_44, 128 : i32
    %dma_start3A_46 = arith.constant 1 : i32
    %dma_start3A_47 = arith.constant 0 : i32
    %dma_start3A_48 = tpu.memref_slice %arg6[%dma_start3A_46, %dma_start3A_47] : memref<3x128xi32, #tpu.memory_space<vmem>> -> memref<1x128xi32, #tpu.memory_space<vmem>>
    %dma_start3A_49 = tpu.memref_squeeze %dma_start3A_48 : memref<1x128xi32, #tpu.memory_space<vmem>> -> memref<128xi32, #tpu.memory_space<vmem>>
    %dma_start3A_50 = tpu.memref_slice %arg2[%multiple_of3A_45] : memref<321536xi32, #tpu.memory_space<hbm>> -> memref<128xi32, #tpu.memory_space<hbm>>
    %dma_start3A_51 = arith.constant 0 : i32
    %dma_start3A_52 = tpu.memref_slice %arg6[%dma_start3A_46, %dma_start3A_51] : memref<3x128xi32, #tpu.memory_space<vmem>> -> memref<1x128xi32, #tpu.memory_space<vmem>>
    %dma_start3A_53 = tpu.memref_squeeze %dma_start3A_52 : memref<1x128xi32, #tpu.memory_space<vmem>> -> memref<128xi32, #tpu.memory_space<vmem>>
    %dma_start3A_54 = tpu.memref_slice %arg2[%multiple_of3A_45] : memref<321536xi32, #tpu.memory_space<hbm>> -> memref<128xi32, #tpu.memory_space<hbm>>
    tpu.enqueue_dma source(%dma_start3A_54 : memref<128xi32, #tpu.memory_space<hbm>>) target(%dma_start3A_53 : memref<128xi32, #tpu.memory_space<vmem>>) target_semaphore(%arg10 : memref<!tpu.dma_semaphore, #tpu.memory_space<semaphore_mem>>)
    %dma_start3A_55 = arith.constant 1 : i32
    %dma_start3A_56 = arith.constant 0 : i32
    %dma_start3A_57 = tpu.memref_slice %arg7[%dma_start3A_55, %dma_start3A_56] : memref<3x128xi32, #tpu.memory_space<vmem>> -> memref<1x128xi32, #tpu.memory_space<vmem>>
    %dma_start3A_58 = tpu.memref_squeeze %dma_start3A_57 : memref<1x128xi32, #tpu.memory_space<vmem>> -> memref<128xi32, #tpu.memory_space<vmem>>
    %dma_start3A_59 = tpu.memref_slice %arg3[%multiple_of3A_45] : memref<321536xi32, #tpu.memory_space<hbm>> -> memref<128xi32, #tpu.memory_space<hbm>>
    %dma_start3A_60 = arith.constant 0 : i32
    %dma_start3A_61 = tpu.memref_slice %arg7[%dma_start3A_55, %dma_start3A_60] : memref<3x128xi32, #tpu.memory_space<vmem>> -> memref<1x128xi32, #tpu.memory_space<vmem>>
    %dma_start3A_62 = tpu.memref_squeeze %dma_start3A_61 : memref<1x128xi32, #tpu.memory_space<vmem>> -> memref<128xi32, #tpu.memory_space<vmem>>
    %dma_start3A_63 = tpu.memref_slice %arg3[%multiple_of3A_45] : memref<321536xi32, #tpu.memory_space<hbm>> -> memref<128xi32, #tpu.memory_space<hbm>>
    tpu.enqueue_dma source(%dma_start3A_63 : memref<128xi32, #tpu.memory_space<hbm>>) target(%dma_start3A_62 : memref<128xi32, #tpu.memory_space<vmem>>) target_semaphore(%arg10 : memref<!tpu.dma_semaphore, #tpu.memory_space<semaphore_mem>>)
    %dma_wait3A = arith.constant 0 : i32
    %dma_wait3A_64 = arith.constant 0 : i32
    %dma_wait3A_65 = tpu.memref_slice %arg6[%dma_wait3A, %dma_wait3A_64] : memref<3x128xi32, #tpu.memory_space<vmem>> -> memref<1x128xi32, #tpu.memory_space<vmem>>
    %dma_wait3A_66 = tpu.memref_squeeze %dma_wait3A_65 : memref<1x128xi32, #tpu.memory_space<vmem>> -> memref<128xi32, #tpu.memory_space<vmem>>
    %dma_wait3A_67 = arith.constant 0 : i32
    %dma_wait3A_68 = tpu.memref_slice %arg2[%dma_wait3A_67] : memref<321536xi32, #tpu.memory_space<hbm>> -> memref<128xi32, #tpu.memory_space<hbm>>
    %dma_wait3A_69 = arith.constant 0 : i32
    %dma_wait3A_70 = tpu.memref_slice %arg6[%dma_wait3A, %dma_wait3A_69] : memref<3x128xi32, #tpu.memory_space<vmem>> -> memref<1x128xi32, #tpu.memory_space<vmem>>
    %dma_wait3A_71 = tpu.memref_squeeze %dma_wait3A_70 : memref<1x128xi32, #tpu.memory_space<vmem>> -> memref<128xi32, #tpu.memory_space<vmem>>
    %dma_wait3A_72 = arith.constant 0 : i32
    %dma_wait3A_73 = tpu.memref_slice %arg2[%dma_wait3A_72] : memref<321536xi32, #tpu.memory_space<hbm>> -> memref<128xi32, #tpu.memory_space<hbm>>
    tpu.wait_dma2 semaphore(%arg10 : memref<!tpu.dma_semaphore, #tpu.memory_space<semaphore_mem>>) src(%dma_wait3A_73 : memref<128xi32, #tpu.memory_space<hbm>>) dst(%dma_wait3A_71 : memref<128xi32, #tpu.memory_space<vmem>>)
    %dma_wait3A_74 = arith.constant 0 : i32
    %dma_wait3A_75 = arith.constant 0 : i32
    %dma_wait3A_76 = tpu.memref_slice %arg7[%dma_wait3A_74, %dma_wait3A_75] : memref<3x128xi32, #tpu.memory_space<vmem>> -> memref<1x128xi32, #tpu.memory_space<vmem>>
    %dma_wait3A_77 = tpu.memref_squeeze %dma_wait3A_76 : memref<1x128xi32, #tpu.memory_space<vmem>> -> memref<128xi32, #tpu.memory_space<vmem>>
    %dma_wait3A_78 = arith.constant 0 : i32
    %dma_wait3A_79 = tpu.memref_slice %arg3[%dma_wait3A_78] : memref<321536xi32, #tpu.memory_space<hbm>> -> memref<128xi32, #tpu.memory_space<hbm>>
    %dma_wait3A_80 = arith.constant 0 : i32
    %dma_wait3A_81 = tpu.memref_slice %arg7[%dma_wait3A_74, %dma_wait3A_80] : memref<3x128xi32, #tpu.memory_space<vmem>> -> memref<1x128xi32, #tpu.memory_space<vmem>>
    %dma_wait3A_82 = tpu.memref_squeeze %dma_wait3A_81 : memref<1x128xi32, #tpu.memory_space<vmem>> -> memref<128xi32, #tpu.memory_space<vmem>>
    %dma_wait3A_83 = arith.constant 0 : i32
    %dma_wait3A_84 = tpu.memref_slice %arg3[%dma_wait3A_83] : memref<321536xi32, #tpu.memory_space<hbm>> -> memref<128xi32, #tpu.memory_space<hbm>>
    tpu.wait_dma2 semaphore(%arg10 : memref<!tpu.dma_semaphore, #tpu.memory_space<semaphore_mem>>) src(%dma_wait3A_84 : memref<128xi32, #tpu.memory_space<hbm>>) dst(%dma_wait3A_82 : memref<128xi32, #tpu.memory_space<vmem>>)
    %dma_start3A_85 = arith.constant 0 : i32
    %dma_start3A_86 = arith.constant 0 : i32
    %dma_start3A_87 = arith.constant 0 : i32
    %dma_start3A_88 = arith.constant 0 : i32
    %dma_start3A_89 = tpu.memref_slice %arg8[%dma_start3A_86, %dma_start3A_87, %dma_start3A_88] : memref<2x128x128xf32, #tpu.memory_space<vmem>> -> memref<1x128x128xf32, #tpu.memory_space<vmem>>
    %dma_start3A_90 = tpu.memref_squeeze %dma_start3A_89 : memref<1x128x128xf32, #tpu.memory_space<vmem>> -> memref<128x128xf32, #tpu.memory_space<vmem>>
    %dma_start3A_91 = arith.constant 0 : i32
    %dma_start3A_92 = tpu.memref_slice %arg6[%dma_start3A_85, %dma_start3A_91] : memref<3x128xi32, #tpu.memory_space<vmem>> -> memref<1x128xi32, #tpu.memory_space<vmem>>
    %dma_start3A_93 = tpu.memref_squeeze %dma_start3A_92 : memref<1x128xi32, #tpu.memory_space<vmem>> -> memref<128xi32, #tpu.memory_space<vmem>>
    %dma_start3A_94 = arith.constant 0 : i32
    %dma_start3A_95 = arith.constant 0 : i32
    %dma_start3A_96 = tpu.memref_slice %arg4[%dma_start3A_94, %dma_start3A_95] : memref<10240x128xf32, #tpu.memory_space<hbm>> -> memref<10240x128xf32, #tpu.memory_space<hbm>>
    tpu.enqueue_indirect_dma source(%dma_start3A_96 : memref<10240x128xf32, #tpu.memory_space<hbm>>) target(%dma_start3A_90 : memref<128x128xf32, #tpu.memory_space<vmem>>) offsets(%dma_start3A_93 : memref<128xi32, #tpu.memory_space<vmem>>) semaphore(%arg11 : memref<!tpu.dma_semaphore, #tpu.memory_space<semaphore_mem>>)
    %while3A = arith.constant 0 : i32
    %while3A_97 = arith.constant 0 : i32
    %while3A_98 = arith.subi %select_n3A, %while3A : i32
    %while3A_99 = arith.addi %while3A, %while3A_98 : i32
    %while3A_100 = arith.constant 1 : i32
    %while3A_101 = arith.divsi %while3A_98, %while3A_100 : i32
    %while3A_102 = arith.muli %while3A_101, %while3A_100 : i32
    %while3A_103 = arith.addi %while3A, %while3A_102 : i32
    %while3A_104 = arith.constant 1 : i32
    %while3A_105 = scf.for %while3A_137 = %while3A to %while3A_103 step %while3A_104 iter_args(%while3A_138 = %while3A_97) -> (i32)  : i32 {
      %jit3A_139 = arith.constant 2 : i32
      %eq3A_140 = arith.constant 0 : i32
      %eq3A_141 = arith.cmpi eq, %jit3A_139, %eq3A_140 : i32
      %jit3A_142 = arith.constant 1 : i32
      %select_n3A_143 = arith.select %eq3A_141, %jit3A_142, %jit3A_139 : i32
      %rem3A_144 = arith.remsi %while3A_137, %select_n3A_143 : i32
      %ne3A_145 = arith.constant 0 : i32
      %ne3A_146 = arith.cmpi ne, %rem3A_144, %ne3A_145 : i32
      %lt3A_147 = arith.constant 0 : i32
      %lt3A_148 = arith.cmpi slt, %rem3A_144, %lt3A_147 : i32
      %lt3A_149 = arith.constant 0 : i32
      %lt3A_150 = arith.cmpi slt, %select_n3A_143, %lt3A_149 : i32
      %ne3A_151 = arith.xori %lt3A_148, %lt3A_150 : i1
      %and3A_152 = arith.andi %ne3A_151, %ne3A_146 : i1
      %add3A_153 = arith.addi %rem3A_144, %select_n3A_143 : i32
      %select_n3A_154 = arith.select %and3A_152, %add3A_153, %rem3A_144 : i32
      %sub3A_155 = arith.constant 1 : i32
      %sub3A_156 = arith.subi %sub3A_155, %select_n3A_154 : i32
      %dma_wait3A_157 = arith.constant 0 : i32
      %dma_wait3A_158 = arith.constant 0 : i32
      %dma_wait3A_159 = arith.constant 0 : i32
      %dma_wait3A_160 = tpu.memref_slice %arg8[%select_n3A_154, %dma_wait3A_158, %dma_wait3A_159] : memref<2x128x128xf32, #tpu.memory_space<vmem>> -> memref<1x128x128xf32, #tpu.memory_space<vmem>>
      %dma_wait3A_161 = tpu.memref_squeeze %dma_wait3A_160 : memref<1x128x128xf32, #tpu.memory_space<vmem>> -> memref<128x128xf32, #tpu.memory_space<vmem>>
      %dma_wait3A_162 = arith.constant 0 : i32
      %dma_wait3A_163 = tpu.memref_slice %arg6[%dma_wait3A_157, %dma_wait3A_162] : memref<3x128xi32, #tpu.memory_space<vmem>> -> memref<1x128xi32, #tpu.memory_space<vmem>>
      %dma_wait3A_164 = tpu.memref_squeeze %dma_wait3A_163 : memref<1x128xi32, #tpu.memory_space<vmem>> -> memref<128xi32, #tpu.memory_space<vmem>>
      %dma_wait3A_165 = arith.constant 0 : i32
      %dma_wait3A_166 = arith.constant 0 : i32
      %dma_wait3A_167 = tpu.memref_slice %arg4[%dma_wait3A_165, %dma_wait3A_166] : memref<10240x128xf32, #tpu.memory_space<hbm>> -> memref<10240x128xf32, #tpu.memory_space<hbm>>
      tpu.wait_indirect_dma semaphore(%arg11 : memref<!tpu.dma_semaphore, #tpu.memory_space<semaphore_mem>>) src(%dma_wait3A_167 : memref<10240x128xf32, #tpu.memory_space<hbm>>) dst(%dma_wait3A_161 : memref<128x128xf32, #tpu.memory_space<vmem>>)
      %jit3A_168 = arith.constant 3 : i32
      %eq3A_169 = arith.constant 0 : i32
      %eq3A_170 = arith.cmpi eq, %jit3A_168, %eq3A_169 : i32
      %jit3A_171 = arith.constant 1 : i32
      %select_n3A_172 = arith.select %eq3A_170, %jit3A_171, %jit3A_168 : i32
      %rem3A_173 = arith.remsi %while3A_137, %select_n3A_172 : i32
      %ne3A_174 = arith.constant 0 : i32
      %ne3A_175 = arith.cmpi ne, %rem3A_173, %ne3A_174 : i32
      %lt3A_176 = arith.constant 0 : i32
      %lt3A_177 = arith.cmpi slt, %rem3A_173, %lt3A_176 : i32
      %lt3A_178 = arith.constant 0 : i32
      %lt3A_179 = arith.cmpi slt, %select_n3A_172, %lt3A_178 : i32
      %ne3A_180 = arith.xori %lt3A_177, %lt3A_179 : i1
      %and3A_181 = arith.andi %ne3A_180, %ne3A_175 : i1
      %add3A_182 = arith.addi %rem3A_173, %select_n3A_172 : i32
      %select_n3A_183 = arith.select %and3A_181, %add3A_182, %rem3A_173 : i32
      %dma_start3A_184 = arith.constant 0 : i32
      %dma_start3A_185 = arith.constant 0 : i32
      %dma_start3A_186 = tpu.memref_slice %arg8[%select_n3A_154, %dma_start3A_184, %dma_start3A_185] : memref<2x128x128xf32, #tpu.memory_space<vmem>> -> memref<1x128x128xf32, #tpu.memory_space<vmem>>
      %dma_start3A_187 = tpu.memref_squeeze %dma_start3A_186 : memref<1x128x128xf32, #tpu.memory_space<vmem>> -> memref<128x128xf32, #tpu.memory_space<vmem>>
      %dma_start3A_188 = arith.constant 0 : i32
      %dma_start3A_189 = tpu.memref_slice %arg7[%select_n3A_183, %dma_start3A_188] : memref<3x128xi32, #tpu.memory_space<vmem>> -> memref<1x128xi32, #tpu.memory_space<vmem>>
      %dma_start3A_190 = tpu.memref_squeeze %dma_start3A_189 : memref<1x128xi32, #tpu.memory_space<vmem>> -> memref<128xi32, #tpu.memory_space<vmem>>
      %dma_start3A_191 = arith.constant 0 : i32
      %dma_start3A_192 = arith.constant 0 : i32
      %dma_start3A_193 = tpu.memref_slice %arg9[%dma_start3A_191, %dma_start3A_192] : memref<10240x128xf32, #tpu.memory_space<vmem_shared>> -> memref<10240x128xf32, #tpu.memory_space<vmem_shared>>
      tpu.enqueue_indirect_dma source(%dma_start3A_187 : memref<128x128xf32, #tpu.memory_space<vmem>>) target(%dma_start3A_193 : memref<10240x128xf32, #tpu.memory_space<vmem_shared>>) offsets(%dma_start3A_190 : memref<128xi32, #tpu.memory_space<vmem>>) semaphore(%arg12 : memref<!tpu.dma_semaphore, #tpu.memory_space<semaphore_mem>>) {add = true}
      %add3A_194 = arith.constant 1 : i32
      %add3A_195 = arith.addi %while3A_137, %add3A_194 : i32
      %lt3A_196 = arith.cmpi slt, %add3A_195, %select_n3A : i32
      %convert_element_type3A = arith.extui %lt3A_196 : i1 to i32
      %cond3A = arith.constant 0 : i32
      %cond3A_197 = arith.cmpi ne, %convert_element_type3A, %cond3A : i32
      scf.if %cond3A_197 {
        %ge3A = arith.constant 1 : i32
        %ge3A_199 = arith.cmpi sge, %while3A_137, %ge3A : i32
        %convert_element_type3A_200 = arith.extui %ge3A_199 : i1 to i32
        %cond3A_201 = arith.constant 0 : i32
        %cond3A_202 = arith.cmpi ne, %convert_element_type3A_200, %cond3A_201 : i32
        scf.if %cond3A_202 {
          %dma_wait3A_259 = arith.constant 0 : i32
          %dma_wait3A_260 = arith.constant 0 : i32
          %dma_wait3A_261 = arith.constant 0 : i32
          %dma_wait3A_262 = tpu.memref_slice %arg8[%sub3A_156, %dma_wait3A_260, %dma_wait3A_261] : memref<2x128x128xf32, #tpu.memory_space<vmem>> -> memref<1x128x128xf32, #tpu.memory_space<vmem>>
          %dma_wait3A_263 = tpu.memref_squeeze %dma_wait3A_262 : memref<1x128x128xf32, #tpu.memory_space<vmem>> -> memref<128x128xf32, #tpu.memory_space<vmem>>
          %dma_wait3A_264 = arith.constant 0 : i32
          %dma_wait3A_265 = tpu.memref_slice %arg7[%dma_wait3A_259, %dma_wait3A_264] : memref<3x128xi32, #tpu.memory_space<vmem>> -> memref<1x128xi32, #tpu.memory_space<vmem>>
          %dma_wait3A_266 = tpu.memref_squeeze %dma_wait3A_265 : memref<1x128xi32, #tpu.memory_space<vmem>> -> memref<128xi32, #tpu.memory_space<vmem>>
          %dma_wait3A_267 = arith.constant 0 : i32
          %dma_wait3A_268 = arith.constant 0 : i32
          %dma_wait3A_269 = tpu.memref_slice %arg9[%dma_wait3A_267, %dma_wait3A_268] : memref<10240x128xf32, #tpu.memory_space<vmem_shared>> -> memref<10240x128xf32, #tpu.memory_space<vmem_shared>>
          tpu.wait_indirect_dma semaphore(%arg12 : memref<!tpu.dma_semaphore, #tpu.memory_space<semaphore_mem>>) src(%dma_wait3A_263 : memref<128x128xf32, #tpu.memory_space<vmem>>) dst(%dma_wait3A_269 : memref<10240x128xf32, #tpu.memory_space<vmem_shared>>)
        } else {
        }
        %add3A_203 = arith.constant 2 : i32
        %add3A_204 = arith.addi %while3A_137, %add3A_203 : i32
        %lt3A_205 = arith.cmpi slt, %add3A_204, %select_n3A : i32
        %convert_element_type3A_206 = arith.extui %lt3A_205 : i1 to i32
        %cond3A_207 = arith.constant 0 : i32
        %cond3A_208 = arith.cmpi ne, %convert_element_type3A_206, %cond3A_207 : i32
        scf.if %cond3A_208 {
          %add3A_259 = arith.constant 2 : i32
          %add3A_260 = arith.addi %while3A_137, %add3A_259 : i32
          %add3A_261 = arith.constant 2 : i32
          %add3A_262 = arith.addi %while3A_137, %add3A_261 : i32
          %jit3A_263 = arith.constant 3 : i32
          %eq3A_264 = arith.constant 0 : i32
          %eq3A_265 = arith.cmpi eq, %jit3A_263, %eq3A_264 : i32
          %jit3A_266 = arith.constant 1 : i32
          %select_n3A_267 = arith.select %eq3A_265, %jit3A_266, %jit3A_263 : i32
          %rem3A_268 = arith.remsi %add3A_262, %select_n3A_267 : i32
          %ne3A_269 = arith.constant 0 : i32
          %ne3A_270 = arith.cmpi ne, %rem3A_268, %ne3A_269 : i32
          %lt3A_271 = arith.constant 0 : i32
          %lt3A_272 = arith.cmpi slt, %rem3A_268, %lt3A_271 : i32
          %lt3A_273 = arith.constant 0 : i32
          %lt3A_274 = arith.cmpi slt, %select_n3A_267, %lt3A_273 : i32
          %ne3A_275 = arith.xori %lt3A_272, %lt3A_274 : i1
          %and3A_276 = arith.andi %ne3A_275, %ne3A_270 : i1
          %add3A_277 = arith.addi %rem3A_268, %select_n3A_267 : i32
          %select_n3A_278 = arith.select %and3A_276, %add3A_277, %rem3A_268 : i32
          %mul3A_279 = arith.constant 128 : i32
          %mul3A_280 = arith.muli %add3A_260, %mul3A_279 : i32
          %add3A_281 = arith.addi %mul3A_10, %mul3A_280 : i32
          %multiple_of3A_282 = tpu.assume_multiple %add3A_281, 128 : i32
          %dma_start3A_283 = arith.constant 0 : i32
          %dma_start3A_284 = tpu.memref_slice %arg6[%select_n3A_278, %dma_start3A_283] : memref<3x128xi32, #tpu.memory_space<vmem>> -> memref<1x128xi32, #tpu.memory_space<vmem>>
          %dma_start3A_285 = tpu.memref_squeeze %dma_start3A_284 : memref<1x128xi32, #tpu.memory_space<vmem>> -> memref<128xi32, #tpu.memory_space<vmem>>
          %dma_start3A_286 = tpu.memref_slice %arg2[%multiple_of3A_282] : memref<321536xi32, #tpu.memory_space<hbm>> -> memref<128xi32, #tpu.memory_space<hbm>>
          %dma_start3A_287 = arith.constant 0 : i32
          %dma_start3A_288 = tpu.memref_slice %arg6[%select_n3A_278, %dma_start3A_287] : memref<3x128xi32, #tpu.memory_space<vmem>> -> memref<1x128xi32, #tpu.memory_space<vmem>>
          %dma_start3A_289 = tpu.memref_squeeze %dma_start3A_288 : memref<1x128xi32, #tpu.memory_space<vmem>> -> memref<128xi32, #tpu.memory_space<vmem>>
          %dma_start3A_290 = tpu.memref_slice %arg2[%multiple_of3A_282] : memref<321536xi32, #tpu.memory_space<hbm>> -> memref<128xi32, #tpu.memory_space<hbm>>
          tpu.enqueue_dma source(%dma_start3A_290 : memref<128xi32, #tpu.memory_space<hbm>>) target(%dma_start3A_289 : memref<128xi32, #tpu.memory_space<vmem>>) target_semaphore(%arg10 : memref<!tpu.dma_semaphore, #tpu.memory_space<semaphore_mem>>)
          %dma_start3A_291 = arith.constant 0 : i32
          %dma_start3A_292 = tpu.memref_slice %arg7[%select_n3A_278, %dma_start3A_291] : memref<3x128xi32, #tpu.memory_space<vmem>> -> memref<1x128xi32, #tpu.memory_space<vmem>>
          %dma_start3A_293 = tpu.memref_squeeze %dma_start3A_292 : memref<1x128xi32, #tpu.memory_space<vmem>> -> memref<128xi32, #tpu.memory_space<vmem>>
          %dma_start3A_294 = tpu.memref_slice %arg3[%multiple_of3A_282] : memref<321536xi32, #tpu.memory_space<hbm>> -> memref<128xi32, #tpu.memory_space<hbm>>
          %dma_start3A_295 = arith.constant 0 : i32
          %dma_start3A_296 = tpu.memref_slice %arg7[%select_n3A_278, %dma_start3A_295] : memref<3x128xi32, #tpu.memory_space<vmem>> -> memref<1x128xi32, #tpu.memory_space<vmem>>
          %dma_start3A_297 = tpu.memref_squeeze %dma_start3A_296 : memref<1x128xi32, #tpu.memory_space<vmem>> -> memref<128xi32, #tpu.memory_space<vmem>>
          %dma_start3A_298 = tpu.memref_slice %arg3[%multiple_of3A_282] : memref<321536xi32, #tpu.memory_space<hbm>> -> memref<128xi32, #tpu.memory_space<hbm>>
          tpu.enqueue_dma source(%dma_start3A_298 : memref<128xi32, #tpu.memory_space<hbm>>) target(%dma_start3A_297 : memref<128xi32, #tpu.memory_space<vmem>>) target_semaphore(%arg10 : memref<!tpu.dma_semaphore, #tpu.memory_space<semaphore_mem>>)
        } else {
        }
        %dma_wait3A_209 = arith.constant 0 : i32
        %dma_wait3A_210 = arith.constant 0 : i32
        %dma_wait3A_211 = tpu.memref_slice %arg6[%dma_wait3A_209, %dma_wait3A_210] : memref<3x128xi32, #tpu.memory_space<vmem>> -> memref<1x128xi32, #tpu.memory_space<vmem>>
        %dma_wait3A_212 = tpu.memref_squeeze %dma_wait3A_211 : memref<1x128xi32, #tpu.memory_space<vmem>> -> memref<128xi32, #tpu.memory_space<vmem>>
        %dma_wait3A_213 = arith.constant 0 : i32
        %dma_wait3A_214 = tpu.memref_slice %arg2[%dma_wait3A_213] : memref<321536xi32, #tpu.memory_space<hbm>> -> memref<128xi32, #tpu.memory_space<hbm>>
        %dma_wait3A_215 = arith.constant 0 : i32
        %dma_wait3A_216 = tpu.memref_slice %arg6[%dma_wait3A_209, %dma_wait3A_215] : memref<3x128xi32, #tpu.memory_space<vmem>> -> memref<1x128xi32, #tpu.memory_space<vmem>>
        %dma_wait3A_217 = tpu.memref_squeeze %dma_wait3A_216 : memref<1x128xi32, #tpu.memory_space<vmem>> -> memref<128xi32, #tpu.memory_space<vmem>>
        %dma_wait3A_218 = arith.constant 0 : i32
        %dma_wait3A_219 = tpu.memref_slice %arg2[%dma_wait3A_218] : memref<321536xi32, #tpu.memory_space<hbm>> -> memref<128xi32, #tpu.memory_space<hbm>>
        tpu.wait_dma2 semaphore(%arg10 : memref<!tpu.dma_semaphore, #tpu.memory_space<semaphore_mem>>) src(%dma_wait3A_219 : memref<128xi32, #tpu.memory_space<hbm>>) dst(%dma_wait3A_217 : memref<128xi32, #tpu.memory_space<vmem>>)
        %dma_wait3A_220 = arith.constant 0 : i32
        %dma_wait3A_221 = arith.constant 0 : i32
        %dma_wait3A_222 = tpu.memref_slice %arg7[%dma_wait3A_220, %dma_wait3A_221] : memref<3x128xi32, #tpu.memory_space<vmem>> -> memref<1x128xi32, #tpu.memory_space<vmem>>
        %dma_wait3A_223 = tpu.memref_squeeze %dma_wait3A_222 : memref<1x128xi32, #tpu.memory_space<vmem>> -> memref<128xi32, #tpu.memory_space<vmem>>
        %dma_wait3A_224 = arith.constant 0 : i32
        %dma_wait3A_225 = tpu.memref_slice %arg3[%dma_wait3A_224] : memref<321536xi32, #tpu.memory_space<hbm>> -> memref<128xi32, #tpu.memory_space<hbm>>
        %dma_wait3A_226 = arith.constant 0 : i32
        %dma_wait3A_227 = tpu.memref_slice %arg7[%dma_wait3A_220, %dma_wait3A_226] : memref<3x128xi32, #tpu.memory_space<vmem>> -> memref<1x128xi32, #tpu.memory_space<vmem>>
        %dma_wait3A_228 = tpu.memref_squeeze %dma_wait3A_227 : memref<1x128xi32, #tpu.memory_space<vmem>> -> memref<128xi32, #tpu.memory_space<vmem>>
        %dma_wait3A_229 = arith.constant 0 : i32
        %dma_wait3A_230 = tpu.memref_slice %arg3[%dma_wait3A_229] : memref<321536xi32, #tpu.memory_space<hbm>> -> memref<128xi32, #tpu.memory_space<hbm>>
        tpu.wait_dma2 semaphore(%arg10 : memref<!tpu.dma_semaphore, #tpu.memory_space<semaphore_mem>>) src(%dma_wait3A_230 : memref<128xi32, #tpu.memory_space<hbm>>) dst(%dma_wait3A_228 : memref<128xi32, #tpu.memory_space<vmem>>)
        %add3A_231 = arith.constant 1 : i32
        %add3A_232 = arith.addi %while3A_137, %add3A_231 : i32
        %jit3A_233 = arith.constant 3 : i32
        %eq3A_234 = arith.constant 0 : i32
        %eq3A_235 = arith.cmpi eq, %jit3A_233, %eq3A_234 : i32
        %jit3A_236 = arith.constant 1 : i32
        %select_n3A_237 = arith.select %eq3A_235, %jit3A_236, %jit3A_233 : i32
        %rem3A_238 = arith.remsi %add3A_232, %select_n3A_237 : i32
        %ne3A_239 = arith.constant 0 : i32
        %ne3A_240 = arith.cmpi ne, %rem3A_238, %ne3A_239 : i32
        %lt3A_241 = arith.constant 0 : i32
        %lt3A_242 = arith.cmpi slt, %rem3A_238, %lt3A_241 : i32
        %lt3A_243 = arith.constant 0 : i32
        %lt3A_244 = arith.cmpi slt, %select_n3A_237, %lt3A_243 : i32
        %ne3A_245 = arith.xori %lt3A_242, %lt3A_244 : i1
        %and3A_246 = arith.andi %ne3A_245, %ne3A_240 : i1
        %add3A_247 = arith.addi %rem3A_238, %select_n3A_237 : i32
        %select_n3A_248 = arith.select %and3A_246, %add3A_247, %rem3A_238 : i32
        %dma_start3A_249 = arith.constant 0 : i32
        %dma_start3A_250 = arith.constant 0 : i32
        %dma_start3A_251 = tpu.memref_slice %arg8[%sub3A_156, %dma_start3A_249, %dma_start3A_250] : memref<2x128x128xf32, #tpu.memory_space<vmem>> -> memref<1x128x128xf32, #tpu.memory_space<vmem>>
        %dma_start3A_252 = tpu.memref_squeeze %dma_start3A_251 : memref<1x128x128xf32, #tpu.memory_space<vmem>> -> memref<128x128xf32, #tpu.memory_space<vmem>>
        %dma_start3A_253 = arith.constant 0 : i32
        %dma_start3A_254 = tpu.memref_slice %arg6[%select_n3A_248, %dma_start3A_253] : memref<3x128xi32, #tpu.memory_space<vmem>> -> memref<1x128xi32, #tpu.memory_space<vmem>>
        %dma_start3A_255 = tpu.memref_squeeze %dma_start3A_254 : memref<1x128xi32, #tpu.memory_space<vmem>> -> memref<128xi32, #tpu.memory_space<vmem>>
        %dma_start3A_256 = arith.constant 0 : i32
        %dma_start3A_257 = arith.constant 0 : i32
        %dma_start3A_258 = tpu.memref_slice %arg4[%dma_start3A_256, %dma_start3A_257] : memref<10240x128xf32, #tpu.memory_space<hbm>> -> memref<10240x128xf32, #tpu.memory_space<hbm>>
        tpu.enqueue_indirect_dma source(%dma_start3A_258 : memref<10240x128xf32, #tpu.memory_space<hbm>>) target(%dma_start3A_252 : memref<128x128xf32, #tpu.memory_space<vmem>>) offsets(%dma_start3A_255 : memref<128xi32, #tpu.memory_space<vmem>>) semaphore(%arg11 : memref<!tpu.dma_semaphore, #tpu.memory_space<semaphore_mem>>)
      } else {
      }
      %while3A_198 = arith.constant 0 : i32
      scf.yield %while3A_198 : i32
    }
    %while3A_106 = arith.constant 1 : i32
    %while3A_107 = scf.for %while3A_137 = %while3A_103 to %while3A_99 step %while3A_106 iter_args(%while3A_138 = %while3A_105) -> (i32)  : i32 {
      %jit3A_139 = arith.constant 2 : i32
      %eq3A_140 = arith.constant 0 : i32
      %eq3A_141 = arith.cmpi eq, %jit3A_139, %eq3A_140 : i32
      %jit3A_142 = arith.constant 1 : i32
      %select_n3A_143 = arith.select %eq3A_141, %jit3A_142, %jit3A_139 : i32
      %rem3A_144 = arith.remsi %while3A_137, %select_n3A_143 : i32
      %ne3A_145 = arith.constant 0 : i32
      %ne3A_146 = arith.cmpi ne, %rem3A_144, %ne3A_145 : i32
      %lt3A_147 = arith.constant 0 : i32
      %lt3A_148 = arith.cmpi slt, %rem3A_144, %lt3A_147 : i32
      %lt3A_149 = arith.constant 0 : i32
      %lt3A_150 = arith.cmpi slt, %select_n3A_143, %lt3A_149 : i32
      %ne3A_151 = arith.xori %lt3A_148, %lt3A_150 : i1
      %and3A_152 = arith.andi %ne3A_151, %ne3A_146 : i1
      %add3A_153 = arith.addi %rem3A_144, %select_n3A_143 : i32
      %select_n3A_154 = arith.select %and3A_152, %add3A_153, %rem3A_144 : i32
      %sub3A_155 = arith.constant 1 : i32
      %sub3A_156 = arith.subi %sub3A_155, %select_n3A_154 : i32
      %dma_wait3A_157 = arith.constant 0 : i32
      %dma_wait3A_158 = arith.constant 0 : i32
      %dma_wait3A_159 = arith.constant 0 : i32
      %dma_wait3A_160 = tpu.memref_slice %arg8[%select_n3A_154, %dma_wait3A_158, %dma_wait3A_159] : memref<2x128x128xf32, #tpu.memory_space<vmem>> -> memref<1x128x128xf32, #tpu.memory_space<vmem>>
      %dma_wait3A_161 = tpu.memref_squeeze %dma_wait3A_160 : memref<1x128x128xf32, #tpu.memory_space<vmem>> -> memref<128x128xf32, #tpu.memory_space<vmem>>
      %dma_wait3A_162 = arith.constant 0 : i32
      %dma_wait3A_163 = tpu.memref_slice %arg6[%dma_wait3A_157, %dma_wait3A_162] : memref<3x128xi32, #tpu.memory_space<vmem>> -> memref<1x128xi32, #tpu.memory_space<vmem>>
      %dma_wait3A_164 = tpu.memref_squeeze %dma_wait3A_163 : memref<1x128xi32, #tpu.memory_space<vmem>> -> memref<128xi32, #tpu.memory_space<vmem>>
      %dma_wait3A_165 = arith.constant 0 : i32
      %dma_wait3A_166 = arith.constant 0 : i32
      %dma_wait3A_167 = tpu.memref_slice %arg4[%dma_wait3A_165, %dma_wait3A_166] : memref<10240x128xf32, #tpu.memory_space<hbm>> -> memref<10240x128xf32, #tpu.memory_space<hbm>>
      tpu.wait_indirect_dma semaphore(%arg11 : memref<!tpu.dma_semaphore, #tpu.memory_space<semaphore_mem>>) src(%dma_wait3A_167 : memref<10240x128xf32, #tpu.memory_space<hbm>>) dst(%dma_wait3A_161 : memref<128x128xf32, #tpu.memory_space<vmem>>)
      %jit3A_168 = arith.constant 3 : i32
      %eq3A_169 = arith.constant 0 : i32
      %eq3A_170 = arith.cmpi eq, %jit3A_168, %eq3A_169 : i32
      %jit3A_171 = arith.constant 1 : i32
      %select_n3A_172 = arith.select %eq3A_170, %jit3A_171, %jit3A_168 : i32
      %rem3A_173 = arith.remsi %while3A_137, %select_n3A_172 : i32
      %ne3A_174 = arith.constant 0 : i32
      %ne3A_175 = arith.cmpi ne, %rem3A_173, %ne3A_174 : i32
      %lt3A_176 = arith.constant 0 : i32
      %lt3A_177 = arith.cmpi slt, %rem3A_173, %lt3A_176 : i32
      %lt3A_178 = arith.constant 0 : i32
      %lt3A_179 = arith.cmpi slt, %select_n3A_172, %lt3A_178 : i32
      %ne3A_180 = arith.xori %lt3A_177, %lt3A_179 : i1
      %and3A_181 = arith.andi %ne3A_180, %ne3A_175 : i1
      %add3A_182 = arith.addi %rem3A_173, %select_n3A_172 : i32
      %select_n3A_183 = arith.select %and3A_181, %add3A_182, %rem3A_173 : i32
      %dma_start3A_184 = arith.constant 0 : i32
      %dma_start3A_185 = arith.constant 0 : i32
      %dma_start3A_186 = tpu.memref_slice %arg8[%select_n3A_154, %dma_start3A_184, %dma_start3A_185] : memref<2x128x128xf32, #tpu.memory_space<vmem>> -> memref<1x128x128xf32, #tpu.memory_space<vmem>>
      %dma_start3A_187 = tpu.memref_squeeze %dma_start3A_186 : memref<1x128x128xf32, #tpu.memory_space<vmem>> -> memref<128x128xf32, #tpu.memory_space<vmem>>
      %dma_start3A_188 = arith.constant 0 : i32
      %dma_start3A_189 = tpu.memref_slice %arg7[%select_n3A_183, %dma_start3A_188] : memref<3x128xi32, #tpu.memory_space<vmem>> -> memref<1x128xi32, #tpu.memory_space<vmem>>
      %dma_start3A_190 = tpu.memref_squeeze %dma_start3A_189 : memref<1x128xi32, #tpu.memory_space<vmem>> -> memref<128xi32, #tpu.memory_space<vmem>>
      %dma_start3A_191 = arith.constant 0 : i32
      %dma_start3A_192 = arith.constant 0 : i32
      %dma_start3A_193 = tpu.memref_slice %arg9[%dma_start3A_191, %dma_start3A_192] : memref<10240x128xf32, #tpu.memory_space<vmem_shared>> -> memref<10240x128xf32, #tpu.memory_space<vmem_shared>>
      tpu.enqueue_indirect_dma source(%dma_start3A_187 : memref<128x128xf32, #tpu.memory_space<vmem>>) target(%dma_start3A_193 : memref<10240x128xf32, #tpu.memory_space<vmem_shared>>) offsets(%dma_start3A_190 : memref<128xi32, #tpu.memory_space<vmem>>) semaphore(%arg12 : memref<!tpu.dma_semaphore, #tpu.memory_space<semaphore_mem>>) {add = true}
      %add3A_194 = arith.constant 1 : i32
      %add3A_195 = arith.addi %while3A_137, %add3A_194 : i32
      %lt3A_196 = arith.cmpi slt, %add3A_195, %select_n3A : i32
      %convert_element_type3A = arith.extui %lt3A_196 : i1 to i32
      %cond3A = arith.constant 0 : i32
      %cond3A_197 = arith.cmpi ne, %convert_element_type3A, %cond3A : i32
      scf.if %cond3A_197 {
        %ge3A = arith.constant 1 : i32
        %ge3A_199 = arith.cmpi sge, %while3A_137, %ge3A : i32
        %convert_element_type3A_200 = arith.extui %ge3A_199 : i1 to i32
        %cond3A_201 = arith.constant 0 : i32
        %cond3A_202 = arith.cmpi ne, %convert_element_type3A_200, %cond3A_201 : i32
        scf.if %cond3A_202 {
          %dma_wait3A_259 = arith.constant 0 : i32
          %dma_wait3A_260 = arith.constant 0 : i32
          %dma_wait3A_261 = arith.constant 0 : i32
          %dma_wait3A_262 = tpu.memref_slice %arg8[%sub3A_156, %dma_wait3A_260, %dma_wait3A_261] : memref<2x128x128xf32, #tpu.memory_space<vmem>> -> memref<1x128x128xf32, #tpu.memory_space<vmem>>
          %dma_wait3A_263 = tpu.memref_squeeze %dma_wait3A_262 : memref<1x128x128xf32, #tpu.memory_space<vmem>> -> memref<128x128xf32, #tpu.memory_space<vmem>>
          %dma_wait3A_264 = arith.constant 0 : i32
          %dma_wait3A_265 = tpu.memref_slice %arg7[%dma_wait3A_259, %dma_wait3A_264] : memref<3x128xi32, #tpu.memory_space<vmem>> -> memref<1x128xi32, #tpu.memory_space<vmem>>
          %dma_wait3A_266 = tpu.memref_squeeze %dma_wait3A_265 : memref<1x128xi32, #tpu.memory_space<vmem>> -> memref<128xi32, #tpu.memory_space<vmem>>
          %dma_wait3A_267 = arith.constant 0 : i32
          %dma_wait3A_268 = arith.constant 0 : i32
          %dma_wait3A_269 = tpu.memref_slice %arg9[%dma_wait3A_267, %dma_wait3A_268] : memref<10240x128xf32, #tpu.memory_space<vmem_shared>> -> memref<10240x128xf32, #tpu.memory_space<vmem_shared>>
          tpu.wait_indirect_dma semaphore(%arg12 : memref<!tpu.dma_semaphore, #tpu.memory_space<semaphore_mem>>) src(%dma_wait3A_263 : memref<128x128xf32, #tpu.memory_space<vmem>>) dst(%dma_wait3A_269 : memref<10240x128xf32, #tpu.memory_space<vmem_shared>>)
        } else {
        }
        %add3A_203 = arith.constant 2 : i32
        %add3A_204 = arith.addi %while3A_137, %add3A_203 : i32
        %lt3A_205 = arith.cmpi slt, %add3A_204, %select_n3A : i32
        %convert_element_type3A_206 = arith.extui %lt3A_205 : i1 to i32
        %cond3A_207 = arith.constant 0 : i32
        %cond3A_208 = arith.cmpi ne, %convert_element_type3A_206, %cond3A_207 : i32
        scf.if %cond3A_208 {
          %add3A_259 = arith.constant 2 : i32
          %add3A_260 = arith.addi %while3A_137, %add3A_259 : i32
          %add3A_261 = arith.constant 2 : i32
          %add3A_262 = arith.addi %while3A_137, %add3A_261 : i32
          %jit3A_263 = arith.constant 3 : i32
          %eq3A_264 = arith.constant 0 : i32
          %eq3A_265 = arith.cmpi eq, %jit3A_263, %eq3A_264 : i32
          %jit3A_266 = arith.constant 1 : i32
          %select_n3A_267 = arith.select %eq3A_265, %jit3A_266, %jit3A_263 : i32
          %rem3A_268 = arith.remsi %add3A_262, %select_n3A_267 : i32
          %ne3A_269 = arith.constant 0 : i32
          %ne3A_270 = arith.cmpi ne, %rem3A_268, %ne3A_269 : i32
          %lt3A_271 = arith.constant 0 : i32
          %lt3A_272 = arith.cmpi slt, %rem3A_268, %lt3A_271 : i32
          %lt3A_273 = arith.constant 0 : i32
          %lt3A_274 = arith.cmpi slt, %select_n3A_267, %lt3A_273 : i32
          %ne3A_275 = arith.xori %lt3A_272, %lt3A_274 : i1
          %and3A_276 = arith.andi %ne3A_275, %ne3A_270 : i1
          %add3A_277 = arith.addi %rem3A_268, %select_n3A_267 : i32
          %select_n3A_278 = arith.select %and3A_276, %add3A_277, %rem3A_268 : i32
          %mul3A_279 = arith.constant 128 : i32
          %mul3A_280 = arith.muli %add3A_260, %mul3A_279 : i32
          %add3A_281 = arith.addi %mul3A_10, %mul3A_280 : i32
          %multiple_of3A_282 = tpu.assume_multiple %add3A_281, 128 : i32
          %dma_start3A_283 = arith.constant 0 : i32
          %dma_start3A_284 = tpu.memref_slice %arg6[%select_n3A_278, %dma_start3A_283] : memref<3x128xi32, #tpu.memory_space<vmem>> -> memref<1x128xi32, #tpu.memory_space<vmem>>
          %dma_start3A_285 = tpu.memref_squeeze %dma_start3A_284 : memref<1x128xi32, #tpu.memory_space<vmem>> -> memref<128xi32, #tpu.memory_space<vmem>>
          %dma_start3A_286 = tpu.memref_slice %arg2[%multiple_of3A_282] : memref<321536xi32, #tpu.memory_space<hbm>> -> memref<128xi32, #tpu.memory_space<hbm>>
          %dma_start3A_287 = arith.constant 0 : i32
          %dma_start3A_288 = tpu.memref_slice %arg6[%select_n3A_278, %dma_start3A_287] : memref<3x128xi32, #tpu.memory_space<vmem>> -> memref<1x128xi32, #tpu.memory_space<vmem>>
          %dma_start3A_289 = tpu.memref_squeeze %dma_start3A_288 : memref<1x128xi32, #tpu.memory_space<vmem>> -> memref<128xi32, #tpu.memory_space<vmem>>
          %dma_start3A_290 = tpu.memref_slice %arg2[%multiple_of3A_282] : memref<321536xi32, #tpu.memory_space<hbm>> -> memref<128xi32, #tpu.memory_space<hbm>>
          tpu.enqueue_dma source(%dma_start3A_290 : memref<128xi32, #tpu.memory_space<hbm>>) target(%dma_start3A_289 : memref<128xi32, #tpu.memory_space<vmem>>) target_semaphore(%arg10 : memref<!tpu.dma_semaphore, #tpu.memory_space<semaphore_mem>>)
          %dma_start3A_291 = arith.constant 0 : i32
          %dma_start3A_292 = tpu.memref_slice %arg7[%select_n3A_278, %dma_start3A_291] : memref<3x128xi32, #tpu.memory_space<vmem>> -> memref<1x128xi32, #tpu.memory_space<vmem>>
          %dma_start3A_293 = tpu.memref_squeeze %dma_start3A_292 : memref<1x128xi32, #tpu.memory_space<vmem>> -> memref<128xi32, #tpu.memory_space<vmem>>
          %dma_start3A_294 = tpu.memref_slice %arg3[%multiple_of3A_282] : memref<321536xi32, #tpu.memory_space<hbm>> -> memref<128xi32, #tpu.memory_space<hbm>>
          %dma_start3A_295 = arith.constant 0 : i32
          %dma_start3A_296 = tpu.memref_slice %arg7[%select_n3A_278, %dma_start3A_295] : memref<3x128xi32, #tpu.memory_space<vmem>> -> memref<1x128xi32, #tpu.memory_space<vmem>>
          %dma_start3A_297 = tpu.memref_squeeze %dma_start3A_296 : memref<1x128xi32, #tpu.memory_space<vmem>> -> memref<128xi32, #tpu.memory_space<vmem>>
          %dma_start3A_298 = tpu.memref_slice %arg3[%multiple_of3A_282] : memref<321536xi32, #tpu.memory_space<hbm>> -> memref<128xi32, #tpu.memory_space<hbm>>
          tpu.enqueue_dma source(%dma_start3A_298 : memref<128xi32, #tpu.memory_space<hbm>>) target(%dma_start3A_297 : memref<128xi32, #tpu.memory_space<vmem>>) target_semaphore(%arg10 : memref<!tpu.dma_semaphore, #tpu.memory_space<semaphore_mem>>)
        } else {
        }
        %dma_wait3A_209 = arith.constant 0 : i32
        %dma_wait3A_210 = arith.constant 0 : i32
        %dma_wait3A_211 = tpu.memref_slice %arg6[%dma_wait3A_209, %dma_wait3A_210] : memref<3x128xi32, #tpu.memory_space<vmem>> -> memref<1x128xi32, #tpu.memory_space<vmem>>
        %dma_wait3A_212 = tpu.memref_squeeze %dma_wait3A_211 : memref<1x128xi32, #tpu.memory_space<vmem>> -> memref<128xi32, #tpu.memory_space<vmem>>
        %dma_wait3A_213 = arith.constant 0 : i32
        %dma_wait3A_214 = tpu.memref_slice %arg2[%dma_wait3A_213] : memref<321536xi32, #tpu.memory_space<hbm>> -> memref<128xi32, #tpu.memory_space<hbm>>
        %dma_wait3A_215 = arith.constant 0 : i32
        %dma_wait3A_216 = tpu.memref_slice %arg6[%dma_wait3A_209, %dma_wait3A_215] : memref<3x128xi32, #tpu.memory_space<vmem>> -> memref<1x128xi32, #tpu.memory_space<vmem>>
        %dma_wait3A_217 = tpu.memref_squeeze %dma_wait3A_216 : memref<1x128xi32, #tpu.memory_space<vmem>> -> memref<128xi32, #tpu.memory_space<vmem>>
        %dma_wait3A_218 = arith.constant 0 : i32
        %dma_wait3A_219 = tpu.memref_slice %arg2[%dma_wait3A_218] : memref<321536xi32, #tpu.memory_space<hbm>> -> memref<128xi32, #tpu.memory_space<hbm>>
        tpu.wait_dma2 semaphore(%arg10 : memref<!tpu.dma_semaphore, #tpu.memory_space<semaphore_mem>>) src(%dma_wait3A_219 : memref<128xi32, #tpu.memory_space<hbm>>) dst(%dma_wait3A_217 : memref<128xi32, #tpu.memory_space<vmem>>)
        %dma_wait3A_220 = arith.constant 0 : i32
        %dma_wait3A_221 = arith.constant 0 : i32
        %dma_wait3A_222 = tpu.memref_slice %arg7[%dma_wait3A_220, %dma_wait3A_221] : memref<3x128xi32, #tpu.memory_space<vmem>> -> memref<1x128xi32, #tpu.memory_space<vmem>>
        %dma_wait3A_223 = tpu.memref_squeeze %dma_wait3A_222 : memref<1x128xi32, #tpu.memory_space<vmem>> -> memref<128xi32, #tpu.memory_space<vmem>>
        %dma_wait3A_224 = arith.constant 0 : i32
        %dma_wait3A_225 = tpu.memref_slice %arg3[%dma_wait3A_224] : memref<321536xi32, #tpu.memory_space<hbm>> -> memref<128xi32, #tpu.memory_space<hbm>>
        %dma_wait3A_226 = arith.constant 0 : i32
        %dma_wait3A_227 = tpu.memref_slice %arg7[%dma_wait3A_220, %dma_wait3A_226] : memref<3x128xi32, #tpu.memory_space<vmem>> -> memref<1x128xi32, #tpu.memory_space<vmem>>
        %dma_wait3A_228 = tpu.memref_squeeze %dma_wait3A_227 : memref<1x128xi32, #tpu.memory_space<vmem>> -> memref<128xi32, #tpu.memory_space<vmem>>
        %dma_wait3A_229 = arith.constant 0 : i32
        %dma_wait3A_230 = tpu.memref_slice %arg3[%dma_wait3A_229] : memref<321536xi32, #tpu.memory_space<hbm>> -> memref<128xi32, #tpu.memory_space<hbm>>
        tpu.wait_dma2 semaphore(%arg10 : memref<!tpu.dma_semaphore, #tpu.memory_space<semaphore_mem>>) src(%dma_wait3A_230 : memref<128xi32, #tpu.memory_space<hbm>>) dst(%dma_wait3A_228 : memref<128xi32, #tpu.memory_space<vmem>>)
        %add3A_231 = arith.constant 1 : i32
        %add3A_232 = arith.addi %while3A_137, %add3A_231 : i32
        %jit3A_233 = arith.constant 3 : i32
        %eq3A_234 = arith.constant 0 : i32
        %eq3A_235 = arith.cmpi eq, %jit3A_233, %eq3A_234 : i32
        %jit3A_236 = arith.constant 1 : i32
        %select_n3A_237 = arith.select %eq3A_235, %jit3A_236, %jit3A_233 : i32
        %rem3A_238 = arith.remsi %add3A_232, %select_n3A_237 : i32
        %ne3A_239 = arith.constant 0 : i32
        %ne3A_240 = arith.cmpi ne, %rem3A_238, %ne3A_239 : i32
        %lt3A_241 = arith.constant 0 : i32
        %lt3A_242 = arith.cmpi slt, %rem3A_238, %lt3A_241 : i32
        %lt3A_243 = arith.constant 0 : i32
        %lt3A_244 = arith.cmpi slt, %select_n3A_237, %lt3A_243 : i32
        %ne3A_245 = arith.xori %lt3A_242, %lt3A_244 : i1
        %and3A_246 = arith.andi %ne3A_245, %ne3A_240 : i1
        %add3A_247 = arith.addi %rem3A_238, %select_n3A_237 : i32
        %select_n3A_248 = arith.select %and3A_246, %add3A_247, %rem3A_238 : i32
        %dma_start3A_249 = arith.constant 0 : i32
        %dma_start3A_250 = arith.constant 0 : i32
        %dma_start3A_251 = tpu.memref_slice %arg8[%sub3A_156, %dma_start3A_249, %dma_start3A_250] : memref<2x128x128xf32, #tpu.memory_space<vmem>> -> memref<1x128x128xf32, #tpu.memory_space<vmem>>
        %dma_start3A_252 = tpu.memref_squeeze %dma_start3A_251 : memref<1x128x128xf32, #tpu.memory_space<vmem>> -> memref<128x128xf32, #tpu.memory_space<vmem>>
        %dma_start3A_253 = arith.constant 0 : i32
        %dma_start3A_254 = tpu.memref_slice %arg6[%select_n3A_248, %dma_start3A_253] : memref<3x128xi32, #tpu.memory_space<vmem>> -> memref<1x128xi32, #tpu.memory_space<vmem>>
        %dma_start3A_255 = tpu.memref_squeeze %dma_start3A_254 : memref<1x128xi32, #tpu.memory_space<vmem>> -> memref<128xi32, #tpu.memory_space<vmem>>
        %dma_start3A_256 = arith.constant 0 : i32
        %dma_start3A_257 = arith.constant 0 : i32
        %dma_start3A_258 = tpu.memref_slice %arg4[%dma_start3A_256, %dma_start3A_257] : memref<10240x128xf32, #tpu.memory_space<hbm>> -> memref<10240x128xf32, #tpu.memory_space<hbm>>
        tpu.enqueue_indirect_dma source(%dma_start3A_258 : memref<10240x128xf32, #tpu.memory_space<hbm>>) target(%dma_start3A_252 : memref<128x128xf32, #tpu.memory_space<vmem>>) offsets(%dma_start3A_255 : memref<128xi32, #tpu.memory_space<vmem>>) semaphore(%arg11 : memref<!tpu.dma_semaphore, #tpu.memory_space<semaphore_mem>>)
      } else {
      }
      %while3A_198 = arith.constant 0 : i32
      scf.yield %while3A_198 : i32
    }
    %sub3A = arith.constant 1 : i32
    %sub3A_108 = arith.subi %select_n3A, %sub3A : i32
    %jit3A_109 = arith.constant 2 : i32
    %eq3A_110 = arith.constant 0 : i32
    %eq3A_111 = arith.cmpi eq, %jit3A_109, %eq3A_110 : i32
    %jit3A_112 = arith.constant 1 : i32
    %select_n3A_113 = arith.select %eq3A_111, %jit3A_112, %jit3A_109 : i32
    %rem3A = arith.remsi %sub3A_108, %select_n3A_113 : i32
    %ne3A = arith.constant 0 : i32
    %ne3A_114 = arith.cmpi ne, %rem3A, %ne3A : i32
    %lt3A = arith.constant 0 : i32
    %lt3A_115 = arith.cmpi slt, %rem3A, %lt3A : i32
    %lt3A_116 = arith.constant 0 : i32
    %lt3A_117 = arith.cmpi slt, %select_n3A_113, %lt3A_116 : i32
    %ne3A_118 = arith.xori %lt3A_115, %lt3A_117 : i1
    %and3A = arith.andi %ne3A_118, %ne3A_114 : i1
    %add3A_119 = arith.addi %rem3A, %select_n3A_113 : i32
    %select_n3A_120 = arith.select %and3A, %add3A_119, %rem3A : i32
    %dma_wait3A_121 = arith.constant 0 : i32
    %dma_wait3A_122 = arith.constant 0 : i32
    %dma_wait3A_123 = arith.constant 0 : i32
    %dma_wait3A_124 = tpu.memref_slice %arg8[%select_n3A_120, %dma_wait3A_122, %dma_wait3A_123] : memref<2x128x128xf32, #tpu.memory_space<vmem>> -> memref<1x128x128xf32, #tpu.memory_space<vmem>>
    %dma_wait3A_125 = tpu.memref_squeeze %dma_wait3A_124 : memref<1x128x128xf32, #tpu.memory_space<vmem>> -> memref<128x128xf32, #tpu.memory_space<vmem>>
    %dma_wait3A_126 = arith.constant 0 : i32
    %dma_wait3A_127 = tpu.memref_slice %arg7[%dma_wait3A_121, %dma_wait3A_126] : memref<3x128xi32, #tpu.memory_space<vmem>> -> memref<1x128xi32, #tpu.memory_space<vmem>>
    %dma_wait3A_128 = tpu.memref_squeeze %dma_wait3A_127 : memref<1x128xi32, #tpu.memory_space<vmem>> -> memref<128xi32, #tpu.memory_space<vmem>>
    %dma_wait3A_129 = arith.constant 0 : i32
    %dma_wait3A_130 = arith.constant 0 : i32
    %dma_wait3A_131 = tpu.memref_slice %arg9[%dma_wait3A_129, %dma_wait3A_130] : memref<10240x128xf32, #tpu.memory_space<vmem_shared>> -> memref<10240x128xf32, #tpu.memory_space<vmem_shared>>
    tpu.wait_indirect_dma semaphore(%arg12 : memref<!tpu.dma_semaphore, #tpu.memory_space<semaphore_mem>>) src(%dma_wait3A_125 : memref<128x128xf32, #tpu.memory_space<vmem>>) dst(%dma_wait3A_131 : memref<10240x128xf32, #tpu.memory_space<vmem_shared>>)
    %barrier3A_132 = arith.constant 0 : index
    tpu.barrier barrier_id(%barrier3A_132)
    %mul3A_133 = arith.constant 640 : i32
    %mul3A_134 = arith.muli %arg1, %mul3A_133 : i32
    %mul3A_135 = arith.constant 640 : i32
    %mul3A_136 = arith.muli %arg1, %mul3A_135 : i32
    "tpu.region"() ({
      %run_scoped3A = tpu.sem_alloc : memref<!tpu.dma_semaphore, #tpu.memory_space<semaphore_mem>>
      %dma_start3A_137 = arith.constant 0 : i32
      %dma_start3A_138 = tpu.memref_slice %arg5[%arg0, %mul3A_136, %dma_start3A_137] : memref<2x10240x128xf32, #tpu.memory_space<hbm>> -> memref<1x640x128xf32, #tpu.memory_space<hbm>>
      %dma_start3A_139 = tpu.memref_squeeze %dma_start3A_138 : memref<1x640x128xf32, #tpu.memory_space<hbm>> -> memref<640x128xf32, #tpu.memory_space<hbm>>
      %dma_start3A_140 = arith.constant 0 : i32
      %dma_start3A_141 = tpu.memref_slice %arg9[%mul3A_134, %dma_start3A_140] : memref<10240x128xf32, #tpu.memory_space<vmem_shared>> -> memref<640x128xf32, #tpu.memory_space<vmem_shared>>
      tpu.enqueue_dma source(%dma_start3A_141 : memref<640x128xf32, #tpu.memory_space<vmem_shared>>) target(%dma_start3A_139 : memref<640x128xf32, #tpu.memory_space<hbm>>) target_semaphore(%run_scoped3A : memref<!tpu.dma_semaphore, #tpu.memory_space<semaphore_mem>>)
      %dma_wait3A_142 = arith.constant 0 : i32
      %dma_wait3A_143 = tpu.memref_slice %arg5[%arg0, %mul3A_136, %dma_wait3A_142] : memref<2x10240x128xf32, #tpu.memory_space<hbm>> -> memref<1x640x128xf32, #tpu.memory_space<hbm>>
      %dma_wait3A_144 = tpu.memref_squeeze %dma_wait3A_143 : memref<1x640x128xf32, #tpu.memory_space<hbm>> -> memref<640x128xf32, #tpu.memory_space<hbm>>
      %dma_wait3A_145 = arith.constant 0 : i32
      %dma_wait3A_146 = tpu.memref_slice %arg9[%mul3A_134, %dma_wait3A_145] : memref<10240x128xf32, #tpu.memory_space<vmem_shared>> -> memref<640x128xf32, #tpu.memory_space<vmem_shared>>
      tpu.wait_dma2 semaphore(%run_scoped3A : memref<!tpu.dma_semaphore, #tpu.memory_space<semaphore_mem>>) src(%dma_wait3A_146 : memref<640x128xf32, #tpu.memory_space<vmem_shared>>) dst(%dma_wait3A_144 : memref<640x128xf32, #tpu.memory_space<hbm>>)
      tpu.yield
    }) : () -> ()
    return
  }
}

module attributes {stable_mosaic.version = 14 : i64} {
  func.func @_enc_body(%arg0: i32, %arg1: memref<1280x128xf32, #tpu.memory_space<vmem>>, %arg2: memref<128x128xf32, #tpu.memory_space<vmem>>, %arg3: memref<1x128xf32, #tpu.memory_space<vmem>>, %arg4: memref<128x128xf32, #tpu.memory_space<vmem>>, %arg5: memref<1x128xf32, #tpu.memory_space<vmem>>, %arg6: memref<1280x128xf32, #tpu.memory_space<vmem>>) attributes {dimension_semantics = [#tpu.dimension_semantics<arbitrary>], iteration_bounds = array<i64: 8>, scalar_prefetch = 0 : i64, scratch_operands = 0 : i64, tpu.core_type = #tpu.core_type<tc>, window_params = [{transform_indices = @transform_0, window_bounds = array<i64: 1280, 128>}, {pipeline_mode = #tpu.pipeline_mode<synchronous>, transform_indices = @transform_1, window_bounds = array<i64: 128, 128>}, {pipeline_mode = #tpu.pipeline_mode<synchronous>, transform_indices = @transform_2, window_bounds = array<i64: 1, 128>}, {pipeline_mode = #tpu.pipeline_mode<synchronous>, transform_indices = @transform_3, window_bounds = array<i64: 128, 128>}, {pipeline_mode = #tpu.pipeline_mode<synchronous>, transform_indices = @transform_4, window_bounds = array<i64: 1, 128>}, {transform_indices = @transform_5, window_bounds = array<i64: 1280, 128>}]} {
    %get3A = arith.constant 0 : index
    %get3A_0 = arith.constant 0 : index
    %get3A_1 = vector.load %arg1[%get3A, %get3A_0] : memref<1280x128xf32, #tpu.memory_space<vmem>>, vector<1280x128xf32>
    %get3A_2 = arith.constant 0 : index
    %get3A_3 = arith.constant 0 : index
    %get3A_4 = vector.load %arg2[%get3A_2, %get3A_3] : memref<128x128xf32, #tpu.memory_space<vmem>>, vector<128x128xf32>
    %dot_general3A = arith.constant dense<0.000000e+00> : vector<1280x128xf32>
    %dot_general3A_5 = tpu.matmul %get3A_1, %get3A_4, %dot_general3A {dimension_numbers = #tpu.dot_dimension_numbers<[1], [0], [0], [1], [0, 0, 1, 1], [], []>, transpose_lhs_hint = false} : vector<1280x128xf32>, vector<128x128xf32>, vector<1280x128xf32> -> vector<1280x128xf32>
    %get3A_6 = arith.constant 0 : index
    %get3A_7 = arith.constant 0 : index
    %get3A_8 = vector.load %arg3[%get3A_6, %get3A_7] : memref<1x128xf32, #tpu.memory_space<vmem>>, vector<1x128xf32>
    %add3A = vector.broadcast %get3A_8 : vector<1x128xf32> to vector<1280x128xf32>
    %add3A_9 = arith.addf %dot_general3A_5, %add3A : vector<1280x128xf32>
    %max3A = arith.constant 0.000000e+00 : f32
    %max3A_10 = vector.broadcast %max3A : f32 to vector<1280x128xf32>
    %max3A_11 = arith.maximumf %add3A_9, %max3A_10 : vector<1280x128xf32>
    %get3A_12 = arith.constant 0 : index
    %get3A_13 = arith.constant 0 : index
    %get3A_14 = vector.load %arg4[%get3A_12, %get3A_13] : memref<128x128xf32, #tpu.memory_space<vmem>>, vector<128x128xf32>
    %dot_general3A_15 = arith.constant dense<0.000000e+00> : vector<1280x128xf32>
    %dot_general3A_16 = tpu.matmul %max3A_11, %get3A_14, %dot_general3A_15 {dimension_numbers = #tpu.dot_dimension_numbers<[1], [0], [0], [1], [0, 0, 1, 1], [], []>, transpose_lhs_hint = false} : vector<1280x128xf32>, vector<128x128xf32>, vector<1280x128xf32> -> vector<1280x128xf32>
    %get3A_17 = arith.constant 0 : index
    %get3A_18 = arith.constant 0 : index
    %get3A_19 = vector.load %arg5[%get3A_17, %get3A_18] : memref<1x128xf32, #tpu.memory_space<vmem>>, vector<1x128xf32>
    %add3A_20 = vector.broadcast %get3A_19 : vector<1x128xf32> to vector<1280x128xf32>
    %add3A_21 = arith.addf %dot_general3A_16, %add3A_20 : vector<1280x128xf32>
    %swap3A = arith.constant 0 : index
    %swap3A_22 = arith.constant 0 : index
    %swap3A_23 = vector.load %arg6[%swap3A, %swap3A_22] : memref<1280x128xf32, #tpu.memory_space<vmem>>, vector<1280x128xf32>
    tpu.vector_store %arg6[%swap3A, %swap3A_22], %add3A_21 {strides = array<i32>} : memref<1280x128xf32, #tpu.memory_space<vmem>>, vector<1280x128xf32>,
    return
  }
  func.func @transform_0(%arg0: i32) -> (i32, i32) {
    %c0_i32 = arith.constant 0 : i32
    %c0_i32_0 = arith.constant 0 : i32
    return %arg0, %c0_i32 : i32, i32
  }
  func.func @transform_1(%arg0: i32) -> (i32, i32) {
    %c0_i32 = arith.constant 0 : i32
    %c0_i32_0 = arith.constant 0 : i32
    %c0_i32_1 = arith.constant 0 : i32
    return %c0_i32, %c0_i32_0 : i32, i32
  }
  func.func @transform_2(%arg0: i32) -> (i32, i32) {
    %c0_i32 = arith.constant 0 : i32
    %c0_i32_0 = arith.constant 0 : i32
    %c0_i32_1 = arith.constant 0 : i32
    return %c0_i32, %c0_i32_0 : i32, i32
  }
  func.func @transform_3(%arg0: i32) -> (i32, i32) {
    %c0_i32 = arith.constant 0 : i32
    %c0_i32_0 = arith.constant 0 : i32
    %c0_i32_1 = arith.constant 0 : i32
    return %c0_i32, %c0_i32_0 : i32, i32
  }
  func.func @transform_4(%arg0: i32) -> (i32, i32) {
    %c0_i32 = arith.constant 0 : i32
    %c0_i32_0 = arith.constant 0 : i32
    %c0_i32_1 = arith.constant 0 : i32
    return %c0_i32, %c0_i32_0 : i32, i32
  }
  func.func @transform_5(%arg0: i32) -> (i32, i32) {
    %c0_i32 = arith.constant 0 : i32
    %c0_i32_0 = arith.constant 0 : i32
    return %arg0, %c0_i32 : i32, i32
  }
}

module attributes {stable_mosaic.version = 14 : i64} {
  func.func @_u_body(%arg0: i32, %arg1: memref<1280x128xf32, #tpu.memory_space<vmem>>, %arg2: memref<2x1280x16xf32, #tpu.memory_space<vmem>>, %arg3: memref<128x128xf32, #tpu.memory_space<vmem>>, %arg4: memref<1280x128xf32, #tpu.memory_space<vmem>>) attributes {dimension_semantics = [#tpu.dimension_semantics<arbitrary>], iteration_bounds = array<i64: 8>, scalar_prefetch = 0 : i64, scratch_operands = 0 : i64, tpu.core_type = #tpu.core_type<tc>, window_params = [{transform_indices = @transform_0, window_bounds = array<i64: 1280, 128>}, {transform_indices = @transform_1, window_bounds = array<i64: 2, 1280, 16>}, {pipeline_mode = #tpu.pipeline_mode<synchronous>, transform_indices = @transform_2, window_bounds = array<i64: 128, 128>}, {transform_indices = @transform_3, window_bounds = array<i64: 1280, 128>}]} {
    %get3A = arith.constant 0 : index
    %get3A_0 = arith.constant 0 : index
    %get3A_1 = arith.constant 0 : index
    %get3A_2 = vector.load %arg2[%get3A, %get3A_0, %get3A_1] : memref<2x1280x16xf32, #tpu.memory_space<vmem>>, vector<1x1280x1xf32>
    %get3A_3 = vector.shape_cast %get3A_2 : vector<1x1280x1xf32> to vector<1280x1xf32>
    %get3A_4 = arith.constant 1 : index
    %get3A_5 = arith.constant 0 : index
    %get3A_6 = arith.constant 0 : index
    %get3A_7 = vector.load %arg2[%get3A_4, %get3A_5, %get3A_6] : memref<2x1280x16xf32, #tpu.memory_space<vmem>>, vector<1x1280x1xf32>
    %get3A_8 = vector.shape_cast %get3A_7 : vector<1x1280x1xf32> to vector<1280x1xf32>
    %add3A = arith.addf %get3A_3, %get3A_8 : vector<1280x1xf32>
    %add3A_9 = arith.constant 1.000000e+00 : f32
    %add3A_10 = vector.broadcast %add3A_9 : f32 to vector<1280x1xf32>
    %add3A_11 = arith.addf %add3A, %add3A_10 : vector<1280x1xf32>
    %rsqrt3A = math.rsqrt %add3A_11 : vector<1280x1xf32>
    %mul3A = arith.constant 1280 : i32
    %mul3A_12 = arith.muli %arg0, %mul3A : i32
    %iota3A = tpu.iota {dimensions = array<i32: 0>} : vector<1280x1xi32>
    %add3A_13 = vector.broadcast %mul3A_12 : i32 to vector<1280x1xi32>
    %add3A_14 = arith.addi %add3A_13, %iota3A : vector<1280x1xi32>
    %lt3A = arith.constant 10000 : i32
    %lt3A_15 = vector.broadcast %lt3A : i32 to vector<1280x1xi32>
    %lt3A_16 = arith.cmpi slt, %add3A_14, %lt3A_15 : vector<1280x1xi32>
    %jit3A = arith.constant 0.000000e+00 : f32
    %broadcast_in_dim3A = vector.broadcast %jit3A : f32 to vector<1280x1xf32>
    %select_n3A = arith.select %lt3A_16, %rsqrt3A, %broadcast_in_dim3A : vector<1280x1xi1>, vector<1280x1xf32>
    %get3A_17 = arith.constant 0 : index
    %get3A_18 = arith.constant 0 : index
    %get3A_19 = vector.load %arg1[%get3A_17, %get3A_18] : memref<1280x128xf32, #tpu.memory_space<vmem>>, vector<1280x128xf32>
    %get3A_20 = arith.constant 0 : index
    %get3A_21 = arith.constant 0 : index
    %get3A_22 = vector.load %arg3[%get3A_20, %get3A_21] : memref<128x128xf32, #tpu.memory_space<vmem>>, vector<128x128xf32>
    %dot_general3A = arith.constant dense<0.000000e+00> : vector<1280x128xf32>
    %dot_general3A_23 = tpu.matmul %get3A_19, %get3A_22, %dot_general3A {dimension_numbers = #tpu.dot_dimension_numbers<[1], [0], [0], [1], [0, 0, 1, 1], [], []>, transpose_lhs_hint = false} : vector<1280x128xf32>, vector<128x128xf32>, vector<1280x128xf32> -> vector<1280x128xf32>
    %mul3A_24 = vector.broadcast %select_n3A : vector<1280x1xf32> to vector<1280x128xf32>
    %mul3A_25 = arith.mulf %dot_general3A_23, %mul3A_24 : vector<1280x128xf32>
    %swap3A = arith.constant 0 : index
    %swap3A_26 = arith.constant 0 : index
    %swap3A_27 = vector.load %arg4[%swap3A, %swap3A_26] : memref<1280x128xf32, #tpu.memory_space<vmem>>, vector<1280x128xf32>
    tpu.vector_store %arg4[%swap3A, %swap3A_26], %mul3A_25 {strides = array<i32>} : memref<1280x128xf32, #tpu.memory_space<vmem>>, vector<1280x128xf32>,
    return
  }
  func.func @transform_0(%arg0: i32) -> (i32, i32) {
    %c0_i32 = arith.constant 0 : i32
    %c0_i32_0 = arith.constant 0 : i32
    return %arg0, %c0_i32 : i32, i32
  }
  func.func @transform_1(%arg0: i32) -> (i32, i32, i32) {
    %c0_i32 = arith.constant 0 : i32
    %c0_i32_0 = arith.constant 0 : i32
    %c0_i32_1 = arith.constant 0 : i32
    return %c0_i32, %arg0, %c0_i32_0 : i32, i32, i32
  }
  func.func @transform_2(%arg0: i32) -> (i32, i32) {
    %c0_i32 = arith.constant 0 : i32
    %c0_i32_0 = arith.constant 0 : i32
    %c0_i32_1 = arith.constant 0 : i32
    return %c0_i32, %c0_i32_0 : i32, i32
  }
  func.func @transform_3(%arg0: i32) -> (i32, i32) {
    %c0_i32 = arith.constant 0 : i32
    %c0_i32_0 = arith.constant 0 : i32
    return %arg0, %c0_i32 : i32, i32
  }
}

module attributes {stable_mosaic.version = 14 : i64} {
  func.func @_mid_body(%arg0: i32, %arg1: memref<2x1280x128xf32, #tpu.memory_space<vmem>>, %arg2: memref<1280x128xf32, #tpu.memory_space<vmem>>, %arg3: memref<2x1280x16xf32, #tpu.memory_space<vmem>>, %arg4: memref<1x128xf32, #tpu.memory_space<vmem>>, %arg5: memref<128x128xf32, #tpu.memory_space<vmem>>, %arg6: memref<1280x128xf32, #tpu.memory_space<vmem>>) attributes {dimension_semantics = [#tpu.dimension_semantics<arbitrary>], iteration_bounds = array<i64: 8>, scalar_prefetch = 0 : i64, scratch_operands = 0 : i64, tpu.core_type = #tpu.core_type<tc>, window_params = [{transform_indices = @transform_0, window_bounds = array<i64: 2, 1280, 128>}, {transform_indices = @transform_1, window_bounds = array<i64: 1280, 128>}, {transform_indices = @transform_2, window_bounds = array<i64: 2, 1280, 16>}, {pipeline_mode = #tpu.pipeline_mode<synchronous>, transform_indices = @transform_3, window_bounds = array<i64: 1, 128>}, {pipeline_mode = #tpu.pipeline_mode<synchronous>, transform_indices = @transform_4, window_bounds = array<i64: 128, 128>}, {transform_indices = @transform_5, window_bounds = array<i64: 1280, 128>}]} {
    %get3A = arith.constant 0 : index
    %get3A_0 = arith.constant 0 : index
    %get3A_1 = arith.constant 0 : index
    %get3A_2 = vector.load %arg3[%get3A, %get3A_0, %get3A_1] : memref<2x1280x16xf32, #tpu.memory_space<vmem>>, vector<1x1280x1xf32>
    %get3A_3 = vector.shape_cast %get3A_2 : vector<1x1280x1xf32> to vector<1280x1xf32>
    %get3A_4 = arith.constant 1 : index
    %get3A_5 = arith.constant 0 : index
    %get3A_6 = arith.constant 0 : index
    %get3A_7 = vector.load %arg3[%get3A_4, %get3A_5, %get3A_6] : memref<2x1280x16xf32, #tpu.memory_space<vmem>>, vector<1x1280x1xf32>
    %get3A_8 = vector.shape_cast %get3A_7 : vector<1x1280x1xf32> to vector<1280x1xf32>
    %add3A = arith.addf %get3A_3, %get3A_8 : vector<1280x1xf32>
    %add3A_9 = arith.constant 1.000000e+00 : f32
    %add3A_10 = vector.broadcast %add3A_9 : f32 to vector<1280x1xf32>
    %add3A_11 = arith.addf %add3A, %add3A_10 : vector<1280x1xf32>
    %rsqrt3A = math.rsqrt %add3A_11 : vector<1280x1xf32>
    %mul3A = arith.constant 1280 : i32
    %mul3A_12 = arith.muli %arg0, %mul3A : i32
    %iota3A = tpu.iota {dimensions = array<i32: 0>} : vector<1280x1xi32>
    %add3A_13 = vector.broadcast %mul3A_12 : i32 to vector<1280x1xi32>
    %add3A_14 = arith.addi %add3A_13, %iota3A : vector<1280x1xi32>
    %lt3A = arith.constant 10000 : i32
    %lt3A_15 = vector.broadcast %lt3A : i32 to vector<1280x1xi32>
    %lt3A_16 = arith.cmpi slt, %add3A_14, %lt3A_15 : vector<1280x1xi32>
    %jit3A = arith.constant 0.000000e+00 : f32
    %broadcast_in_dim3A = vector.broadcast %jit3A : f32 to vector<1280x1xf32>
    %select_n3A = arith.select %lt3A_16, %rsqrt3A, %broadcast_in_dim3A : vector<1280x1xi1>, vector<1280x1xf32>
    %get3A_17 = arith.constant 0 : index
    %get3A_18 = arith.constant 0 : index
    %get3A_19 = arith.constant 0 : index
    %get3A_20 = vector.load %arg1[%get3A_17, %get3A_18, %get3A_19] : memref<2x1280x128xf32, #tpu.memory_space<vmem>>, vector<1x1280x128xf32>
    %get3A_21 = vector.shape_cast %get3A_20 : vector<1x1280x128xf32> to vector<1280x128xf32>
    %get3A_22 = arith.constant 1 : index
    %get3A_23 = arith.constant 0 : index
    %get3A_24 = arith.constant 0 : index
    %get3A_25 = vector.load %arg1[%get3A_22, %get3A_23, %get3A_24] : memref<2x1280x128xf32, #tpu.memory_space<vmem>>, vector<1x1280x128xf32>
    %get3A_26 = vector.shape_cast %get3A_25 : vector<1x1280x128xf32> to vector<1280x128xf32>
    %add3A_27 = arith.addf %get3A_21, %get3A_26 : vector<1280x128xf32>
    %get3A_28 = arith.constant 0 : index
    %get3A_29 = arith.constant 0 : index
    %get3A_30 = vector.load %arg2[%get3A_28, %get3A_29] : memref<1280x128xf32, #tpu.memory_space<vmem>>, vector<1280x128xf32>
    %add3A_31 = arith.addf %add3A_27, %get3A_30 : vector<1280x128xf32>
    %mul3A_32 = vector.broadcast %select_n3A : vector<1280x1xf32> to vector<1280x128xf32>
    %mul3A_33 = arith.mulf %mul3A_32, %add3A_31 : vector<1280x128xf32>
    %get3A_34 = arith.constant 0 : index
    %get3A_35 = arith.constant 0 : index
    %get3A_36 = vector.load %arg4[%get3A_34, %get3A_35] : memref<1x128xf32, #tpu.memory_space<vmem>>, vector<1x128xf32>
    %add3A_37 = vector.broadcast %get3A_36 : vector<1x128xf32> to vector<1280x128xf32>
    %add3A_38 = arith.addf %mul3A_33, %add3A_37 : vector<1280x128xf32>
    %max3A = arith.constant 0.000000e+00 : f32
    %max3A_39 = vector.broadcast %max3A : f32 to vector<1280x128xf32>
    %max3A_40 = arith.maximumf %add3A_38, %max3A_39 : vector<1280x128xf32>
    %get3A_41 = arith.constant 0 : index
    %get3A_42 = arith.constant 0 : index
    %get3A_43 = vector.load %arg5[%get3A_41, %get3A_42] : memref<128x128xf32, #tpu.memory_space<vmem>>, vector<128x128xf32>
    %dot_general3A = arith.constant dense<0.000000e+00> : vector<1280x128xf32>
    %dot_general3A_44 = tpu.matmul %max3A_40, %get3A_43, %dot_general3A {dimension_numbers = #tpu.dot_dimension_numbers<[1], [0], [0], [1], [0, 0, 1, 1], [], []>, transpose_lhs_hint = false} : vector<1280x128xf32>, vector<128x128xf32>, vector<1280x128xf32> -> vector<1280x128xf32>
    %mul3A_45 = vector.broadcast %select_n3A : vector<1280x1xf32> to vector<1280x128xf32>
    %mul3A_46 = arith.mulf %dot_general3A_44, %mul3A_45 : vector<1280x128xf32>
    %swap3A = arith.constant 0 : index
    %swap3A_47 = arith.constant 0 : index
    %swap3A_48 = vector.load %arg6[%swap3A, %swap3A_47] : memref<1280x128xf32, #tpu.memory_space<vmem>>, vector<1280x128xf32>
    tpu.vector_store %arg6[%swap3A, %swap3A_47], %mul3A_46 {strides = array<i32>} : memref<1280x128xf32, #tpu.memory_space<vmem>>, vector<1280x128xf32>,
    return
  }
  func.func @transform_0(%arg0: i32) -> (i32, i32, i32) {
    %c0_i32 = arith.constant 0 : i32
    %c0_i32_0 = arith.constant 0 : i32
    %c0_i32_1 = arith.constant 0 : i32
    return %c0_i32, %arg0, %c0_i32_0 : i32, i32, i32
  }
  func.func @transform_1(%arg0: i32) -> (i32, i32) {
    %c0_i32 = arith.constant 0 : i32
    %c0_i32_0 = arith.constant 0 : i32
    return %arg0, %c0_i32 : i32, i32
  }
  func.func @transform_2(%arg0: i32) -> (i32, i32, i32) {
    %c0_i32 = arith.constant 0 : i32
    %c0_i32_0 = arith.constant 0 : i32
    %c0_i32_1 = arith.constant 0 : i32
    return %c0_i32, %arg0, %c0_i32_0 : i32, i32, i32
  }
  func.func @transform_3(%arg0: i32) -> (i32, i32) {
    %c0_i32 = arith.constant 0 : i32
    %c0_i32_0 = arith.constant 0 : i32
    %c0_i32_1 = arith.constant 0 : i32
    return %c0_i32, %c0_i32_0 : i32, i32
  }
  func.func @transform_4(%arg0: i32) -> (i32, i32) {
    %c0_i32 = arith.constant 0 : i32
    %c0_i32_0 = arith.constant 0 : i32
    %c0_i32_1 = arith.constant 0 : i32
    return %c0_i32, %c0_i32_0 : i32, i32
  }
  func.func @transform_5(%arg0: i32) -> (i32, i32) {
    %c0_i32 = arith.constant 0 : i32
    %c0_i32_0 = arith.constant 0 : i32
    return %arg0, %c0_i32 : i32, i32
  }
}

module attributes {stable_mosaic.version = 14 : i64} {
  func.func @_fin_body(%arg0: i32, %arg1: memref<2x1280x128xf32, #tpu.memory_space<vmem>>, %arg2: memref<1280x128xf32, #tpu.memory_space<vmem>>, %arg3: memref<2x1280x16xf32, #tpu.memory_space<vmem>>, %arg4: memref<1x128xf32, #tpu.memory_space<vmem>>, %arg5: memref<1x1280xi32, #tpu.memory_space<vmem>>, %arg6: memref<128x128xf32, #tpu.memory_space<vmem>>, %arg7: memref<1x128xf32, #tpu.memory_space<vmem>>, %arg8: memref<128x64xf32, #tpu.memory_space<vmem>>, %arg9: memref<1x64xf32, #tpu.memory_space<vmem>>, %arg10: memref<64x64xf32, #tpu.memory_space<vmem>>, %arg11: memref<64x128xf32, #tpu.memory_space<vmem>>) attributes {dimension_semantics = [#tpu.dimension_semantics<arbitrary>], iteration_bounds = array<i64: 8>, scalar_prefetch = 0 : i64, scratch_operands = 1 : i64, tpu.core_type = #tpu.core_type<tc>, window_params = [{transform_indices = @transform_0, window_bounds = array<i64: 2, 1280, 128>}, {transform_indices = @transform_1, window_bounds = array<i64: 1280, 128>}, {transform_indices = @transform_2, window_bounds = array<i64: 2, 1280, 16>}, {pipeline_mode = #tpu.pipeline_mode<synchronous>, transform_indices = @transform_3, window_bounds = array<i64: 1, 128>}, {transform_indices = @transform_4, window_bounds = array<i64: 1, 1280>}, {pipeline_mode = #tpu.pipeline_mode<synchronous>, transform_indices = @transform_5, window_bounds = array<i64: 128, 128>}, {pipeline_mode = #tpu.pipeline_mode<synchronous>, transform_indices = @transform_6, window_bounds = array<i64: 1, 128>}, {pipeline_mode = #tpu.pipeline_mode<synchronous>, transform_indices = @transform_7, window_bounds = array<i64: 128, 64>}, {pipeline_mode = #tpu.pipeline_mode<synchronous>, transform_indices = @transform_8, window_bounds = array<i64: 1, 64>}, {pipeline_mode = #tpu.pipeline_mode<synchronous>, transform_indices = @transform_9, window_bounds = array<i64: 64, 64>}]} {
    %get3A = arith.constant 0 : index
    %get3A_0 = arith.constant 0 : index
    %get3A_1 = arith.constant 0 : index
    %get3A_2 = vector.load %arg3[%get3A, %get3A_0, %get3A_1] : memref<2x1280x16xf32, #tpu.memory_space<vmem>>, vector<1x1280x1xf32>
    %get3A_3 = vector.shape_cast %get3A_2 : vector<1x1280x1xf32> to vector<1280x1xf32>
    %get3A_4 = arith.constant 1 : index
    %get3A_5 = arith.constant 0 : index
    %get3A_6 = arith.constant 0 : index
    %get3A_7 = vector.load %arg3[%get3A_4, %get3A_5, %get3A_6] : memref<2x1280x16xf32, #tpu.memory_space<vmem>>, vector<1x1280x1xf32>
    %get3A_8 = vector.shape_cast %get3A_7 : vector<1x1280x1xf32> to vector<1280x1xf32>
    %add3A = arith.addf %get3A_3, %get3A_8 : vector<1280x1xf32>
    %add3A_9 = arith.constant 1.000000e+00 : f32
    %add3A_10 = vector.broadcast %add3A_9 : f32 to vector<1280x1xf32>
    %add3A_11 = arith.addf %add3A, %add3A_10 : vector<1280x1xf32>
    %rsqrt3A = math.rsqrt %add3A_11 : vector<1280x1xf32>
    %mul3A = arith.constant 1280 : i32
    %mul3A_12 = arith.muli %arg0, %mul3A : i32
    %iota3A = tpu.iota {dimensions = array<i32: 0>} : vector<1280x1xi32>
    %add3A_13 = vector.broadcast %mul3A_12 : i32 to vector<1280x1xi32>
    %add3A_14 = arith.addi %add3A_13, %iota3A : vector<1280x1xi32>
    %lt3A = arith.constant 10000 : i32
    %lt3A_15 = vector.broadcast %lt3A : i32 to vector<1280x1xi32>
    %lt3A_16 = arith.cmpi slt, %add3A_14, %lt3A_15 : vector<1280x1xi32>
    %jit3A = arith.constant 0.000000e+00 : f32
    %broadcast_in_dim3A = vector.broadcast %jit3A : f32 to vector<1280x1xf32>
    %select_n3A = arith.select %lt3A_16, %rsqrt3A, %broadcast_in_dim3A : vector<1280x1xi1>, vector<1280x1xf32>
    %get3A_17 = arith.constant 0 : index
    %get3A_18 = arith.constant 0 : index
    %get3A_19 = arith.constant 0 : index
    %get3A_20 = vector.load %arg1[%get3A_17, %get3A_18, %get3A_19] : memref<2x1280x128xf32, #tpu.memory_space<vmem>>, vector<1x1280x128xf32>
    %get3A_21 = vector.shape_cast %get3A_20 : vector<1x1280x128xf32> to vector<1280x128xf32>
    %get3A_22 = arith.constant 1 : index
    %get3A_23 = arith.constant 0 : index
    %get3A_24 = arith.constant 0 : index
    %get3A_25 = vector.load %arg1[%get3A_22, %get3A_23, %get3A_24] : memref<2x1280x128xf32, #tpu.memory_space<vmem>>, vector<1x1280x128xf32>
    %get3A_26 = vector.shape_cast %get3A_25 : vector<1x1280x128xf32> to vector<1280x128xf32>
    %add3A_27 = arith.addf %get3A_21, %get3A_26 : vector<1280x128xf32>
    %get3A_28 = arith.constant 0 : index
    %get3A_29 = arith.constant 0 : index
    %get3A_30 = vector.load %arg2[%get3A_28, %get3A_29] : memref<1280x128xf32, #tpu.memory_space<vmem>>, vector<1280x128xf32>
    %add3A_31 = arith.addf %add3A_27, %get3A_30 : vector<1280x128xf32>
    %mul3A_32 = vector.broadcast %select_n3A : vector<1280x1xf32> to vector<1280x128xf32>
    %mul3A_33 = arith.mulf %mul3A_32, %add3A_31 : vector<1280x128xf32>
    %get3A_34 = arith.constant 0 : index
    %get3A_35 = arith.constant 0 : index
    %get3A_36 = vector.load %arg4[%get3A_34, %get3A_35] : memref<1x128xf32, #tpu.memory_space<vmem>>, vector<1x128xf32>
    %add3A_37 = vector.broadcast %get3A_36 : vector<1x128xf32> to vector<1280x128xf32>
    %add3A_38 = arith.addf %mul3A_33, %add3A_37 : vector<1280x128xf32>
    %max3A = arith.constant 0.000000e+00 : f32
    %max3A_39 = vector.broadcast %max3A : f32 to vector<1280x128xf32>
    %max3A_40 = arith.maximumf %add3A_38, %max3A_39 : vector<1280x128xf32>
    %get3A_41 = arith.constant 0 : index
    %get3A_42 = arith.constant 0 : index
    %get3A_43 = vector.load %arg5[%get3A_41, %get3A_42] : memref<1x1280xi32, #tpu.memory_space<vmem>>, vector<1x1280xi32>
    %iota3A_44 = tpu.iota {dimensions = array<i32: 0>} : vector<64x1xi32>
    %eq3A = vector.broadcast %get3A_43 : vector<1x1280xi32> to vector<64x1280xi32>
    %eq3A_45 = vector.broadcast %iota3A_44 : vector<64x1xi32> to vector<64x1280xi32>
    %eq3A_46 = arith.cmpi eq, %eq3A, %eq3A_45 : vector<64x1280xi32>
    %convert_element_type3A = arith.extui %eq3A_46 : vector<64x1280xi1> to vector<64x1280xi32>
    %convert_element_type3A_47 = arith.sitofp %convert_element_type3A : vector<64x1280xi32> to vector<64x1280xf32>
    %dot_general3A = arith.constant dense<0.000000e+00> : vector<64x128xf32>
    %dot_general3A_48 = tpu.matmul %convert_element_type3A_47, %max3A_40, %dot_general3A {dimension_numbers = #tpu.dot_dimension_numbers<[1], [0], [0], [1], [0, 0, 1, 1], [], []>, transpose_lhs_hint = false} : vector<64x1280xf32>, vector<1280x128xf32>, vector<64x128xf32> -> vector<64x128xf32>
    %eq3A_49 = arith.constant 0 : i32
    %eq3A_50 = arith.cmpi eq, %arg0, %eq3A_49 : i32
    %convert_element_type3A_51 = arith.extui %eq3A_50 : i1 to i32
    %cond3A = arith.constant 0 : i32
    %cond3A_52 = arith.cmpi ne, %convert_element_type3A_51, %cond3A : i32
    scf.if %cond3A_52 {
      %swap3A = arith.constant 0 : index
      %swap3A_62 = arith.constant 0 : index
      %swap3A_63 = vector.load %arg11[%swap3A, %swap3A_62] : memref<64x128xf32, #tpu.memory_space<vmem>>, vector<64x128xf32>
      tpu.vector_store %arg11[%swap3A, %swap3A_62], %dot_general3A_48 {strides = array<i32>} : memref<64x128xf32, #tpu.memory_space<vmem>>, vector<64x128xf32>,
    } else {
    }
    %gt3A = arith.constant 0 : i32
    %gt3A_53 = arith.cmpi sgt, %arg0, %gt3A : i32
    %convert_element_type3A_54 = arith.extui %gt3A_53 : i1 to i32
    %cond3A_55 = arith.constant 0 : i32
    %cond3A_56 = arith.cmpi ne, %convert_element_type3A_54, %cond3A_55 : i32
    scf.if %cond3A_56 {
      %get3A_62 = arith.constant 0 : index
      %get3A_63 = arith.constant 0 : index
      %get3A_64 = vector.load %arg11[%get3A_62, %get3A_63] : memref<64x128xf32, #tpu.memory_space<vmem>>, vector<64x128xf32>
      %add3A_65 = arith.addf %get3A_64, %dot_general3A_48 : vector<64x128xf32>
      %swap3A = arith.constant 0 : index
      %swap3A_66 = arith.constant 0 : index
      %swap3A_67 = vector.load %arg11[%swap3A, %swap3A_66] : memref<64x128xf32, #tpu.memory_space<vmem>>, vector<64x128xf32>
      tpu.vector_store %arg11[%swap3A, %swap3A_66], %add3A_65 {strides = array<i32>} : memref<64x128xf32, #tpu.memory_space<vmem>>, vector<64x128xf32>,
    } else {
    }
    %eq3A_57 = arith.constant 7 : i32
    %eq3A_58 = arith.cmpi eq, %arg0, %eq3A_57 : i32
    %convert_element_type3A_59 = arith.extui %eq3A_58 : i1 to i32
    %cond3A_60 = arith.constant 0 : i32
    %cond3A_61 = arith.cmpi ne, %convert_element_type3A_59, %cond3A_60 : i32
    scf.if %cond3A_61 {
      %get3A_62 = arith.constant 0 : index
      %get3A_63 = arith.constant 0 : index
      %get3A_64 = vector.load %arg11[%get3A_62, %get3A_63] : memref<64x128xf32, #tpu.memory_space<vmem>>, vector<64x128xf32>
      %get3A_65 = arith.constant 0 : index
      %get3A_66 = arith.constant 0 : index
      %get3A_67 = vector.load %arg6[%get3A_65, %get3A_66] : memref<128x128xf32, #tpu.memory_space<vmem>>, vector<128x128xf32>
      %dot_general3A_68 = arith.constant dense<0.000000e+00> : vector<64x128xf32>
      %dot_general3A_69 = tpu.matmul %get3A_64, %get3A_67, %dot_general3A_68 {dimension_numbers = #tpu.dot_dimension_numbers<[1], [0], [0], [1], [0, 0, 1, 1], [], []>, transpose_lhs_hint = false} : vector<64x128xf32>, vector<128x128xf32>, vector<64x128xf32> -> vector<64x128xf32>
      %get3A_70 = arith.constant 0 : index
      %get3A_71 = arith.constant 0 : index
      %get3A_72 = vector.load %arg7[%get3A_70, %get3A_71] : memref<1x128xf32, #tpu.memory_space<vmem>>, vector<1x128xf32>
      %add3A_73 = vector.broadcast %get3A_72 : vector<1x128xf32> to vector<64x128xf32>
      %add3A_74 = arith.addf %dot_general3A_69, %add3A_73 : vector<64x128xf32>
      %max3A_75 = arith.constant 0.000000e+00 : f32
      %max3A_76 = vector.broadcast %max3A_75 : f32 to vector<64x128xf32>
      %max3A_77 = arith.maximumf %add3A_74, %max3A_76 : vector<64x128xf32>
      %get3A_78 = arith.constant 0 : index
      %get3A_79 = arith.constant 0 : index
      %get3A_80 = vector.load %arg8[%get3A_78, %get3A_79] : memref<128x64xf32, #tpu.memory_space<vmem>>, vector<128x64xf32>
      %dot_general3A_81 = arith.constant dense<0.000000e+00> : vector<64x64xf32>
      %dot_general3A_82 = tpu.matmul %max3A_77, %get3A_80, %dot_general3A_81 {dimension_numbers = #tpu.dot_dimension_numbers<[1], [0], [0], [1], [0, 0, 1, 1], [], []>, transpose_lhs_hint = false} : vector<64x128xf32>, vector<128x64xf32>, vector<64x64xf32> -> vector<64x64xf32>
      %get3A_83 = arith.constant 0 : index
      %get3A_84 = arith.constant 0 : index
      %get3A_85 = vector.load %arg9[%get3A_83, %get3A_84] : memref<1x64xf32, #tpu.memory_space<vmem>>, vector<1x64xf32>
      %add3A_86 = vector.broadcast %get3A_85 : vector<1x64xf32> to vector<64x64xf32>
      %add3A_87 = arith.addf %dot_general3A_82, %add3A_86 : vector<64x64xf32>
      %swap3A = arith.constant 0 : index
      %swap3A_88 = arith.constant 0 : index
      %swap3A_89 = vector.load %arg10[%swap3A, %swap3A_88] : memref<64x64xf32, #tpu.memory_space<vmem>>, vector<64x64xf32>
      tpu.vector_store %arg10[%swap3A, %swap3A_88], %add3A_87 {strides = array<i32>} : memref<64x64xf32, #tpu.memory_space<vmem>>, vector<64x64xf32>,
    } else {
    }
    return
  }
  func.func @transform_0(%arg0: i32) -> (i32, i32, i32) {
    %c0_i32 = arith.constant 0 : i32
    %c0_i32_0 = arith.constant 0 : i32
    %c0_i32_1 = arith.constant 0 : i32
    return %c0_i32, %arg0, %c0_i32_0 : i32, i32, i32
  }
  func.func @transform_1(%arg0: i32) -> (i32, i32) {
    %c0_i32 = arith.constant 0 : i32
    %c0_i32_0 = arith.constant 0 : i32
    return %arg0, %c0_i32 : i32, i32
  }
  func.func @transform_2(%arg0: i32) -> (i32, i32, i32) {
    %c0_i32 = arith.constant 0 : i32
    %c0_i32_0 = arith.constant 0 : i32
    %c0_i32_1 = arith.constant 0 : i32
    return %c0_i32, %arg0, %c0_i32_0 : i32, i32, i32
  }
  func.func @transform_3(%arg0: i32) -> (i32, i32) {
    %c0_i32 = arith.constant 0 : i32
    %c0_i32_0 = arith.constant 0 : i32
    %c0_i32_1 = arith.constant 0 : i32
    return %c0_i32, %c0_i32_0 : i32, i32
  }
  func.func @transform_4(%arg0: i32) -> (i32, i32) {
    %c0_i32 = arith.constant 0 : i32
    %c0_i32_0 = arith.constant 0 : i32
    return %c0_i32, %arg0 : i32, i32
  }
  func.func @transform_5(%arg0: i32) -> (i32, i32) {
    %c0_i32 = arith.constant 0 : i32
    %c0_i32_0 = arith.constant 0 : i32
    %c0_i32_1 = arith.constant 0 : i32
    return %c0_i32, %c0_i32_0 : i32, i32
  }
  func.func @transform_6(%arg0: i32) -> (i32, i32) {
    %c0_i32 = arith.constant 0 : i32
    %c0_i32_0 = arith.constant 0 : i32
    %c0_i32_1 = arith.constant 0 : i32
    return %c0_i32, %c0_i32_0 : i32, i32
  }
  func.func @transform_7(%arg0: i32) -> (i32, i32) {
    %c0_i32 = arith.constant 0 : i32
    %c0_i32_0 = arith.constant 0 : i32
    %c0_i32_1 = arith.constant 0 : i32
    return %c0_i32, %c0_i32_0 : i32, i32
  }
  func.func @transform_8(%arg0: i32) -> (i32, i32) {
    %c0_i32 = arith.constant 0 : i32
    %c0_i32_0 = arith.constant 0 : i32
    %c0_i32_1 = arith.constant 0 : i32
    return %c0_i32, %c0_i32_0 : i32, i32
  }
  func.func @transform_9(%arg0: i32) -> (i32, i32) {
    %c0_i32 = arith.constant 0 : i32
    %c0_i32_0 = arith.constant 0 : i32
    %c0_i32_1 = arith.constant 0 : i32
    return %c0_i32, %c0_i32_0 : i32, i32
  }
}

</mosaic_0001>

<sc_bundles>
// kernel: kernel.11.cloned.1.call-start
scs
__scs_entry_jumppad:
0x0: {  	(pc) =	sbr.rel $0x88, $3  }
0x1: {  	(tag) =	ssettag $0x0;
	lr =	simm.s32 $0x1  }
0x2: {  	[smem:$0x3F90] =	sst lr;
	_ =	strace $0xD0000000  }
0x3: {  	_ = 	snop  }
0x4: {  	_ = 	snop  }
0x5: {  	_ = 	snop  }
0x6: {  	_ = 	snop  }
0x7: {  	_ = 	snop  }
__scs_overlays_trampoline_lowered:
0x8: {  	[smem:$0x3F9F] =	sst s0  }
0x9: {  	[smem:$0x3FA0] =	sst s1  }
0xa: {  	[smem:$0x3FA1] =	sst s2  }
0xb: {  	[smem:$0x3FA2] =	sst s3  }
0xc: {  	[smem:$0x3FA3] =	sst s4  }
0xd: {  	[smem:$0x3FA4] =	sst s5  }
0xe: {  	[smem:$0x3FA5] =	sst s6  }
0xf: {  	[smem:$0x3FA6] =	sst s7  }
0x10: {  	[smem:$0x3FA7] =	sst s8  }
0x11: {  	[smem:$0x3FA8] =	sst s9;
	s0 =	simm.s32 @!p0 $0x0  }
0x12: {  	s1 =	sld [smem:$0x3F8E];
	s0 =	simm.s32 @p0 $0x1  }
0x13: {  	[smem:$0x3FA9] =	sst s0;
	s0 =	simm.s32 @!p1 $0x0  }
0x14: {  	s2 =	sld [smem:$0x3F8D];
	s0 =	simm.s32 @p1 $0x1  }
0x15: {  	[smem:$0x3FAA] =	sst s0;
	s0 =	simm.s32 @!p2 $0x0  }
0x16: {  	s3 =	sld [smem:$0x3FDB];
	s0 =	simm.s32 @p2 $0x1  }
0x17: {  	s4 =	simm.s32 $0x1BF5;
	[smem:$0x3FAC] =	sst s0  }
0x18: {  	s0 =	sld [smem:$0x3F8F];
	_ =	swait.ge [sflag:s4], $0x0  }
0x19: {  	s7 =	sld [smem:$0x3F90]  }
0x1a: {  	s8 =	sadd.s32 $0xFFFFE003, lr  }
0x1b: {  	s9 =	sadd.s32 $0xFFFFFEF7, lr;
	s5 =	simm.s32 $0xFFFFFFFF;
	p2 =	slt.u32 s8, $0xFFFFF086  }
0x1c: {  	p1 =	slt.u32 s9, $0xF7A;
	s5 =	simm.s32 @!p2 $0x0  }
0x1d: {  	s5 =	simm.s32 @p1 $0x1;
	p0 =	seq.s32 s7, s2  }
0x1e: {  	s7 =	smul.u32 @!p0 $0xF7A, s2;
	p2 =	seq.s32 @!p0 s5, $0x0  }
0x1f: {  	s9 =	smul.u32 $0xF7A, s1;
	s8 =	simm.s32 @!p0 $0x1BF5;
	p2 =	por !p2, p0  }
0x20: {  	[sflag:s8] =	ssyncset.s32 @!p0 $0xFFFFF086;
	s6 =	sadd.s32 @!p0 s3, s7;
	s7 =	simm.s32 @!p0 $0x108  }
0x21: {  	s3 =	sadd.s32 s3, s9;
	s6 =	sadd.s32 @!p0 $0x88, s6;
	s7 =	simm.s32 @p2 $0x1082  }
0x22: {  	[simem:s7], [sflag:s8] =	dma.local @!p0 [hbm:s6], $0xF7A  }
0x23: {  	s9 =	sor.u32 $0xD0000000, s2;
	s6 =	simm.s32 $0x108;
	_ =	swait.ge @!p0 [sflag:s8], $0x0  }
0x24: {  	s3 =	sadd.s32 $0x88, s3;
	s6 =	simm.s32 @!p1 $0x1082;
	[sflag:s4] =	ssyncset.s32 $0xFFFFF086  }
0x25: {  	[simem:s6], [sflag:s4] =	dma.local [hbm:s3], $0xF7A  }
0x26: {  	[smem:$0x3F90] =	sst s1;
	(tag) =	ssettag s2;
	_ =	strace s9  }
0x27: {  	s1 =	sld [smem:$0x3FA0]  }
0x28: {  	s2 =	sld [smem:$0x3FA1]  }
0x29: {  	s4 =	sld [smem:$0x3FA3]  }
0x2a: {  	p0 =	seq.s32 s5, $0x0;
	s5 =	sld [smem:$0x3FA4]  }
0x2b: {  	s6 =	sld [smem:$0x3FA5]  }
0x2c: {  	s7 =	sld [smem:$0x3FA6]  }
0x2d: {  	s3 =	simm.s32 $0x108;
	s8 =	sld [smem:$0x3FA7]  }
0x2e: {  	s3 =	simm.s32 @!p0 $0x1082;
	s9 =	sld [smem:$0x3FA8]  }
0x2f: {  	lr =	sadd.s32 s0, s3;
	s0 =	sld [smem:$0x3F9F]  }
0x30: {  	s3 =	sld [smem:$0x3FA2]  }
0x31: {  	[smem:$0x3FAB] =	sst s10  }
0x32: {  	s10 =	sld [smem:$0x3FA9];
	_ =	sdelay $0x3  }
0x33: {  	p0 =	seq.s32 s10, $0x1;
	s10 =	sld [smem:$0x3FAB];
	_ =	sdelay $0x3  }
0x34: {  	[smem:$0x3FAB] =	sst s10  }
0x35: {  	s10 =	sld [smem:$0x3FAA];
	_ =	sdelay $0x3  }
0x36: {  	p1 =	seq.s32 s10, $0x1;
	s10 =	sld [smem:$0x3FAB];
	_ =	sdelay $0x3  }
0x37: {  	[smem:$0x3FAB] =	sst s10  }
0x38: {  	s10 =	sld [smem:$0x3FAC]  }
0x39: {  	_ = 	snop;
	(pc) =	sbr.ind lr, $3  }
0x3a: {  	_ = 	snop  }
0x3b: {  	_ = 	snop  }
0x3c: {  	p2 =	seq.s32 s10, $0x1;
	s10 =	sld [smem:$0x3FAB]  }
0x3d: {  	_ =	shalt  }
0x3e: {  	_ =	shalt  }
0x3f: {  	_ =	shalt  }
0x40: {  	_ =	shalt  }
0x41: {  	_ =	shalt  }
0x42: {  	_ =	shalt  }
0x43: {  	_ =	shalt  }
0x44: {  	_ =	shalt  }
0x45: {  	_ =	shalt  }
0x46: {  	_ =	shalt  }
0x47: {  	_ =	shalt  }
0x48: {  	_ =	shalt  }
0x49: {  	_ =	shalt  }
0x4a: {  	_ =	shalt  }
0x4b: {  	_ =	shalt  }
0x4c: {  	_ =	shalt  }
0x4d: {  	_ =	shalt  }
0x4e: {  	_ =	shalt  }
0x4f: {  	_ =	shalt  }
0x50: {  	_ =	shalt  }
0x51: {  	_ =	shalt  }
0x52: {  	_ =	shalt  }
0x53: {  	_ =	shalt  }
0x54: {  	_ =	shalt  }
0x55: {  	_ =	shalt  }
0x56: {  	_ =	shalt  }
0x57: {  	_ =	shalt  }
0x58: {  	_ =	shalt  }
0x59: {  	_ =	shalt  }
0x5a: {  	_ =	shalt  }
0x5b: {  	_ =	shalt  }
0x5c: {  	_ =	shalt  }
0x5d: {  	_ =	shalt  }
0x5e: {  	_ =	shalt  }
0x5f: {  	_ =	shalt  }
0x60: {  	_ =	shalt  }
0x61: {  	_ =	shalt  }
0x62: {  	_ =	shalt  }
0x63: {  	_ =	shalt  }
0x64: {  	_ =	shalt  }
0x65: {  	_ =	shalt  }
0x66: {  	_ =	shalt  }
0x67: {  	_ =	shalt  }
0x68: {  	_ =	shalt  }
0x69: {  	_ =	shalt  }
0x6a: {  	_ =	shalt  }
0x6b: {  	_ =	shalt  }
0x6c: {  	_ =	shalt  }
0x6d: {  	_ =	shalt  }
0x6e: {  	_ =	shalt  }
0x6f: {  	_ =	shalt  }
0x70: {  	_ =	shalt  }
0x71: {  	_ =	shalt  }
0x72: {  	_ =	shalt  }
0x73: {  	_ =	shalt  }
0x74: {  	_ =	shalt  }
0x75: {  	_ =	shalt  }
0x76: {  	_ =	shalt  }
0x77: {  	_ =	shalt  }
0x78: {  	_ =	shalt  }
0x79: {  	_ =	shalt  }
0x7a: {  	_ =	shalt  }
0x7b: {  	_ =	shalt  }
0x7c: {  	_ =	shalt  }
0x7d: {  	_ =	shalt  }
0x7e: {  	_ =	shalt  }
0x7f: {  	_ =	shalt  }
0x80: {  	_ =	shalt  }
0x81: {  	_ =	shalt  }
0x82: {  	_ =	shalt  }
0x83: {  	_ =	shalt  }
0x84: {  	_ =	shalt  }
0x85: {  	_ =	shalt  }
0x86: {  	_ =	shalt  }
0x87: {  	_ =	shalt  }
.Lfunc_end0:
.L_simem_size_0:
called_computation_lowered:
.L_overlay_start_0:
0x88: {  	s2 =	sld [smem:$0x3FD9]  }
0x89: {  	s3 =	sld [smem:$0x3FFE];
	_ =	sdelay $0x1  }
0x8a: {  	s1 =	srdreg.scid  }
0x8b: {  	s0 =	sand.u32 $0x1, s1  }
0x8c: {  	s16 =	sshll.u32 s0, $0xA;
	s2 =	sadd.s32 s3, s2  }
0x8d: {  	s2 =	sadd.s32 s2, s16  }
0x8e: {  	[smem:$0x3FB7] =	sst s2  }
0x8f: {  	_ = 	snop  }
0x90: {  	(tm) =	ssettm $0x1  }
0x91: {  	s17 =	sld [smem:$0x3FFB];
	_ =	sdelay $0x3  }
0x92: {  	_ =	strace s17  }
0x93: {  	s2 =	sld [smem:$0x3FFC];
	_ =	sdelay $0x3  }
0x94: {  	_ =	strace s2  }
0x95: {  	s2 =	sld [smem:$0x3FFD];
	_ =	sdelay $0x3  }
0x96: {  	_ =	strace s2  }
0x97: {  	_ =	strace $0x8FFFFFFF  }
0x98: {  	s18 =	sld [smem:$0x3FDB];
	_ =	sdelay $0x1  }
0x99: {  	s19 =	simm.s32 $_scs_section_size  }
0x9a: {  	s4 =	simm.s32 $_size__tile_overlayer_lowered;
	s5 =	simm.s32 $_tile_overlayer_lowered  }
0x9b: {  	s22 =	simm.s32 $0x1BFF;
	s21 =	sshll.u32 s5, $0x1;
	s2 =	sadd.s32 s19, s18  }
0x9c: {  	s6 =	simm.s32 $0x0;
	s20 =	sshll.u32 s4, $0x1;
	s4 =	sadd.s32 s21, s2  }
0x9d: {  	[timem:s6], [sflag:s22] =	dma.local [hbm:s4], s20  }
0x9e: {  	_ =	swait.ge [sflag:s22], s20  }
0x9f: {  	s3 =	ssub.s32 $0x0, s20;
	[sflag:s22] =	ssyncset.done $0x0  }
0xa0: {  	[sflag:s22] =	ssyncadd.s32 s3;
	_ =	sdelay $0x1  }
0xa1: {  	s23 =	simm.s32 $0x1B8B  }
0xa2: {  	_ =	swait.ge [sflag:s23], $0x1  }
0xa3: {  	[sflag:s23] =	ssyncset.done $0x0  }
0xa4: {  	s25 =	simm.s32 $0x1B8E;
	s24 =	sld [smem:$0x3FFE];
	[sflag:s23] =	ssyncadd.s32 $0xFFFFFFFF  }
0xa5: {  	s26 =	simm.s32 $execute0_lowered;
	[smem:$0x3FD2] =	sst s25  }
0xa6: {  	s4 =	sshll.u32 s26, $0x1;
	_ =	strace $0x80000046;
	[dreg:$0x1] =	wrdreg $0xFFFFFFFF  }
0xa7: {  	s28 =	simm.s32 $_size_execute0_lowered;
	s2 =	sadd.s32 s2, s4;
	[dreg:$0x0] =	wrdreg $0x0  }
0xa8: {  	s4 =	sshll.u32 s28, $0x1;
	[dreg:$0x2] =	wrdreg s2  }
0xa9: {  	[dreg:$0x3] =	wrdreg s4  }
0xaa: {  	[dreg:$0x4] =	wrdreg $0xC0  }
0xab: {  	_ =	task [dreg:s6], $0x5FFFF  }
0xac: {  	[dreg:$0x1] =	wrdreg $0xFFFFFFFF  }
0xad: {  	[dreg:$0x0] =	wrdreg $0x60  }
0xae: {  	[dreg:$0x2] =	wrdreg s24  }
0xaf: {  	[dreg:$0x3] =	wrdreg $0xA8000  }
0xb0: {  	[dreg:$0x4] =	wrdreg $0x9  }
0xb1: {  	_ =	task.clear_ibuf [dreg:s6], $0x5FFFF;
	_ =	strace $0x90000046  }
0xb2: {  	s29 =	simm.s32 $0x9;
	_ =	strace $0x80000048  }
0xb3: {  	_ =	swait.ge [sflag:s29], $0x1  }
0xb4: {  	[sflag:s29] =	ssyncadd.s32 $0xFFFFFFFF  }
0xb5: {  	_ =	strace $0x90000048  }
0xb6: {  	_ =	sfence  }
0xb7: {  	s30 =	sld [smem:$0x0];
	_ =	sdelay $0x2  }
0xb8: {  	s31 =	sshll.u32 s1, $0xD;
	s1 =	sshrl.u32 s1, $0x2  }
0xb9: {  	s3 =	sand.u32 $0x4000, s31;
	s1 =	sadd.s32 s1, s30  }
0xba: {  	s0 =	sor.u32 s3, s0;
	s1 =	sshll.u32 s1, $0x11  }
0xbb: {  	s0 =	sor.u32 s1, s0  }
0xbc: {  	s0 =	sadd.s32 $0x8F2B, s0  }
0xbd: {  	[sflag:s0] =	ssyncadd.remote.s32 $0x1  }
0xbe: {  	_ =	sfence.sel $0xFFFF  }
0xbf: {  	[dreg:$0x0] =	wrdreg $0xFFFFFFFF;
	(pc) =	sbr.abs _section_cstart, $3  }
0xc0: {  	[dreg:$0x1] =	wrdreg $0xFFFFFFFF  }
0xc1: {  	_ =	task.clear_ibuf [dreg:s6], $0x2FFFF;
	_ =	strace $0x9FFFFFFF  }
0xc2: {  	(tm) =	ssettm $0x7FFFFFFF  }
0xc3: {  	_ =	shalt  }
tec
execute0_lowered:
.L_overlay_start_1:
0x0: {  	(tag) =	ssettag $0x1  }
0x1: {  	s4 =	rddreg [dreg:$0x0]  }
0x2: {  	s2 =	rddreg [dreg:$0x1];
	s1 =	srdreg.scid  }
0x3: {  	s0 =	rddreg [dreg:$0x2];
	s3 =	simm.s32 $0x0;
	s12 =	simm.s32 $0x2  }
0x4: {  	s13 =	simm.s32 $0x6800;
	s14 =	simm.s32 $0x80;
	s15 =	simm.s32 $0x2800  }
0x5: {  	s16 =	simm.s32 $0x1;
	s5 =	sand.u32 $0x1, s1;
	s1 =	stileid.u32  }
0x6: {  	[smem:$0x7FF] =	sst s3;
	s6 =	smul.u32 $0x140000, s5;
	s7 =	sshll.u32 s5, $0x4  }
0x7: {  	s8 =	smul.u32 $0x14000, s1;
	_ =	strace $0x80000047;
	s5 =	ssub.s32 $0x2, s5  }
0x8: {  	s29 =	smul.u32 $0x50000, s1;
	s17 =	sshll.u32 s1, $0x6;
	s7 =	sor.u32 s1, s7  }
0x9: {  	s30 =	sshrl.u32 s5, $0x1;
	s17 =	sor.u32 $0x1C02, s17;
	s7 =	smul.u32 $0x500, s7  }
0xa: {  	s6 =	sadd.s32 s8, s6;
	s9 =	ssub.s32 s5, s30;
	s31 =	sshrl.u32 s29, $0x2  }
0xb: {  	s6 =	sshrl.u32 s6, $0x3;
	s5 =	sadd.s32 s31, s2;
	s7 =	sadd.s32 s7, s4  }
0xc: {  	s6 =	sadd.s32 s6, s4;
	s8 =	sadd.s32 $0x4000, s5;
	s10 =	sadd.s32 $0xC000, s5  }
0xd: {  	s11 =	sadd.s32 $0x10000, s5;
	s18 =	sshrl.u32 s5, $0x3;
	s4 =	sadd.s32 $0x4200, s7  }
0xe: {  	v0 =	vimm.f32 $1.000000000e+00;
	v1 =	vimm.f32 $0.0e+00;
	s6 =	sadd.s32 $0xE200, s6;
	s7 =	smax.u32 s9, $0x1;
	s9 =	sadd.s32 $0x8000, s5  }
.LBB2_1:
0xf: {  	s19 =	simm.s32 $0x200;
	s20 =	simm.s32 $0x0  }
.LBB2_2:
0x10: {  	p0 =	sne.s32 s19, $0xFE00;
	[tilespmem:s20+$0x2800] =	vst v0;
	s21 =	smov.u32 s19;
	s19 =	sadd.s32 $0x200, s19  }
.Ltmp0:
0x11: {  	[tilespmem:s20+$0x6800] =	vst v1;
	(pc) =	sbr.rel @p0 .LBB2_2-.Ltmp0, $2  }
0x12: {  	_ =	sdelay $0x2  }
0x13: {  	s20 =	sshra.s32 s21, $0x2  }
0x14: {  	[tilespmem:s20+$0x2800] =	vst v0  }
0x15: {  	[tilespmem:s20+$0x6800] =	vst v1;
	s19 =	simm.s32 $0x0  }
0x16: {  	[tilespmem:s19], [sflag:$0x2] =	stream.linear.gather [hbm4b:s4+s19], $0x2800, $0x38;
	[tilespmem:$0xD000] =	vst v63  }
0x17: {  	_ =	swait.ge [sflag:s12], $0x2800  }
0x18: {  	[sflag:s12] =	ssyncset.done $0x0  }
0x19: {  	[sflag:s12] =	ssyncadd.s32 $0xFFFFD800  }
0x1a: {  	[spmem:s5] =	stream.linear.scatter [tilespmem:s13], [sflag:$0x2], $0x4000, $0x38;
	[tilespmem:$0xD000] =	vst v63  }
0x1b: {  	_ =	swait.ge [sflag:s12], $0x4000  }
0x1c: {  	[sflag:s12] =	ssyncset.done $0x0  }
0x1d: {  	[sflag:s12] =	ssyncadd.s32 $0xFFFFC000  }
0x1e: {  	[spmem:s8] =	stream.linear.scatter [tilespmem:s13], [sflag:$0x2], $0x4000, $0x38;
	[tilespmem:$0xD000] =	vst v63  }
0x1f: {  	_ =	swait.ge [sflag:s12], $0x4000  }
0x20: {  	[sflag:s12] =	ssyncset.done $0x0  }
0x21: {  	[sflag:s12] =	ssyncadd.s32 $0xFFFFC000  }
0x22: {  	[spmem:s9] =	stream.linear.scatter [tilespmem:s13], [sflag:$0x2], $0x4000, $0x38;
	[tilespmem:$0xD000] =	vst v63  }
0x23: {  	_ =	swait.ge [sflag:s12], $0x4000  }
0x24: {  	[sflag:s12] =	ssyncset.done $0x0  }
0x25: {  	[sflag:s12] =	ssyncadd.s32 $0xFFFFC000  }
0x26: {  	[spmem:s10] =	stream.linear.scatter [tilespmem:s13], [sflag:$0x2], $0x4000, $0x38;
	[tilespmem:$0xD000] =	vst v63  }
0x27: {  	_ =	swait.ge [sflag:s12], $0x4000  }
0x28: {  	[sflag:s12] =	ssyncset.done $0x0  }
0x29: {  	[sflag:s12] =	ssyncadd.s32 $0xFFFFC000  }
0x2a: {  	[spmem:s11] =	stream.linear.scatter [tilespmem:s13], [sflag:$0x2], $0x4000, $0x38;
	[tilespmem:$0xD000] =	vst v63  }
0x2b: {  	_ =	swait.ge [sflag:s12], $0x4000  }
0x2c: {  	[sflag:s12] =	ssyncset.done $0x0  }
0x2d: {  	[sflag:s12] =	ssyncadd.s32 $0xFFFFC000  }
0x2e: {  	s23 =	simm.s32 $0x0;
	[bflag:$0x0] =	sbarrier.arrive $0xFFFF  }
0x2f: {  	[spmem:s2] =	stream.indirect.scatter.add.f32 [tilespmem:s15], [sflag:$0x1], $0x10, s23, s14, $0xb8;
	[tilespmem:$0xD000] =	vst v63  }
0x30: {  	s24 =	simm.s32 $0x80  }
0x31: {  	[spmem:s2] =	stream.indirect.scatter.add.f32 [tilespmem:s15], [sflag:$0x1], $0x10, s24, s14, $0xb8;
	[tilespmem:$0xD000] =	vst v63  }
0x32: {  	s25 =	simm.s32 $0x100  }
0x33: {  	[spmem:s2] =	stream.indirect.scatter.add.f32 [tilespmem:s15], [sflag:$0x1], $0x10, s25, s14, $0xb8;
	[tilespmem:$0xD000] =	vst v63  }
0x34: {  	s26 =	simm.s32 $0x180  }
0x35: {  	[spmem:s2] =	stream.indirect.scatter.add.f32 [tilespmem:s15], [sflag:$0x1], $0x10, s26, s14, $0xb8;
	[tilespmem:$0xD000] =	vst v63  }
0x36: {  	s28 =	simm.s32 $0x200  }
0x37: {  	[spmem:s2] =	stream.indirect.scatter.add.f32 [tilespmem:s15], [sflag:$0x1], $0x10, s28, s14, $0xb8;
	[tilespmem:$0xD000] =	vst v63  }
0x38: {  	s29 =	simm.s32 $0x280  }
0x39: {  	[spmem:s2] =	stream.indirect.scatter.add.f32 [tilespmem:s15], [sflag:$0x1], $0x10, s29, s14, $0xb8;
	[tilespmem:$0xD000] =	vst v63  }
0x3a: {  	s30 =	simm.s32 $0x300  }
0x3b: {  	[spmem:s2] =	stream.indirect.scatter.add.f32 [tilespmem:s15], [sflag:$0x1], $0x10, s30, s14, $0xb8;
	[tilespmem:$0xD000] =	vst v63  }
0x3c: {  	s31 =	simm.s32 $0x380  }
0x3d: {  	[spmem:s2] =	stream.indirect.scatter.add.f32 [tilespmem:s15], [sflag:$0x1], $0x10, s31, s14, $0xb8;
	[tilespmem:$0xD000] =	vst v63  }
0x3e: {  	_ =	swait.ge [sflag:s16], $0x800  }
0x3f: {  	[sflag:s16] =	ssyncset.done $0x0  }
0x40: {  	[sflag:s16] =	ssyncadd.s32 $0xFFFFF800  }
0x41: {  	_ =	swait.ge [sflag:s16], $0x800  }
0x42: {  	[sflag:s16] =	ssyncset.done $0x0  }
0x43: {  	[sflag:s16] =	ssyncadd.s32 $0xFFFFF800  }
0x44: {  	_ =	swait.ge [sflag:s16], $0x800  }
0x45: {  	[sflag:s16] =	ssyncset.done $0x0  }
0x46: {  	[sflag:s16] =	ssyncadd.s32 $0xFFFFF800  }
0x47: {  	_ =	swait.ge [sflag:s16], $0x800  }
0x48: {  	[sflag:s16] =	ssyncset.done $0x0  }
0x49: {  	[sflag:s16] =	ssyncadd.s32 $0xFFFFF800  }
0x4a: {  	_ =	swait.ge [sflag:s16], $0x800  }
0x4b: {  	[sflag:s16] =	ssyncset.done $0x0  }
0x4c: {  	[sflag:s16] =	ssyncadd.s32 $0xFFFFF800  }
0x4d: {  	_ =	swait.ge [sflag:s16], $0x800  }
0x4e: {  	[sflag:s16] =	ssyncset.done $0x0  }
0x4f: {  	[sflag:s16] =	ssyncadd.s32 $0xFFFFF800  }
0x50: {  	_ =	swait.ge [sflag:s16], $0x800  }
0x51: {  	[sflag:s16] =	ssyncset.done $0x0  }
0x52: {  	[sflag:s16] =	ssyncadd.s32 $0xFFFFF800  }
0x53: {  	_ =	swait.ge [sflag:s16], $0x800  }
0x54: {  	s21 =	simm.s32 $0x2000;
	s19 =	simm.s32 $0x1000;
	[sflag:s16] =	ssyncset.done $0x0  }
.LBB2_4:
0x55: {  	s22 =	sshra.s32 s19, $0x2  }
0x56: {  	[sflag:s16] =	ssyncadd.s32 $0xFFFFF800;
	s19 =	smov.u32 s21;
	s20 =	sadd.s32 $0x1000, s21  }
0x57: {  	[spmem:s2] =	stream.indirect.scatter.add.f32 [tilespmem:s15], [sflag:$0x1], $0x10, s22, s14, $0xb8;
	[tilespmem:$0xD000] =	vst v63  }
0x58: {  	p0 =	sne.s32 s21, $0x9000;
	s21 =	sadd.s32 $0x80, s22  }
0x59: {  	[spmem:s2] =	stream.indirect.scatter.add.f32 [tilespmem:s15], [sflag:$0x1], $0x10, s21, s14, $0xb8;
	[tilespmem:$0xD000] =	vst v63  }
0x5a: {  	s21 =	sadd.s32 $0x100, s22  }
0x5b: {  	[spmem:s2] =	stream.indirect.scatter.add.f32 [tilespmem:s15], [sflag:$0x1], $0x10, s21, s14, $0xb8;
	[tilespmem:$0xD000] =	vst v63  }
0x5c: {  	s21 =	sadd.s32 $0x180, s22  }
0x5d: {  	[spmem:s2] =	stream.indirect.scatter.add.f32 [tilespmem:s15], [sflag:$0x1], $0x10, s21, s14, $0xb8;
	[tilespmem:$0xD000] =	vst v63  }
0x5e: {  	s21 =	sadd.s32 $0x200, s22  }
0x5f: {  	[spmem:s2] =	stream.indirect.scatter.add.f32 [tilespmem:s15], [sflag:$0x1], $0x10, s21, s14, $0xb8;
	[tilespmem:$0xD000] =	vst v63  }
0x60: {  	s21 =	sadd.s32 $0x280, s22  }
0x61: {  	[spmem:s2] =	stream.indirect.scatter.add.f32 [tilespmem:s15], [sflag:$0x1], $0x10, s21, s14, $0xb8;
	[tilespmem:$0xD000] =	vst v63  }
0x62: {  	s21 =	sadd.s32 $0x300, s22  }
0x63: {  	[spmem:s2] =	stream.indirect.scatter.add.f32 [tilespmem:s15], [sflag:$0x1], $0x10, s21, s14, $0xb8;
	[tilespmem:$0xD000] =	vst v63  }
0x64: {  	s21 =	sadd.s32 $0x380, s22  }
0x65: {  	[spmem:s2] =	stream.indirect.scatter.add.f32 [tilespmem:s15], [sflag:$0x1], $0x10, s21, s14, $0xb8;
	[tilespmem:$0xD000] =	vst v63  }
0x66: {  	_ =	swait.ge [sflag:s16], $0x800  }
0x67: {  	[sflag:s16] =	ssyncset.done $0x0  }
0x68: {  	[sflag:s16] =	ssyncadd.s32 $0xFFFFF800  }
0x69: {  	_ =	swait.ge [sflag:s16], $0x800  }
0x6a: {  	[sflag:s16] =	ssyncset.done $0x0  }
0x6b: {  	[sflag:s16] =	ssyncadd.s32 $0xFFFFF800  }
0x6c: {  	_ =	swait.ge [sflag:s16], $0x800  }
0x6d: {  	[sflag:s16] =	ssyncset.done $0x0  }
0x6e: {  	[sflag:s16] =	ssyncadd.s32 $0xFFFFF800  }
0x6f: {  	_ =	swait.ge [sflag:s16], $0x800  }
0x70: {  	[sflag:s16] =	ssyncset.done $0x0  }
0x71: {  	[sflag:s16] =	ssyncadd.s32 $0xFFFFF800  }
0x72: {  	_ =	swait.ge [sflag:s16], $0x800  }
0x73: {  	[sflag:s16] =	ssyncset.done $0x0  }
0x74: {  	[sflag:s16] =	ssyncadd.s32 $0xFFFFF800  }
0x75: {  	_ =	swait.ge [sflag:s16], $0x800  }
0x76: {  	[sflag:s16] =	ssyncset.done $0x0  }
0x77: {  	[sflag:s16] =	ssyncadd.s32 $0xFFFFF800  }
.Ltmp1:
0x78: {  	_ =	swait.ge [sflag:s16], $0x800;
	(pc) =	sbr.rel @p0 .LBB2_4-.Ltmp1, $4  }
0x79: {  	[sflag:s16] =	ssyncset.done $0x0  }
0x7a: {  	[sflag:s16] =	ssyncadd.s32 $0xFFFFF800  }
0x7b: {  	_ =	swait.ge [sflag:s16], $0x800  }
0x7c: {  	s21 =	smov.u32 s20;
	[sflag:s16] =	ssyncset.done $0x0  }
0x7d: {  	s19 =	sshra.s32 s19, $0x2;
	[sflag:s16] =	ssyncadd.s32 $0xFFFFF800  }
0x7e: {  	[spmem:s2] =	stream.indirect.scatter.add.f32 [tilespmem:s15], [sflag:$0x1], $0x10, s19, s14, $0xb8;
	[tilespmem:$0xD000] =	vst v63  }
0x7f: {  	s20 =	sadd.s32 $0x80, s19  }
0x80: {  	[spmem:s2] =	stream.indirect.scatter.add.f32 [tilespmem:s15], [sflag:$0x1], $0x10, s20, s14, $0xb8;
	[tilespmem:$0xD000] =	vst v63  }
0x81: {  	s26 =	sadd.s32 $0x100, s19  }
0x82: {  	[spmem:s2] =	stream.indirect.scatter.add.f32 [tilespmem:s15], [sflag:$0x1], $0x10, s26, s14, $0xb8;
	[tilespmem:$0xD000] =	vst v63  }
0x83: {  	s28 =	sadd.s32 $0x180, s19  }
0x84: {  	[spmem:s2] =	stream.indirect.scatter.add.f32 [tilespmem:s15], [sflag:$0x1], $0x10, s28, s14, $0xb8;
	[tilespmem:$0xD000] =	vst v63  }
0x85: {  	s29 =	sadd.s32 $0x200, s19  }
0x86: {  	[spmem:s2] =	stream.indirect.scatter.add.f32 [tilespmem:s15], [sflag:$0x1], $0x10, s29, s14, $0xb8;
	[tilespmem:$0xD000] =	vst v63  }
0x87: {  	s30 =	sadd.s32 $0x280, s19  }
0x88: {  	[spmem:s2] =	stream.indirect.scatter.add.f32 [tilespmem:s15], [sflag:$0x1], $0x10, s30, s14, $0xb8;
	[tilespmem:$0xD000] =	vst v63  }
0x89: {  	s31 =	sadd.s32 $0x300, s19  }
0x8a: {  	[spmem:s2] =	stream.indirect.scatter.add.f32 [tilespmem:s15], [sflag:$0x1], $0x10, s31, s14, $0xb8;
	[tilespmem:$0xD000] =	vst v63  }
0x8b: {  	s19 =	sadd.s32 $0x380, s19  }
0x8c: {  	[spmem:s2] =	stream.indirect.scatter.add.f32 [tilespmem:s15], [sflag:$0x1], $0x10, s19, s14, $0xb8;
	[tilespmem:$0xD000] =	vst v63  }
0x8d: {  	_ =	swait.ge [sflag:s16], $0x800  }
0x8e: {  	[sflag:s16] =	ssyncset.done $0x0  }
0x8f: {  	[sflag:s16] =	ssyncadd.s32 $0xFFFFF800  }
0x90: {  	_ =	swait.ge [sflag:s16], $0x800  }
0x91: {  	[sflag:s16] =	ssyncset.done $0x0  }
0x92: {  	[sflag:s16] =	ssyncadd.s32 $0xFFFFF800  }
0x93: {  	_ =	swait.ge [sflag:s16], $0x800  }
0x94: {  	[sflag:s16] =	ssyncset.done $0x0  }
0x95: {  	[sflag:s16] =	ssyncadd.s32 $0xFFFFF800  }
0x96: {  	_ =	swait.ge [sflag:s16], $0x800  }
0x97: {  	[sflag:s16] =	ssyncset.done $0x0  }
0x98: {  	[sflag:s16] =	ssyncadd.s32 $0xFFFFF800  }
0x99: {  	_ =	swait.ge [sflag:s16], $0x800  }
0x9a: {  	[sflag:s16] =	ssyncset.done $0x0  }
0x9b: {  	[sflag:s16] =	ssyncadd.s32 $0xFFFFF800  }
0x9c: {  	_ =	swait.ge [sflag:s16], $0x800  }
0x9d: {  	[sflag:s16] =	ssyncset.done $0x0  }
0x9e: {  	[sflag:s16] =	ssyncadd.s32 $0xFFFFF800  }
0x9f: {  	_ =	swait.ge [sflag:s16], $0x800  }
0xa0: {  	[sflag:s16] =	ssyncset.done $0x0  }
0xa1: {  	[sflag:s16] =	ssyncadd.s32 $0xFFFFF800  }
0xa2: {  	_ =	swait.ge [sflag:s16], $0x800  }
0xa3: {  	s3 =	sadd.s32 $0x1, s3;
	[sflag:s16] =	ssyncset.done $0x0  }
0xa4: {  	p0 =	sne.s32 s3, s7;
	[sflag:s16] =	ssyncadd.s32 $0xFFFFF800  }
.Ltmp2:
0xa5: {  	[bflag:$0x0] =	sbarrier.arrive $0xFFFF;
	(pc) =	sbr.rel @p0 .LBB2_1-.Ltmp2, $4  }
0xa6: {  	[hbm:s6], [sflag:s17] =	dma.local [spmem:s18], $0x2800  }
0xa7: {  	_ =	swait.ge [sflag:s12], $0x2800  }
0xa8: {  	[sflag:s12] =	ssyncset.done $0x0  }
0xa9: {  	[sflag:s12] =	ssyncadd.s32 $0xFFFFD800  }
0xaa: {  	_ =	sfence.sel $0x180000  }
0xab: {  	[bflag:$0x0] =	sbarrier.arrive $0xFFFF  }
0xac: {  	p0 =	sne.s32 s1, $0x0;
	_ =	strace $0x90000047  }
0xad: {  	s0 =	sadd.s32 @!p0 $0x100000, s0;
	[bflag:$0x2] =	sbarrier.arrive $0xFFFF  }
0xae: {  	[sflag:s0] =	ssyncadd.tile.s32 @!p0 $0x1;
	_ =	shalt  }
.Lfunc_end2:
_tile_overlayer_lowered:
.L_overlay_start_2:
0xaf: {  	(tag) =	ssettag $0x2  }
0xb0: {  	s0 =	rddreg [dreg:$0x0];
	s2 =	stileid.u32  }
0xb1: {  	s1 =	rddreg [dreg:$0x1];
	p0 =	sne.s32 s2, $0x0  }
0xb2: {  	s3 =	rddreg [dreg:$0x2];
	[bflag:$0x3] =	sbarrier.arrive $0xFFFF;
	s2 =	simm.s32 @!p0 $0x1C02  }
0xb3: {  	[timem:s3], [sflag:s2] =	dma.local @!p0 [hbm:s0], s1  }
0xb4: {  	s0 =	simm.s32 @!p0 $0x2  }
0xb5: {  	_ =	swait.ge @!p0 [sflag:s0], s1  }
0xb6: {  	s1 =	ssub.s32 @!p0 $0x0, s1;
	[sflag:s0] =	ssyncset.done @!p0 $0x0  }
0xb7: {  	[sflag:s0] =	ssyncadd.s32 @!p0 s1  }
0xb8: {  	[bflag:$0x3] =	sbarrier.arrive $0xFFFF  }
0xb9: {  	_ =	shalt  }

// kernel: kernel.14.cloned.1.call-start
scs
__scs_entry_jumppad:
0x0: {  	(pc) =	sbr.rel $0x88, $3  }
0x1: {  	(tag) =	ssettag $0x0;
	lr =	simm.s32 $0x1  }
0x2: {  	[smem:$0x3F90] =	sst lr;
	_ =	strace $0xD0000000  }
0x3: {  	_ = 	snop  }
0x4: {  	_ = 	snop  }
0x5: {  	_ = 	snop  }
0x6: {  	_ = 	snop  }
0x7: {  	_ = 	snop  }
__scs_overlays_trampoline_lowered:
0x8: {  	[smem:$0x3F9F] =	sst s0  }
0x9: {  	[smem:$0x3FA0] =	sst s1  }
0xa: {  	[smem:$0x3FA1] =	sst s2  }
0xb: {  	[smem:$0x3FA2] =	sst s3  }
0xc: {  	[smem:$0x3FA3] =	sst s4  }
0xd: {  	[smem:$0x3FA4] =	sst s5  }
0xe: {  	[smem:$0x3FA5] =	sst s6  }
0xf: {  	[smem:$0x3FA6] =	sst s7  }
0x10: {  	[smem:$0x3FA7] =	sst s8  }
0x11: {  	[smem:$0x3FA8] =	sst s9;
	s0 =	simm.s32 @!p0 $0x0  }
0x12: {  	s1 =	sld [smem:$0x3F8E];
	s0 =	simm.s32 @p0 $0x1  }
0x13: {  	[smem:$0x3FA9] =	sst s0;
	s0 =	simm.s32 @!p1 $0x0  }
0x14: {  	s2 =	sld [smem:$0x3F8D];
	s0 =	simm.s32 @p1 $0x1  }
0x15: {  	[smem:$0x3FAA] =	sst s0;
	s0 =	simm.s32 @!p2 $0x0  }
0x16: {  	s3 =	sld [smem:$0x3FDB];
	s0 =	simm.s32 @p2 $0x1  }
0x17: {  	s4 =	simm.s32 $0x1BF5;
	[smem:$0x3FAC] =	sst s0  }
0x18: {  	s0 =	sld [smem:$0x3F8F];
	_ =	swait.ge [sflag:s4], $0x0  }
0x19: {  	s7 =	sld [smem:$0x3F90]  }
0x1a: {  	s8 =	sadd.s32 $0xFFFFE003, lr  }
0x1b: {  	s9 =	sadd.s32 $0xFFFFFEF7, lr;
	s5 =	simm.s32 $0xFFFFFFFF;
	p2 =	slt.u32 s8, $0xFFFFF086  }
0x1c: {  	p1 =	slt.u32 s9, $0xF7A;
	s5 =	simm.s32 @!p2 $0x0  }
0x1d: {  	s5 =	simm.s32 @p1 $0x1;
	p0 =	seq.s32 s7, s2  }
0x1e: {  	s7 =	smul.u32 @!p0 $0xF7A, s2;
	p2 =	seq.s32 @!p0 s5, $0x0  }
0x1f: {  	s9 =	smul.u32 $0xF7A, s1;
	s8 =	simm.s32 @!p0 $0x1BF5;
	p2 =	por !p2, p0  }
0x20: {  	[sflag:s8] =	ssyncset.s32 @!p0 $0xFFFFF086;
	s6 =	sadd.s32 @!p0 s3, s7;
	s7 =	simm.s32 @!p0 $0x108  }
0x21: {  	s3 =	sadd.s32 s3, s9;
	s6 =	sadd.s32 @!p0 $0x88, s6;
	s7 =	simm.s32 @p2 $0x1082  }
0x22: {  	[simem:s7], [sflag:s8] =	dma.local @!p0 [hbm:s6], $0xF7A  }
0x23: {  	s9 =	sor.u32 $0xD0000000, s2;
	s6 =	simm.s32 $0x108;
	_ =	swait.ge @!p0 [sflag:s8], $0x0  }
0x24: {  	s3 =	sadd.s32 $0x88, s3;
	s6 =	simm.s32 @!p1 $0x1082;
	[sflag:s4] =	ssyncset.s32 $0xFFFFF086  }
0x25: {  	[simem:s6], [sflag:s4] =	dma.local [hbm:s3], $0xF7A  }
0x26: {  	[smem:$0x3F90] =	sst s1;
	(tag) =	ssettag s2;
	_ =	strace s9  }
0x27: {  	s1 =	sld [smem:$0x3FA0]  }
0x28: {  	s2 =	sld [smem:$0x3FA1]  }
0x29: {  	s4 =	sld [smem:$0x3FA3]  }
0x2a: {  	p0 =	seq.s32 s5, $0x0;
	s5 =	sld [smem:$0x3FA4]  }
0x2b: {  	s6 =	sld [smem:$0x3FA5]  }
0x2c: {  	s7 =	sld [smem:$0x3FA6]  }
0x2d: {  	s3 =	simm.s32 $0x108;
	s8 =	sld [smem:$0x3FA7]  }
0x2e: {  	s3 =	simm.s32 @!p0 $0x1082;
	s9 =	sld [smem:$0x3FA8]  }
0x2f: {  	lr =	sadd.s32 s0, s3;
	s0 =	sld [smem:$0x3F9F]  }
0x30: {  	s3 =	sld [smem:$0x3FA2]  }
0x31: {  	[smem:$0x3FAB] =	sst s10  }
0x32: {  	s10 =	sld [smem:$0x3FA9];
	_ =	sdelay $0x3  }
0x33: {  	p0 =	seq.s32 s10, $0x1;
	s10 =	sld [smem:$0x3FAB];
	_ =	sdelay $0x3  }
0x34: {  	[smem:$0x3FAB] =	sst s10  }
0x35: {  	s10 =	sld [smem:$0x3FAA];
	_ =	sdelay $0x3  }
0x36: {  	p1 =	seq.s32 s10, $0x1;
	s10 =	sld [smem:$0x3FAB];
	_ =	sdelay $0x3  }
0x37: {  	[smem:$0x3FAB] =	sst s10  }
0x38: {  	s10 =	sld [smem:$0x3FAC]  }
0x39: {  	_ = 	snop;
	(pc) =	sbr.ind lr, $3  }
0x3a: {  	_ = 	snop  }
0x3b: {  	_ = 	snop  }
0x3c: {  	p2 =	seq.s32 s10, $0x1;
	s10 =	sld [smem:$0x3FAB]  }
0x3d: {  	_ =	shalt  }
0x3e: {  	_ =	shalt  }
0x3f: {  	_ =	shalt  }
0x40: {  	_ =	shalt  }
0x41: {  	_ =	shalt  }
0x42: {  	_ =	shalt  }
0x43: {  	_ =	shalt  }
0x44: {  	_ =	shalt  }
0x45: {  	_ =	shalt  }
0x46: {  	_ =	shalt  }
0x47: {  	_ =	shalt  }
0x48: {  	_ =	shalt  }
0x49: {  	_ =	shalt  }
0x4a: {  	_ =	shalt  }
0x4b: {  	_ =	shalt  }
0x4c: {  	_ =	shalt  }
0x4d: {  	_ =	shalt  }
0x4e: {  	_ =	shalt  }
0x4f: {  	_ =	shalt  }
0x50: {  	_ =	shalt  }
0x51: {  	_ =	shalt  }
0x52: {  	_ =	shalt  }
0x53: {  	_ =	shalt  }
0x54: {  	_ =	shalt  }
0x55: {  	_ =	shalt  }
0x56: {  	_ =	shalt  }
0x57: {  	_ =	shalt  }
0x58: {  	_ =	shalt  }
0x59: {  	_ =	shalt  }
0x5a: {  	_ =	shalt  }
0x5b: {  	_ =	shalt  }
0x5c: {  	_ =	shalt  }
0x5d: {  	_ =	shalt  }
0x5e: {  	_ =	shalt  }
0x5f: {  	_ =	shalt  }
0x60: {  	_ =	shalt  }
0x61: {  	_ =	shalt  }
0x62: {  	_ =	shalt  }
0x63: {  	_ =	shalt  }
0x64: {  	_ =	shalt  }
0x65: {  	_ =	shalt  }
0x66: {  	_ =	shalt  }
0x67: {  	_ =	shalt  }
0x68: {  	_ =	shalt  }
0x69: {  	_ =	shalt  }
0x6a: {  	_ =	shalt  }
0x6b: {  	_ =	shalt  }
0x6c: {  	_ =	shalt  }
0x6d: {  	_ =	shalt  }
0x6e: {  	_ =	shalt  }
0x6f: {  	_ =	shalt  }
0x70: {  	_ =	shalt  }
0x71: {  	_ =	shalt  }
0x72: {  	_ =	shalt  }
0x73: {  	_ =	shalt  }
0x74: {  	_ =	shalt  }
0x75: {  	_ =	shalt  }
0x76: {  	_ =	shalt  }
0x77: {  	_ =	shalt  }
0x78: {  	_ =	shalt  }
0x79: {  	_ =	shalt  }
0x7a: {  	_ =	shalt  }
0x7b: {  	_ =	shalt  }
0x7c: {  	_ =	shalt  }
0x7d: {  	_ =	shalt  }
0x7e: {  	_ =	shalt  }
0x7f: {  	_ =	shalt  }
0x80: {  	_ =	shalt  }
0x81: {  	_ =	shalt  }
0x82: {  	_ =	shalt  }
0x83: {  	_ =	shalt  }
0x84: {  	_ =	shalt  }
0x85: {  	_ =	shalt  }
0x86: {  	_ =	shalt  }
0x87: {  	_ =	shalt  }
.Lfunc_end0:
.L_simem_size_0:
called_computation.1_lowered:
.L_overlay_start_0:
0x88: {  	s2 =	sld [smem:$0x3FD9]  }
0x89: {  	s3 =	sld [smem:$0x3FFE];
	_ =	sdelay $0x1  }
0x8a: {  	s1 =	srdreg.scid  }
0x8b: {  	s0 =	sand.u32 $0x1, s1  }
0x8c: {  	s16 =	sshll.u32 s0, $0xA;
	s2 =	sadd.s32 s3, s2  }
0x8d: {  	s2 =	sadd.s32 s2, s16  }
0x8e: {  	[smem:$0x3FB7] =	sst s2  }
0x8f: {  	_ = 	snop  }
0x90: {  	(tm) =	ssettm $0x1  }
0x91: {  	s17 =	sld [smem:$0x3FFB];
	_ =	sdelay $0x3  }
0x92: {  	_ =	strace s17  }
0x93: {  	s2 =	sld [smem:$0x3FFC];
	_ =	sdelay $0x3  }
0x94: {  	_ =	strace s2  }
0x95: {  	s2 =	sld [smem:$0x3FFD];
	_ =	sdelay $0x3  }
0x96: {  	_ =	strace s2  }
0x97: {  	_ =	strace $0x8FFFFFFF  }
0x98: {  	s18 =	sld [smem:$0x3FDB];
	_ =	sdelay $0x1  }
0x99: {  	s19 =	simm.s32 $_scs_section_size  }
0x9a: {  	s4 =	simm.s32 $_size__tile_overlayer_lowered;
	s5 =	simm.s32 $_tile_overlayer_lowered  }
0x9b: {  	s22 =	simm.s32 $0x1BFF;
	s21 =	sshll.u32 s5, $0x1;
	s2 =	sadd.s32 s19, s18  }
0x9c: {  	s6 =	simm.s32 $0x0;
	s20 =	sshll.u32 s4, $0x1;
	s4 =	sadd.s32 s21, s2  }
0x9d: {  	[timem:s6], [sflag:s22] =	dma.local [hbm:s4], s20  }
0x9e: {  	_ =	swait.ge [sflag:s22], s20  }
0x9f: {  	s3 =	ssub.s32 $0x0, s20;
	[sflag:s22] =	ssyncset.done $0x0  }
0xa0: {  	[sflag:s22] =	ssyncadd.s32 s3;
	_ =	sdelay $0x1  }
0xa1: {  	s23 =	simm.s32 $0x1B8B  }
0xa2: {  	_ =	swait.ge [sflag:s23], $0x1  }
0xa3: {  	[sflag:s23] =	ssyncset.done $0x0  }
0xa4: {  	s25 =	simm.s32 $0x1B8E;
	s24 =	sld [smem:$0x3FFE];
	[sflag:s23] =	ssyncadd.s32 $0xFFFFFFFF  }
0xa5: {  	s26 =	simm.s32 $execute0_lowered;
	[smem:$0x3FD2] =	sst s25  }
0xa6: {  	s4 =	sshll.u32 s26, $0x1;
	_ =	strace $0x80000049;
	[dreg:$0x1] =	wrdreg $0xFFFFFFFF  }
0xa7: {  	s28 =	simm.s32 $_size_execute0_lowered;
	s2 =	sadd.s32 s2, s4;
	[dreg:$0x0] =	wrdreg $0x0  }
0xa8: {  	s4 =	sshll.u32 s28, $0x1;
	[dreg:$0x2] =	wrdreg s2  }
0xa9: {  	[dreg:$0x3] =	wrdreg s4  }
0xaa: {  	[dreg:$0x4] =	wrdreg $0xC0  }
0xab: {  	_ =	task [dreg:s6], $0x5FFFF  }
0xac: {  	[dreg:$0x1] =	wrdreg $0xFFFFFFFF  }
0xad: {  	[dreg:$0x0] =	wrdreg $0x60  }
0xae: {  	[dreg:$0x2] =	wrdreg s24  }
0xaf: {  	[dreg:$0x3] =	wrdreg $0x84000  }
0xb0: {  	[dreg:$0x4] =	wrdreg $0x9  }
0xb1: {  	_ =	task.clear_ibuf [dreg:s6], $0x5FFFF;
	_ =	strace $0x90000049  }
0xb2: {  	s29 =	simm.s32 $0x9;
	_ =	strace $0x8000004B  }
0xb3: {  	_ =	swait.ge [sflag:s29], $0x1  }
0xb4: {  	[sflag:s29] =	ssyncadd.s32 $0xFFFFFFFF  }
0xb5: {  	_ =	strace $0x9000004B  }
0xb6: {  	_ =	sfence  }
0xb7: {  	s30 =	sld [smem:$0x0];
	_ =	sdelay $0x2  }
0xb8: {  	s31 =	sshll.u32 s1, $0xD;
	s1 =	sshrl.u32 s1, $0x2  }
0xb9: {  	s3 =	sand.u32 $0x4000, s31;
	s1 =	sadd.s32 s1, s30  }
0xba: {  	s0 =	sor.u32 s3, s0;
	s1 =	sshll.u32 s1, $0x11  }
0xbb: {  	s0 =	sor.u32 s1, s0  }
0xbc: {  	s0 =	sadd.s32 $0x8F2B, s0  }
0xbd: {  	[sflag:s0] =	ssyncadd.remote.s32 $0x1  }
0xbe: {  	_ =	sfence.sel $0xFFFF  }
0xbf: {  	[dreg:$0x0] =	wrdreg $0xFFFFFFFF;
	(pc) =	sbr.abs _section_cstart, $3  }
0xc0: {  	[dreg:$0x1] =	wrdreg $0xFFFFFFFF  }
0xc1: {  	_ =	task.clear_ibuf [dreg:s6], $0x2FFFF;
	_ =	strace $0x9FFFFFFF  }
0xc2: {  	(tm) =	ssettm $0x7FFFFFFF  }
0xc3: {  	_ =	shalt  }
tec
execute0_lowered:
.L_overlay_start_1:
0x0: {  	(tag) =	ssettag $0x1  }
0x1: {  	s0 =	rddreg [dreg:$0x0]  }
0x2: {  	s1 =	rddreg [dreg:$0x1];
	s3 =	simm.s32 $0x0;
	s24 =	stileid.u32  }
0x3: {  	s2 =	srdreg.scid;
	s19 =	simm.s32 $0x400;
	s7 =	smul.u32 $0x14000, s24  }
0x4: {  	s20 =	simm.s32 $0x4;
	s22 =	simm.s32 $0x80;
	s8 =	smul.u32 $0x23, s24  }
0x5: {  	[smem:$0x7FF] =	sst s3;
	s5 =	sand.u32 $0x1, s2;
	s12 =	smul.u32 $0x7A, s24  }
0x6: {  	s9 =	sadd.s32 $0x68000, s0;
	s10 =	sadd.s32 $0x5E200, s0;
	s13 =	smul.u32 $0x50000, s24  }
0x7: {  	s4 =	sadd.s32 $0x71E00, s0;
	s24 =	simm.s32 $0x2;
	s6 =	smul.u32 $0x140000, s5  }
0x8: {  	_ =	strace $0x8000004A;
	s25 =	ssub.s32 $0x2, s5;
	p0 =	seq.s32 s5, $0x0  }
0x9: {  	s5 =	simm.s32 $0x7A;
	s11 =	sshrl.u32 s25, $0x1;
	s8 =	sadd.s32 $0x7A0, s8  }
0xa: {  	s26 =	sshrl.u32 s13, $0x2;
	s5 =	simm.s32 @!p0 $0x23;
	s6 =	sadd.s32 s7, s6  }
0xb: {  	s14 =	ssub.s32 s25, s11;
	s8 =	smov.u32 @p0 s12;
	s31 =	sshll.u32 s5, $0x9  }
0xc: {  	s25 =	simm.s32 $0x3;
	s6 =	sshrl.u32 s6, $0x3;
	s8 =	sshll.u32 s8, $0x4  }
0xd: {  	s12 =	smax.u32 s14, $0x1;
	[dreg:$0x3] =	wrdreg s31;
	s0 =	sadd.s32 s6, s0  }
0xe: {  	s6 =	sadd.s32 s26, s1;
	s28 =	sadd.s32 $0x10, s8;
	s7 =	sadd.s32 s9, s8  }
0xf: {  	s8 =	sadd.s32 s10, s8;
	s29 =	sadd.s32 s9, s28;
	s30 =	sadd.s32 s10, s28  }
0x10: {  	s11 =	sadd.s32 $0x99E00, s0;
	s13 =	sadd.s32 $0x4000, s6;
	s14 =	sadd.s32 $0x8000, s6  }
0x11: {  	s15 =	sadd.s32 $0xC000, s6;
	s16 =	sadd.s32 $0x10000, s6;
	[dreg:$0x4] =	wrdreg s29  }
0x12: {  	v0 =	vimm.f32 $0.0e+00;
	s17 =	sadd.s32 $0x20, s8;
	s18 =	sadd.s32 $0x20, s7;
	[dreg:$0x5] =	wrdreg s30  }
.LBB2_1:
0x13: {  	s0 =	simm.s32 $0x0;
	s26 =	simm.s32 $0x200  }
.LBB2_2:
0x14: {  	p0 =	sne.s32 s26, $0xFE00;
	[tilespmem:s0+$0x470] =	vst v0  }
0x15: {  	[tilespmem:s0+$0x400] =	vst v0  }
0x16: {  	[tilespmem:s0+$0x410] =	vst v0  }
.Ltmp0:
0x17: {  	[tilespmem:s0+$0x420] =	vst v0;
	(pc) =	sbr.rel @p0 .LBB2_2-.Ltmp0, $4  }
0x18: {  	[tilespmem:s0+$0x430] =	vst v0  }
0x19: {  	[tilespmem:s0+$0x440] =	vst v0  }
0x1a: {  	[tilespmem:s0+$0x450] =	vst v0  }
0x1b: {  	[tilespmem:s0+$0x460] =	vst v0;
	s0 =	sshra.s32 s26, $0x2;
	s26 =	sadd.s32 $0x200, s26  }
0x1c: {  	[tilespmem:s0+$0x470] =	vst v0  }
0x1d: {  	[tilespmem:s0+$0x400] =	vst v0  }
0x1e: {  	[tilespmem:s0+$0x410] =	vst v0  }
0x1f: {  	[tilespmem:s0+$0x420] =	vst v0  }
0x20: {  	[tilespmem:s0+$0x430] =	vst v0  }
0x21: {  	[tilespmem:s0+$0x440] =	vst v0  }
0x22: {  	[tilespmem:s0+$0x450] =	vst v0  }
0x23: {  	[tilespmem:s0+$0x460] =	vst v0  }
0x24: {  	[spmem:s6] =	stream.linear.scatter [tilespmem:s19], [sflag:$0x4], $0x4000, $0x38;
	[tilespmem:$0x1C400] =	vst v63  }
0x25: {  	_ =	swait.ge [sflag:s20], $0x4000  }
0x26: {  	[sflag:s20] =	ssyncset.done $0x0  }
0x27: {  	[sflag:s20] =	ssyncadd.s32 $0xFFFFC000  }
0x28: {  	[spmem:s13] =	stream.linear.scatter [tilespmem:s19], [sflag:$0x4], $0x4000, $0x38;
	[tilespmem:$0x1C400] =	vst v63  }
0x29: {  	_ =	swait.ge [sflag:s20], $0x4000  }
0x2a: {  	[sflag:s20] =	ssyncset.done $0x0  }
0x2b: {  	[sflag:s20] =	ssyncadd.s32 $0xFFFFC000  }
0x2c: {  	[spmem:s14] =	stream.linear.scatter [tilespmem:s19], [sflag:$0x4], $0x4000, $0x38;
	[tilespmem:$0x1C400] =	vst v63  }
0x2d: {  	_ =	swait.ge [sflag:s20], $0x4000  }
0x2e: {  	[sflag:s20] =	ssyncset.done $0x0  }
0x2f: {  	[sflag:s20] =	ssyncadd.s32 $0xFFFFC000  }
0x30: {  	[spmem:s15] =	stream.linear.scatter [tilespmem:s19], [sflag:$0x4], $0x4000, $0x38;
	[tilespmem:$0x1C400] =	vst v63  }
0x31: {  	_ =	swait.ge [sflag:s20], $0x4000  }
0x32: {  	[sflag:s20] =	ssyncset.done $0x0  }
0x33: {  	[sflag:s20] =	ssyncadd.s32 $0xFFFFC000  }
0x34: {  	[spmem:s16] =	stream.linear.scatter [tilespmem:s19], [sflag:$0x4], $0x4000, $0x38;
	[tilespmem:$0x1C400] =	vst v63  }
0x35: {  	_ =	swait.ge [sflag:s20], $0x4000  }
0x36: {  	[sflag:s20] =	ssyncset.done $0x0  }
0x37: {  	[sflag:s20] =	ssyncadd.s32 $0xFFFFC000  }
0x38: {  	s26 =	simm.s32 $0x0;
	[bflag:$0x0] =	sbarrier.arrive $0xFFFF  }
0x39: {  	[tilespmem:s26], [sflag:$0x1] =	stream.linear.gather [hbm4b:s7+s26], $0x80, $0x38;
	[tilespmem:$0x1C400] =	vst v63  }
0x3a: {  	s10 =	simm.s32 $0x200  }
0x3b: {  	[tilespmem:s10], [sflag:$0x1] =	stream.linear.gather [hbm4b:s8+s26], $0x80, $0x38;
	[tilespmem:$0x1C400] =	vst v63  }
0x3c: {  	s21 =	rddreg [dreg:$0x4]  }
0x3d: {  	[tilespmem:s22], [sflag:$0x1] =	stream.linear.gather [hbm4b:s21+s26], $0x80, $0x38;
	[tilespmem:$0x1C400] =	vst v63  }
0x3e: {  	s2 =	simm.s32 $0x280;
	s28 =	simm.s32 $0x1;
	s23 =	rddreg [dreg:$0x5]  }
0x3f: {  	[tilespmem:s2], [sflag:$0x1] =	stream.linear.gather [hbm4b:s23+s26], $0x80, $0x38;
	[tilespmem:$0x1C400] =	vst v63  }
0x40: {  	_ =	swait.ge [sflag:s28], $0x80  }
0x41: {  	[sflag:s28] =	ssyncset.done $0x0  }
0x42: {  	[sflag:s28] =	ssyncadd.s32 $0xFFFFFF80  }
0x43: {  	_ =	swait.ge [sflag:s28], $0x80  }
0x44: {  	s29 =	simm.s32 $0x2;
	s30 =	smov.u32 s18;
	[sflag:s28] =	ssyncset.done $0x0  }
0x45: {  	s31 =	smov.u32 s17;
	s0 =	simm.s32 $0x0;
	[sflag:s28] =	ssyncadd.s32 $0xFFFFFF80  }
0x46: {  	[tilespmem:s19], [sflag:$0x2] =	stream.indirect.gather [hbm4b:s4+s22], $0x80, s26, s22, $0xb8;
	[tilespmem:$0x1C400] =	vst v63  }
.LBB2_4:
0x47: {  	s2 =	smulhi.u32 $0xAAAAAAAB, s0;
	_ =	sdelay $0x1  }
0x48: {  	s21 =	sadd.s32 $0xFFFFFFFE, s29;
	s2 =	sshrl.u32 s2, $0x1  }
0x49: {  	s23 =	sshra.s32 s26, $0x2;
	_ =	swait.ge [sflag:s24], $0x4000;
	s2 =	smul.u32 $0xFFFFFA00, s2  }
0x4a: {  	s9 =	sadd.s32 $0xFFFFFFFF, s29;
	s21 =	sand.u32 $0x1, s21;
	[sflag:s24] =	ssyncset.done $0x0  }
0x4b: {  	p0 =	sge.u32 s9, s5;
	s10 =	sshll.u32 s21, $0xE;
	s2 =	sshra.s32 s2, $0x2  }
0x4c: {  	[sflag:s24] =	ssyncadd.s32 $0xFFFFC000;
	p1 =	seq.s32 @!p0 s26, $0x0;
	s2 =	sadd.s32 s23, s2  }
0x4d: {  	s23 =	sor.u32 $0x400, s10;
	s10 =	smulhi.u32 $0xAAAAAAAB, s29;
	s2 =	sadd.s32 $0x200, s2  }
0x4e: {  	[spmem:s1] =	stream.indirect.scatter.add.f32 [tilespmem:s23], [sflag:$0x3], $0x80, s2, s22, $0xb8;
	[tilespmem:$0x1C400] =	vst v63  }
0x4f: {  	p1 =	por p1, p0;
	s9 =	sshrl.u32 s10, $0x1  }
0x50: {  	s23 =	simm.s32 @!p1 $0x3;
	s2 =	smul.u32 $0xFFFFFA00, s9  }
0x51: {  	p2 =	sge.u32 @!p0 s29, s5;
	_ =	swait.ge @!p1 [sflag:s23], $0x4000  }
0x52: {  	p2 =	por p2, p0;
	[sflag:s23] =	ssyncset.done @!p1 $0x0;
	s2 =	sshra.s32 s2, $0x2  }
0x53: {  	s9 =	sshra.s32 @!p2 s26, $0x2;
	[sflag:s23] =	ssyncadd.s32 @!p1 $0xFFFFC000;
	s23 =	sadd.s32 $0x100, s2  }
0x54: {  	s10 =	simm.s32 @!p2 $0x0;
	s2 =	sadd.s32 $0x300, s2;
	s23 =	sadd.s32 @!p2 s9, s23  }
0x55: {  	[tilespmem:s23], [sflag:$0x1] =	stream.linear.gather @!p2 [hbm4b:s30+s10], $0x80, $0x38;
	[tilespmem:$0x1C400] =	vst v63  }
0x56: {  	s2 =	sadd.s32 @!p2 s9, s2;
	s23 =	smulhi.u32 $0xAAAAAAAB, s28  }
0x57: {  	[tilespmem:s2], [sflag:$0x1] =	stream.linear.gather @!p2 [hbm4b:s31+s10], $0x80, $0x38;
	[tilespmem:$0x1C400] =	vst v63  }
0x58: {  	s2 =	simm.s32 @!p0 $0x1  }
0x59: {  	s10 =	sshrl.u32 s23, $0x1;
	_ =	swait.ge @!p0 [sflag:s2], $0x80  }
0x5a: {  	s9 =	smul.u32 $0xFFFFFA00, s10;
	[sflag:s2] =	ssyncset.done @!p0 $0x0  }
0x5b: {  	s10 =	sshll.u32 @!p0 s21, $0xE;
	[sflag:s2] =	ssyncadd.s32 @!p0 $0xFFFFFF80  }
0x5c: {  	s10 =	sxor.u32 @!p0 $0x4000, s10;
	s9 =	sshra.s32 s9, $0x2;
	_ =	swait.ge @!p0 [sflag:s2], $0x80  }
0x5d: {  	s9 =	sadd.s32 $0x80, s9;
	[sflag:s2] =	ssyncset.done @!p0 $0x0;
	s23 =	rddreg [dreg:$0x3]  }
0x5e: {  	[sflag:s2] =	ssyncadd.s32 @!p0 $0xFFFFFF80;
	s2 =	sor.u32 @!p0 $0x400, s10;
	s10 =	sshra.s32 @!p0 s26, $0x2  }
0x5f: {  	s26 =	sadd.s32 $0x200, s26;
	s9 =	sadd.s32 @!p0 s10, s9;
	s10 =	simm.s32 @!p0 $0x80  }
0x60: {  	[tilespmem:s2], [sflag:$0x2] =	stream.indirect.gather @!p0 [hbm4b:s4+s10], $0x80, s9, s10, $0xb8;
	[tilespmem:$0x1C400] =	vst v63  }
0x61: {  	p0 =	sne.s32 s23, s26  }
.Ltmp1:
0x62: {  	_ = 	snop;
	(pc) =	sbr.rel @p0 .LBB2_4-.Ltmp1, $3  }
0x63: {  	_ =	sdelay $0x1  }
0x64: {  	s0 =	sadd.s32 $0x1, s0;
	s29 =	sadd.s32 $0x1, s29  }
0x65: {  	s30 =	sadd.s32 $0x10, s30;
	s28 =	sadd.s32 $0x1, s28;
	s31 =	sadd.s32 $0x10, s31  }
0x66: {  	_ =	swait.ge [sflag:s25], $0x4000;
	s0 =	stileid.u32  }
0x67: {  	s2 =	sshrl.u32 s6, $0x3;
	s3 =	sadd.s32 $0x1, s3;
	[sflag:s25] =	ssyncset.done $0x0  }
0x68: {  	s0 =	sshll.u32 s0, $0x6;
	p0 =	sne.s32 s3, s12;
	[sflag:s25] =	ssyncadd.s32 $0xFFFFC000  }
.Ltmp2:
0x69: {  	s0 =	sor.u32 $0x1C04, s0;
	[bflag:$0x0] =	sbarrier.arrive $0xFFFF;
	(pc) =	sbr.rel @p0 .LBB2_1-.Ltmp2, $4  }
0x6a: {  	[hbm:s11], [sflag:s0] =	dma.local [spmem:s2], $0x2800  }
0x6b: {  	_ =	swait.ge [sflag:s20], $0x2800  }
0x6c: {  	[sflag:s20] =	ssyncset.done $0x0  }
0x6d: {  	[sflag:s20] =	ssyncadd.s32 $0xFFFFD800  }
0x6e: {  	_ =	sfence.sel $0x180000  }
0x6f: {  	[bflag:$0x0] =	sbarrier.arrive $0xFFFF  }
0x70: {  	_ =	strace $0x9000004A  }
0x71: {  	s0 =	stileid.u32;
	[bflag:$0x2] =	sbarrier.arrive $0xFFFF  }
0x72: {  	p0 =	sne.s32 s0, $0x0;
	s0 =	rddreg [dreg:$0x2]  }
0x73: {  	s0 =	sadd.s32 @!p0 $0x100000, s0  }
0x74: {  	[sflag:s0] =	ssyncadd.tile.s32 @!p0 $0x1;
	_ =	shalt  }
.Lfunc_end2:
_tile_overlayer_lowered:
.L_overlay_start_2:
0x75: {  	(tag) =	ssettag $0x2  }
0x76: {  	s0 =	rddreg [dreg:$0x0];
	s2 =	stileid.u32  }
0x77: {  	s1 =	rddreg [dreg:$0x1];
	p0 =	sne.s32 s2, $0x0  }
0x78: {  	s3 =	rddreg [dreg:$0x2];
	[bflag:$0x3] =	sbarrier.arrive $0xFFFF;
	s2 =	simm.s32 @!p0 $0x1C04  }
0x79: {  	[timem:s3], [sflag:s2] =	dma.local @!p0 [hbm:s0], s1  }
0x7a: {  	s0 =	simm.s32 @!p0 $0x4  }
0x7b: {  	_ =	swait.ge @!p0 [sflag:s0], s1  }
0x7c: {  	s1 =	ssub.s32 @!p0 $0x0, s1;
	[sflag:s0] =	ssyncset.done @!p0 $0x0  }
0x7d: {  	[sflag:s0] =	ssyncadd.s32 @!p0 s1  }
0x7e: {  	[bflag:$0x3] =	sbarrier.arrive $0xFFFF  }
0x7f: {  	_ =	shalt  }

// kernel: kernel.17.cloned.1.call-start
scs
__scs_entry_jumppad:
0x0: {  	(pc) =	sbr.rel $0x88, $3  }
0x1: {  	(tag) =	ssettag $0x0;
	lr =	simm.s32 $0x1  }
0x2: {  	[smem:$0x3F90] =	sst lr;
	_ =	strace $0xD0000000  }
0x3: {  	_ = 	snop  }
0x4: {  	_ = 	snop  }
0x5: {  	_ = 	snop  }
0x6: {  	_ = 	snop  }
0x7: {  	_ = 	snop  }
__scs_overlays_trampoline_lowered:
0x8: {  	[smem:$0x3F9F] =	sst s0  }
0x9: {  	[smem:$0x3FA0] =	sst s1  }
0xa: {  	[smem:$0x3FA1] =	sst s2  }
0xb: {  	[smem:$0x3FA2] =	sst s3  }
0xc: {  	[smem:$0x3FA3] =	sst s4  }
0xd: {  	[smem:$0x3FA4] =	sst s5  }
0xe: {  	[smem:$0x3FA5] =	sst s6  }
0xf: {  	[smem:$0x3FA6] =	sst s7  }
0x10: {  	[smem:$0x3FA7] =	sst s8  }
0x11: {  	[smem:$0x3FA8] =	sst s9;
	s0 =	simm.s32 @!p0 $0x0  }
0x12: {  	s1 =	sld [smem:$0x3F8E];
	s0 =	simm.s32 @p0 $0x1  }
0x13: {  	[smem:$0x3FA9] =	sst s0;
	s0 =	simm.s32 @!p1 $0x0  }
0x14: {  	s2 =	sld [smem:$0x3F8D];
	s0 =	simm.s32 @p1 $0x1  }
0x15: {  	[smem:$0x3FAA] =	sst s0;
	s0 =	simm.s32 @!p2 $0x0  }
0x16: {  	s3 =	sld [smem:$0x3FDB];
	s0 =	simm.s32 @p2 $0x1  }
0x17: {  	s4 =	simm.s32 $0x1BF5;
	[smem:$0x3FAC] =	sst s0  }
0x18: {  	s0 =	sld [smem:$0x3F8F];
	_ =	swait.ge [sflag:s4], $0x0  }
0x19: {  	s7 =	sld [smem:$0x3F90]  }
0x1a: {  	s8 =	sadd.s32 $0xFFFFE003, lr  }
0x1b: {  	s9 =	sadd.s32 $0xFFFFFEF7, lr;
	s5 =	simm.s32 $0xFFFFFFFF;
	p2 =	slt.u32 s8, $0xFFFFF086  }
0x1c: {  	p1 =	slt.u32 s9, $0xF7A;
	s5 =	simm.s32 @!p2 $0x0  }
0x1d: {  	s5 =	simm.s32 @p1 $0x1;
	p0 =	seq.s32 s7, s2  }
0x1e: {  	s7 =	smul.u32 @!p0 $0xF7A, s2;
	p2 =	seq.s32 @!p0 s5, $0x0  }
0x1f: {  	s9 =	smul.u32 $0xF7A, s1;
	s8 =	simm.s32 @!p0 $0x1BF5;
	p2 =	por !p2, p0  }
0x20: {  	[sflag:s8] =	ssyncset.s32 @!p0 $0xFFFFF086;
	s6 =	sadd.s32 @!p0 s3, s7;
	s7 =	simm.s32 @!p0 $0x108  }
0x21: {  	s3 =	sadd.s32 s3, s9;
	s6 =	sadd.s32 @!p0 $0x88, s6;
	s7 =	simm.s32 @p2 $0x1082  }
0x22: {  	[simem:s7], [sflag:s8] =	dma.local @!p0 [hbm:s6], $0xF7A  }
0x23: {  	s9 =	sor.u32 $0xD0000000, s2;
	s6 =	simm.s32 $0x108;
	_ =	swait.ge @!p0 [sflag:s8], $0x0  }
0x24: {  	s3 =	sadd.s32 $0x88, s3;
	s6 =	simm.s32 @!p1 $0x1082;
	[sflag:s4] =	ssyncset.s32 $0xFFFFF086  }
0x25: {  	[simem:s6], [sflag:s4] =	dma.local [hbm:s3], $0xF7A  }
0x26: {  	[smem:$0x3F90] =	sst s1;
	(tag) =	ssettag s2;
	_ =	strace s9  }
0x27: {  	s1 =	sld [smem:$0x3FA0]  }
0x28: {  	s2 =	sld [smem:$0x3FA1]  }
0x29: {  	s4 =	sld [smem:$0x3FA3]  }
0x2a: {  	p0 =	seq.s32 s5, $0x0;
	s5 =	sld [smem:$0x3FA4]  }
0x2b: {  	s6 =	sld [smem:$0x3FA5]  }
0x2c: {  	s7 =	sld [smem:$0x3FA6]  }
0x2d: {  	s3 =	simm.s32 $0x108;
	s8 =	sld [smem:$0x3FA7]  }
0x2e: {  	s3 =	simm.s32 @!p0 $0x1082;
	s9 =	sld [smem:$0x3FA8]  }
0x2f: {  	lr =	sadd.s32 s0, s3;
	s0 =	sld [smem:$0x3F9F]  }
0x30: {  	s3 =	sld [smem:$0x3FA2]  }
0x31: {  	[smem:$0x3FAB] =	sst s10  }
0x32: {  	s10 =	sld [smem:$0x3FA9];
	_ =	sdelay $0x3  }
0x33: {  	p0 =	seq.s32 s10, $0x1;
	s10 =	sld [smem:$0x3FAB];
	_ =	sdelay $0x3  }
0x34: {  	[smem:$0x3FAB] =	sst s10  }
0x35: {  	s10 =	sld [smem:$0x3FAA];
	_ =	sdelay $0x3  }
0x36: {  	p1 =	seq.s32 s10, $0x1;
	s10 =	sld [smem:$0x3FAB];
	_ =	sdelay $0x3  }
0x37: {  	[smem:$0x3FAB] =	sst s10  }
0x38: {  	s10 =	sld [smem:$0x3FAC]  }
0x39: {  	_ = 	snop;
	(pc) =	sbr.ind lr, $3  }
0x3a: {  	_ = 	snop  }
0x3b: {  	_ = 	snop  }
0x3c: {  	p2 =	seq.s32 s10, $0x1;
	s10 =	sld [smem:$0x3FAB]  }
0x3d: {  	_ =	shalt  }
0x3e: {  	_ =	shalt  }
0x3f: {  	_ =	shalt  }
0x40: {  	_ =	shalt  }
0x41: {  	_ =	shalt  }
0x42: {  	_ =	shalt  }
0x43: {  	_ =	shalt  }
0x44: {  	_ =	shalt  }
0x45: {  	_ =	shalt  }
0x46: {  	_ =	shalt  }
0x47: {  	_ =	shalt  }
0x48: {  	_ =	shalt  }
0x49: {  	_ =	shalt  }
0x4a: {  	_ =	shalt  }
0x4b: {  	_ =	shalt  }
0x4c: {  	_ =	shalt  }
0x4d: {  	_ =	shalt  }
0x4e: {  	_ =	shalt  }
0x4f: {  	_ =	shalt  }
0x50: {  	_ =	shalt  }
0x51: {  	_ =	shalt  }
0x52: {  	_ =	shalt  }
0x53: {  	_ =	shalt  }
0x54: {  	_ =	shalt  }
0x55: {  	_ =	shalt  }
0x56: {  	_ =	shalt  }
0x57: {  	_ =	shalt  }
0x58: {  	_ =	shalt  }
0x59: {  	_ =	shalt  }
0x5a: {  	_ =	shalt  }
0x5b: {  	_ =	shalt  }
0x5c: {  	_ =	shalt  }
0x5d: {  	_ =	shalt  }
0x5e: {  	_ =	shalt  }
0x5f: {  	_ =	shalt  }
0x60: {  	_ =	shalt  }
0x61: {  	_ =	shalt  }
0x62: {  	_ =	shalt  }
0x63: {  	_ =	shalt  }
0x64: {  	_ =	shalt  }
0x65: {  	_ =	shalt  }
0x66: {  	_ =	shalt  }
0x67: {  	_ =	shalt  }
0x68: {  	_ =	shalt  }
0x69: {  	_ =	shalt  }
0x6a: {  	_ =	shalt  }
0x6b: {  	_ =	shalt  }
0x6c: {  	_ =	shalt  }
0x6d: {  	_ =	shalt  }
0x6e: {  	_ =	shalt  }
0x6f: {  	_ =	shalt  }
0x70: {  	_ =	shalt  }
0x71: {  	_ =	shalt  }
0x72: {  	_ =	shalt  }
0x73: {  	_ =	shalt  }
0x74: {  	_ =	shalt  }
0x75: {  	_ =	shalt  }
0x76: {  	_ =	shalt  }
0x77: {  	_ =	shalt  }
0x78: {  	_ =	shalt  }
0x79: {  	_ =	shalt  }
0x7a: {  	_ =	shalt  }
0x7b: {  	_ =	shalt  }
0x7c: {  	_ =	shalt  }
0x7d: {  	_ =	shalt  }
0x7e: {  	_ =	shalt  }
0x7f: {  	_ =	shalt  }
0x80: {  	_ =	shalt  }
0x81: {  	_ =	shalt  }
0x82: {  	_ =	shalt  }
0x83: {  	_ =	shalt  }
0x84: {  	_ =	shalt  }
0x85: {  	_ =	shalt  }
0x86: {  	_ =	shalt  }
0x87: {  	_ =	shalt  }
.Lfunc_end0:
.L_simem_size_0:
called_computation.2_lowered:
.L_overlay_start_0:
0x88: {  	s2 =	sld [smem:$0x3FD9]  }
0x89: {  	s3 =	sld [smem:$0x3FFE];
	_ =	sdelay $0x1  }
0x8a: {  	s1 =	srdreg.scid  }
0x8b: {  	s0 =	sand.u32 $0x1, s1  }
0x8c: {  	s16 =	sshll.u32 s0, $0xA;
	s2 =	sadd.s32 s3, s2  }
0x8d: {  	s2 =	sadd.s32 s2, s16  }
0x8e: {  	[smem:$0x3FB7] =	sst s2  }
0x8f: {  	_ = 	snop  }
0x90: {  	(tm) =	ssettm $0x1  }
0x91: {  	s17 =	sld [smem:$0x3FFB];
	_ =	sdelay $0x3  }
0x92: {  	_ =	strace s17  }
0x93: {  	s2 =	sld [smem:$0x3FFC];
	_ =	sdelay $0x3  }
0x94: {  	_ =	strace s2  }
0x95: {  	s2 =	sld [smem:$0x3FFD];
	_ =	sdelay $0x3  }
0x96: {  	_ =	strace s2  }
0x97: {  	_ =	strace $0x8FFFFFFF  }
0x98: {  	s18 =	sld [smem:$0x3FDB];
	_ =	sdelay $0x1  }
0x99: {  	s19 =	simm.s32 $_scs_section_size  }
0x9a: {  	s4 =	simm.s32 $_size__tile_overlayer_lowered;
	s5 =	simm.s32 $_tile_overlayer_lowered  }
0x9b: {  	s22 =	simm.s32 $0x1BFF;
	s21 =	sshll.u32 s5, $0x1;
	s2 =	sadd.s32 s19, s18  }
0x9c: {  	s6 =	simm.s32 $0x0;
	s20 =	sshll.u32 s4, $0x1;
	s4 =	sadd.s32 s21, s2  }
0x9d: {  	[timem:s6], [sflag:s22] =	dma.local [hbm:s4], s20  }
0x9e: {  	_ =	swait.ge [sflag:s22], s20  }
0x9f: {  	s3 =	ssub.s32 $0x0, s20;
	[sflag:s22] =	ssyncset.done $0x0  }
0xa0: {  	[sflag:s22] =	ssyncadd.s32 s3;
	_ =	sdelay $0x1  }
0xa1: {  	s23 =	simm.s32 $0x1B8B  }
0xa2: {  	_ =	swait.ge [sflag:s23], $0x1  }
0xa3: {  	[sflag:s23] =	ssyncset.done $0x0  }
0xa4: {  	s25 =	simm.s32 $0x1B8E;
	s24 =	sld [smem:$0x3FFE];
	[sflag:s23] =	ssyncadd.s32 $0xFFFFFFFF  }
0xa5: {  	s26 =	simm.s32 $execute0_lowered;
	[smem:$0x3FD2] =	sst s25  }
0xa6: {  	s4 =	sshll.u32 s26, $0x1;
	_ =	strace $0x8000004C;
	[dreg:$0x1] =	wrdreg $0xFFFFFFFF  }
0xa7: {  	s28 =	simm.s32 $_size_execute0_lowered;
	s2 =	sadd.s32 s2, s4;
	[dreg:$0x0] =	wrdreg $0x0  }
0xa8: {  	s4 =	sshll.u32 s28, $0x1;
	[dreg:$0x2] =	wrdreg s2  }
0xa9: {  	[dreg:$0x3] =	wrdreg s4  }
0xaa: {  	[dreg:$0x4] =	wrdreg $0xC0  }
0xab: {  	_ =	task [dreg:s6], $0x5FFFF  }
0xac: {  	[dreg:$0x1] =	wrdreg $0xFFFFFFFF  }
0xad: {  	[dreg:$0x0] =	wrdreg $0x60  }
0xae: {  	[dreg:$0x2] =	wrdreg s24  }
0xaf: {  	[dreg:$0x3] =	wrdreg $0x84000  }
0xb0: {  	[dreg:$0x4] =	wrdreg $0x9  }
0xb1: {  	_ =	task.clear_ibuf [dreg:s6], $0x5FFFF;
	_ =	strace $0x9000004C  }
0xb2: {  	s29 =	simm.s32 $0x9;
	_ =	strace $0x8000004E  }
0xb3: {  	_ =	swait.ge [sflag:s29], $0x1  }
0xb4: {  	[sflag:s29] =	ssyncadd.s32 $0xFFFFFFFF  }
0xb5: {  	_ =	strace $0x9000004E  }
0xb6: {  	_ =	sfence  }
0xb7: {  	s30 =	sld [smem:$0x0];
	_ =	sdelay $0x2  }
0xb8: {  	s31 =	sshll.u32 s1, $0xD;
	s1 =	sshrl.u32 s1, $0x2  }
0xb9: {  	s3 =	sand.u32 $0x4000, s31;
	s1 =	sadd.s32 s1, s30  }
0xba: {  	s0 =	sor.u32 s3, s0;
	s1 =	sshll.u32 s1, $0x11  }
0xbb: {  	s0 =	sor.u32 s1, s0  }
0xbc: {  	s0 =	sadd.s32 $0x8F2B, s0  }
0xbd: {  	[sflag:s0] =	ssyncadd.remote.s32 $0x1  }
0xbe: {  	_ =	sfence.sel $0xFFFF  }
0xbf: {  	[dreg:$0x0] =	wrdreg $0xFFFFFFFF;
	(pc) =	sbr.abs _section_cstart, $3  }
0xc0: {  	[dreg:$0x1] =	wrdreg $0xFFFFFFFF  }
0xc1: {  	_ =	task.clear_ibuf [dreg:s6], $0x2FFFF;
	_ =	strace $0x9FFFFFFF  }
0xc2: {  	(tm) =	ssettm $0x7FFFFFFF  }
0xc3: {  	_ =	shalt  }
tec
execute0_lowered:
.L_overlay_start_1:
0x0: {  	(tag) =	ssettag $0x1  }
0x1: {  	s0 =	rddreg [dreg:$0x0]  }
0x2: {  	s1 =	rddreg [dreg:$0x1];
	s3 =	simm.s32 $0x0;
	s24 =	stileid.u32  }
0x3: {  	s2 =	srdreg.scid;
	s19 =	simm.s32 $0x400;
	s7 =	smul.u32 $0x14000, s24  }
0x4: {  	s20 =	simm.s32 $0x4;
	s22 =	simm.s32 $0x80;
	s8 =	smul.u32 $0x23, s24  }
0x5: {  	[smem:$0x7FF] =	sst s3;
	s5 =	sand.u32 $0x1, s2;
	s12 =	smul.u32 $0x7A, s24  }
0x6: {  	s9 =	sadd.s32 $0x68000, s0;
	s10 =	sadd.s32 $0x5E200, s0;
	s13 =	smul.u32 $0x50000, s24  }
0x7: {  	s4 =	sadd.s32 $0x71E00, s0;
	s24 =	simm.s32 $0x2;
	s6 =	smul.u32 $0x140000, s5  }
0x8: {  	_ =	strace $0x8000004D;
	s25 =	ssub.s32 $0x2, s5;
	p0 =	seq.s32 s5, $0x0  }
0x9: {  	s5 =	simm.s32 $0x7A;
	s11 =	sshrl.u32 s25, $0x1;
	s8 =	sadd.s32 $0x7A0, s8  }
0xa: {  	s26 =	sshrl.u32 s13, $0x2;
	s5 =	simm.s32 @!p0 $0x23;
	s6 =	sadd.s32 s7, s6  }
0xb: {  	s14 =	ssub.s32 s25, s11;
	s8 =	smov.u32 @p0 s12;
	s31 =	sshll.u32 s5, $0x9  }
0xc: {  	s25 =	simm.s32 $0x3;
	s6 =	sshrl.u32 s6, $0x3;
	s8 =	sshll.u32 s8, $0x4  }
0xd: {  	s12 =	smax.u32 s14, $0x1;
	[dreg:$0x3] =	wrdreg s31;
	s0 =	sadd.s32 s6, s0  }
0xe: {  	s6 =	sadd.s32 s26, s1;
	s28 =	sadd.s32 $0x10, s8;
	s7 =	sadd.s32 s9, s8  }
0xf: {  	s8 =	sadd.s32 s10, s8;
	s29 =	sadd.s32 s9, s28;
	s30 =	sadd.s32 s10, s28  }
0x10: {  	s11 =	sadd.s32 $0x99E00, s0;
	s13 =	sadd.s32 $0x4000, s6;
	s14 =	sadd.s32 $0x8000, s6  }
0x11: {  	s15 =	sadd.s32 $0xC000, s6;
	s16 =	sadd.s32 $0x10000, s6;
	[dreg:$0x4] =	wrdreg s29  }
0x12: {  	v0 =	vimm.f32 $0.0e+00;
	s17 =	sadd.s32 $0x20, s8;
	s18 =	sadd.s32 $0x20, s7;
	[dreg:$0x5] =	wrdreg s30  }
.LBB2_1:
0x13: {  	s0 =	simm.s32 $0x0;
	s26 =	simm.s32 $0x200  }
.LBB2_2:
0x14: {  	p0 =	sne.s32 s26, $0xFE00;
	[tilespmem:s0+$0x470] =	vst v0  }
0x15: {  	[tilespmem:s0+$0x400] =	vst v0  }
0x16: {  	[tilespmem:s0+$0x410] =	vst v0  }
.Ltmp0:
0x17: {  	[tilespmem:s0+$0x420] =	vst v0;
	(pc) =	sbr.rel @p0 .LBB2_2-.Ltmp0, $4  }
0x18: {  	[tilespmem:s0+$0x430] =	vst v0  }
0x19: {  	[tilespmem:s0+$0x440] =	vst v0  }
0x1a: {  	[tilespmem:s0+$0x450] =	vst v0  }
0x1b: {  	[tilespmem:s0+$0x460] =	vst v0;
	s0 =	sshra.s32 s26, $0x2;
	s26 =	sadd.s32 $0x200, s26  }
0x1c: {  	[tilespmem:s0+$0x470] =	vst v0  }
0x1d: {  	[tilespmem:s0+$0x400] =	vst v0  }
0x1e: {  	[tilespmem:s0+$0x410] =	vst v0  }
0x1f: {  	[tilespmem:s0+$0x420] =	vst v0  }
0x20: {  	[tilespmem:s0+$0x430] =	vst v0  }
0x21: {  	[tilespmem:s0+$0x440] =	vst v0  }
0x22: {  	[tilespmem:s0+$0x450] =	vst v0  }
0x23: {  	[tilespmem:s0+$0x460] =	vst v0  }
0x24: {  	[spmem:s6] =	stream.linear.scatter [tilespmem:s19], [sflag:$0x4], $0x4000, $0x38;
	[tilespmem:$0x1C400] =	vst v63  }
0x25: {  	_ =	swait.ge [sflag:s20], $0x4000  }
0x26: {  	[sflag:s20] =	ssyncset.done $0x0  }
0x27: {  	[sflag:s20] =	ssyncadd.s32 $0xFFFFC000  }
0x28: {  	[spmem:s13] =	stream.linear.scatter [tilespmem:s19], [sflag:$0x4], $0x4000, $0x38;
	[tilespmem:$0x1C400] =	vst v63  }
0x29: {  	_ =	swait.ge [sflag:s20], $0x4000  }
0x2a: {  	[sflag:s20] =	ssyncset.done $0x0  }
0x2b: {  	[sflag:s20] =	ssyncadd.s32 $0xFFFFC000  }
0x2c: {  	[spmem:s14] =	stream.linear.scatter [tilespmem:s19], [sflag:$0x4], $0x4000, $0x38;
	[tilespmem:$0x1C400] =	vst v63  }
0x2d: {  	_ =	swait.ge [sflag:s20], $0x4000  }
0x2e: {  	[sflag:s20] =	ssyncset.done $0x0  }
0x2f: {  	[sflag:s20] =	ssyncadd.s32 $0xFFFFC000  }
0x30: {  	[spmem:s15] =	stream.linear.scatter [tilespmem:s19], [sflag:$0x4], $0x4000, $0x38;
	[tilespmem:$0x1C400] =	vst v63  }
0x31: {  	_ =	swait.ge [sflag:s20], $0x4000  }
0x32: {  	[sflag:s20] =	ssyncset.done $0x0  }
0x33: {  	[sflag:s20] =	ssyncadd.s32 $0xFFFFC000  }
0x34: {  	[spmem:s16] =	stream.linear.scatter [tilespmem:s19], [sflag:$0x4], $0x4000, $0x38;
	[tilespmem:$0x1C400] =	vst v63  }
0x35: {  	_ =	swait.ge [sflag:s20], $0x4000  }
0x36: {  	[sflag:s20] =	ssyncset.done $0x0  }
0x37: {  	[sflag:s20] =	ssyncadd.s32 $0xFFFFC000  }
0x38: {  	s26 =	simm.s32 $0x0;
	[bflag:$0x0] =	sbarrier.arrive $0xFFFF  }
0x39: {  	[tilespmem:s26], [sflag:$0x1] =	stream.linear.gather [hbm4b:s7+s26], $0x80, $0x38;
	[tilespmem:$0x1C400] =	vst v63  }
0x3a: {  	s10 =	simm.s32 $0x200  }
0x3b: {  	[tilespmem:s10], [sflag:$0x1] =	stream.linear.gather [hbm4b:s8+s26], $0x80, $0x38;
	[tilespmem:$0x1C400] =	vst v63  }
0x3c: {  	s21 =	rddreg [dreg:$0x4]  }
0x3d: {  	[tilespmem:s22], [sflag:$0x1] =	stream.linear.gather [hbm4b:s21+s26], $0x80, $0x38;
	[tilespmem:$0x1C400] =	vst v63  }
0x3e: {  	s2 =	simm.s32 $0x280;
	s28 =	simm.s32 $0x1;
	s23 =	rddreg [dreg:$0x5]  }
0x3f: {  	[tilespmem:s2], [sflag:$0x1] =	stream.linear.gather [hbm4b:s23+s26], $0x80, $0x38;
	[tilespmem:$0x1C400] =	vst v63  }
0x40: {  	_ =	swait.ge [sflag:s28], $0x80  }
0x41: {  	[sflag:s28] =	ssyncset.done $0x0  }
0x42: {  	[sflag:s28] =	ssyncadd.s32 $0xFFFFFF80  }
0x43: {  	_ =	swait.ge [sflag:s28], $0x80  }
0x44: {  	s29 =	simm.s32 $0x2;
	s30 =	smov.u32 s18;
	[sflag:s28] =	ssyncset.done $0x0  }
0x45: {  	s31 =	smov.u32 s17;
	s0 =	simm.s32 $0x0;
	[sflag:s28] =	ssyncadd.s32 $0xFFFFFF80  }
0x46: {  	[tilespmem:s19], [sflag:$0x2] =	stream.indirect.gather [hbm4b:s4+s22], $0x80, s26, s22, $0xb8;
	[tilespmem:$0x1C400] =	vst v63  }
.LBB2_4:
0x47: {  	s2 =	smulhi.u32 $0xAAAAAAAB, s0;
	_ =	sdelay $0x1  }
0x48: {  	s21 =	sadd.s32 $0xFFFFFFFE, s29;
	s2 =	sshrl.u32 s2, $0x1  }
0x49: {  	s23 =	sshra.s32 s26, $0x2;
	_ =	swait.ge [sflag:s24], $0x4000;
	s2 =	smul.u32 $0xFFFFFA00, s2  }
0x4a: {  	s9 =	sadd.s32 $0xFFFFFFFF, s29;
	s21 =	sand.u32 $0x1, s21;
	[sflag:s24] =	ssyncset.done $0x0  }
0x4b: {  	p0 =	sge.u32 s9, s5;
	s10 =	sshll.u32 s21, $0xE;
	s2 =	sshra.s32 s2, $0x2  }
0x4c: {  	[sflag:s24] =	ssyncadd.s32 $0xFFFFC000;
	p1 =	seq.s32 @!p0 s26, $0x0;
	s2 =	sadd.s32 s23, s2  }
0x4d: {  	s23 =	sor.u32 $0x400, s10;
	s10 =	smulhi.u32 $0xAAAAAAAB, s29;
	s2 =	sadd.s32 $0x200, s2  }
0x4e: {  	[spmem:s1] =	stream.indirect.scatter.add.f32 [tilespmem:s23], [sflag:$0x3], $0x80, s2, s22, $0xb8;
	[tilespmem:$0x1C400] =	vst v63  }
0x4f: {  	p1 =	por p1, p0;
	s9 =	sshrl.u32 s10, $0x1  }
0x50: {  	s23 =	simm.s32 @!p1 $0x3;
	s2 =	smul.u32 $0xFFFFFA00, s9  }
0x51: {  	p2 =	sge.u32 @!p0 s29, s5;
	_ =	swait.ge @!p1 [sflag:s23], $0x4000  }
0x52: {  	p2 =	por p2, p0;
	[sflag:s23] =	ssyncset.done @!p1 $0x0;
	s2 =	sshra.s32 s2, $0x2  }
0x53: {  	s9 =	sshra.s32 @!p2 s26, $0x2;
	[sflag:s23] =	ssyncadd.s32 @!p1 $0xFFFFC000;
	s23 =	sadd.s32 $0x100, s2  }
0x54: {  	s10 =	simm.s32 @!p2 $0x0;
	s2 =	sadd.s32 $0x300, s2;
	s23 =	sadd.s32 @!p2 s9, s23  }
0x55: {  	[tilespmem:s23], [sflag:$0x1] =	stream.linear.gather @!p2 [hbm4b:s30+s10], $0x80, $0x38;
	[tilespmem:$0x1C400] =	vst v63  }
0x56: {  	s2 =	sadd.s32 @!p2 s9, s2;
	s23 =	smulhi.u32 $0xAAAAAAAB, s28  }
0x57: {  	[tilespmem:s2], [sflag:$0x1] =	stream.linear.gather @!p2 [hbm4b:s31+s10], $0x80, $0x38;
	[tilespmem:$0x1C400] =	vst v63  }
0x58: {  	s2 =	simm.s32 @!p0 $0x1  }
0x59: {  	s10 =	sshrl.u32 s23, $0x1;
	_ =	swait.ge @!p0 [sflag:s2], $0x80  }
0x5a: {  	s9 =	smul.u32 $0xFFFFFA00, s10;
	[sflag:s2] =	ssyncset.done @!p0 $0x0  }
0x5b: {  	s10 =	sshll.u32 @!p0 s21, $0xE;
	[sflag:s2] =	ssyncadd.s32 @!p0 $0xFFFFFF80  }
0x5c: {  	s10 =	sxor.u32 @!p0 $0x4000, s10;
	s9 =	sshra.s32 s9, $0x2;
	_ =	swait.ge @!p0 [sflag:s2], $0x80  }
0x5d: {  	s9 =	sadd.s32 $0x80, s9;
	[sflag:s2] =	ssyncset.done @!p0 $0x0;
	s23 =	rddreg [dreg:$0x3]  }
0x5e: {  	[sflag:s2] =	ssyncadd.s32 @!p0 $0xFFFFFF80;
	s2 =	sor.u32 @!p0 $0x400, s10;
	s10 =	sshra.s32 @!p0 s26, $0x2  }
0x5f: {  	s26 =	sadd.s32 $0x200, s26;
	s9 =	sadd.s32 @!p0 s10, s9;
	s10 =	simm.s32 @!p0 $0x80  }
0x60: {  	[tilespmem:s2], [sflag:$0x2] =	stream.indirect.gather @!p0 [hbm4b:s4+s10], $0x80, s9, s10, $0xb8;
	[tilespmem:$0x1C400] =	vst v63  }
0x61: {  	p0 =	sne.s32 s23, s26  }
.Ltmp1:
0x62: {  	_ = 	snop;
	(pc) =	sbr.rel @p0 .LBB2_4-.Ltmp1, $3  }
0x63: {  	_ =	sdelay $0x1  }
0x64: {  	s0 =	sadd.s32 $0x1, s0;
	s29 =	sadd.s32 $0x1, s29  }
0x65: {  	s30 =	sadd.s32 $0x10, s30;
	s28 =	sadd.s32 $0x1, s28;
	s31 =	sadd.s32 $0x10, s31  }
0x66: {  	_ =	swait.ge [sflag:s25], $0x4000;
	s0 =	stileid.u32  }
0x67: {  	s2 =	sshrl.u32 s6, $0x3;
	s3 =	sadd.s32 $0x1, s3;
	[sflag:s25] =	ssyncset.done $0x0  }
0x68: {  	s0 =	sshll.u32 s0, $0x6;
	p0 =	sne.s32 s3, s12;
	[sflag:s25] =	ssyncadd.s32 $0xFFFFC000  }
.Ltmp2:
0x69: {  	s0 =	sor.u32 $0x1C04, s0;
	[bflag:$0x0] =	sbarrier.arrive $0xFFFF;
	(pc) =	sbr.rel @p0 .LBB2_1-.Ltmp2, $4  }
0x6a: {  	[hbm:s11], [sflag:s0] =	dma.local [spmem:s2], $0x2800  }
0x6b: {  	_ =	swait.ge [sflag:s20], $0x2800  }
0x6c: {  	[sflag:s20] =	ssyncset.done $0x0  }
0x6d: {  	[sflag:s20] =	ssyncadd.s32 $0xFFFFD800  }
0x6e: {  	_ =	sfence.sel $0x180000  }
0x6f: {  	[bflag:$0x0] =	sbarrier.arrive $0xFFFF  }
0x70: {  	_ =	strace $0x9000004D  }
0x71: {  	s0 =	stileid.u32;
	[bflag:$0x2] =	sbarrier.arrive $0xFFFF  }
0x72: {  	p0 =	sne.s32 s0, $0x0;
	s0 =	rddreg [dreg:$0x2]  }
0x73: {  	s0 =	sadd.s32 @!p0 $0x100000, s0  }
0x74: {  	[sflag:s0] =	ssyncadd.tile.s32 @!p0 $0x1;
	_ =	shalt  }
.Lfunc_end2:
_tile_overlayer_lowered:
.L_overlay_start_2:
0x75: {  	(tag) =	ssettag $0x2  }
0x76: {  	s0 =	rddreg [dreg:$0x0];
	s2 =	stileid.u32  }
0x77: {  	s1 =	rddreg [dreg:$0x1];
	p0 =	sne.s32 s2, $0x0  }
0x78: {  	s3 =	rddreg [dreg:$0x2];
	[bflag:$0x3] =	sbarrier.arrive $0xFFFF;
	s2 =	simm.s32 @!p0 $0x1C04  }
0x79: {  	[timem:s3], [sflag:s2] =	dma.local @!p0 [hbm:s0], s1  }
0x7a: {  	s0 =	simm.s32 @!p0 $0x4  }
0x7b: {  	_ =	swait.ge @!p0 [sflag:s0], s1  }
0x7c: {  	s1 =	ssub.s32 @!p0 $0x0, s1;
	[sflag:s0] =	ssyncset.done @!p0 $0x0  }
0x7d: {  	[sflag:s0] =	ssyncadd.s32 @!p0 s1  }
0x7e: {  	[bflag:$0x3] =	sbarrier.arrive $0xFFFF  }
0x7f: {  	_ =	shalt  }

// kernel: kernel.20.cloned.1.call-start
scs
__scs_entry_jumppad:
0x0: {  	(pc) =	sbr.rel $0x88, $3  }
0x1: {  	(tag) =	ssettag $0x0;
	lr =	simm.s32 $0x1  }
0x2: {  	[smem:$0x3F90] =	sst lr;
	_ =	strace $0xD0000000  }
0x3: {  	_ = 	snop  }
0x4: {  	_ = 	snop  }
0x5: {  	_ = 	snop  }
0x6: {  	_ = 	snop  }
0x7: {  	_ = 	snop  }
__scs_overlays_trampoline_lowered:
0x8: {  	[smem:$0x3F9F] =	sst s0  }
0x9: {  	[smem:$0x3FA0] =	sst s1  }
0xa: {  	[smem:$0x3FA1] =	sst s2  }
0xb: {  	[smem:$0x3FA2] =	sst s3  }
0xc: {  	[smem:$0x3FA3] =	sst s4  }
0xd: {  	[smem:$0x3FA4] =	sst s5  }
0xe: {  	[smem:$0x3FA5] =	sst s6  }
0xf: {  	[smem:$0x3FA6] =	sst s7  }
0x10: {  	[smem:$0x3FA7] =	sst s8  }
0x11: {  	[smem:$0x3FA8] =	sst s9;
	s0 =	simm.s32 @!p0 $0x0  }
0x12: {  	s1 =	sld [smem:$0x3F8E];
	s0 =	simm.s32 @p0 $0x1  }
0x13: {  	[smem:$0x3FA9] =	sst s0;
	s0 =	simm.s32 @!p1 $0x0  }
0x14: {  	s2 =	sld [smem:$0x3F8D];
	s0 =	simm.s32 @p1 $0x1  }
0x15: {  	[smem:$0x3FAA] =	sst s0;
	s0 =	simm.s32 @!p2 $0x0  }
0x16: {  	s3 =	sld [smem:$0x3FDB];
	s0 =	simm.s32 @p2 $0x1  }
0x17: {  	s4 =	simm.s32 $0x1BF5;
	[smem:$0x3FAC] =	sst s0  }
0x18: {  	s0 =	sld [smem:$0x3F8F];
	_ =	swait.ge [sflag:s4], $0x0  }
0x19: {  	s7 =	sld [smem:$0x3F90]  }
0x1a: {  	s8 =	sadd.s32 $0xFFFFE003, lr  }
0x1b: {  	s9 =	sadd.s32 $0xFFFFFEF7, lr;
	s5 =	simm.s32 $0xFFFFFFFF;
	p2 =	slt.u32 s8, $0xFFFFF086  }
0x1c: {  	p1 =	slt.u32 s9, $0xF7A;
	s5 =	simm.s32 @!p2 $0x0  }
0x1d: {  	s5 =	simm.s32 @p1 $0x1;
	p0 =	seq.s32 s7, s2  }
0x1e: {  	s7 =	smul.u32 @!p0 $0xF7A, s2;
	p2 =	seq.s32 @!p0 s5, $0x0  }
0x1f: {  	s9 =	smul.u32 $0xF7A, s1;
	s8 =	simm.s32 @!p0 $0x1BF5;
	p2 =	por !p2, p0  }
0x20: {  	[sflag:s8] =	ssyncset.s32 @!p0 $0xFFFFF086;
	s6 =	sadd.s32 @!p0 s3, s7;
	s7 =	simm.s32 @!p0 $0x108  }
0x21: {  	s3 =	sadd.s32 s3, s9;
	s6 =	sadd.s32 @!p0 $0x88, s6;
	s7 =	simm.s32 @p2 $0x1082  }
0x22: {  	[simem:s7], [sflag:s8] =	dma.local @!p0 [hbm:s6], $0xF7A  }
0x23: {  	s9 =	sor.u32 $0xD0000000, s2;
	s6 =	simm.s32 $0x108;
	_ =	swait.ge @!p0 [sflag:s8], $0x0  }
0x24: {  	s3 =	sadd.s32 $0x88, s3;
	s6 =	simm.s32 @!p1 $0x1082;
	[sflag:s4] =	ssyncset.s32 $0xFFFFF086  }
0x25: {  	[simem:s6], [sflag:s4] =	dma.local [hbm:s3], $0xF7A  }
0x26: {  	[smem:$0x3F90] =	sst s1;
	(tag) =	ssettag s2;
	_ =	strace s9  }
0x27: {  	s1 =	sld [smem:$0x3FA0]  }
0x28: {  	s2 =	sld [smem:$0x3FA1]  }
0x29: {  	s4 =	sld [smem:$0x3FA3]  }
0x2a: {  	p0 =	seq.s32 s5, $0x0;
	s5 =	sld [smem:$0x3FA4]  }
0x2b: {  	s6 =	sld [smem:$0x3FA5]  }
0x2c: {  	s7 =	sld [smem:$0x3FA6]  }
0x2d: {  	s3 =	simm.s32 $0x108;
	s8 =	sld [smem:$0x3FA7]  }
0x2e: {  	s3 =	simm.s32 @!p0 $0x1082;
	s9 =	sld [smem:$0x3FA8]  }
0x2f: {  	lr =	sadd.s32 s0, s3;
	s0 =	sld [smem:$0x3F9F]  }
0x30: {  	s3 =	sld [smem:$0x3FA2]  }
0x31: {  	[smem:$0x3FAB] =	sst s10  }
0x32: {  	s10 =	sld [smem:$0x3FA9];
	_ =	sdelay $0x3  }
0x33: {  	p0 =	seq.s32 s10, $0x1;
	s10 =	sld [smem:$0x3FAB];
	_ =	sdelay $0x3  }
0x34: {  	[smem:$0x3FAB] =	sst s10  }
0x35: {  	s10 =	sld [smem:$0x3FAA];
	_ =	sdelay $0x3  }
0x36: {  	p1 =	seq.s32 s10, $0x1;
	s10 =	sld [smem:$0x3FAB];
	_ =	sdelay $0x3  }
0x37: {  	[smem:$0x3FAB] =	sst s10  }
0x38: {  	s10 =	sld [smem:$0x3FAC]  }
0x39: {  	_ = 	snop;
	(pc) =	sbr.ind lr, $3  }
0x3a: {  	_ = 	snop  }
0x3b: {  	_ = 	snop  }
0x3c: {  	p2 =	seq.s32 s10, $0x1;
	s10 =	sld [smem:$0x3FAB]  }
0x3d: {  	_ =	shalt  }
0x3e: {  	_ =	shalt  }
0x3f: {  	_ =	shalt  }
0x40: {  	_ =	shalt  }
0x41: {  	_ =	shalt  }
0x42: {  	_ =	shalt  }
0x43: {  	_ =	shalt  }
0x44: {  	_ =	shalt  }
0x45: {  	_ =	shalt  }
0x46: {  	_ =	shalt  }
0x47: {  	_ =	shalt  }
0x48: {  	_ =	shalt  }
0x49: {  	_ =	shalt  }
0x4a: {  	_ =	shalt  }
0x4b: {  	_ =	shalt  }
0x4c: {  	_ =	shalt  }
0x4d: {  	_ =	shalt  }
0x4e: {  	_ =	shalt  }
0x4f: {  	_ =	shalt  }
0x50: {  	_ =	shalt  }
0x51: {  	_ =	shalt  }
0x52: {  	_ =	shalt  }
0x53: {  	_ =	shalt  }
0x54: {  	_ =	shalt  }
0x55: {  	_ =	shalt  }
0x56: {  	_ =	shalt  }
0x57: {  	_ =	shalt  }
0x58: {  	_ =	shalt  }
0x59: {  	_ =	shalt  }
0x5a: {  	_ =	shalt  }
0x5b: {  	_ =	shalt  }
0x5c: {  	_ =	shalt  }
0x5d: {  	_ =	shalt  }
0x5e: {  	_ =	shalt  }
0x5f: {  	_ =	shalt  }
0x60: {  	_ =	shalt  }
0x61: {  	_ =	shalt  }
0x62: {  	_ =	shalt  }
0x63: {  	_ =	shalt  }
0x64: {  	_ =	shalt  }
0x65: {  	_ =	shalt  }
0x66: {  	_ =	shalt  }
0x67: {  	_ =	shalt  }
0x68: {  	_ =	shalt  }
0x69: {  	_ =	shalt  }
0x6a: {  	_ =	shalt  }
0x6b: {  	_ =	shalt  }
0x6c: {  	_ =	shalt  }
0x6d: {  	_ =	shalt  }
0x6e: {  	_ =	shalt  }
0x6f: {  	_ =	shalt  }
0x70: {  	_ =	shalt  }
0x71: {  	_ =	shalt  }
0x72: {  	_ =	shalt  }
0x73: {  	_ =	shalt  }
0x74: {  	_ =	shalt  }
0x75: {  	_ =	shalt  }
0x76: {  	_ =	shalt  }
0x77: {  	_ =	shalt  }
0x78: {  	_ =	shalt  }
0x79: {  	_ =	shalt  }
0x7a: {  	_ =	shalt  }
0x7b: {  	_ =	shalt  }
0x7c: {  	_ =	shalt  }
0x7d: {  	_ =	shalt  }
0x7e: {  	_ =	shalt  }
0x7f: {  	_ =	shalt  }
0x80: {  	_ =	shalt  }
0x81: {  	_ =	shalt  }
0x82: {  	_ =	shalt  }
0x83: {  	_ =	shalt  }
0x84: {  	_ =	shalt  }
0x85: {  	_ =	shalt  }
0x86: {  	_ =	shalt  }
0x87: {  	_ =	shalt  }
.Lfunc_end0:
.L_simem_size_0:
called_computation.3_lowered:
.L_overlay_start_0:
0x88: {  	s2 =	sld [smem:$0x3FD9]  }
0x89: {  	s3 =	sld [smem:$0x3FFE];
	_ =	sdelay $0x1  }
0x8a: {  	s1 =	srdreg.scid  }
0x8b: {  	s0 =	sand.u32 $0x1, s1  }
0x8c: {  	s16 =	sshll.u32 s0, $0xA;
	s2 =	sadd.s32 s3, s2  }
0x8d: {  	s2 =	sadd.s32 s2, s16  }
0x8e: {  	[smem:$0x3FB7] =	sst s2  }
0x8f: {  	_ = 	snop  }
0x90: {  	(tm) =	ssettm $0x1  }
0x91: {  	s17 =	sld [smem:$0x3FFB];
	_ =	sdelay $0x3  }
0x92: {  	_ =	strace s17  }
0x93: {  	s2 =	sld [smem:$0x3FFC];
	_ =	sdelay $0x3  }
0x94: {  	_ =	strace s2  }
0x95: {  	s2 =	sld [smem:$0x3FFD];
	_ =	sdelay $0x3  }
0x96: {  	_ =	strace s2  }
0x97: {  	_ =	strace $0x8FFFFFFF  }
0x98: {  	s18 =	sld [smem:$0x3FDB];
	_ =	sdelay $0x1  }
0x99: {  	s19 =	simm.s32 $_scs_section_size  }
0x9a: {  	s4 =	simm.s32 $_size__tile_overlayer_lowered;
	s5 =	simm.s32 $_tile_overlayer_lowered  }
0x9b: {  	s22 =	simm.s32 $0x1BFF;
	s21 =	sshll.u32 s5, $0x1;
	s2 =	sadd.s32 s19, s18  }
0x9c: {  	s6 =	simm.s32 $0x0;
	s20 =	sshll.u32 s4, $0x1;
	s4 =	sadd.s32 s21, s2  }
0x9d: {  	[timem:s6], [sflag:s22] =	dma.local [hbm:s4], s20  }
0x9e: {  	_ =	swait.ge [sflag:s22], s20  }
0x9f: {  	s3 =	ssub.s32 $0x0, s20;
	[sflag:s22] =	ssyncset.done $0x0  }
0xa0: {  	[sflag:s22] =	ssyncadd.s32 s3;
	_ =	sdelay $0x1  }
0xa1: {  	s23 =	simm.s32 $0x1B8B  }
0xa2: {  	_ =	swait.ge [sflag:s23], $0x1  }
0xa3: {  	[sflag:s23] =	ssyncset.done $0x0  }
0xa4: {  	s25 =	simm.s32 $0x1B8E;
	s24 =	sld [smem:$0x3FFE];
	[sflag:s23] =	ssyncadd.s32 $0xFFFFFFFF  }
0xa5: {  	s26 =	simm.s32 $execute0_lowered;
	[smem:$0x3FD2] =	sst s25  }
0xa6: {  	s4 =	sshll.u32 s26, $0x1;
	_ =	strace $0x8000004F;
	[dreg:$0x1] =	wrdreg $0xFFFFFFFF  }
0xa7: {  	s28 =	simm.s32 $_size_execute0_lowered;
	s2 =	sadd.s32 s2, s4;
	[dreg:$0x0] =	wrdreg $0x0  }
0xa8: {  	s4 =	sshll.u32 s28, $0x1;
	[dreg:$0x2] =	wrdreg s2  }
0xa9: {  	[dreg:$0x3] =	wrdreg s4  }
0xaa: {  	[dreg:$0x4] =	wrdreg $0xC0  }
0xab: {  	_ =	task [dreg:s6], $0x5FFFF  }
0xac: {  	[dreg:$0x1] =	wrdreg $0xFFFFFFFF  }
0xad: {  	[dreg:$0x0] =	wrdreg $0x60  }
0xae: {  	[dreg:$0x2] =	wrdreg s24  }
0xaf: {  	[dreg:$0x3] =	wrdreg $0x84000  }
0xb0: {  	[dreg:$0x4] =	wrdreg $0x9  }
0xb1: {  	_ =	task.clear_ibuf [dreg:s6], $0x5FFFF;
	_ =	strace $0x9000004F  }
0xb2: {  	s29 =	simm.s32 $0x9;
	_ =	strace $0x80000051  }
0xb3: {  	_ =	swait.ge [sflag:s29], $0x1  }
0xb4: {  	[sflag:s29] =	ssyncadd.s32 $0xFFFFFFFF  }
0xb5: {  	_ =	strace $0x90000051  }
0xb6: {  	_ =	sfence  }
0xb7: {  	s30 =	sld [smem:$0x0];
	_ =	sdelay $0x2  }
0xb8: {  	s31 =	sshll.u32 s1, $0xD;
	s1 =	sshrl.u32 s1, $0x2  }
0xb9: {  	s3 =	sand.u32 $0x4000, s31;
	s1 =	sadd.s32 s1, s30  }
0xba: {  	s0 =	sor.u32 s3, s0;
	s1 =	sshll.u32 s1, $0x11  }
0xbb: {  	s0 =	sor.u32 s1, s0  }
0xbc: {  	s0 =	sadd.s32 $0x8F2B, s0  }
0xbd: {  	[sflag:s0] =	ssyncadd.remote.s32 $0x1  }
0xbe: {  	_ =	sfence.sel $0xFFFF  }
0xbf: {  	[dreg:$0x0] =	wrdreg $0xFFFFFFFF;
	(pc) =	sbr.abs _section_cstart, $3  }
0xc0: {  	[dreg:$0x1] =	wrdreg $0xFFFFFFFF  }
0xc1: {  	_ =	task.clear_ibuf [dreg:s6], $0x2FFFF;
	_ =	strace $0x9FFFFFFF  }
0xc2: {  	(tm) =	ssettm $0x7FFFFFFF  }
0xc3: {  	_ =	shalt  }
tec
execute0_lowered:
.L_overlay_start_1:
0x0: {  	(tag) =	ssettag $0x1  }
0x1: {  	s0 =	rddreg [dreg:$0x0]  }
0x2: {  	s1 =	rddreg [dreg:$0x1];
	s3 =	simm.s32 $0x0;
	s24 =	stileid.u32  }
0x3: {  	s2 =	srdreg.scid;
	s19 =	simm.s32 $0x400;
	s7 =	smul.u32 $0x14000, s24  }
0x4: {  	s20 =	simm.s32 $0x4;
	s22 =	simm.s32 $0x80;
	s8 =	smul.u32 $0x23, s24  }
0x5: {  	[smem:$0x7FF] =	sst s3;
	s5 =	sand.u32 $0x1, s2;
	s12 =	smul.u32 $0x7A, s24  }
0x6: {  	s9 =	sadd.s32 $0x68000, s0;
	s10 =	sadd.s32 $0x5E200, s0;
	s13 =	smul.u32 $0x50000, s24  }
0x7: {  	s4 =	sadd.s32 $0x71E00, s0;
	s24 =	simm.s32 $0x2;
	s6 =	smul.u32 $0x140000, s5  }
0x8: {  	_ =	strace $0x80000050;
	s25 =	ssub.s32 $0x2, s5;
	p0 =	seq.s32 s5, $0x0  }
0x9: {  	s5 =	simm.s32 $0x7A;
	s11 =	sshrl.u32 s25, $0x1;
	s8 =	sadd.s32 $0x7A0, s8  }
0xa: {  	s26 =	sshrl.u32 s13, $0x2;
	s5 =	simm.s32 @!p0 $0x23;
	s6 =	sadd.s32 s7, s6  }
0xb: {  	s14 =	ssub.s32 s25, s11;
	s8 =	smov.u32 @p0 s12;
	s31 =	sshll.u32 s5, $0x9  }
0xc: {  	s25 =	simm.s32 $0x3;
	s6 =	sshrl.u32 s6, $0x3;
	s8 =	sshll.u32 s8, $0x4  }
0xd: {  	s12 =	smax.u32 s14, $0x1;
	[dreg:$0x3] =	wrdreg s31;
	s0 =	sadd.s32 s6, s0  }
0xe: {  	s6 =	sadd.s32 s26, s1;
	s28 =	sadd.s32 $0x10, s8;
	s7 =	sadd.s32 s9, s8  }
0xf: {  	s8 =	sadd.s32 s10, s8;
	s29 =	sadd.s32 s9, s28;
	s30 =	sadd.s32 s10, s28  }
0x10: {  	s11 =	sadd.s32 $0x99E00, s0;
	s13 =	sadd.s32 $0x4000, s6;
	s14 =	sadd.s32 $0x8000, s6  }
0x11: {  	s15 =	sadd.s32 $0xC000, s6;
	s16 =	sadd.s32 $0x10000, s6;
	[dreg:$0x4] =	wrdreg s29  }
0x12: {  	v0 =	vimm.f32 $0.0e+00;
	s17 =	sadd.s32 $0x20, s8;
	s18 =	sadd.s32 $0x20, s7;
	[dreg:$0x5] =	wrdreg s30  }
.LBB2_1:
0x13: {  	s0 =	simm.s32 $0x0;
	s26 =	simm.s32 $0x200  }
.LBB2_2:
0x14: {  	p0 =	sne.s32 s26, $0xFE00;
	[tilespmem:s0+$0x470] =	vst v0  }
0x15: {  	[tilespmem:s0+$0x400] =	vst v0  }
0x16: {  	[tilespmem:s0+$0x410] =	vst v0  }
.Ltmp0:
0x17: {  	[tilespmem:s0+$0x420] =	vst v0;
	(pc) =	sbr.rel @p0 .LBB2_2-.Ltmp0, $4  }
0x18: {  	[tilespmem:s0+$0x430] =	vst v0  }
0x19: {  	[tilespmem:s0+$0x440] =	vst v0  }
0x1a: {  	[tilespmem:s0+$0x450] =	vst v0  }
0x1b: {  	[tilespmem:s0+$0x460] =	vst v0;
	s0 =	sshra.s32 s26, $0x2;
	s26 =	sadd.s32 $0x200, s26  }
0x1c: {  	[tilespmem:s0+$0x470] =	vst v0  }
0x1d: {  	[tilespmem:s0+$0x400] =	vst v0  }
0x1e: {  	[tilespmem:s0+$0x410] =	vst v0  }
0x1f: {  	[tilespmem:s0+$0x420] =	vst v0  }
0x20: {  	[tilespmem:s0+$0x430] =	vst v0  }
0x21: {  	[tilespmem:s0+$0x440] =	vst v0  }
0x22: {  	[tilespmem:s0+$0x450] =	vst v0  }
0x23: {  	[tilespmem:s0+$0x460] =	vst v0  }
0x24: {  	[spmem:s6] =	stream.linear.scatter [tilespmem:s19], [sflag:$0x4], $0x4000, $0x38;
	[tilespmem:$0x1C400] =	vst v63  }
0x25: {  	_ =	swait.ge [sflag:s20], $0x4000  }
0x26: {  	[sflag:s20] =	ssyncset.done $0x0  }
0x27: {  	[sflag:s20] =	ssyncadd.s32 $0xFFFFC000  }
0x28: {  	[spmem:s13] =	stream.linear.scatter [tilespmem:s19], [sflag:$0x4], $0x4000, $0x38;
	[tilespmem:$0x1C400] =	vst v63  }
0x29: {  	_ =	swait.ge [sflag:s20], $0x4000  }
0x2a: {  	[sflag:s20] =	ssyncset.done $0x0  }
0x2b: {  	[sflag:s20] =	ssyncadd.s32 $0xFFFFC000  }
0x2c: {  	[spmem:s14] =	stream.linear.scatter [tilespmem:s19], [sflag:$0x4], $0x4000, $0x38;
	[tilespmem:$0x1C400] =	vst v63  }
0x2d: {  	_ =	swait.ge [sflag:s20], $0x4000  }
0x2e: {  	[sflag:s20] =	ssyncset.done $0x0  }
0x2f: {  	[sflag:s20] =	ssyncadd.s32 $0xFFFFC000  }
0x30: {  	[spmem:s15] =	stream.linear.scatter [tilespmem:s19], [sflag:$0x4], $0x4000, $0x38;
	[tilespmem:$0x1C400] =	vst v63  }
0x31: {  	_ =	swait.ge [sflag:s20], $0x4000  }
0x32: {  	[sflag:s20] =	ssyncset.done $0x0  }
0x33: {  	[sflag:s20] =	ssyncadd.s32 $0xFFFFC000  }
0x34: {  	[spmem:s16] =	stream.linear.scatter [tilespmem:s19], [sflag:$0x4], $0x4000, $0x38;
	[tilespmem:$0x1C400] =	vst v63  }
0x35: {  	_ =	swait.ge [sflag:s20], $0x4000  }
0x36: {  	[sflag:s20] =	ssyncset.done $0x0  }
0x37: {  	[sflag:s20] =	ssyncadd.s32 $0xFFFFC000  }
0x38: {  	s26 =	simm.s32 $0x0;
	[bflag:$0x0] =	sbarrier.arrive $0xFFFF  }
0x39: {  	[tilespmem:s26], [sflag:$0x1] =	stream.linear.gather [hbm4b:s7+s26], $0x80, $0x38;
	[tilespmem:$0x1C400] =	vst v63  }
0x3a: {  	s10 =	simm.s32 $0x200  }
0x3b: {  	[tilespmem:s10], [sflag:$0x1] =	stream.linear.gather [hbm4b:s8+s26], $0x80, $0x38;
	[tilespmem:$0x1C400] =	vst v63  }
0x3c: {  	s21 =	rddreg [dreg:$0x4]  }
0x3d: {  	[tilespmem:s22], [sflag:$0x1] =	stream.linear.gather [hbm4b:s21+s26], $0x80, $0x38;
	[tilespmem:$0x1C400] =	vst v63  }
0x3e: {  	s2 =	simm.s32 $0x280;
	s28 =	simm.s32 $0x1;
	s23 =	rddreg [dreg:$0x5]  }
0x3f: {  	[tilespmem:s2], [sflag:$0x1] =	stream.linear.gather [hbm4b:s23+s26], $0x80, $0x38;
	[tilespmem:$0x1C400] =	vst v63  }
0x40: {  	_ =	swait.ge [sflag:s28], $0x80  }
0x41: {  	[sflag:s28] =	ssyncset.done $0x0  }
0x42: {  	[sflag:s28] =	ssyncadd.s32 $0xFFFFFF80  }
0x43: {  	_ =	swait.ge [sflag:s28], $0x80  }
0x44: {  	s29 =	simm.s32 $0x2;
	s30 =	smov.u32 s18;
	[sflag:s28] =	ssyncset.done $0x0  }
0x45: {  	s31 =	smov.u32 s17;
	s0 =	simm.s32 $0x0;
	[sflag:s28] =	ssyncadd.s32 $0xFFFFFF80  }
0x46: {  	[tilespmem:s19], [sflag:$0x2] =	stream.indirect.gather [hbm4b:s4+s22], $0x80, s26, s22, $0xb8;
	[tilespmem:$0x1C400] =	vst v63  }
.LBB2_4:
0x47: {  	s2 =	smulhi.u32 $0xAAAAAAAB, s0;
	_ =	sdelay $0x1  }
0x48: {  	s21 =	sadd.s32 $0xFFFFFFFE, s29;
	s2 =	sshrl.u32 s2, $0x1  }
0x49: {  	s23 =	sshra.s32 s26, $0x2;
	_ =	swait.ge [sflag:s24], $0x4000;
	s2 =	smul.u32 $0xFFFFFA00, s2  }
0x4a: {  	s9 =	sadd.s32 $0xFFFFFFFF, s29;
	s21 =	sand.u32 $0x1, s21;
	[sflag:s24] =	ssyncset.done $0x0  }
0x4b: {  	p0 =	sge.u32 s9, s5;
	s10 =	sshll.u32 s21, $0xE;
	s2 =	sshra.s32 s2, $0x2  }
0x4c: {  	[sflag:s24] =	ssyncadd.s32 $0xFFFFC000;
	p1 =	seq.s32 @!p0 s26, $0x0;
	s2 =	sadd.s32 s23, s2  }
0x4d: {  	s23 =	sor.u32 $0x400, s10;
	s10 =	smulhi.u32 $0xAAAAAAAB, s29;
	s2 =	sadd.s32 $0x200, s2  }
0x4e: {  	[spmem:s1] =	stream.indirect.scatter.add.f32 [tilespmem:s23], [sflag:$0x3], $0x80, s2, s22, $0xb8;
	[tilespmem:$0x1C400] =	vst v63  }
0x4f: {  	p1 =	por p1, p0;
	s9 =	sshrl.u32 s10, $0x1  }
0x50: {  	s23 =	simm.s32 @!p1 $0x3;
	s2 =	smul.u32 $0xFFFFFA00, s9  }
0x51: {  	p2 =	sge.u32 @!p0 s29, s5;
	_ =	swait.ge @!p1 [sflag:s23], $0x4000  }
0x52: {  	p2 =	por p2, p0;
	[sflag:s23] =	ssyncset.done @!p1 $0x0;
	s2 =	sshra.s32 s2, $0x2  }
0x53: {  	s9 =	sshra.s32 @!p2 s26, $0x2;
	[sflag:s23] =	ssyncadd.s32 @!p1 $0xFFFFC000;
	s23 =	sadd.s32 $0x100, s2  }
0x54: {  	s10 =	simm.s32 @!p2 $0x0;
	s2 =	sadd.s32 $0x300, s2;
	s23 =	sadd.s32 @!p2 s9, s23  }
0x55: {  	[tilespmem:s23], [sflag:$0x1] =	stream.linear.gather @!p2 [hbm4b:s30+s10], $0x80, $0x38;
	[tilespmem:$0x1C400] =	vst v63  }
0x56: {  	s2 =	sadd.s32 @!p2 s9, s2;
	s23 =	smulhi.u32 $0xAAAAAAAB, s28  }
0x57: {  	[tilespmem:s2], [sflag:$0x1] =	stream.linear.gather @!p2 [hbm4b:s31+s10], $0x80, $0x38;
	[tilespmem:$0x1C400] =	vst v63  }
0x58: {  	s2 =	simm.s32 @!p0 $0x1  }
0x59: {  	s10 =	sshrl.u32 s23, $0x1;
	_ =	swait.ge @!p0 [sflag:s2], $0x80  }
0x5a: {  	s9 =	smul.u32 $0xFFFFFA00, s10;
	[sflag:s2] =	ssyncset.done @!p0 $0x0  }
0x5b: {  	s10 =	sshll.u32 @!p0 s21, $0xE;
	[sflag:s2] =	ssyncadd.s32 @!p0 $0xFFFFFF80  }
0x5c: {  	s10 =	sxor.u32 @!p0 $0x4000, s10;
	s9 =	sshra.s32 s9, $0x2;
	_ =	swait.ge @!p0 [sflag:s2], $0x80  }
0x5d: {  	s9 =	sadd.s32 $0x80, s9;
	[sflag:s2] =	ssyncset.done @!p0 $0x0;
	s23 =	rddreg [dreg:$0x3]  }
0x5e: {  	[sflag:s2] =	ssyncadd.s32 @!p0 $0xFFFFFF80;
	s2 =	sor.u32 @!p0 $0x400, s10;
	s10 =	sshra.s32 @!p0 s26, $0x2  }
0x5f: {  	s26 =	sadd.s32 $0x200, s26;
	s9 =	sadd.s32 @!p0 s10, s9;
	s10 =	simm.s32 @!p0 $0x80  }
0x60: {  	[tilespmem:s2], [sflag:$0x2] =	stream.indirect.gather @!p0 [hbm4b:s4+s10], $0x80, s9, s10, $0xb8;
	[tilespmem:$0x1C400] =	vst v63  }
0x61: {  	p0 =	sne.s32 s23, s26  }
.Ltmp1:
0x62: {  	_ = 	snop;
	(pc) =	sbr.rel @p0 .LBB2_4-.Ltmp1, $3  }
0x63: {  	_ =	sdelay $0x1  }
0x64: {  	s0 =	sadd.s32 $0x1, s0;
	s29 =	sadd.s32 $0x1, s29  }
0x65: {  	s30 =	sadd.s32 $0x10, s30;
	s28 =	sadd.s32 $0x1, s28;
	s31 =	sadd.s32 $0x10, s31  }
0x66: {  	_ =	swait.ge [sflag:s25], $0x4000;
	s0 =	stileid.u32  }
0x67: {  	s2 =	sshrl.u32 s6, $0x3;
	s3 =	sadd.s32 $0x1, s3;
	[sflag:s25] =	ssyncset.done $0x0  }
0x68: {  	s0 =	sshll.u32 s0, $0x6;
	p0 =	sne.s32 s3, s12;
	[sflag:s25] =	ssyncadd.s32 $0xFFFFC000  }
.Ltmp2:
0x69: {  	s0 =	sor.u32 $0x1C04, s0;
	[bflag:$0x0] =	sbarrier.arrive $0xFFFF;
	(pc) =	sbr.rel @p0 .LBB2_1-.Ltmp2, $4  }
0x6a: {  	[hbm:s11], [sflag:s0] =	dma.local [spmem:s2], $0x2800  }
0x6b: {  	_ =	swait.ge [sflag:s20], $0x2800  }
0x6c: {  	[sflag:s20] =	ssyncset.done $0x0  }
0x6d: {  	[sflag:s20] =	ssyncadd.s32 $0xFFFFD800  }
0x6e: {  	_ =	sfence.sel $0x180000  }
0x6f: {  	[bflag:$0x0] =	sbarrier.arrive $0xFFFF  }
0x70: {  	_ =	strace $0x90000050  }
0x71: {  	s0 =	stileid.u32;
	[bflag:$0x2] =	sbarrier.arrive $0xFFFF  }
0x72: {  	p0 =	sne.s32 s0, $0x0;
	s0 =	rddreg [dreg:$0x2]  }
0x73: {  	s0 =	sadd.s32 @!p0 $0x100000, s0  }
0x74: {  	[sflag:s0] =	ssyncadd.tile.s32 @!p0 $0x1;
	_ =	shalt  }
.Lfunc_end2:
_tile_overlayer_lowered:
.L_overlay_start_2:
0x75: {  	(tag) =	ssettag $0x2  }
0x76: {  	s0 =	rddreg [dreg:$0x0];
	s2 =	stileid.u32  }
0x77: {  	s1 =	rddreg [dreg:$0x1];
	p0 =	sne.s32 s2, $0x0  }
0x78: {  	s3 =	rddreg [dreg:$0x2];
	[bflag:$0x3] =	sbarrier.arrive $0xFFFF;
	s2 =	simm.s32 @!p0 $0x1C04  }
0x79: {  	[timem:s3], [sflag:s2] =	dma.local @!p0 [hbm:s0], s1  }
0x7a: {  	s0 =	simm.s32 @!p0 $0x4  }
0x7b: {  	_ =	swait.ge @!p0 [sflag:s0], s1  }
0x7c: {  	s1 =	ssub.s32 @!p0 $0x0, s1;
	[sflag:s0] =	ssyncset.done @!p0 $0x0  }
0x7d: {  	[sflag:s0] =	ssyncadd.s32 @!p0 s1  }
0x7e: {  	[bflag:$0x3] =	sbarrier.arrive $0xFFFF  }
0x7f: {  	_ =	shalt  }

</sc_bundles>
